<compile_context>
chip_gen: v7x
topology: tpu7x:2x2x1
jax: 0.10.2.dev20260603
libtpu: 0.0.44.dev20260713+nightly
codegen_flags: <defaults>
</compile_context>

<pallas_src>
import functools

import jax
import jax.numpy as jnp
from jax import lax
from jax.experimental import pallas as pl
from jax.experimental.pallas import tpu as pltpu
from jax.experimental.pallas import tpu_sc as plsc

try:
    _info = plsc.get_sparse_core_info()
    _NC, _NS = _info.num_cores, _info.num_subcores
except Exception:
    _NC, _NS = 2, 16
_NW = _NC * _NS

_CHUNK = 128
_NB = 4


@functools.partial(jax.jit, static_argnums=(3, 4, 5, 6))
def _emb_add(xt_flat, table, pe2d, B, L, rows_per_w, n_chunks):
    D = table.shape[1]
    total = B * L
    mesh = plsc.VectorSubcoreMesh(core_axis_name="c", subcore_axis_name="s")
    n_groups = n_chunks // _NB

    @functools.partial(
        pl.kernel,
        out_type=jax.ShapeDtypeStruct((B, L, D), jnp.float32),
        mesh=mesh,
        scratch_types=[
            pltpu.VMEM((rows_per_w,), jnp.int32),
            pltpu.VMEM((L, D), jnp.float32),
            pltpu.VMEM((_NB, _CHUNK, D), jnp.float32),
        ]
        + [pltpu.SemaphoreType.DMA] * (2 * _NB),
    )
    def body(x_hbm, table_hbm, pe_hbm, out_hbm, idx_v, pe_v, rows_v, *sems):
        sem_g, sem_s = sems[:_NB], sems[_NB:]
        wid = lax.axis_index("s") * _NC + lax.axis_index("c")
        wbase = wid * rows_per_w
        pltpu.sync_copy(x_hbm.at[pl.ds(wbase, rows_per_w)], idx_v)
        pltpu.sync_copy(pe_hbm, pe_v)

        def gstart(s, b):
            pltpu.make_async_copy(
                table_hbm.at[idx_v.at[pl.ds(s * _CHUNK, _CHUNK)]],
                rows_v.at[b],
                sem_g[b],
            ).start()

        def gwait(b):
            pltpu.make_async_copy(
                table_hbm.at[idx_v.at[pl.ds(0, _CHUNK)]],
                rows_v.at[b],
                sem_g[b],
            ).wait()

        def sstart(s, b):
            f0 = wbase + s * _CHUNK
            l = lax.div(f0, B)
            b0 = lax.rem(f0, B)
            pltpu.make_async_copy(
                rows_v.at[b],
                out_hbm.at[pl.ds(b0, _CHUNK), l],
                sem_s[b],
            ).start()

        def swait(b):
            pltpu.make_async_copy(
                rows_v.at[b],
                out_hbm.at[pl.ds(0, _CHUNK), 0],
                sem_s[b],
            ).wait()

        def compute(s, b):
            l = lax.div(wbase + s * _CHUNK, B)
            pk = [pe_v[l, pl.ds(k * 16, 16)] for k in range(D // 16)]

            def row_body(r, carry):
                for k in range(D // 16):
                    plsc.addupdate(rows_v.at[b, r, pl.ds(k * 16, 16)], pk[k])
                return carry

            lax.fori_loop(0, _CHUNK, row_body, 0, unroll=4)

        def step(s, b, wait_scatter=True, fetch=True):
            bf = (b - 1) % _NB
            if fetch:
                if wait_scatter:
                    swait(bf)
                gstart(s + _NB - 1, bf)
            gwait(b)
            compute(s, b)
            sstart(s, b)

        for j in range(_NB - 1):
            gstart(j, j)
        for b in range(_NB):
            step(b, b, wait_scatter=(b > 0))

        def group(g, _):
            for b in range(_NB):
                step(g * _NB + b, b)
            return 0

        lax.fori_loop(1, n_groups - 1, group, 0)

        s0 = (n_groups - 1) * _NB
        for b in range(_NB):
            step(s0 + b, b, fetch=(b == 0))
        for b in range(_NB):
            swait(b)

    return body(xt_flat, table, pe2d)


def kernel(x, table, pe):
    B, L = x.shape
    D = table.shape[1]
    total = B * L
    rows_per_w = total // _NW
    n_chunks = rows_per_w // _CHUNK
    assert total % _NW == 0 and rows_per_w % _CHUNK == 0
    assert B % _CHUNK == 0
    assert n_chunks % _NB == 0 and n_chunks // _NB >= 2
    xt_flat = x.T.reshape(-1).astype(jnp.int32)
    pe2d = pe[0, :L, :]
    return _emb_add(xt_flat, table, pe2d, B, L, rows_per_w, n_chunks)

# --- scband reference (transcript-rebuilt; emitter-appended) ---
"""Pipeline reference for scband-remi-embedding-17970143167200 (READ-ONLY COPY).

The authoritative reference and input builder live on the scoring server;
editing this copy changes nothing except your own understanding.
"""

import jax, jax.numpy as jnp
import numpy as np
import math

N_VOCAB = 100000
D_MODEL = 128
MAX_LEN = 20000
BATCH = 4096
SEQ = 200


def make_pe(d_model, max_len):
    position = np.arange(0, max_len, dtype=np.float32)[:, None]
    div_term = np.exp(np.arange(0, d_model, 2, dtype=np.float32) * (-math.log(10000.0) / d_model))
    pe = np.zeros((max_len, d_model), dtype=np.float32)
    pe[:, 0::2] = np.sin(position * div_term)
    pe[:, 1::2] = np.cos(position * div_term)
    return jnp.asarray(pe)[None, :, :]  # [1, max_len, d_model]


def setup_inputs(seed: int = 0) -> dict:
    key = jax.random.key(seed)
    k_idx, k_tab = jax.random.split(key)
    x = jax.random.randint(k_idx, (BATCH, SEQ), 0, N_VOCAB, dtype=jnp.int64)
    table = jax.random.normal(k_tab, (N_VOCAB, D_MODEL), dtype=jnp.float32)
    pe = make_pe(D_MODEL, MAX_LEN)
    return {"x": x, "table": table, "pe": pe}


def reference(x, table, pe):
    # nn.Embedding lookup -> gather
    h = jnp.take(table, x, axis=0)  # [B, L, d_model]
    # RelativePositionalEncoding: pe[:, :L, :] broadcast-added over batch
    h = h + pe[:, : x.shape[1], :]
    # dropout p=0.0 -> identity
    return h

if __name__ == "__main__":
    import jax
    _d = setup_inputs()
    print(jax.jit(kernel)(*tuple(_d.values())))

</pallas_src>

<mosaic_0001>
#map = affine_map<(d0, d1) -> (0)>
#map1 = affine_map<(d0, d1) -> (0, 0)>
#map2 = affine_map<(d0, d1) -> (0, 0, 0)>
module attributes {stable_mosaic.version = 14 : i64} {
  func.func @body(%arg0: i32, %arg1: i32, %arg2: memref<819200xi32, #tpu.memory_space<hbm>>, %arg3: memref<100000x128xf32, #tpu.memory_space<hbm>>, %arg4: memref<200x128xf32, #tpu.memory_space<hbm>>, %arg5: memref<4096x200x128xf32, #tpu.memory_space<hbm>>, %arg6: memref<25600xi32, #tpu.memory_space<vmem>>, %arg7: memref<200x128xf32, #tpu.memory_space<vmem>>, %arg8: memref<4x128x128xf32, #tpu.memory_space<vmem>>, %arg9: memref<!tpu.dma_semaphore, #tpu.memory_space<semaphore_mem>>, %arg10: memref<!tpu.dma_semaphore, #tpu.memory_space<semaphore_mem>>, %arg11: memref<!tpu.dma_semaphore, #tpu.memory_space<semaphore_mem>>, %arg12: memref<!tpu.dma_semaphore, #tpu.memory_space<semaphore_mem>>, %arg13: memref<!tpu.dma_semaphore, #tpu.memory_space<semaphore_mem>>, %arg14: memref<!tpu.dma_semaphore, #tpu.memory_space<semaphore_mem>>, %arg15: memref<!tpu.dma_semaphore, #tpu.memory_space<semaphore_mem>>, %arg16: memref<!tpu.dma_semaphore, #tpu.memory_space<semaphore_mem>>) attributes {dimension_semantics = [#tpu.dimension_semantics<core_parallel>, #tpu.dimension_semantics<subcore_parallel>], iteration_bounds = array<i64: 2, 16>, scalar_prefetch = 0 : i64, scratch_operands = 11 : i64, tpu.core_type = #tpu.core_type<sc_vector_subcore>, window_params = [{transform_indices = #map}, {transform_indices = #map1}, {transform_indices = #map1}, {transform_indices = #map2}]} {
    %mul3A = arith.constant 2 : i32
    %mul3A_0 = arith.muli %arg1, %mul3A : i32
    %add3A = arith.addi %mul3A_0, %arg0 : i32
    %mul3A_1 = arith.constant 25600 : i32
    %mul3A_2 = arith.muli %add3A, %mul3A_1 : i32
    "tpu.region"() ({
      %run_scoped3A = tpu.sem_alloc : memref<!tpu.dma_semaphore, #tpu.memory_space<semaphore_mem>>
      %dma_start3A_812 = tpu.memref_slice %arg2[%mul3A_2] : memref<819200xi32, #tpu.memory_space<hbm>> -> memref<25600xi32, #tpu.memory_space<hbm>>
      %dma_start3A_813 = tpu.memref_slice %arg2[%mul3A_2] : memref<819200xi32, #tpu.memory_space<hbm>> -> memref<25600xi32, #tpu.memory_space<hbm>>
      tpu.enqueue_dma source(%dma_start3A_813 : memref<25600xi32, #tpu.memory_space<hbm>>) target(%arg6 : memref<25600xi32, #tpu.memory_space<vmem>>) target_semaphore(%run_scoped3A : memref<!tpu.dma_semaphore, #tpu.memory_space<semaphore_mem>>)
      %dma_wait3A_814 = tpu.memref_slice %arg2[%mul3A_2] : memref<819200xi32, #tpu.memory_space<hbm>> -> memref<25600xi32, #tpu.memory_space<hbm>>
      %dma_wait3A_815 = tpu.memref_slice %arg2[%mul3A_2] : memref<819200xi32, #tpu.memory_space<hbm>> -> memref<25600xi32, #tpu.memory_space<hbm>>
      tpu.wait_dma2 semaphore(%run_scoped3A : memref<!tpu.dma_semaphore, #tpu.memory_space<semaphore_mem>>) src(%dma_wait3A_815 : memref<25600xi32, #tpu.memory_space<hbm>>) dst(%arg6 : memref<25600xi32, #tpu.memory_space<vmem>>)
      tpu.yield
    }) : () -> ()
    "tpu.region"() ({
      %run_scoped3A = tpu.sem_alloc : memref<!tpu.dma_semaphore, #tpu.memory_space<semaphore_mem>>
      tpu.enqueue_dma source(%arg4 : memref<200x128xf32, #tpu.memory_space<hbm>>) target(%arg7 : memref<200x128xf32, #tpu.memory_space<vmem>>) target_semaphore(%run_scoped3A : memref<!tpu.dma_semaphore, #tpu.memory_space<semaphore_mem>>)
      tpu.wait_dma2 semaphore(%run_scoped3A : memref<!tpu.dma_semaphore, #tpu.memory_space<semaphore_mem>>) src(%arg4 : memref<200x128xf32, #tpu.memory_space<hbm>>) dst(%arg7 : memref<200x128xf32, #tpu.memory_space<vmem>>)
      tpu.yield
    }) : () -> ()
    %dma_start3A = arith.constant 0 : i32
    %dma_start3A_3 = arith.constant 0 : i32
    %dma_start3A_4 = arith.constant 0 : i32
    %dma_start3A_5 = tpu.memref_slice %arg8[%dma_start3A, %dma_start3A_3, %dma_start3A_4] : memref<4x128x128xf32, #tpu.memory_space<vmem>> -> memref<1x128x128xf32, #tpu.memory_space<vmem>>
    %dma_start3A_6 = tpu.memref_squeeze %dma_start3A_5 : memref<1x128x128xf32, #tpu.memory_space<vmem>> -> memref<128x128xf32, #tpu.memory_space<vmem>>
    %dma_start3A_7 = arith.constant 0 : i32
    %dma_start3A_8 = tpu.memref_slice %arg6[%dma_start3A_7] : memref<25600xi32, #tpu.memory_space<vmem>> -> memref<128xi32, #tpu.memory_space<vmem>>
    %dma_start3A_9 = arith.constant 0 : i32
    %dma_start3A_10 = arith.constant 0 : i32
    %dma_start3A_11 = tpu.memref_slice %arg3[%dma_start3A_9, %dma_start3A_10] : memref<100000x128xf32, #tpu.memory_space<hbm>> -> memref<100000x128xf32, #tpu.memory_space<hbm>>
    tpu.enqueue_indirect_dma source(%dma_start3A_11 : memref<100000x128xf32, #tpu.memory_space<hbm>>) target(%dma_start3A_6 : memref<128x128xf32, #tpu.memory_space<vmem>>) offsets(%dma_start3A_8 : memref<128xi32, #tpu.memory_space<vmem>>) semaphore(%arg9 : memref<!tpu.dma_semaphore, #tpu.memory_space<semaphore_mem>>)
    %dma_start3A_12 = arith.constant 1 : i32
    %dma_start3A_13 = arith.constant 0 : i32
    %dma_start3A_14 = arith.constant 0 : i32
    %dma_start3A_15 = tpu.memref_slice %arg8[%dma_start3A_12, %dma_start3A_13, %dma_start3A_14] : memref<4x128x128xf32, #tpu.memory_space<vmem>> -> memref<1x128x128xf32, #tpu.memory_space<vmem>>
    %dma_start3A_16 = tpu.memref_squeeze %dma_start3A_15 : memref<1x128x128xf32, #tpu.memory_space<vmem>> -> memref<128x128xf32, #tpu.memory_space<vmem>>
    %dma_start3A_17 = arith.constant 128 : i32
    %dma_start3A_18 = tpu.memref_slice %arg6[%dma_start3A_17] : memref<25600xi32, #tpu.memory_space<vmem>> -> memref<128xi32, #tpu.memory_space<vmem>>
    %dma_start3A_19 = arith.constant 0 : i32
    %dma_start3A_20 = arith.constant 0 : i32
    %dma_start3A_21 = tpu.memref_slice %arg3[%dma_start3A_19, %dma_start3A_20] : memref<100000x128xf32, #tpu.memory_space<hbm>> -> memref<100000x128xf32, #tpu.memory_space<hbm>>
    tpu.enqueue_indirect_dma source(%dma_start3A_21 : memref<100000x128xf32, #tpu.memory_space<hbm>>) target(%dma_start3A_16 : memref<128x128xf32, #tpu.memory_space<vmem>>) offsets(%dma_start3A_18 : memref<128xi32, #tpu.memory_space<vmem>>) semaphore(%arg10 : memref<!tpu.dma_semaphore, #tpu.memory_space<semaphore_mem>>)
    %dma_start3A_22 = arith.constant 2 : i32
    %dma_start3A_23 = arith.constant 0 : i32
    %dma_start3A_24 = arith.constant 0 : i32
    %dma_start3A_25 = tpu.memref_slice %arg8[%dma_start3A_22, %dma_start3A_23, %dma_start3A_24] : memref<4x128x128xf32, #tpu.memory_space<vmem>> -> memref<1x128x128xf32, #tpu.memory_space<vmem>>
    %dma_start3A_26 = tpu.memref_squeeze %dma_start3A_25 : memref<1x128x128xf32, #tpu.memory_space<vmem>> -> memref<128x128xf32, #tpu.memory_space<vmem>>
    %dma_start3A_27 = arith.constant 256 : i32
    %dma_start3A_28 = tpu.memref_slice %arg6[%dma_start3A_27] : memref<25600xi32, #tpu.memory_space<vmem>> -> memref<128xi32, #tpu.memory_space<vmem>>
    %dma_start3A_29 = arith.constant 0 : i32
    %dma_start3A_30 = arith.constant 0 : i32
    %dma_start3A_31 = tpu.memref_slice %arg3[%dma_start3A_29, %dma_start3A_30] : memref<100000x128xf32, #tpu.memory_space<hbm>> -> memref<100000x128xf32, #tpu.memory_space<hbm>>
    tpu.enqueue_indirect_dma source(%dma_start3A_31 : memref<100000x128xf32, #tpu.memory_space<hbm>>) target(%dma_start3A_26 : memref<128x128xf32, #tpu.memory_space<vmem>>) offsets(%dma_start3A_28 : memref<128xi32, #tpu.memory_space<vmem>>) semaphore(%arg11 : memref<!tpu.dma_semaphore, #tpu.memory_space<semaphore_mem>>)
    %dma_start3A_32 = arith.constant 3 : i32
    %dma_start3A_33 = arith.constant 0 : i32
    %dma_start3A_34 = arith.constant 0 : i32
    %dma_start3A_35 = tpu.memref_slice %arg8[%dma_start3A_32, %dma_start3A_33, %dma_start3A_34] : memref<4x128x128xf32, #tpu.memory_space<vmem>> -> memref<1x128x128xf32, #tpu.memory_space<vmem>>
    %dma_start3A_36 = tpu.memref_squeeze %dma_start3A_35 : memref<1x128x128xf32, #tpu.memory_space<vmem>> -> memref<128x128xf32, #tpu.memory_space<vmem>>
    %dma_start3A_37 = arith.constant 384 : i32
    %dma_start3A_38 = tpu.memref_slice %arg6[%dma_start3A_37] : memref<25600xi32, #tpu.memory_space<vmem>> -> memref<128xi32, #tpu.memory_space<vmem>>
    %dma_start3A_39 = arith.constant 0 : i32
    %dma_start3A_40 = arith.constant 0 : i32
    %dma_start3A_41 = tpu.memref_slice %arg3[%dma_start3A_39, %dma_start3A_40] : memref<100000x128xf32, #tpu.memory_space<hbm>> -> memref<100000x128xf32, #tpu.memory_space<hbm>>
    tpu.enqueue_indirect_dma source(%dma_start3A_41 : memref<100000x128xf32, #tpu.memory_space<hbm>>) target(%dma_start3A_36 : memref<128x128xf32, #tpu.memory_space<vmem>>) offsets(%dma_start3A_38 : memref<128xi32, #tpu.memory_space<vmem>>) semaphore(%arg12 : memref<!tpu.dma_semaphore, #tpu.memory_space<semaphore_mem>>)
    %dma_wait3A = arith.constant 0 : i32
    %dma_wait3A_42 = arith.constant 0 : i32
    %dma_wait3A_43 = arith.constant 0 : i32
    %dma_wait3A_44 = tpu.memref_slice %arg8[%dma_wait3A, %dma_wait3A_42, %dma_wait3A_43] : memref<4x128x128xf32, #tpu.memory_space<vmem>> -> memref<1x128x128xf32, #tpu.memory_space<vmem>>
    %dma_wait3A_45 = tpu.memref_squeeze %dma_wait3A_44 : memref<1x128x128xf32, #tpu.memory_space<vmem>> -> memref<128x128xf32, #tpu.memory_space<vmem>>
    %dma_wait3A_46 = arith.constant 0 : i32
    %dma_wait3A_47 = tpu.memref_slice %arg6[%dma_wait3A_46] : memref<25600xi32, #tpu.memory_space<vmem>> -> memref<128xi32, #tpu.memory_space<vmem>>
    %dma_wait3A_48 = arith.constant 0 : i32
    %dma_wait3A_49 = arith.constant 0 : i32
    %dma_wait3A_50 = tpu.memref_slice %arg3[%dma_wait3A_48, %dma_wait3A_49] : memref<100000x128xf32, #tpu.memory_space<hbm>> -> memref<100000x128xf32, #tpu.memory_space<hbm>>
    tpu.wait_indirect_dma semaphore(%arg9 : memref<!tpu.dma_semaphore, #tpu.memory_space<semaphore_mem>>) src(%dma_wait3A_50 : memref<100000x128xf32, #tpu.memory_space<hbm>>) dst(%dma_wait3A_45 : memref<128x128xf32, #tpu.memory_space<vmem>>)
    %add3A_51 = arith.constant 0 : i32
    %add3A_52 = arith.addi %mul3A_2, %add3A_51 : i32
    %div3A = arith.constant 4096 : i32
    %div3A_53 = arith.divsi %add3A_52, %div3A : i32
    %get3A = arith.index_cast %div3A_53 : i32 to index
    %get3A_54 = arith.constant 0 : index
    %get3A_55 = tpu.vector_load %arg7[%get3A, %get3A_54] {strides = array<i32>} : memref<200x128xf32, #tpu.memory_space<vmem>>, vector<1x16xf32>,
    %get3A_56 = vector.shape_cast %get3A_55 : vector<1x16xf32> to vector<16xf32>
    %get3A_57 = arith.index_cast %div3A_53 : i32 to index
    %get3A_58 = arith.constant 16 : index
    %get3A_59 = tpu.vector_load %arg7[%get3A_57, %get3A_58] {strides = array<i32>} : memref<200x128xf32, #tpu.memory_space<vmem>>, vector<1x16xf32>,
    %get3A_60 = vector.shape_cast %get3A_59 : vector<1x16xf32> to vector<16xf32>
    %get3A_61 = arith.index_cast %div3A_53 : i32 to index
    %get3A_62 = arith.constant 32 : index
    %get3A_63 = tpu.vector_load %arg7[%get3A_61, %get3A_62] {strides = array<i32>} : memref<200x128xf32, #tpu.memory_space<vmem>>, vector<1x16xf32>,
    %get3A_64 = vector.shape_cast %get3A_63 : vector<1x16xf32> to vector<16xf32>
    %get3A_65 = arith.index_cast %div3A_53 : i32 to index
    %get3A_66 = arith.constant 48 : index
    %get3A_67 = tpu.vector_load %arg7[%get3A_65, %get3A_66] {strides = array<i32>} : memref<200x128xf32, #tpu.memory_space<vmem>>, vector<1x16xf32>,
    %get3A_68 = vector.shape_cast %get3A_67 : vector<1x16xf32> to vector<16xf32>
    %get3A_69 = arith.index_cast %div3A_53 : i32 to index
    %get3A_70 = arith.constant 64 : index
    %get3A_71 = tpu.vector_load %arg7[%get3A_69, %get3A_70] {strides = array<i32>} : memref<200x128xf32, #tpu.memory_space<vmem>>, vector<1x16xf32>,
    %get3A_72 = vector.shape_cast %get3A_71 : vector<1x16xf32> to vector<16xf32>
    %get3A_73 = arith.index_cast %div3A_53 : i32 to index
    %get3A_74 = arith.constant 80 : index
    %get3A_75 = tpu.vector_load %arg7[%get3A_73, %get3A_74] {strides = array<i32>} : memref<200x128xf32, #tpu.memory_space<vmem>>, vector<1x16xf32>,
    %get3A_76 = vector.shape_cast %get3A_75 : vector<1x16xf32> to vector<16xf32>
    %get3A_77 = arith.index_cast %div3A_53 : i32 to index
    %get3A_78 = arith.constant 96 : index
    %get3A_79 = tpu.vector_load %arg7[%get3A_77, %get3A_78] {strides = array<i32>} : memref<200x128xf32, #tpu.memory_space<vmem>>, vector<1x16xf32>,
    %get3A_80 = vector.shape_cast %get3A_79 : vector<1x16xf32> to vector<16xf32>
    %get3A_81 = arith.index_cast %div3A_53 : i32 to index
    %get3A_82 = arith.constant 112 : index
    %get3A_83 = tpu.vector_load %arg7[%get3A_81, %get3A_82] {strides = array<i32>} : memref<200x128xf32, #tpu.memory_space<vmem>>, vector<1x16xf32>,
    %get3A_84 = vector.shape_cast %get3A_83 : vector<1x16xf32> to vector<16xf32>
    %scan3A = arith.constant 0 : i32
    %scan3A_85 = arith.constant 0 : i32
    %scan3A_86 = arith.constant 128 : i32
    %scan3A_87 = arith.addi %scan3A_85, %scan3A_86 : i32
    %scan3A_88 = arith.constant 4 : i32
    scf.for %scan3A_812 = %scan3A_85 to %scan3A_87 step %scan3A_88  : i32 {
      %swap3A = arith.constant 0 : i32
      %swap3A_813 = arith.index_cast %swap3A : i32 to index
      %swap3A_814 = arith.index_cast %scan3A_812 : i32 to index
      %swap3A_815 = arith.constant 0 : index
      %swap3A_816 = tpu.vector_load %arg8[%swap3A_813, %swap3A_814, %swap3A_815] {strides = array<i32>} : memref<4x128x128xf32, #tpu.memory_space<vmem>>, vector<1x1x16xf32>,
      %swap3A_817 = vector.shape_cast %swap3A_816 : vector<1x1x16xf32> to vector<16xf32>
      %swap3A_818 = vector.shape_cast %get3A_56 : vector<16xf32> to vector<1x1x16xf32>
      tpu.vector_store %arg8[%swap3A_813, %swap3A_814, %swap3A_815], %swap3A_818 {add = true, strides = array<i32>} : memref<4x128x128xf32, #tpu.memory_space<vmem>>, vector<1x1x16xf32>,
      %swap3A_819 = arith.constant 0 : i32
      %swap3A_820 = arith.index_cast %swap3A_819 : i32 to index
      %swap3A_821 = arith.index_cast %scan3A_812 : i32 to index
      %swap3A_822 = arith.constant 16 : index
      %swap3A_823 = tpu.vector_load %arg8[%swap3A_820, %swap3A_821, %swap3A_822] {strides = array<i32>} : memref<4x128x128xf32, #tpu.memory_space<vmem>>, vector<1x1x16xf32>,
      %swap3A_824 = vector.shape_cast %swap3A_823 : vector<1x1x16xf32> to vector<16xf32>
      %swap3A_825 = vector.shape_cast %get3A_60 : vector<16xf32> to vector<1x1x16xf32>
      tpu.vector_store %arg8[%swap3A_820, %swap3A_821, %swap3A_822], %swap3A_825 {add = true, strides = array<i32>} : memref<4x128x128xf32, #tpu.memory_space<vmem>>, vector<1x1x16xf32>,
      %swap3A_826 = arith.constant 0 : i32
      %swap3A_827 = arith.index_cast %swap3A_826 : i32 to index
      %swap3A_828 = arith.index_cast %scan3A_812 : i32 to index
      %swap3A_829 = arith.constant 32 : index
      %swap3A_830 = tpu.vector_load %arg8[%swap3A_827, %swap3A_828, %swap3A_829] {strides = array<i32>} : memref<4x128x128xf32, #tpu.memory_space<vmem>>, vector<1x1x16xf32>,
      %swap3A_831 = vector.shape_cast %swap3A_830 : vector<1x1x16xf32> to vector<16xf32>
      %swap3A_832 = vector.shape_cast %get3A_64 : vector<16xf32> to vector<1x1x16xf32>
      tpu.vector_store %arg8[%swap3A_827, %swap3A_828, %swap3A_829], %swap3A_832 {add = true, strides = array<i32>} : memref<4x128x128xf32, #tpu.memory_space<vmem>>, vector<1x1x16xf32>,
      %swap3A_833 = arith.constant 0 : i32
      %swap3A_834 = arith.index_cast %swap3A_833 : i32 to index
      %swap3A_835 = arith.index_cast %scan3A_812 : i32 to index
      %swap3A_836 = arith.constant 48 : index
      %swap3A_837 = tpu.vector_load %arg8[%swap3A_834, %swap3A_835, %swap3A_836] {strides = array<i32>} : memref<4x128x128xf32, #tpu.memory_space<vmem>>, vector<1x1x16xf32>,
      %swap3A_838 = vector.shape_cast %swap3A_837 : vector<1x1x16xf32> to vector<16xf32>
      %swap3A_839 = vector.shape_cast %get3A_68 : vector<16xf32> to vector<1x1x16xf32>
      tpu.vector_store %arg8[%swap3A_834, %swap3A_835, %swap3A_836], %swap3A_839 {add = true, strides = array<i32>} : memref<4x128x128xf32, #tpu.memory_space<vmem>>, vector<1x1x16xf32>,
      %swap3A_840 = arith.constant 0 : i32
      %swap3A_841 = arith.index_cast %swap3A_840 : i32 to index
      %swap3A_842 = arith.index_cast %scan3A_812 : i32 to index
      %swap3A_843 = arith.constant 64 : index
      %swap3A_844 = tpu.vector_load %arg8[%swap3A_841, %swap3A_842, %swap3A_843] {strides = array<i32>} : memref<4x128x128xf32, #tpu.memory_space<vmem>>, vector<1x1x16xf32>,
      %swap3A_845 = vector.shape_cast %swap3A_844 : vector<1x1x16xf32> to vector<16xf32>
      %swap3A_846 = vector.shape_cast %get3A_72 : vector<16xf32> to vector<1x1x16xf32>
      tpu.vector_store %arg8[%swap3A_841, %swap3A_842, %swap3A_843], %swap3A_846 {add = true, strides = array<i32>} : memref<4x128x128xf32, #tpu.memory_space<vmem>>, vector<1x1x16xf32>,
      %swap3A_847 = arith.constant 0 : i32
      %swap3A_848 = arith.index_cast %swap3A_847 : i32 to index
      %swap3A_849 = arith.index_cast %scan3A_812 : i32 to index
      %swap3A_850 = arith.constant 80 : index
      %swap3A_851 = tpu.vector_load %arg8[%swap3A_848, %swap3A_849, %swap3A_850] {strides = array<i32>} : memref<4x128x128xf32, #tpu.memory_space<vmem>>, vector<1x1x16xf32>,
      %swap3A_852 = vector.shape_cast %swap3A_851 : vector<1x1x16xf32> to vector<16xf32>
      %swap3A_853 = vector.shape_cast %get3A_76 : vector<16xf32> to vector<1x1x16xf32>
      tpu.vector_store %arg8[%swap3A_848, %swap3A_849, %swap3A_850], %swap3A_853 {add = true, strides = array<i32>} : memref<4x128x128xf32, #tpu.memory_space<vmem>>, vector<1x1x16xf32>,
      %swap3A_854 = arith.constant 0 : i32
      %swap3A_855 = arith.index_cast %swap3A_854 : i32 to index
      %swap3A_856 = arith.index_cast %scan3A_812 : i32 to index
      %swap3A_857 = arith.constant 96 : index
      %swap3A_858 = tpu.vector_load %arg8[%swap3A_855, %swap3A_856, %swap3A_857] {strides = array<i32>} : memref<4x128x128xf32, #tpu.memory_space<vmem>>, vector<1x1x16xf32>,
      %swap3A_859 = vector.shape_cast %swap3A_858 : vector<1x1x16xf32> to vector<16xf32>
      %swap3A_860 = vector.shape_cast %get3A_80 : vector<16xf32> to vector<1x1x16xf32>
      tpu.vector_store %arg8[%swap3A_855, %swap3A_856, %swap3A_857], %swap3A_860 {add = true, strides = array<i32>} : memref<4x128x128xf32, #tpu.memory_space<vmem>>, vector<1x1x16xf32>,
      %swap3A_861 = arith.constant 0 : i32
      %swap3A_862 = arith.index_cast %swap3A_861 : i32 to index
      %swap3A_863 = arith.index_cast %scan3A_812 : i32 to index
      %swap3A_864 = arith.constant 112 : index
      %swap3A_865 = tpu.vector_load %arg8[%swap3A_862, %swap3A_863, %swap3A_864] {strides = array<i32>} : memref<4x128x128xf32, #tpu.memory_space<vmem>>, vector<1x1x16xf32>,
      %swap3A_866 = vector.shape_cast %swap3A_865 : vector<1x1x16xf32> to vector<16xf32>
      %swap3A_867 = vector.shape_cast %get3A_84 : vector<16xf32> to vector<1x1x16xf32>
      tpu.vector_store %arg8[%swap3A_862, %swap3A_863, %swap3A_864], %swap3A_867 {add = true, strides = array<i32>} : memref<4x128x128xf32, #tpu.memory_space<vmem>>, vector<1x1x16xf32>,
      %scan3A_868 = arith.constant 1 : i32
      %scan3A_869 = arith.addi %scan3A_812, %scan3A_868 : i32
      %swap3A_870 = arith.constant 0 : i32
      %swap3A_871 = arith.index_cast %swap3A_870 : i32 to index
      %swap3A_872 = arith.index_cast %scan3A_869 : i32 to index
      %swap3A_873 = arith.constant 0 : index
      %swap3A_874 = tpu.vector_load %arg8[%swap3A_871, %swap3A_872, %swap3A_873] {strides = array<i32>} : memref<4x128x128xf32, #tpu.memory_space<vmem>>, vector<1x1x16xf32>,
      %swap3A_875 = vector.shape_cast %swap3A_874 : vector<1x1x16xf32> to vector<16xf32>
      %swap3A_876 = vector.shape_cast %get3A_56 : vector<16xf32> to vector<1x1x16xf32>
      tpu.vector_store %arg8[%swap3A_871, %swap3A_872, %swap3A_873], %swap3A_876 {add = true, strides = array<i32>} : memref<4x128x128xf32, #tpu.memory_space<vmem>>, vector<1x1x16xf32>,
      %swap3A_877 = arith.constant 0 : i32
      %swap3A_878 = arith.index_cast %swap3A_877 : i32 to index
      %swap3A_879 = arith.index_cast %scan3A_869 : i32 to index
      %swap3A_880 = arith.constant 16 : index
      %swap3A_881 = tpu.vector_load %arg8[%swap3A_878, %swap3A_879, %swap3A_880] {strides = array<i32>} : memref<4x128x128xf32, #tpu.memory_space<vmem>>, vector<1x1x16xf32>,
      %swap3A_882 = vector.shape_cast %swap3A_881 : vector<1x1x16xf32> to vector<16xf32>
      %swap3A_883 = vector.shape_cast %get3A_60 : vector<16xf32> to vector<1x1x16xf32>
      tpu.vector_store %arg8[%swap3A_878, %swap3A_879, %swap3A_880], %swap3A_883 {add = true, strides = array<i32>} : memref<4x128x128xf32, #tpu.memory_space<vmem>>, vector<1x1x16xf32>,
      %swap3A_884 = arith.constant 0 : i32
      %swap3A_885 = arith.index_cast %swap3A_884 : i32 to index
      %swap3A_886 = arith.index_cast %scan3A_869 : i32 to index
      %swap3A_887 = arith.constant 32 : index
      %swap3A_888 = tpu.vector_load %arg8[%swap3A_885, %swap3A_886, %swap3A_887] {strides = array<i32>} : memref<4x128x128xf32, #tpu.memory_space<vmem>>, vector<1x1x16xf32>,
      %swap3A_889 = vector.shape_cast %swap3A_888 : vector<1x1x16xf32> to vector<16xf32>
      %swap3A_890 = vector.shape_cast %get3A_64 : vector<16xf32> to vector<1x1x16xf32>
      tpu.vector_store %arg8[%swap3A_885, %swap3A_886, %swap3A_887], %swap3A_890 {add = true, strides = array<i32>} : memref<4x128x128xf32, #tpu.memory_space<vmem>>, vector<1x1x16xf32>,
      %swap3A_891 = arith.constant 0 : i32
      %swap3A_892 = arith.index_cast %swap3A_891 : i32 to index
      %swap3A_893 = arith.index_cast %scan3A_869 : i32 to index
      %swap3A_894 = arith.constant 48 : index
      %swap3A_895 = tpu.vector_load %arg8[%swap3A_892, %swap3A_893, %swap3A_894] {strides = array<i32>} : memref<4x128x128xf32, #tpu.memory_space<vmem>>, vector<1x1x16xf32>,
      %swap3A_896 = vector.shape_cast %swap3A_895 : vector<1x1x16xf32> to vector<16xf32>
      %swap3A_897 = vector.shape_cast %get3A_68 : vector<16xf32> to vector<1x1x16xf32>
      tpu.vector_store %arg8[%swap3A_892, %swap3A_893, %swap3A_894], %swap3A_897 {add = true, strides = array<i32>} : memref<4x128x128xf32, #tpu.memory_space<vmem>>, vector<1x1x16xf32>,
      %swap3A_898 = arith.constant 0 : i32
      %swap3A_899 = arith.index_cast %swap3A_898 : i32 to index
      %swap3A_900 = arith.index_cast %scan3A_869 : i32 to index
      %swap3A_901 = arith.constant 64 : index
      %swap3A_902 = tpu.vector_load %arg8[%swap3A_899, %swap3A_900, %swap3A_901] {strides = array<i32>} : memref<4x128x128xf32, #tpu.memory_space<vmem>>, vector<1x1x16xf32>,
      %swap3A_903 = vector.shape_cast %swap3A_902 : vector<1x1x16xf32> to vector<16xf32>
      %swap3A_904 = vector.shape_cast %get3A_72 : vector<16xf32> to vector<1x1x16xf32>
      tpu.vector_store %arg8[%swap3A_899, %swap3A_900, %swap3A_901], %swap3A_904 {add = true, strides = array<i32>} : memref<4x128x128xf32, #tpu.memory_space<vmem>>, vector<1x1x16xf32>,
      %swap3A_905 = arith.constant 0 : i32
      %swap3A_906 = arith.index_cast %swap3A_905 : i32 to index
      %swap3A_907 = arith.index_cast %scan3A_869 : i32 to index
      %swap3A_908 = arith.constant 80 : index
      %swap3A_909 = tpu.vector_load %arg8[%swap3A_906, %swap3A_907, %swap3A_908] {strides = array<i32>} : memref<4x128x128xf32, #tpu.memory_space<vmem>>, vector<1x1x16xf32>,
      %swap3A_910 = vector.shape_cast %swap3A_909 : vector<1x1x16xf32> to vector<16xf32>
      %swap3A_911 = vector.shape_cast %get3A_76 : vector<16xf32> to vector<1x1x16xf32>
      tpu.vector_store %arg8[%swap3A_906, %swap3A_907, %swap3A_908], %swap3A_911 {add = true, strides = array<i32>} : memref<4x128x128xf32, #tpu.memory_space<vmem>>, vector<1x1x16xf32>,
      %swap3A_912 = arith.constant 0 : i32
      %swap3A_913 = arith.index_cast %swap3A_912 : i32 to index
      %swap3A_914 = arith.index_cast %scan3A_869 : i32 to index
      %swap3A_915 = arith.constant 96 : index
      %swap3A_916 = tpu.vector_load %arg8[%swap3A_913, %swap3A_914, %swap3A_915] {strides = array<i32>} : memref<4x128x128xf32, #tpu.memory_space<vmem>>, vector<1x1x16xf32>,
      %swap3A_917 = vector.shape_cast %swap3A_916 : vector<1x1x16xf32> to vector<16xf32>
      %swap3A_918 = vector.shape_cast %get3A_80 : vector<16xf32> to vector<1x1x16xf32>
      tpu.vector_store %arg8[%swap3A_913, %swap3A_914, %swap3A_915], %swap3A_918 {add = true, strides = array<i32>} : memref<4x128x128xf32, #tpu.memory_space<vmem>>, vector<1x1x16xf32>,
      %swap3A_919 = arith.constant 0 : i32
      %swap3A_920 = arith.index_cast %swap3A_919 : i32 to index
      %swap3A_921 = arith.index_cast %scan3A_869 : i32 to index
      %swap3A_922 = arith.constant 112 : index
      %swap3A_923 = tpu.vector_load %arg8[%swap3A_920, %swap3A_921, %swap3A_922] {strides = array<i32>} : memref<4x128x128xf32, #tpu.memory_space<vmem>>, vector<1x1x16xf32>,
      %swap3A_924 = vector.shape_cast %swap3A_923 : vector<1x1x16xf32> to vector<16xf32>
      %swap3A_925 = vector.shape_cast %get3A_84 : vector<16xf32> to vector<1x1x16xf32>
      tpu.vector_store %arg8[%swap3A_920, %swap3A_921, %swap3A_922], %swap3A_925 {add = true, strides = array<i32>} : memref<4x128x128xf32, #tpu.memory_space<vmem>>, vector<1x1x16xf32>,
      %scan3A_926 = arith.constant 2 : i32
      %scan3A_927 = arith.addi %scan3A_812, %scan3A_926 : i32
      %swap3A_928 = arith.constant 0 : i32
      %swap3A_929 = arith.index_cast %swap3A_928 : i32 to index
      %swap3A_930 = arith.index_cast %scan3A_927 : i32 to index
      %swap3A_931 = arith.constant 0 : index
      %swap3A_932 = tpu.vector_load %arg8[%swap3A_929, %swap3A_930, %swap3A_931] {strides = array<i32>} : memref<4x128x128xf32, #tpu.memory_space<vmem>>, vector<1x1x16xf32>,
      %swap3A_933 = vector.shape_cast %swap3A_932 : vector<1x1x16xf32> to vector<16xf32>
      %swap3A_934 = vector.shape_cast %get3A_56 : vector<16xf32> to vector<1x1x16xf32>
      tpu.vector_store %arg8[%swap3A_929, %swap3A_930, %swap3A_931], %swap3A_934 {add = true, strides = array<i32>} : memref<4x128x128xf32, #tpu.memory_space<vmem>>, vector<1x1x16xf32>,
      %swap3A_935 = arith.constant 0 : i32
      %swap3A_936 = arith.index_cast %swap3A_935 : i32 to index
      %swap3A_937 = arith.index_cast %scan3A_927 : i32 to index
      %swap3A_938 = arith.constant 16 : index
      %swap3A_939 = tpu.vector_load %arg8[%swap3A_936, %swap3A_937, %swap3A_938] {strides = array<i32>} : memref<4x128x128xf32, #tpu.memory_space<vmem>>, vector<1x1x16xf32>,
      %swap3A_940 = vector.shape_cast %swap3A_939 : vector<1x1x16xf32> to vector<16xf32>
      %swap3A_941 = vector.shape_cast %get3A_60 : vector<16xf32> to vector<1x1x16xf32>
      tpu.vector_store %arg8[%swap3A_936, %swap3A_937, %swap3A_938], %swap3A_941 {add = true, strides = array<i32>} : memref<4x128x128xf32, #tpu.memory_space<vmem>>, vector<1x1x16xf32>,
      %swap3A_942 = arith.constant 0 : i32
      %swap3A_943 = arith.index_cast %swap3A_942 : i32 to index
      %swap3A_944 = arith.index_cast %scan3A_927 : i32 to index
      %swap3A_945 = arith.constant 32 : index
      %swap3A_946 = tpu.vector_load %arg8[%swap3A_943, %swap3A_944, %swap3A_945] {strides = array<i32>} : memref<4x128x128xf32, #tpu.memory_space<vmem>>, vector<1x1x16xf32>,
      %swap3A_947 = vector.shape_cast %swap3A_946 : vector<1x1x16xf32> to vector<16xf32>
      %swap3A_948 = vector.shape_cast %get3A_64 : vector<16xf32> to vector<1x1x16xf32>
      tpu.vector_store %arg8[%swap3A_943, %swap3A_944, %swap3A_945], %swap3A_948 {add = true, strides = array<i32>} : memref<4x128x128xf32, #tpu.memory_space<vmem>>, vector<1x1x16xf32>,
      %swap3A_949 = arith.constant 0 : i32
      %swap3A_950 = arith.index_cast %swap3A_949 : i32 to index
      %swap3A_951 = arith.index_cast %scan3A_927 : i32 to index
      %swap3A_952 = arith.constant 48 : index
      %swap3A_953 = tpu.vector_load %arg8[%swap3A_950, %swap3A_951, %swap3A_952] {strides = array<i32>} : memref<4x128x128xf32, #tpu.memory_space<vmem>>, vector<1x1x16xf32>,
      %swap3A_954 = vector.shape_cast %swap3A_953 : vector<1x1x16xf32> to vector<16xf32>
      %swap3A_955 = vector.shape_cast %get3A_68 : vector<16xf32> to vector<1x1x16xf32>
      tpu.vector_store %arg8[%swap3A_950, %swap3A_951, %swap3A_952], %swap3A_955 {add = true, strides = array<i32>} : memref<4x128x128xf32, #tpu.memory_space<vmem>>, vector<1x1x16xf32>,
      %swap3A_956 = arith.constant 0 : i32
      %swap3A_957 = arith.index_cast %swap3A_956 : i32 to index
      %swap3A_958 = arith.index_cast %scan3A_927 : i32 to index
      %swap3A_959 = arith.constant 64 : index
      %swap3A_960 = tpu.vector_load %arg8[%swap3A_957, %swap3A_958, %swap3A_959] {strides = array<i32>} : memref<4x128x128xf32, #tpu.memory_space<vmem>>, vector<1x1x16xf32>,
      %swap3A_961 = vector.shape_cast %swap3A_960 : vector<1x1x16xf32> to vector<16xf32>
      %swap3A_962 = vector.shape_cast %get3A_72 : vector<16xf32> to vector<1x1x16xf32>
      tpu.vector_store %arg8[%swap3A_957, %swap3A_958, %swap3A_959], %swap3A_962 {add = true, strides = array<i32>} : memref<4x128x128xf32, #tpu.memory_space<vmem>>, vector<1x1x16xf32>,
      %swap3A_963 = arith.constant 0 : i32
      %swap3A_964 = arith.index_cast %swap3A_963 : i32 to index
      %swap3A_965 = arith.index_cast %scan3A_927 : i32 to index
      %swap3A_966 = arith.constant 80 : index
      %swap3A_967 = tpu.vector_load %arg8[%swap3A_964, %swap3A_965, %swap3A_966] {strides = array<i32>} : memref<4x128x128xf32, #tpu.memory_space<vmem>>, vector<1x1x16xf32>,
      %swap3A_968 = vector.shape_cast %swap3A_967 : vector<1x1x16xf32> to vector<16xf32>
      %swap3A_969 = vector.shape_cast %get3A_76 : vector<16xf32> to vector<1x1x16xf32>
      tpu.vector_store %arg8[%swap3A_964, %swap3A_965, %swap3A_966], %swap3A_969 {add = true, strides = array<i32>} : memref<4x128x128xf32, #tpu.memory_space<vmem>>, vector<1x1x16xf32>,
      %swap3A_970 = arith.constant 0 : i32
      %swap3A_971 = arith.index_cast %swap3A_970 : i32 to index
      %swap3A_972 = arith.index_cast %scan3A_927 : i32 to index
      %swap3A_973 = arith.constant 96 : index
      %swap3A_974 = tpu.vector_load %arg8[%swap3A_971, %swap3A_972, %swap3A_973] {strides = array<i32>} : memref<4x128x128xf32, #tpu.memory_space<vmem>>, vector<1x1x16xf32>,
      %swap3A_975 = vector.shape_cast %swap3A_974 : vector<1x1x16xf32> to vector<16xf32>
      %swap3A_976 = vector.shape_cast %get3A_80 : vector<16xf32> to vector<1x1x16xf32>
      tpu.vector_store %arg8[%swap3A_971, %swap3A_972, %swap3A_973], %swap3A_976 {add = true, strides = array<i32>} : memref<4x128x128xf32, #tpu.memory_space<vmem>>, vector<1x1x16xf32>,
      %swap3A_977 = arith.constant 0 : i32
      %swap3A_978 = arith.index_cast %swap3A_977 : i32 to index
      %swap3A_979 = arith.index_cast %scan3A_927 : i32 to index
      %swap3A_980 = arith.constant 112 : index
      %swap3A_981 = tpu.vector_load %arg8[%swap3A_978, %swap3A_979, %swap3A_980] {strides = array<i32>} : memref<4x128x128xf32, #tpu.memory_space<vmem>>, vector<1x1x16xf32>,
      %swap3A_982 = vector.shape_cast %swap3A_981 : vector<1x1x16xf32> to vector<16xf32>
      %swap3A_983 = vector.shape_cast %get3A_84 : vector<16xf32> to vector<1x1x16xf32>
      tpu.vector_store %arg8[%swap3A_978, %swap3A_979, %swap3A_980], %swap3A_983 {add = true, strides = array<i32>} : memref<4x128x128xf32, #tpu.memory_space<vmem>>, vector<1x1x16xf32>,
      %scan3A_984 = arith.constant 3 : i32
      %scan3A_985 = arith.addi %scan3A_812, %scan3A_984 : i32
      %swap3A_986 = arith.constant 0 : i32
      %swap3A_987 = arith.index_cast %swap3A_986 : i32 to index
      %swap3A_988 = arith.index_cast %scan3A_985 : i32 to index
      %swap3A_989 = arith.constant 0 : index
      %swap3A_990 = tpu.vector_load %arg8[%swap3A_987, %swap3A_988, %swap3A_989] {strides = array<i32>} : memref<4x128x128xf32, #tpu.memory_space<vmem>>, vector<1x1x16xf32>,
      %swap3A_991 = vector.shape_cast %swap3A_990 : vector<1x1x16xf32> to vector<16xf32>
      %swap3A_992 = vector.shape_cast %get3A_56 : vector<16xf32> to vector<1x1x16xf32>
      tpu.vector_store %arg8[%swap3A_987, %swap3A_988, %swap3A_989], %swap3A_992 {add = true, strides = array<i32>} : memref<4x128x128xf32, #tpu.memory_space<vmem>>, vector<1x1x16xf32>,
      %swap3A_993 = arith.constant 0 : i32
      %swap3A_994 = arith.index_cast %swap3A_993 : i32 to index
      %swap3A_995 = arith.index_cast %scan3A_985 : i32 to index
      %swap3A_996 = arith.constant 16 : index
      %swap3A_997 = tpu.vector_load %arg8[%swap3A_994, %swap3A_995, %swap3A_996] {strides = array<i32>} : memref<4x128x128xf32, #tpu.memory_space<vmem>>, vector<1x1x16xf32>,
      %swap3A_998 = vector.shape_cast %swap3A_997 : vector<1x1x16xf32> to vector<16xf32>
      %swap3A_999 = vector.shape_cast %get3A_60 : vector<16xf32> to vector<1x1x16xf32>
      tpu.vector_store %arg8[%swap3A_994, %swap3A_995, %swap3A_996], %swap3A_999 {add = true, strides = array<i32>} : memref<4x128x128xf32, #tpu.memory_space<vmem>>, vector<1x1x16xf32>,
      %swap3A_1000 = arith.constant 0 : i32
      %swap3A_1001 = arith.index_cast %swap3A_1000 : i32 to index
      %swap3A_1002 = arith.index_cast %scan3A_985 : i32 to index
      %swap3A_1003 = arith.constant 32 : index
      %swap3A_1004 = tpu.vector_load %arg8[%swap3A_1001, %swap3A_1002, %swap3A_1003] {strides = array<i32>} : memref<4x128x128xf32, #tpu.memory_space<vmem>>, vector<1x1x16xf32>,
      %swap3A_1005 = vector.shape_cast %swap3A_1004 : vector<1x1x16xf32> to vector<16xf32>
      %swap3A_1006 = vector.shape_cast %get3A_64 : vector<16xf32> to vector<1x1x16xf32>
      tpu.vector_store %arg8[%swap3A_1001, %swap3A_1002, %swap3A_1003], %swap3A_1006 {add = true, strides = array<i32>} : memref<4x128x128xf32, #tpu.memory_space<vmem>>, vector<1x1x16xf32>,
      %swap3A_1007 = arith.constant 0 : i32
      %swap3A_1008 = arith.index_cast %swap3A_1007 : i32 to index
      %swap3A_1009 = arith.index_cast %scan3A_985 : i32 to index
      %swap3A_1010 = arith.constant 48 : index
      %swap3A_1011 = tpu.vector_load %arg8[%swap3A_1008, %swap3A_1009, %swap3A_1010] {strides = array<i32>} : memref<4x128x128xf32, #tpu.memory_space<vmem>>, vector<1x1x16xf32>,
      %swap3A_1012 = vector.shape_cast %swap3A_1011 : vector<1x1x16xf32> to vector<16xf32>
      %swap3A_1013 = vector.shape_cast %get3A_68 : vector<16xf32> to vector<1x1x16xf32>
      tpu.vector_store %arg8[%swap3A_1008, %swap3A_1009, %swap3A_1010], %swap3A_1013 {add = true, strides = array<i32>} : memref<4x128x128xf32, #tpu.memory_space<vmem>>, vector<1x1x16xf32>,
      %swap3A_1014 = arith.constant 0 : i32
      %swap3A_1015 = arith.index_cast %swap3A_1014 : i32 to index
      %swap3A_1016 = arith.index_cast %scan3A_985 : i32 to index
      %swap3A_1017 = arith.constant 64 : index
      %swap3A_1018 = tpu.vector_load %arg8[%swap3A_1015, %swap3A_1016, %swap3A_1017] {strides = array<i32>} : memref<4x128x128xf32, #tpu.memory_space<vmem>>, vector<1x1x16xf32>,
      %swap3A_1019 = vector.shape_cast %swap3A_1018 : vector<1x1x16xf32> to vector<16xf32>
      %swap3A_1020 = vector.shape_cast %get3A_72 : vector<16xf32> to vector<1x1x16xf32>
      tpu.vector_store %arg8[%swap3A_1015, %swap3A_1016, %swap3A_1017], %swap3A_1020 {add = true, strides = array<i32>} : memref<4x128x128xf32, #tpu.memory_space<vmem>>, vector<1x1x16xf32>,
      %swap3A_1021 = arith.constant 0 : i32
      %swap3A_1022 = arith.index_cast %swap3A_1021 : i32 to index
      %swap3A_1023 = arith.index_cast %scan3A_985 : i32 to index
      %swap3A_1024 = arith.constant 80 : index
      %swap3A_1025 = tpu.vector_load %arg8[%swap3A_1022, %swap3A_1023, %swap3A_1024] {strides = array<i32>} : memref<4x128x128xf32, #tpu.memory_space<vmem>>, vector<1x1x16xf32>,
      %swap3A_1026 = vector.shape_cast %swap3A_1025 : vector<1x1x16xf32> to vector<16xf32>
      %swap3A_1027 = vector.shape_cast %get3A_76 : vector<16xf32> to vector<1x1x16xf32>
      tpu.vector_store %arg8[%swap3A_1022, %swap3A_1023, %swap3A_1024], %swap3A_1027 {add = true, strides = array<i32>} : memref<4x128x128xf32, #tpu.memory_space<vmem>>, vector<1x1x16xf32>,
      %swap3A_1028 = arith.constant 0 : i32
      %swap3A_1029 = arith.index_cast %swap3A_1028 : i32 to index
      %swap3A_1030 = arith.index_cast %scan3A_985 : i32 to index
      %swap3A_1031 = arith.constant 96 : index
      %swap3A_1032 = tpu.vector_load %arg8[%swap3A_1029, %swap3A_1030, %swap3A_1031] {strides = array<i32>} : memref<4x128x128xf32, #tpu.memory_space<vmem>>, vector<1x1x16xf32>,
      %swap3A_1033 = vector.shape_cast %swap3A_1032 : vector<1x1x16xf32> to vector<16xf32>
      %swap3A_1034 = vector.shape_cast %get3A_80 : vector<16xf32> to vector<1x1x16xf32>
      tpu.vector_store %arg8[%swap3A_1029, %swap3A_1030, %swap3A_1031], %swap3A_1034 {add = true, strides = array<i32>} : memref<4x128x128xf32, #tpu.memory_space<vmem>>, vector<1x1x16xf32>,
      %swap3A_1035 = arith.constant 0 : i32
      %swap3A_1036 = arith.index_cast %swap3A_1035 : i32 to index
      %swap3A_1037 = arith.index_cast %scan3A_985 : i32 to index
      %swap3A_1038 = arith.constant 112 : index
      %swap3A_1039 = tpu.vector_load %arg8[%swap3A_1036, %swap3A_1037, %swap3A_1038] {strides = array<i32>} : memref<4x128x128xf32, #tpu.memory_space<vmem>>, vector<1x1x16xf32>,
      %swap3A_1040 = vector.shape_cast %swap3A_1039 : vector<1x1x16xf32> to vector<16xf32>
      %swap3A_1041 = vector.shape_cast %get3A_84 : vector<16xf32> to vector<1x1x16xf32>
      tpu.vector_store %arg8[%swap3A_1036, %swap3A_1037, %swap3A_1038], %swap3A_1041 {add = true, strides = array<i32>} : memref<4x128x128xf32, #tpu.memory_space<vmem>>, vector<1x1x16xf32>,
    }
    %scan3A_89 = arith.constant 128 : i32
    %add3A_90 = arith.constant 0 : i32
    %add3A_91 = arith.addi %mul3A_2, %add3A_90 : i32
    %div3A_92 = arith.constant 4096 : i32
    %div3A_93 = arith.divsi %add3A_91, %div3A_92 : i32
    %rem3A = arith.constant 4096 : i32
    %rem3A_94 = arith.remsi %add3A_91, %rem3A : i32
    %dma_start3A_95 = arith.constant 0 : i32
    %dma_start3A_96 = arith.constant 0 : i32
    %dma_start3A_97 = arith.constant 0 : i32
    %dma_start3A_98 = tpu.memref_slice %arg8[%dma_start3A_95, %dma_start3A_96, %dma_start3A_97] : memref<4x128x128xf32, #tpu.memory_space<vmem>> -> memref<1x128x128xf32, #tpu.memory_space<vmem>>
    %dma_start3A_99 = tpu.memref_squeeze %dma_start3A_98 : memref<1x128x128xf32, #tpu.memory_space<vmem>> -> memref<128x128xf32, #tpu.memory_space<vmem>>
    %dma_start3A_100 = arith.constant 0 : i32
    %dma_start3A_101 = tpu.memref_slice %arg5[%rem3A_94, %div3A_93, %dma_start3A_100] : memref<4096x200x128xf32, #tpu.memory_space<hbm>> -> memref<128x1x128xf32, #tpu.memory_space<hbm>>
    %dma_start3A_102 = tpu.memref_squeeze %dma_start3A_101 : memref<128x1x128xf32, #tpu.memory_space<hbm>> -> memref<128x128xf32, #tpu.memory_space<hbm>>
    %dma_start3A_103 = arith.constant 0 : i32
    %dma_start3A_104 = tpu.memref_slice %arg5[%rem3A_94, %div3A_93, %dma_start3A_103] : memref<4096x200x128xf32, #tpu.memory_space<hbm>> -> memref<128x1x128xf32, #tpu.memory_space<hbm>>
    %dma_start3A_105 = tpu.memref_squeeze %dma_start3A_104 : memref<128x1x128xf32, #tpu.memory_space<hbm>> -> memref<128x128xf32, #tpu.memory_space<hbm>>
    %dma_start3A_106 = arith.constant 0 : i32
    %dma_start3A_107 = arith.constant 0 : i32
    %dma_start3A_108 = tpu.memref_slice %arg8[%dma_start3A_95, %dma_start3A_106, %dma_start3A_107] : memref<4x128x128xf32, #tpu.memory_space<vmem>> -> memref<1x128x128xf32, #tpu.memory_space<vmem>>
    %dma_start3A_109 = tpu.memref_squeeze %dma_start3A_108 : memref<1x128x128xf32, #tpu.memory_space<vmem>> -> memref<128x128xf32, #tpu.memory_space<vmem>>
    tpu.enqueue_dma source(%dma_start3A_109 : memref<128x128xf32, #tpu.memory_space<vmem>>) target(%dma_start3A_105 : memref<128x128xf32, #tpu.memory_space<hbm>>) target_semaphore(%arg13 : memref<!tpu.dma_semaphore, #tpu.memory_space<semaphore_mem>>)
    %dma_wait3A_110 = arith.constant 0 : i32
    %dma_wait3A_111 = arith.constant 0 : i32
    %dma_wait3A_112 = arith.constant 0 : i32
    %dma_wait3A_113 = arith.constant 0 : i32
    %dma_wait3A_114 = tpu.memref_slice %arg8[%dma_wait3A_110, %dma_wait3A_112, %dma_wait3A_113] : memref<4x128x128xf32, #tpu.memory_space<vmem>> -> memref<1x128x128xf32, #tpu.memory_space<vmem>>
    %dma_wait3A_115 = tpu.memref_squeeze %dma_wait3A_114 : memref<1x128x128xf32, #tpu.memory_space<vmem>> -> memref<128x128xf32, #tpu.memory_space<vmem>>
    %dma_wait3A_116 = arith.constant 0 : i32
    %dma_wait3A_117 = arith.constant 0 : i32
    %dma_wait3A_118 = tpu.memref_slice %arg5[%dma_wait3A_116, %dma_wait3A_111, %dma_wait3A_117] : memref<4096x200x128xf32, #tpu.memory_space<hbm>> -> memref<128x1x128xf32, #tpu.memory_space<hbm>>
    %dma_wait3A_119 = tpu.memref_squeeze %dma_wait3A_118 : memref<128x1x128xf32, #tpu.memory_space<hbm>> -> memref<128x128xf32, #tpu.memory_space<hbm>>
    %dma_wait3A_120 = arith.constant 0 : i32
    %dma_wait3A_121 = arith.constant 0 : i32
    %dma_wait3A_122 = tpu.memref_slice %arg5[%dma_wait3A_120, %dma_wait3A_111, %dma_wait3A_121] : memref<4096x200x128xf32, #tpu.memory_space<hbm>> -> memref<128x1x128xf32, #tpu.memory_space<hbm>>
    %dma_wait3A_123 = tpu.memref_squeeze %dma_wait3A_122 : memref<128x1x128xf32, #tpu.memory_space<hbm>> -> memref<128x128xf32, #tpu.memory_space<hbm>>
    %dma_wait3A_124 = arith.constant 0 : i32
    %dma_wait3A_125 = arith.constant 0 : i32
    %dma_wait3A_126 = tpu.memref_slice %arg8[%dma_wait3A_110, %dma_wait3A_124, %dma_wait3A_125] : memref<4x128x128xf32, #tpu.memory_space<vmem>> -> memref<1x128x128xf32, #tpu.memory_space<vmem>>
    %dma_wait3A_127 = tpu.memref_squeeze %dma_wait3A_126 : memref<1x128x128xf32, #tpu.memory_space<vmem>> -> memref<128x128xf32, #tpu.memory_space<vmem>>
    tpu.wait_dma2 semaphore(%arg13 : memref<!tpu.dma_semaphore, #tpu.memory_space<semaphore_mem>>) src(%dma_wait3A_127 : memref<128x128xf32, #tpu.memory_space<vmem>>) dst(%dma_wait3A_123 : memref<128x128xf32, #tpu.memory_space<hbm>>)
    %dma_start3A_128 = arith.constant 0 : i32
    %dma_start3A_129 = arith.constant 0 : i32
    %dma_start3A_130 = arith.constant 0 : i32
    %dma_start3A_131 = tpu.memref_slice %arg8[%dma_start3A_128, %dma_start3A_129, %dma_start3A_130] : memref<4x128x128xf32, #tpu.memory_space<vmem>> -> memref<1x128x128xf32, #tpu.memory_space<vmem>>
    %dma_start3A_132 = tpu.memref_squeeze %dma_start3A_131 : memref<1x128x128xf32, #tpu.memory_space<vmem>> -> memref<128x128xf32, #tpu.memory_space<vmem>>
    %dma_start3A_133 = arith.constant 512 : i32
    %dma_start3A_134 = tpu.memref_slice %arg6[%dma_start3A_133] : memref<25600xi32, #tpu.memory_space<vmem>> -> memref<128xi32, #tpu.memory_space<vmem>>
    %dma_start3A_135 = arith.constant 0 : i32
    %dma_start3A_136 = arith.constant 0 : i32
    %dma_start3A_137 = tpu.memref_slice %arg3[%dma_start3A_135, %dma_start3A_136] : memref<100000x128xf32, #tpu.memory_space<hbm>> -> memref<100000x128xf32, #tpu.memory_space<hbm>>
    tpu.enqueue_indirect_dma source(%dma_start3A_137 : memref<100000x128xf32, #tpu.memory_space<hbm>>) target(%dma_start3A_132 : memref<128x128xf32, #tpu.memory_space<vmem>>) offsets(%dma_start3A_134 : memref<128xi32, #tpu.memory_space<vmem>>) semaphore(%arg9 : memref<!tpu.dma_semaphore, #tpu.memory_space<semaphore_mem>>)
    %dma_wait3A_138 = arith.constant 1 : i32
    %dma_wait3A_139 = arith.constant 0 : i32
    %dma_wait3A_140 = arith.constant 0 : i32
    %dma_wait3A_141 = tpu.memref_slice %arg8[%dma_wait3A_138, %dma_wait3A_139, %dma_wait3A_140] : memref<4x128x128xf32, #tpu.memory_space<vmem>> -> memref<1x128x128xf32, #tpu.memory_space<vmem>>
    %dma_wait3A_142 = tpu.memref_squeeze %dma_wait3A_141 : memref<1x128x128xf32, #tpu.memory_space<vmem>> -> memref<128x128xf32, #tpu.memory_space<vmem>>
    %dma_wait3A_143 = arith.constant 0 : i32
    %dma_wait3A_144 = tpu.memref_slice %arg6[%dma_wait3A_143] : memref<25600xi32, #tpu.memory_space<vmem>> -> memref<128xi32, #tpu.memory_space<vmem>>
    %dma_wait3A_145 = arith.constant 0 : i32
    %dma_wait3A_146 = arith.constant 0 : i32
    %dma_wait3A_147 = tpu.memref_slice %arg3[%dma_wait3A_145, %dma_wait3A_146] : memref<100000x128xf32, #tpu.memory_space<hbm>> -> memref<100000x128xf32, #tpu.memory_space<hbm>>
    tpu.wait_indirect_dma semaphore(%arg10 : memref<!tpu.dma_semaphore, #tpu.memory_space<semaphore_mem>>) src(%dma_wait3A_147 : memref<100000x128xf32, #tpu.memory_space<hbm>>) dst(%dma_wait3A_142 : memref<128x128xf32, #tpu.memory_space<vmem>>)
    %add3A_148 = arith.constant 128 : i32
    %add3A_149 = arith.addi %mul3A_2, %add3A_148 : i32
    %div3A_150 = arith.constant 4096 : i32
    %div3A_151 = arith.divsi %add3A_149, %div3A_150 : i32
    %get3A_152 = arith.index_cast %div3A_151 : i32 to index
    %get3A_153 = arith.constant 0 : index
    %get3A_154 = tpu.vector_load %arg7[%get3A_152, %get3A_153] {strides = array<i32>} : memref<200x128xf32, #tpu.memory_space<vmem>>, vector<1x16xf32>,
    %get3A_155 = vector.shape_cast %get3A_154 : vector<1x16xf32> to vector<16xf32>
    %get3A_156 = arith.index_cast %div3A_151 : i32 to index
    %get3A_157 = arith.constant 16 : index
    %get3A_158 = tpu.vector_load %arg7[%get3A_156, %get3A_157] {strides = array<i32>} : memref<200x128xf32, #tpu.memory_space<vmem>>, vector<1x16xf32>,
    %get3A_159 = vector.shape_cast %get3A_158 : vector<1x16xf32> to vector<16xf32>
    %get3A_160 = arith.index_cast %div3A_151 : i32 to index
    %get3A_161 = arith.constant 32 : index
    %get3A_162 = tpu.vector_load %arg7[%get3A_160, %get3A_161] {strides = array<i32>} : memref<200x128xf32, #tpu.memory_space<vmem>>, vector<1x16xf32>,
    %get3A_163 = vector.shape_cast %get3A_162 : vector<1x16xf32> to vector<16xf32>
    %get3A_164 = arith.index_cast %div3A_151 : i32 to index
    %get3A_165 = arith.constant 48 : index
    %get3A_166 = tpu.vector_load %arg7[%get3A_164, %get3A_165] {strides = array<i32>} : memref<200x128xf32, #tpu.memory_space<vmem>>, vector<1x16xf32>,
    %get3A_167 = vector.shape_cast %get3A_166 : vector<1x16xf32> to vector<16xf32>
    %get3A_168 = arith.index_cast %div3A_151 : i32 to index
    %get3A_169 = arith.constant 64 : index
    %get3A_170 = tpu.vector_load %arg7[%get3A_168, %get3A_169] {strides = array<i32>} : memref<200x128xf32, #tpu.memory_space<vmem>>, vector<1x16xf32>,
    %get3A_171 = vector.shape_cast %get3A_170 : vector<1x16xf32> to vector<16xf32>
    %get3A_172 = arith.index_cast %div3A_151 : i32 to index
    %get3A_173 = arith.constant 80 : index
    %get3A_174 = tpu.vector_load %arg7[%get3A_172, %get3A_173] {strides = array<i32>} : memref<200x128xf32, #tpu.memory_space<vmem>>, vector<1x16xf32>,
    %get3A_175 = vector.shape_cast %get3A_174 : vector<1x16xf32> to vector<16xf32>
    %get3A_176 = arith.index_cast %div3A_151 : i32 to index
    %get3A_177 = arith.constant 96 : index
    %get3A_178 = tpu.vector_load %arg7[%get3A_176, %get3A_177] {strides = array<i32>} : memref<200x128xf32, #tpu.memory_space<vmem>>, vector<1x16xf32>,
    %get3A_179 = vector.shape_cast %get3A_178 : vector<1x16xf32> to vector<16xf32>
    %get3A_180 = arith.index_cast %div3A_151 : i32 to index
    %get3A_181 = arith.constant 112 : index
    %get3A_182 = tpu.vector_load %arg7[%get3A_180, %get3A_181] {strides = array<i32>} : memref<200x128xf32, #tpu.memory_space<vmem>>, vector<1x16xf32>,
    %get3A_183 = vector.shape_cast %get3A_182 : vector<1x16xf32> to vector<16xf32>
    %scan3A_184 = arith.constant 0 : i32
    %scan3A_185 = arith.constant 0 : i32
    %scan3A_186 = arith.constant 128 : i32
    %scan3A_187 = arith.addi %scan3A_185, %scan3A_186 : i32
    %scan3A_188 = arith.constant 4 : i32
    scf.for %scan3A_812 = %scan3A_185 to %scan3A_187 step %scan3A_188  : i32 {
      %swap3A = arith.constant 1 : i32
      %swap3A_813 = arith.index_cast %swap3A : i32 to index
      %swap3A_814 = arith.index_cast %scan3A_812 : i32 to index
      %swap3A_815 = arith.constant 0 : index
      %swap3A_816 = tpu.vector_load %arg8[%swap3A_813, %swap3A_814, %swap3A_815] {strides = array<i32>} : memref<4x128x128xf32, #tpu.memory_space<vmem>>, vector<1x1x16xf32>,
      %swap3A_817 = vector.shape_cast %swap3A_816 : vector<1x1x16xf32> to vector<16xf32>
      %swap3A_818 = vector.shape_cast %get3A_155 : vector<16xf32> to vector<1x1x16xf32>
      tpu.vector_store %arg8[%swap3A_813, %swap3A_814, %swap3A_815], %swap3A_818 {add = true, strides = array<i32>} : memref<4x128x128xf32, #tpu.memory_space<vmem>>, vector<1x1x16xf32>,
      %swap3A_819 = arith.constant 1 : i32
      %swap3A_820 = arith.index_cast %swap3A_819 : i32 to index
      %swap3A_821 = arith.index_cast %scan3A_812 : i32 to index
      %swap3A_822 = arith.constant 16 : index
      %swap3A_823 = tpu.vector_load %arg8[%swap3A_820, %swap3A_821, %swap3A_822] {strides = array<i32>} : memref<4x128x128xf32, #tpu.memory_space<vmem>>, vector<1x1x16xf32>,
      %swap3A_824 = vector.shape_cast %swap3A_823 : vector<1x1x16xf32> to vector<16xf32>
      %swap3A_825 = vector.shape_cast %get3A_159 : vector<16xf32> to vector<1x1x16xf32>
      tpu.vector_store %arg8[%swap3A_820, %swap3A_821, %swap3A_822], %swap3A_825 {add = true, strides = array<i32>} : memref<4x128x128xf32, #tpu.memory_space<vmem>>, vector<1x1x16xf32>,
      %swap3A_826 = arith.constant 1 : i32
      %swap3A_827 = arith.index_cast %swap3A_826 : i32 to index
      %swap3A_828 = arith.index_cast %scan3A_812 : i32 to index
      %swap3A_829 = arith.constant 32 : index
      %swap3A_830 = tpu.vector_load %arg8[%swap3A_827, %swap3A_828, %swap3A_829] {strides = array<i32>} : memref<4x128x128xf32, #tpu.memory_space<vmem>>, vector<1x1x16xf32>,
      %swap3A_831 = vector.shape_cast %swap3A_830 : vector<1x1x16xf32> to vector<16xf32>
      %swap3A_832 = vector.shape_cast %get3A_163 : vector<16xf32> to vector<1x1x16xf32>
      tpu.vector_store %arg8[%swap3A_827, %swap3A_828, %swap3A_829], %swap3A_832 {add = true, strides = array<i32>} : memref<4x128x128xf32, #tpu.memory_space<vmem>>, vector<1x1x16xf32>,
      %swap3A_833 = arith.constant 1 : i32
      %swap3A_834 = arith.index_cast %swap3A_833 : i32 to index
      %swap3A_835 = arith.index_cast %scan3A_812 : i32 to index
      %swap3A_836 = arith.constant 48 : index
      %swap3A_837 = tpu.vector_load %arg8[%swap3A_834, %swap3A_835, %swap3A_836] {strides = array<i32>} : memref<4x128x128xf32, #tpu.memory_space<vmem>>, vector<1x1x16xf32>,
      %swap3A_838 = vector.shape_cast %swap3A_837 : vector<1x1x16xf32> to vector<16xf32>
      %swap3A_839 = vector.shape_cast %get3A_167 : vector<16xf32> to vector<1x1x16xf32>
      tpu.vector_store %arg8[%swap3A_834, %swap3A_835, %swap3A_836], %swap3A_839 {add = true, strides = array<i32>} : memref<4x128x128xf32, #tpu.memory_space<vmem>>, vector<1x1x16xf32>,
      %swap3A_840 = arith.constant 1 : i32
      %swap3A_841 = arith.index_cast %swap3A_840 : i32 to index
      %swap3A_842 = arith.index_cast %scan3A_812 : i32 to index
      %swap3A_843 = arith.constant 64 : index
      %swap3A_844 = tpu.vector_load %arg8[%swap3A_841, %swap3A_842, %swap3A_843] {strides = array<i32>} : memref<4x128x128xf32, #tpu.memory_space<vmem>>, vector<1x1x16xf32>,
      %swap3A_845 = vector.shape_cast %swap3A_844 : vector<1x1x16xf32> to vector<16xf32>
      %swap3A_846 = vector.shape_cast %get3A_171 : vector<16xf32> to vector<1x1x16xf32>
      tpu.vector_store %arg8[%swap3A_841, %swap3A_842, %swap3A_843], %swap3A_846 {add = true, strides = array<i32>} : memref<4x128x128xf32, #tpu.memory_space<vmem>>, vector<1x1x16xf32>,
      %swap3A_847 = arith.constant 1 : i32
      %swap3A_848 = arith.index_cast %swap3A_847 : i32 to index
      %swap3A_849 = arith.index_cast %scan3A_812 : i32 to index
      %swap3A_850 = arith.constant 80 : index
      %swap3A_851 = tpu.vector_load %arg8[%swap3A_848, %swap3A_849, %swap3A_850] {strides = array<i32>} : memref<4x128x128xf32, #tpu.memory_space<vmem>>, vector<1x1x16xf32>,
      %swap3A_852 = vector.shape_cast %swap3A_851 : vector<1x1x16xf32> to vector<16xf32>
      %swap3A_853 = vector.shape_cast %get3A_175 : vector<16xf32> to vector<1x1x16xf32>
      tpu.vector_store %arg8[%swap3A_848, %swap3A_849, %swap3A_850], %swap3A_853 {add = true, strides = array<i32>} : memref<4x128x128xf32, #tpu.memory_space<vmem>>, vector<1x1x16xf32>,
      %swap3A_854 = arith.constant 1 : i32
      %swap3A_855 = arith.index_cast %swap3A_854 : i32 to index
      %swap3A_856 = arith.index_cast %scan3A_812 : i32 to index
      %swap3A_857 = arith.constant 96 : index
      %swap3A_858 = tpu.vector_load %arg8[%swap3A_855, %swap3A_856, %swap3A_857] {strides = array<i32>} : memref<4x128x128xf32, #tpu.memory_space<vmem>>, vector<1x1x16xf32>,
      %swap3A_859 = vector.shape_cast %swap3A_858 : vector<1x1x16xf32> to vector<16xf32>
      %swap3A_860 = vector.shape_cast %get3A_179 : vector<16xf32> to vector<1x1x16xf32>
      tpu.vector_store %arg8[%swap3A_855, %swap3A_856, %swap3A_857], %swap3A_860 {add = true, strides = array<i32>} : memref<4x128x128xf32, #tpu.memory_space<vmem>>, vector<1x1x16xf32>,
      %swap3A_861 = arith.constant 1 : i32
      %swap3A_862 = arith.index_cast %swap3A_861 : i32 to index
      %swap3A_863 = arith.index_cast %scan3A_812 : i32 to index
      %swap3A_864 = arith.constant 112 : index
      %swap3A_865 = tpu.vector_load %arg8[%swap3A_862, %swap3A_863, %swap3A_864] {strides = array<i32>} : memref<4x128x128xf32, #tpu.memory_space<vmem>>, vector<1x1x16xf32>,
      %swap3A_866 = vector.shape_cast %swap3A_865 : vector<1x1x16xf32> to vector<16xf32>
      %swap3A_867 = vector.shape_cast %get3A_183 : vector<16xf32> to vector<1x1x16xf32>
      tpu.vector_store %arg8[%swap3A_862, %swap3A_863, %swap3A_864], %swap3A_867 {add = true, strides = array<i32>} : memref<4x128x128xf32, #tpu.memory_space<vmem>>, vector<1x1x16xf32>,
      %scan3A_868 = arith.constant 1 : i32
      %scan3A_869 = arith.addi %scan3A_812, %scan3A_868 : i32
      %swap3A_870 = arith.constant 1 : i32
      %swap3A_871 = arith.index_cast %swap3A_870 : i32 to index
      %swap3A_872 = arith.index_cast %scan3A_869 : i32 to index
      %swap3A_873 = arith.constant 0 : index
      %swap3A_874 = tpu.vector_load %arg8[%swap3A_871, %swap3A_872, %swap3A_873] {strides = array<i32>} : memref<4x128x128xf32, #tpu.memory_space<vmem>>, vector<1x1x16xf32>,
      %swap3A_875 = vector.shape_cast %swap3A_874 : vector<1x1x16xf32> to vector<16xf32>
      %swap3A_876 = vector.shape_cast %get3A_155 : vector<16xf32> to vector<1x1x16xf32>
      tpu.vector_store %arg8[%swap3A_871, %swap3A_872, %swap3A_873], %swap3A_876 {add = true, strides = array<i32>} : memref<4x128x128xf32, #tpu.memory_space<vmem>>, vector<1x1x16xf32>,
      %swap3A_877 = arith.constant 1 : i32
      %swap3A_878 = arith.index_cast %swap3A_877 : i32 to index
      %swap3A_879 = arith.index_cast %scan3A_869 : i32 to index
      %swap3A_880 = arith.constant 16 : index
      %swap3A_881 = tpu.vector_load %arg8[%swap3A_878, %swap3A_879, %swap3A_880] {strides = array<i32>} : memref<4x128x128xf32, #tpu.memory_space<vmem>>, vector<1x1x16xf32>,
      %swap3A_882 = vector.shape_cast %swap3A_881 : vector<1x1x16xf32> to vector<16xf32>
      %swap3A_883 = vector.shape_cast %get3A_159 : vector<16xf32> to vector<1x1x16xf32>
      tpu.vector_store %arg8[%swap3A_878, %swap3A_879, %swap3A_880], %swap3A_883 {add = true, strides = array<i32>} : memref<4x128x128xf32, #tpu.memory_space<vmem>>, vector<1x1x16xf32>,
      %swap3A_884 = arith.constant 1 : i32
      %swap3A_885 = arith.index_cast %swap3A_884 : i32 to index
      %swap3A_886 = arith.index_cast %scan3A_869 : i32 to index
      %swap3A_887 = arith.constant 32 : index
      %swap3A_888 = tpu.vector_load %arg8[%swap3A_885, %swap3A_886, %swap3A_887] {strides = array<i32>} : memref<4x128x128xf32, #tpu.memory_space<vmem>>, vector<1x1x16xf32>,
      %swap3A_889 = vector.shape_cast %swap3A_888 : vector<1x1x16xf32> to vector<16xf32>
      %swap3A_890 = vector.shape_cast %get3A_163 : vector<16xf32> to vector<1x1x16xf32>
      tpu.vector_store %arg8[%swap3A_885, %swap3A_886, %swap3A_887], %swap3A_890 {add = true, strides = array<i32>} : memref<4x128x128xf32, #tpu.memory_space<vmem>>, vector<1x1x16xf32>,
      %swap3A_891 = arith.constant 1 : i32
      %swap3A_892 = arith.index_cast %swap3A_891 : i32 to index
      %swap3A_893 = arith.index_cast %scan3A_869 : i32 to index
      %swap3A_894 = arith.constant 48 : index
      %swap3A_895 = tpu.vector_load %arg8[%swap3A_892, %swap3A_893, %swap3A_894] {strides = array<i32>} : memref<4x128x128xf32, #tpu.memory_space<vmem>>, vector<1x1x16xf32>,
      %swap3A_896 = vector.shape_cast %swap3A_895 : vector<1x1x16xf32> to vector<16xf32>
      %swap3A_897 = vector.shape_cast %get3A_167 : vector<16xf32> to vector<1x1x16xf32>
      tpu.vector_store %arg8[%swap3A_892, %swap3A_893, %swap3A_894], %swap3A_897 {add = true, strides = array<i32>} : memref<4x128x128xf32, #tpu.memory_space<vmem>>, vector<1x1x16xf32>,
      %swap3A_898 = arith.constant 1 : i32
      %swap3A_899 = arith.index_cast %swap3A_898 : i32 to index
      %swap3A_900 = arith.index_cast %scan3A_869 : i32 to index
      %swap3A_901 = arith.constant 64 : index
      %swap3A_902 = tpu.vector_load %arg8[%swap3A_899, %swap3A_900, %swap3A_901] {strides = array<i32>} : memref<4x128x128xf32, #tpu.memory_space<vmem>>, vector<1x1x16xf32>,
      %swap3A_903 = vector.shape_cast %swap3A_902 : vector<1x1x16xf32> to vector<16xf32>
      %swap3A_904 = vector.shape_cast %get3A_171 : vector<16xf32> to vector<1x1x16xf32>
      tpu.vector_store %arg8[%swap3A_899, %swap3A_900, %swap3A_901], %swap3A_904 {add = true, strides = array<i32>} : memref<4x128x128xf32, #tpu.memory_space<vmem>>, vector<1x1x16xf32>,
      %swap3A_905 = arith.constant 1 : i32
      %swap3A_906 = arith.index_cast %swap3A_905 : i32 to index
      %swap3A_907 = arith.index_cast %scan3A_869 : i32 to index
      %swap3A_908 = arith.constant 80 : index
      %swap3A_909 = tpu.vector_load %arg8[%swap3A_906, %swap3A_907, %swap3A_908] {strides = array<i32>} : memref<4x128x128xf32, #tpu.memory_space<vmem>>, vector<1x1x16xf32>,
      %swap3A_910 = vector.shape_cast %swap3A_909 : vector<1x1x16xf32> to vector<16xf32>
      %swap3A_911 = vector.shape_cast %get3A_175 : vector<16xf32> to vector<1x1x16xf32>
      tpu.vector_store %arg8[%swap3A_906, %swap3A_907, %swap3A_908], %swap3A_911 {add = true, strides = array<i32>} : memref<4x128x128xf32, #tpu.memory_space<vmem>>, vector<1x1x16xf32>,
      %swap3A_912 = arith.constant 1 : i32
      %swap3A_913 = arith.index_cast %swap3A_912 : i32 to index
      %swap3A_914 = arith.index_cast %scan3A_869 : i32 to index
      %swap3A_915 = arith.constant 96 : index
      %swap3A_916 = tpu.vector_load %arg8[%swap3A_913, %swap3A_914, %swap3A_915] {strides = array<i32>} : memref<4x128x128xf32, #tpu.memory_space<vmem>>, vector<1x1x16xf32>,
      %swap3A_917 = vector.shape_cast %swap3A_916 : vector<1x1x16xf32> to vector<16xf32>
      %swap3A_918 = vector.shape_cast %get3A_179 : vector<16xf32> to vector<1x1x16xf32>
      tpu.vector_store %arg8[%swap3A_913, %swap3A_914, %swap3A_915], %swap3A_918 {add = true, strides = array<i32>} : memref<4x128x128xf32, #tpu.memory_space<vmem>>, vector<1x1x16xf32>,
      %swap3A_919 = arith.constant 1 : i32
      %swap3A_920 = arith.index_cast %swap3A_919 : i32 to index
      %swap3A_921 = arith.index_cast %scan3A_869 : i32 to index
      %swap3A_922 = arith.constant 112 : index
      %swap3A_923 = tpu.vector_load %arg8[%swap3A_920, %swap3A_921, %swap3A_922] {strides = array<i32>} : memref<4x128x128xf32, #tpu.memory_space<vmem>>, vector<1x1x16xf32>,
      %swap3A_924 = vector.shape_cast %swap3A_923 : vector<1x1x16xf32> to vector<16xf32>
      %swap3A_925 = vector.shape_cast %get3A_183 : vector<16xf32> to vector<1x1x16xf32>
      tpu.vector_store %arg8[%swap3A_920, %swap3A_921, %swap3A_922], %swap3A_925 {add = true, strides = array<i32>} : memref<4x128x128xf32, #tpu.memory_space<vmem>>, vector<1x1x16xf32>,
      %scan3A_926 = arith.constant 2 : i32
      %scan3A_927 = arith.addi %scan3A_812, %scan3A_926 : i32
      %swap3A_928 = arith.constant 1 : i32
      %swap3A_929 = arith.index_cast %swap3A_928 : i32 to index
      %swap3A_930 = arith.index_cast %scan3A_927 : i32 to index
      %swap3A_931 = arith.constant 0 : index
      %swap3A_932 = tpu.vector_load %arg8[%swap3A_929, %swap3A_930, %swap3A_931] {strides = array<i32>} : memref<4x128x128xf32, #tpu.memory_space<vmem>>, vector<1x1x16xf32>,
      %swap3A_933 = vector.shape_cast %swap3A_932 : vector<1x1x16xf32> to vector<16xf32>
      %swap3A_934 = vector.shape_cast %get3A_155 : vector<16xf32> to vector<1x1x16xf32>
      tpu.vector_store %arg8[%swap3A_929, %swap3A_930, %swap3A_931], %swap3A_934 {add = true, strides = array<i32>} : memref<4x128x128xf32, #tpu.memory_space<vmem>>, vector<1x1x16xf32>,
      %swap3A_935 = arith.constant 1 : i32
      %swap3A_936 = arith.index_cast %swap3A_935 : i32 to index
      %swap3A_937 = arith.index_cast %scan3A_927 : i32 to index
      %swap3A_938 = arith.constant 16 : index
      %swap3A_939 = tpu.vector_load %arg8[%swap3A_936, %swap3A_937, %swap3A_938] {strides = array<i32>} : memref<4x128x128xf32, #tpu.memory_space<vmem>>, vector<1x1x16xf32>,
      %swap3A_940 = vector.shape_cast %swap3A_939 : vector<1x1x16xf32> to vector<16xf32>
      %swap3A_941 = vector.shape_cast %get3A_159 : vector<16xf32> to vector<1x1x16xf32>
      tpu.vector_store %arg8[%swap3A_936, %swap3A_937, %swap3A_938], %swap3A_941 {add = true, strides = array<i32>} : memref<4x128x128xf32, #tpu.memory_space<vmem>>, vector<1x1x16xf32>,
      %swap3A_942 = arith.constant 1 : i32
      %swap3A_943 = arith.index_cast %swap3A_942 : i32 to index
      %swap3A_944 = arith.index_cast %scan3A_927 : i32 to index
      %swap3A_945 = arith.constant 32 : index
      %swap3A_946 = tpu.vector_load %arg8[%swap3A_943, %swap3A_944, %swap3A_945] {strides = array<i32>} : memref<4x128x128xf32, #tpu.memory_space<vmem>>, vector<1x1x16xf32>,
      %swap3A_947 = vector.shape_cast %swap3A_946 : vector<1x1x16xf32> to vector<16xf32>
      %swap3A_948 = vector.shape_cast %get3A_163 : vector<16xf32> to vector<1x1x16xf32>
      tpu.vector_store %arg8[%swap3A_943, %swap3A_944, %swap3A_945], %swap3A_948 {add = true, strides = array<i32>} : memref<4x128x128xf32, #tpu.memory_space<vmem>>, vector<1x1x16xf32>,
      %swap3A_949 = arith.constant 1 : i32
      %swap3A_950 = arith.index_cast %swap3A_949 : i32 to index
      %swap3A_951 = arith.index_cast %scan3A_927 : i32 to index
      %swap3A_952 = arith.constant 48 : index
      %swap3A_953 = tpu.vector_load %arg8[%swap3A_950, %swap3A_951, %swap3A_952] {strides = array<i32>} : memref<4x128x128xf32, #tpu.memory_space<vmem>>, vector<1x1x16xf32>,
      %swap3A_954 = vector.shape_cast %swap3A_953 : vector<1x1x16xf32> to vector<16xf32>
      %swap3A_955 = vector.shape_cast %get3A_167 : vector<16xf32> to vector<1x1x16xf32>
      tpu.vector_store %arg8[%swap3A_950, %swap3A_951, %swap3A_952], %swap3A_955 {add = true, strides = array<i32>} : memref<4x128x128xf32, #tpu.memory_space<vmem>>, vector<1x1x16xf32>,
      %swap3A_956 = arith.constant 1 : i32
      %swap3A_957 = arith.index_cast %swap3A_956 : i32 to index
      %swap3A_958 = arith.index_cast %scan3A_927 : i32 to index
      %swap3A_959 = arith.constant 64 : index
      %swap3A_960 = tpu.vector_load %arg8[%swap3A_957, %swap3A_958, %swap3A_959] {strides = array<i32>} : memref<4x128x128xf32, #tpu.memory_space<vmem>>, vector<1x1x16xf32>,
      %swap3A_961 = vector.shape_cast %swap3A_960 : vector<1x1x16xf32> to vector<16xf32>
      %swap3A_962 = vector.shape_cast %get3A_171 : vector<16xf32> to vector<1x1x16xf32>
      tpu.vector_store %arg8[%swap3A_957, %swap3A_958, %swap3A_959], %swap3A_962 {add = true, strides = array<i32>} : memref<4x128x128xf32, #tpu.memory_space<vmem>>, vector<1x1x16xf32>,
      %swap3A_963 = arith.constant 1 : i32
      %swap3A_964 = arith.index_cast %swap3A_963 : i32 to index
      %swap3A_965 = arith.index_cast %scan3A_927 : i32 to index
      %swap3A_966 = arith.constant 80 : index
      %swap3A_967 = tpu.vector_load %arg8[%swap3A_964, %swap3A_965, %swap3A_966] {strides = array<i32>} : memref<4x128x128xf32, #tpu.memory_space<vmem>>, vector<1x1x16xf32>,
      %swap3A_968 = vector.shape_cast %swap3A_967 : vector<1x1x16xf32> to vector<16xf32>
      %swap3A_969 = vector.shape_cast %get3A_175 : vector<16xf32> to vector<1x1x16xf32>
      tpu.vector_store %arg8[%swap3A_964, %swap3A_965, %swap3A_966], %swap3A_969 {add = true, strides = array<i32>} : memref<4x128x128xf32, #tpu.memory_space<vmem>>, vector<1x1x16xf32>,
      %swap3A_970 = arith.constant 1 : i32
      %swap3A_971 = arith.index_cast %swap3A_970 : i32 to index
      %swap3A_972 = arith.index_cast %scan3A_927 : i32 to index
      %swap3A_973 = arith.constant 96 : index
      %swap3A_974 = tpu.vector_load %arg8[%swap3A_971, %swap3A_972, %swap3A_973] {strides = array<i32>} : memref<4x128x128xf32, #tpu.memory_space<vmem>>, vector<1x1x16xf32>,
      %swap3A_975 = vector.shape_cast %swap3A_974 : vector<1x1x16xf32> to vector<16xf32>
      %swap3A_976 = vector.shape_cast %get3A_179 : vector<16xf32> to vector<1x1x16xf32>
      tpu.vector_store %arg8[%swap3A_971, %swap3A_972, %swap3A_973], %swap3A_976 {add = true, strides = array<i32>} : memref<4x128x128xf32, #tpu.memory_space<vmem>>, vector<1x1x16xf32>,
      %swap3A_977 = arith.constant 1 : i32
      %swap3A_978 = arith.index_cast %swap3A_977 : i32 to index
      %swap3A_979 = arith.index_cast %scan3A_927 : i32 to index
      %swap3A_980 = arith.constant 112 : index
      %swap3A_981 = tpu.vector_load %arg8[%swap3A_978, %swap3A_979, %swap3A_980] {strides = array<i32>} : memref<4x128x128xf32, #tpu.memory_space<vmem>>, vector<1x1x16xf32>,
      %swap3A_982 = vector.shape_cast %swap3A_981 : vector<1x1x16xf32> to vector<16xf32>
      %swap3A_983 = vector.shape_cast %get3A_183 : vector<16xf32> to vector<1x1x16xf32>
      tpu.vector_store %arg8[%swap3A_978, %swap3A_979, %swap3A_980], %swap3A_983 {add = true, strides = array<i32>} : memref<4x128x128xf32, #tpu.memory_space<vmem>>, vector<1x1x16xf32>,
      %scan3A_984 = arith.constant 3 : i32
      %scan3A_985 = arith.addi %scan3A_812, %scan3A_984 : i32
      %swap3A_986 = arith.constant 1 : i32
      %swap3A_987 = arith.index_cast %swap3A_986 : i32 to index
      %swap3A_988 = arith.index_cast %scan3A_985 : i32 to index
      %swap3A_989 = arith.constant 0 : index
      %swap3A_990 = tpu.vector_load %arg8[%swap3A_987, %swap3A_988, %swap3A_989] {strides = array<i32>} : memref<4x128x128xf32, #tpu.memory_space<vmem>>, vector<1x1x16xf32>,
      %swap3A_991 = vector.shape_cast %swap3A_990 : vector<1x1x16xf32> to vector<16xf32>
      %swap3A_992 = vector.shape_cast %get3A_155 : vector<16xf32> to vector<1x1x16xf32>
      tpu.vector_store %arg8[%swap3A_987, %swap3A_988, %swap3A_989], %swap3A_992 {add = true, strides = array<i32>} : memref<4x128x128xf32, #tpu.memory_space<vmem>>, vector<1x1x16xf32>,
      %swap3A_993 = arith.constant 1 : i32
      %swap3A_994 = arith.index_cast %swap3A_993 : i32 to index
      %swap3A_995 = arith.index_cast %scan3A_985 : i32 to index
      %swap3A_996 = arith.constant 16 : index
      %swap3A_997 = tpu.vector_load %arg8[%swap3A_994, %swap3A_995, %swap3A_996] {strides = array<i32>} : memref<4x128x128xf32, #tpu.memory_space<vmem>>, vector<1x1x16xf32>,
      %swap3A_998 = vector.shape_cast %swap3A_997 : vector<1x1x16xf32> to vector<16xf32>
      %swap3A_999 = vector.shape_cast %get3A_159 : vector<16xf32> to vector<1x1x16xf32>
      tpu.vector_store %arg8[%swap3A_994, %swap3A_995, %swap3A_996], %swap3A_999 {add = true, strides = array<i32>} : memref<4x128x128xf32, #tpu.memory_space<vmem>>, vector<1x1x16xf32>,
      %swap3A_1000 = arith.constant 1 : i32
      %swap3A_1001 = arith.index_cast %swap3A_1000 : i32 to index
      %swap3A_1002 = arith.index_cast %scan3A_985 : i32 to index
      %swap3A_1003 = arith.constant 32 : index
      %swap3A_1004 = tpu.vector_load %arg8[%swap3A_1001, %swap3A_1002, %swap3A_1003] {strides = array<i32>} : memref<4x128x128xf32, #tpu.memory_space<vmem>>, vector<1x1x16xf32>,
      %swap3A_1005 = vector.shape_cast %swap3A_1004 : vector<1x1x16xf32> to vector<16xf32>
      %swap3A_1006 = vector.shape_cast %get3A_163 : vector<16xf32> to vector<1x1x16xf32>
      tpu.vector_store %arg8[%swap3A_1001, %swap3A_1002, %swap3A_1003], %swap3A_1006 {add = true, strides = array<i32>} : memref<4x128x128xf32, #tpu.memory_space<vmem>>, vector<1x1x16xf32>,
      %swap3A_1007 = arith.constant 1 : i32
      %swap3A_1008 = arith.index_cast %swap3A_1007 : i32 to index
      %swap3A_1009 = arith.index_cast %scan3A_985 : i32 to index
      %swap3A_1010 = arith.constant 48 : index
      %swap3A_1011 = tpu.vector_load %arg8[%swap3A_1008, %swap3A_1009, %swap3A_1010] {strides = array<i32>} : memref<4x128x128xf32, #tpu.memory_space<vmem>>, vector<1x1x16xf32>,
      %swap3A_1012 = vector.shape_cast %swap3A_1011 : vector<1x1x16xf32> to vector<16xf32>
      %swap3A_1013 = vector.shape_cast %get3A_167 : vector<16xf32> to vector<1x1x16xf32>
      tpu.vector_store %arg8[%swap3A_1008, %swap3A_1009, %swap3A_1010], %swap3A_1013 {add = true, strides = array<i32>} : memref<4x128x128xf32, #tpu.memory_space<vmem>>, vector<1x1x16xf32>,
      %swap3A_1014 = arith.constant 1 : i32
      %swap3A_1015 = arith.index_cast %swap3A_1014 : i32 to index
      %swap3A_1016 = arith.index_cast %scan3A_985 : i32 to index
      %swap3A_1017 = arith.constant 64 : index
      %swap3A_1018 = tpu.vector_load %arg8[%swap3A_1015, %swap3A_1016, %swap3A_1017] {strides = array<i32>} : memref<4x128x128xf32, #tpu.memory_space<vmem>>, vector<1x1x16xf32>,
      %swap3A_1019 = vector.shape_cast %swap3A_1018 : vector<1x1x16xf32> to vector<16xf32>
      %swap3A_1020 = vector.shape_cast %get3A_171 : vector<16xf32> to vector<1x1x16xf32>
      tpu.vector_store %arg8[%swap3A_1015, %swap3A_1016, %swap3A_1017], %swap3A_1020 {add = true, strides = array<i32>} : memref<4x128x128xf32, #tpu.memory_space<vmem>>, vector<1x1x16xf32>,
      %swap3A_1021 = arith.constant 1 : i32
      %swap3A_1022 = arith.index_cast %swap3A_1021 : i32 to index
      %swap3A_1023 = arith.index_cast %scan3A_985 : i32 to index
      %swap3A_1024 = arith.constant 80 : index
      %swap3A_1025 = tpu.vector_load %arg8[%swap3A_1022, %swap3A_1023, %swap3A_1024] {strides = array<i32>} : memref<4x128x128xf32, #tpu.memory_space<vmem>>, vector<1x1x16xf32>,
      %swap3A_1026 = vector.shape_cast %swap3A_1025 : vector<1x1x16xf32> to vector<16xf32>
      %swap3A_1027 = vector.shape_cast %get3A_175 : vector<16xf32> to vector<1x1x16xf32>
      tpu.vector_store %arg8[%swap3A_1022, %swap3A_1023, %swap3A_1024], %swap3A_1027 {add = true, strides = array<i32>} : memref<4x128x128xf32, #tpu.memory_space<vmem>>, vector<1x1x16xf32>,
      %swap3A_1028 = arith.constant 1 : i32
      %swap3A_1029 = arith.index_cast %swap3A_1028 : i32 to index
      %swap3A_1030 = arith.index_cast %scan3A_985 : i32 to index
      %swap3A_1031 = arith.constant 96 : index
      %swap3A_1032 = tpu.vector_load %arg8[%swap3A_1029, %swap3A_1030, %swap3A_1031] {strides = array<i32>} : memref<4x128x128xf32, #tpu.memory_space<vmem>>, vector<1x1x16xf32>,
      %swap3A_1033 = vector.shape_cast %swap3A_1032 : vector<1x1x16xf32> to vector<16xf32>
      %swap3A_1034 = vector.shape_cast %get3A_179 : vector<16xf32> to vector<1x1x16xf32>
      tpu.vector_store %arg8[%swap3A_1029, %swap3A_1030, %swap3A_1031], %swap3A_1034 {add = true, strides = array<i32>} : memref<4x128x128xf32, #tpu.memory_space<vmem>>, vector<1x1x16xf32>,
      %swap3A_1035 = arith.constant 1 : i32
      %swap3A_1036 = arith.index_cast %swap3A_1035 : i32 to index
      %swap3A_1037 = arith.index_cast %scan3A_985 : i32 to index
      %swap3A_1038 = arith.constant 112 : index
      %swap3A_1039 = tpu.vector_load %arg8[%swap3A_1036, %swap3A_1037, %swap3A_1038] {strides = array<i32>} : memref<4x128x128xf32, #tpu.memory_space<vmem>>, vector<1x1x16xf32>,
      %swap3A_1040 = vector.shape_cast %swap3A_1039 : vector<1x1x16xf32> to vector<16xf32>
      %swap3A_1041 = vector.shape_cast %get3A_183 : vector<16xf32> to vector<1x1x16xf32>
      tpu.vector_store %arg8[%swap3A_1036, %swap3A_1037, %swap3A_1038], %swap3A_1041 {add = true, strides = array<i32>} : memref<4x128x128xf32, #tpu.memory_space<vmem>>, vector<1x1x16xf32>,
    }
    %scan3A_189 = arith.constant 128 : i32
    %add3A_190 = arith.constant 128 : i32
    %add3A_191 = arith.addi %mul3A_2, %add3A_190 : i32
    %div3A_192 = arith.constant 4096 : i32
    %div3A_193 = arith.divsi %add3A_191, %div3A_192 : i32
    %rem3A_194 = arith.constant 4096 : i32
    %rem3A_195 = arith.remsi %add3A_191, %rem3A_194 : i32
    %dma_start3A_196 = arith.constant 1 : i32
    %dma_start3A_197 = arith.constant 0 : i32
    %dma_start3A_198 = arith.constant 0 : i32
    %dma_start3A_199 = tpu.memref_slice %arg8[%dma_start3A_196, %dma_start3A_197, %dma_start3A_198] : memref<4x128x128xf32, #tpu.memory_space<vmem>> -> memref<1x128x128xf32, #tpu.memory_space<vmem>>
    %dma_start3A_200 = tpu.memref_squeeze %dma_start3A_199 : memref<1x128x128xf32, #tpu.memory_space<vmem>> -> memref<128x128xf32, #tpu.memory_space<vmem>>
    %dma_start3A_201 = arith.constant 0 : i32
    %dma_start3A_202 = tpu.memref_slice %arg5[%rem3A_195, %div3A_193, %dma_start3A_201] : memref<4096x200x128xf32, #tpu.memory_space<hbm>> -> memref<128x1x128xf32, #tpu.memory_space<hbm>>
    %dma_start3A_203 = tpu.memref_squeeze %dma_start3A_202 : memref<128x1x128xf32, #tpu.memory_space<hbm>> -> memref<128x128xf32, #tpu.memory_space<hbm>>
    %dma_start3A_204 = arith.constant 0 : i32
    %dma_start3A_205 = tpu.memref_slice %arg5[%rem3A_195, %div3A_193, %dma_start3A_204] : memref<4096x200x128xf32, #tpu.memory_space<hbm>> -> memref<128x1x128xf32, #tpu.memory_space<hbm>>
    %dma_start3A_206 = tpu.memref_squeeze %dma_start3A_205 : memref<128x1x128xf32, #tpu.memory_space<hbm>> -> memref<128x128xf32, #tpu.memory_space<hbm>>
    %dma_start3A_207 = arith.constant 0 : i32
    %dma_start3A_208 = arith.constant 0 : i32
    %dma_start3A_209 = tpu.memref_slice %arg8[%dma_start3A_196, %dma_start3A_207, %dma_start3A_208] : memref<4x128x128xf32, #tpu.memory_space<vmem>> -> memref<1x128x128xf32, #tpu.memory_space<vmem>>
    %dma_start3A_210 = tpu.memref_squeeze %dma_start3A_209 : memref<1x128x128xf32, #tpu.memory_space<vmem>> -> memref<128x128xf32, #tpu.memory_space<vmem>>
    tpu.enqueue_dma source(%dma_start3A_210 : memref<128x128xf32, #tpu.memory_space<vmem>>) target(%dma_start3A_206 : memref<128x128xf32, #tpu.memory_space<hbm>>) target_semaphore(%arg14 : memref<!tpu.dma_semaphore, #tpu.memory_space<semaphore_mem>>)
    %dma_wait3A_211 = arith.constant 1 : i32
    %dma_wait3A_212 = arith.constant 0 : i32
    %dma_wait3A_213 = arith.constant 0 : i32
    %dma_wait3A_214 = arith.constant 0 : i32
    %dma_wait3A_215 = tpu.memref_slice %arg8[%dma_wait3A_211, %dma_wait3A_213, %dma_wait3A_214] : memref<4x128x128xf32, #tpu.memory_space<vmem>> -> memref<1x128x128xf32, #tpu.memory_space<vmem>>
    %dma_wait3A_216 = tpu.memref_squeeze %dma_wait3A_215 : memref<1x128x128xf32, #tpu.memory_space<vmem>> -> memref<128x128xf32, #tpu.memory_space<vmem>>
    %dma_wait3A_217 = arith.constant 0 : i32
    %dma_wait3A_218 = arith.constant 0 : i32
    %dma_wait3A_219 = tpu.memref_slice %arg5[%dma_wait3A_217, %dma_wait3A_212, %dma_wait3A_218] : memref<4096x200x128xf32, #tpu.memory_space<hbm>> -> memref<128x1x128xf32, #tpu.memory_space<hbm>>
    %dma_wait3A_220 = tpu.memref_squeeze %dma_wait3A_219 : memref<128x1x128xf32, #tpu.memory_space<hbm>> -> memref<128x128xf32, #tpu.memory_space<hbm>>
    %dma_wait3A_221 = arith.constant 0 : i32
    %dma_wait3A_222 = arith.constant 0 : i32
    %dma_wait3A_223 = tpu.memref_slice %arg5[%dma_wait3A_221, %dma_wait3A_212, %dma_wait3A_222] : memref<4096x200x128xf32, #tpu.memory_space<hbm>> -> memref<128x1x128xf32, #tpu.memory_space<hbm>>
    %dma_wait3A_224 = tpu.memref_squeeze %dma_wait3A_223 : memref<128x1x128xf32, #tpu.memory_space<hbm>> -> memref<128x128xf32, #tpu.memory_space<hbm>>
    %dma_wait3A_225 = arith.constant 0 : i32
    %dma_wait3A_226 = arith.constant 0 : i32
    %dma_wait3A_227 = tpu.memref_slice %arg8[%dma_wait3A_211, %dma_wait3A_225, %dma_wait3A_226] : memref<4x128x128xf32, #tpu.memory_space<vmem>> -> memref<1x128x128xf32, #tpu.memory_space<vmem>>
    %dma_wait3A_228 = tpu.memref_squeeze %dma_wait3A_227 : memref<1x128x128xf32, #tpu.memory_space<vmem>> -> memref<128x128xf32, #tpu.memory_space<vmem>>
    tpu.wait_dma2 semaphore(%arg14 : memref<!tpu.dma_semaphore, #tpu.memory_space<semaphore_mem>>) src(%dma_wait3A_228 : memref<128x128xf32, #tpu.memory_space<vmem>>) dst(%dma_wait3A_224 : memref<128x128xf32, #tpu.memory_space<hbm>>)
    %dma_start3A_229 = arith.constant 1 : i32
    %dma_start3A_230 = arith.constant 0 : i32
    %dma_start3A_231 = arith.constant 0 : i32
    %dma_start3A_232 = tpu.memref_slice %arg8[%dma_start3A_229, %dma_start3A_230, %dma_start3A_231] : memref<4x128x128xf32, #tpu.memory_space<vmem>> -> memref<1x128x128xf32, #tpu.memory_space<vmem>>
    %dma_start3A_233 = tpu.memref_squeeze %dma_start3A_232 : memref<1x128x128xf32, #tpu.memory_space<vmem>> -> memref<128x128xf32, #tpu.memory_space<vmem>>
    %dma_start3A_234 = arith.constant 640 : i32
    %dma_start3A_235 = tpu.memref_slice %arg6[%dma_start3A_234] : memref<25600xi32, #tpu.memory_space<vmem>> -> memref<128xi32, #tpu.memory_space<vmem>>
    %dma_start3A_236 = arith.constant 0 : i32
    %dma_start3A_237 = arith.constant 0 : i32
    %dma_start3A_238 = tpu.memref_slice %arg3[%dma_start3A_236, %dma_start3A_237] : memref<100000x128xf32, #tpu.memory_space<hbm>> -> memref<100000x128xf32, #tpu.memory_space<hbm>>
    tpu.enqueue_indirect_dma source(%dma_start3A_238 : memref<100000x128xf32, #tpu.memory_space<hbm>>) target(%dma_start3A_233 : memref<128x128xf32, #tpu.memory_space<vmem>>) offsets(%dma_start3A_235 : memref<128xi32, #tpu.memory_space<vmem>>) semaphore(%arg10 : memref<!tpu.dma_semaphore, #tpu.memory_space<semaphore_mem>>)
    %dma_wait3A_239 = arith.constant 2 : i32
    %dma_wait3A_240 = arith.constant 0 : i32
    %dma_wait3A_241 = arith.constant 0 : i32
    %dma_wait3A_242 = tpu.memref_slice %arg8[%dma_wait3A_239, %dma_wait3A_240, %dma_wait3A_241] : memref<4x128x128xf32, #tpu.memory_space<vmem>> -> memref<1x128x128xf32, #tpu.memory_space<vmem>>
    %dma_wait3A_243 = tpu.memref_squeeze %dma_wait3A_242 : memref<1x128x128xf32, #tpu.memory_space<vmem>> -> memref<128x128xf32, #tpu.memory_space<vmem>>
    %dma_wait3A_244 = arith.constant 0 : i32
    %dma_wait3A_245 = tpu.memref_slice %arg6[%dma_wait3A_244] : memref<25600xi32, #tpu.memory_space<vmem>> -> memref<128xi32, #tpu.memory_space<vmem>>
    %dma_wait3A_246 = arith.constant 0 : i32
    %dma_wait3A_247 = arith.constant 0 : i32
    %dma_wait3A_248 = tpu.memref_slice %arg3[%dma_wait3A_246, %dma_wait3A_247] : memref<100000x128xf32, #tpu.memory_space<hbm>> -> memref<100000x128xf32, #tpu.memory_space<hbm>>
    tpu.wait_indirect_dma semaphore(%arg11 : memref<!tpu.dma_semaphore, #tpu.memory_space<semaphore_mem>>) src(%dma_wait3A_248 : memref<100000x128xf32, #tpu.memory_space<hbm>>) dst(%dma_wait3A_243 : memref<128x128xf32, #tpu.memory_space<vmem>>)
    %add3A_249 = arith.constant 256 : i32
    %add3A_250 = arith.addi %mul3A_2, %add3A_249 : i32
    %div3A_251 = arith.constant 4096 : i32
    %div3A_252 = arith.divsi %add3A_250, %div3A_251 : i32
    %get3A_253 = arith.index_cast %div3A_252 : i32 to index
    %get3A_254 = arith.constant 0 : index
    %get3A_255 = tpu.vector_load %arg7[%get3A_253, %get3A_254] {strides = array<i32>} : memref<200x128xf32, #tpu.memory_space<vmem>>, vector<1x16xf32>,
    %get3A_256 = vector.shape_cast %get3A_255 : vector<1x16xf32> to vector<16xf32>
    %get3A_257 = arith.index_cast %div3A_252 : i32 to index
    %get3A_258 = arith.constant 16 : index
    %get3A_259 = tpu.vector_load %arg7[%get3A_257, %get3A_258] {strides = array<i32>} : memref<200x128xf32, #tpu.memory_space<vmem>>, vector<1x16xf32>,
    %get3A_260 = vector.shape_cast %get3A_259 : vector<1x16xf32> to vector<16xf32>
    %get3A_261 = arith.index_cast %div3A_252 : i32 to index
    %get3A_262 = arith.constant 32 : index
    %get3A_263 = tpu.vector_load %arg7[%get3A_261, %get3A_262] {strides = array<i32>} : memref<200x128xf32, #tpu.memory_space<vmem>>, vector<1x16xf32>,
    %get3A_264 = vector.shape_cast %get3A_263 : vector<1x16xf32> to vector<16xf32>
    %get3A_265 = arith.index_cast %div3A_252 : i32 to index
    %get3A_266 = arith.constant 48 : index
    %get3A_267 = tpu.vector_load %arg7[%get3A_265, %get3A_266] {strides = array<i32>} : memref<200x128xf32, #tpu.memory_space<vmem>>, vector<1x16xf32>,
    %get3A_268 = vector.shape_cast %get3A_267 : vector<1x16xf32> to vector<16xf32>
    %get3A_269 = arith.index_cast %div3A_252 : i32 to index
    %get3A_270 = arith.constant 64 : index
    %get3A_271 = tpu.vector_load %arg7[%get3A_269, %get3A_270] {strides = array<i32>} : memref<200x128xf32, #tpu.memory_space<vmem>>, vector<1x16xf32>,
    %get3A_272 = vector.shape_cast %get3A_271 : vector<1x16xf32> to vector<16xf32>
    %get3A_273 = arith.index_cast %div3A_252 : i32 to index
    %get3A_274 = arith.constant 80 : index
    %get3A_275 = tpu.vector_load %arg7[%get3A_273, %get3A_274] {strides = array<i32>} : memref<200x128xf32, #tpu.memory_space<vmem>>, vector<1x16xf32>,
    %get3A_276 = vector.shape_cast %get3A_275 : vector<1x16xf32> to vector<16xf32>
    %get3A_277 = arith.index_cast %div3A_252 : i32 to index
    %get3A_278 = arith.constant 96 : index
    %get3A_279 = tpu.vector_load %arg7[%get3A_277, %get3A_278] {strides = array<i32>} : memref<200x128xf32, #tpu.memory_space<vmem>>, vector<1x16xf32>,
    %get3A_280 = vector.shape_cast %get3A_279 : vector<1x16xf32> to vector<16xf32>
    %get3A_281 = arith.index_cast %div3A_252 : i32 to index
    %get3A_282 = arith.constant 112 : index
    %get3A_283 = tpu.vector_load %arg7[%get3A_281, %get3A_282] {strides = array<i32>} : memref<200x128xf32, #tpu.memory_space<vmem>>, vector<1x16xf32>,
    %get3A_284 = vector.shape_cast %get3A_283 : vector<1x16xf32> to vector<16xf32>
    %scan3A_285 = arith.constant 0 : i32
    %scan3A_286 = arith.constant 0 : i32
    %scan3A_287 = arith.constant 128 : i32
    %scan3A_288 = arith.addi %scan3A_286, %scan3A_287 : i32
    %scan3A_289 = arith.constant 4 : i32
    scf.for %scan3A_812 = %scan3A_286 to %scan3A_288 step %scan3A_289  : i32 {
      %swap3A = arith.constant 2 : i32
      %swap3A_813 = arith.index_cast %swap3A : i32 to index
      %swap3A_814 = arith.index_cast %scan3A_812 : i32 to index
      %swap3A_815 = arith.constant 0 : index
      %swap3A_816 = tpu.vector_load %arg8[%swap3A_813, %swap3A_814, %swap3A_815] {strides = array<i32>} : memref<4x128x128xf32, #tpu.memory_space<vmem>>, vector<1x1x16xf32>,
      %swap3A_817 = vector.shape_cast %swap3A_816 : vector<1x1x16xf32> to vector<16xf32>
      %swap3A_818 = vector.shape_cast %get3A_256 : vector<16xf32> to vector<1x1x16xf32>
      tpu.vector_store %arg8[%swap3A_813, %swap3A_814, %swap3A_815], %swap3A_818 {add = true, strides = array<i32>} : memref<4x128x128xf32, #tpu.memory_space<vmem>>, vector<1x1x16xf32>,
      %swap3A_819 = arith.constant 2 : i32
      %swap3A_820 = arith.index_cast %swap3A_819 : i32 to index
      %swap3A_821 = arith.index_cast %scan3A_812 : i32 to index
      %swap3A_822 = arith.constant 16 : index
      %swap3A_823 = tpu.vector_load %arg8[%swap3A_820, %swap3A_821, %swap3A_822] {strides = array<i32>} : memref<4x128x128xf32, #tpu.memory_space<vmem>>, vector<1x1x16xf32>,
      %swap3A_824 = vector.shape_cast %swap3A_823 : vector<1x1x16xf32> to vector<16xf32>
      %swap3A_825 = vector.shape_cast %get3A_260 : vector<16xf32> to vector<1x1x16xf32>
      tpu.vector_store %arg8[%swap3A_820, %swap3A_821, %swap3A_822], %swap3A_825 {add = true, strides = array<i32>} : memref<4x128x128xf32, #tpu.memory_space<vmem>>, vector<1x1x16xf32>,
      %swap3A_826 = arith.constant 2 : i32
      %swap3A_827 = arith.index_cast %swap3A_826 : i32 to index
      %swap3A_828 = arith.index_cast %scan3A_812 : i32 to index
      %swap3A_829 = arith.constant 32 : index
      %swap3A_830 = tpu.vector_load %arg8[%swap3A_827, %swap3A_828, %swap3A_829] {strides = array<i32>} : memref<4x128x128xf32, #tpu.memory_space<vmem>>, vector<1x1x16xf32>,
      %swap3A_831 = vector.shape_cast %swap3A_830 : vector<1x1x16xf32> to vector<16xf32>
      %swap3A_832 = vector.shape_cast %get3A_264 : vector<16xf32> to vector<1x1x16xf32>
      tpu.vector_store %arg8[%swap3A_827, %swap3A_828, %swap3A_829], %swap3A_832 {add = true, strides = array<i32>} : memref<4x128x128xf32, #tpu.memory_space<vmem>>, vector<1x1x16xf32>,
      %swap3A_833 = arith.constant 2 : i32
      %swap3A_834 = arith.index_cast %swap3A_833 : i32 to index
      %swap3A_835 = arith.index_cast %scan3A_812 : i32 to index
      %swap3A_836 = arith.constant 48 : index
      %swap3A_837 = tpu.vector_load %arg8[%swap3A_834, %swap3A_835, %swap3A_836] {strides = array<i32>} : memref<4x128x128xf32, #tpu.memory_space<vmem>>, vector<1x1x16xf32>,
      %swap3A_838 = vector.shape_cast %swap3A_837 : vector<1x1x16xf32> to vector<16xf32>
      %swap3A_839 = vector.shape_cast %get3A_268 : vector<16xf32> to vector<1x1x16xf32>
      tpu.vector_store %arg8[%swap3A_834, %swap3A_835, %swap3A_836], %swap3A_839 {add = true, strides = array<i32>} : memref<4x128x128xf32, #tpu.memory_space<vmem>>, vector<1x1x16xf32>,
      %swap3A_840 = arith.constant 2 : i32
      %swap3A_841 = arith.index_cast %swap3A_840 : i32 to index
      %swap3A_842 = arith.index_cast %scan3A_812 : i32 to index
      %swap3A_843 = arith.constant 64 : index
      %swap3A_844 = tpu.vector_load %arg8[%swap3A_841, %swap3A_842, %swap3A_843] {strides = array<i32>} : memref<4x128x128xf32, #tpu.memory_space<vmem>>, vector<1x1x16xf32>,
      %swap3A_845 = vector.shape_cast %swap3A_844 : vector<1x1x16xf32> to vector<16xf32>
      %swap3A_846 = vector.shape_cast %get3A_272 : vector<16xf32> to vector<1x1x16xf32>
      tpu.vector_store %arg8[%swap3A_841, %swap3A_842, %swap3A_843], %swap3A_846 {add = true, strides = array<i32>} : memref<4x128x128xf32, #tpu.memory_space<vmem>>, vector<1x1x16xf32>,
      %swap3A_847 = arith.constant 2 : i32
      %swap3A_848 = arith.index_cast %swap3A_847 : i32 to index
      %swap3A_849 = arith.index_cast %scan3A_812 : i32 to index
      %swap3A_850 = arith.constant 80 : index
      %swap3A_851 = tpu.vector_load %arg8[%swap3A_848, %swap3A_849, %swap3A_850] {strides = array<i32>} : memref<4x128x128xf32, #tpu.memory_space<vmem>>, vector<1x1x16xf32>,
      %swap3A_852 = vector.shape_cast %swap3A_851 : vector<1x1x16xf32> to vector<16xf32>
      %swap3A_853 = vector.shape_cast %get3A_276 : vector<16xf32> to vector<1x1x16xf32>
      tpu.vector_store %arg8[%swap3A_848, %swap3A_849, %swap3A_850], %swap3A_853 {add = true, strides = array<i32>} : memref<4x128x128xf32, #tpu.memory_space<vmem>>, vector<1x1x16xf32>,
      %swap3A_854 = arith.constant 2 : i32
      %swap3A_855 = arith.index_cast %swap3A_854 : i32 to index
      %swap3A_856 = arith.index_cast %scan3A_812 : i32 to index
      %swap3A_857 = arith.constant 96 : index
      %swap3A_858 = tpu.vector_load %arg8[%swap3A_855, %swap3A_856, %swap3A_857] {strides = array<i32>} : memref<4x128x128xf32, #tpu.memory_space<vmem>>, vector<1x1x16xf32>,
      %swap3A_859 = vector.shape_cast %swap3A_858 : vector<1x1x16xf32> to vector<16xf32>
      %swap3A_860 = vector.shape_cast %get3A_280 : vector<16xf32> to vector<1x1x16xf32>
      tpu.vector_store %arg8[%swap3A_855, %swap3A_856, %swap3A_857], %swap3A_860 {add = true, strides = array<i32>} : memref<4x128x128xf32, #tpu.memory_space<vmem>>, vector<1x1x16xf32>,
      %swap3A_861 = arith.constant 2 : i32
      %swap3A_862 = arith.index_cast %swap3A_861 : i32 to index
      %swap3A_863 = arith.index_cast %scan3A_812 : i32 to index
      %swap3A_864 = arith.constant 112 : index
      %swap3A_865 = tpu.vector_load %arg8[%swap3A_862, %swap3A_863, %swap3A_864] {strides = array<i32>} : memref<4x128x128xf32, #tpu.memory_space<vmem>>, vector<1x1x16xf32>,
      %swap3A_866 = vector.shape_cast %swap3A_865 : vector<1x1x16xf32> to vector<16xf32>
      %swap3A_867 = vector.shape_cast %get3A_284 : vector<16xf32> to vector<1x1x16xf32>
      tpu.vector_store %arg8[%swap3A_862, %swap3A_863, %swap3A_864], %swap3A_867 {add = true, strides = array<i32>} : memref<4x128x128xf32, #tpu.memory_space<vmem>>, vector<1x1x16xf32>,
      %scan3A_868 = arith.constant 1 : i32
      %scan3A_869 = arith.addi %scan3A_812, %scan3A_868 : i32
      %swap3A_870 = arith.constant 2 : i32
      %swap3A_871 = arith.index_cast %swap3A_870 : i32 to index
      %swap3A_872 = arith.index_cast %scan3A_869 : i32 to index
      %swap3A_873 = arith.constant 0 : index
      %swap3A_874 = tpu.vector_load %arg8[%swap3A_871, %swap3A_872, %swap3A_873] {strides = array<i32>} : memref<4x128x128xf32, #tpu.memory_space<vmem>>, vector<1x1x16xf32>,
      %swap3A_875 = vector.shape_cast %swap3A_874 : vector<1x1x16xf32> to vector<16xf32>
      %swap3A_876 = vector.shape_cast %get3A_256 : vector<16xf32> to vector<1x1x16xf32>
      tpu.vector_store %arg8[%swap3A_871, %swap3A_872, %swap3A_873], %swap3A_876 {add = true, strides = array<i32>} : memref<4x128x128xf32, #tpu.memory_space<vmem>>, vector<1x1x16xf32>,
      %swap3A_877 = arith.constant 2 : i32
      %swap3A_878 = arith.index_cast %swap3A_877 : i32 to index
      %swap3A_879 = arith.index_cast %scan3A_869 : i32 to index
      %swap3A_880 = arith.constant 16 : index
      %swap3A_881 = tpu.vector_load %arg8[%swap3A_878, %swap3A_879, %swap3A_880] {strides = array<i32>} : memref<4x128x128xf32, #tpu.memory_space<vmem>>, vector<1x1x16xf32>,
      %swap3A_882 = vector.shape_cast %swap3A_881 : vector<1x1x16xf32> to vector<16xf32>
      %swap3A_883 = vector.shape_cast %get3A_260 : vector<16xf32> to vector<1x1x16xf32>
      tpu.vector_store %arg8[%swap3A_878, %swap3A_879, %swap3A_880], %swap3A_883 {add = true, strides = array<i32>} : memref<4x128x128xf32, #tpu.memory_space<vmem>>, vector<1x1x16xf32>,
      %swap3A_884 = arith.constant 2 : i32
      %swap3A_885 = arith.index_cast %swap3A_884 : i32 to index
      %swap3A_886 = arith.index_cast %scan3A_869 : i32 to index
      %swap3A_887 = arith.constant 32 : index
      %swap3A_888 = tpu.vector_load %arg8[%swap3A_885, %swap3A_886, %swap3A_887] {strides = array<i32>} : memref<4x128x128xf32, #tpu.memory_space<vmem>>, vector<1x1x16xf32>,
      %swap3A_889 = vector.shape_cast %swap3A_888 : vector<1x1x16xf32> to vector<16xf32>
      %swap3A_890 = vector.shape_cast %get3A_264 : vector<16xf32> to vector<1x1x16xf32>
      tpu.vector_store %arg8[%swap3A_885, %swap3A_886, %swap3A_887], %swap3A_890 {add = true, strides = array<i32>} : memref<4x128x128xf32, #tpu.memory_space<vmem>>, vector<1x1x16xf32>,
      %swap3A_891 = arith.constant 2 : i32
      %swap3A_892 = arith.index_cast %swap3A_891 : i32 to index
      %swap3A_893 = arith.index_cast %scan3A_869 : i32 to index
      %swap3A_894 = arith.constant 48 : index
      %swap3A_895 = tpu.vector_load %arg8[%swap3A_892, %swap3A_893, %swap3A_894] {strides = array<i32>} : memref<4x128x128xf32, #tpu.memory_space<vmem>>, vector<1x1x16xf32>,
      %swap3A_896 = vector.shape_cast %swap3A_895 : vector<1x1x16xf32> to vector<16xf32>
      %swap3A_897 = vector.shape_cast %get3A_268 : vector<16xf32> to vector<1x1x16xf32>
      tpu.vector_store %arg8[%swap3A_892, %swap3A_893, %swap3A_894], %swap3A_897 {add = true, strides = array<i32>} : memref<4x128x128xf32, #tpu.memory_space<vmem>>, vector<1x1x16xf32>,
      %swap3A_898 = arith.constant 2 : i32
      %swap3A_899 = arith.index_cast %swap3A_898 : i32 to index
      %swap3A_900 = arith.index_cast %scan3A_869 : i32 to index
      %swap3A_901 = arith.constant 64 : index
      %swap3A_902 = tpu.vector_load %arg8[%swap3A_899, %swap3A_900, %swap3A_901] {strides = array<i32>} : memref<4x128x128xf32, #tpu.memory_space<vmem>>, vector<1x1x16xf32>,
      %swap3A_903 = vector.shape_cast %swap3A_902 : vector<1x1x16xf32> to vector<16xf32>
      %swap3A_904 = vector.shape_cast %get3A_272 : vector<16xf32> to vector<1x1x16xf32>
      tpu.vector_store %arg8[%swap3A_899, %swap3A_900, %swap3A_901], %swap3A_904 {add = true, strides = array<i32>} : memref<4x128x128xf32, #tpu.memory_space<vmem>>, vector<1x1x16xf32>,
      %swap3A_905 = arith.constant 2 : i32
      %swap3A_906 = arith.index_cast %swap3A_905 : i32 to index
      %swap3A_907 = arith.index_cast %scan3A_869 : i32 to index
      %swap3A_908 = arith.constant 80 : index
      %swap3A_909 = tpu.vector_load %arg8[%swap3A_906, %swap3A_907, %swap3A_908] {strides = array<i32>} : memref<4x128x128xf32, #tpu.memory_space<vmem>>, vector<1x1x16xf32>,
      %swap3A_910 = vector.shape_cast %swap3A_909 : vector<1x1x16xf32> to vector<16xf32>
      %swap3A_911 = vector.shape_cast %get3A_276 : vector<16xf32> to vector<1x1x16xf32>
      tpu.vector_store %arg8[%swap3A_906, %swap3A_907, %swap3A_908], %swap3A_911 {add = true, strides = array<i32>} : memref<4x128x128xf32, #tpu.memory_space<vmem>>, vector<1x1x16xf32>,
      %swap3A_912 = arith.constant 2 : i32
      %swap3A_913 = arith.index_cast %swap3A_912 : i32 to index
      %swap3A_914 = arith.index_cast %scan3A_869 : i32 to index
      %swap3A_915 = arith.constant 96 : index
      %swap3A_916 = tpu.vector_load %arg8[%swap3A_913, %swap3A_914, %swap3A_915] {strides = array<i32>} : memref<4x128x128xf32, #tpu.memory_space<vmem>>, vector<1x1x16xf32>,
      %swap3A_917 = vector.shape_cast %swap3A_916 : vector<1x1x16xf32> to vector<16xf32>
      %swap3A_918 = vector.shape_cast %get3A_280 : vector<16xf32> to vector<1x1x16xf32>
      tpu.vector_store %arg8[%swap3A_913, %swap3A_914, %swap3A_915], %swap3A_918 {add = true, strides = array<i32>} : memref<4x128x128xf32, #tpu.memory_space<vmem>>, vector<1x1x16xf32>,
      %swap3A_919 = arith.constant 2 : i32
      %swap3A_920 = arith.index_cast %swap3A_919 : i32 to index
      %swap3A_921 = arith.index_cast %scan3A_869 : i32 to index
      %swap3A_922 = arith.constant 112 : index
      %swap3A_923 = tpu.vector_load %arg8[%swap3A_920, %swap3A_921, %swap3A_922] {strides = array<i32>} : memref<4x128x128xf32, #tpu.memory_space<vmem>>, vector<1x1x16xf32>,
      %swap3A_924 = vector.shape_cast %swap3A_923 : vector<1x1x16xf32> to vector<16xf32>
      %swap3A_925 = vector.shape_cast %get3A_284 : vector<16xf32> to vector<1x1x16xf32>
      tpu.vector_store %arg8[%swap3A_920, %swap3A_921, %swap3A_922], %swap3A_925 {add = true, strides = array<i32>} : memref<4x128x128xf32, #tpu.memory_space<vmem>>, vector<1x1x16xf32>,
      %scan3A_926 = arith.constant 2 : i32
      %scan3A_927 = arith.addi %scan3A_812, %scan3A_926 : i32
      %swap3A_928 = arith.constant 2 : i32
      %swap3A_929 = arith.index_cast %swap3A_928 : i32 to index
      %swap3A_930 = arith.index_cast %scan3A_927 : i32 to index
      %swap3A_931 = arith.constant 0 : index
      %swap3A_932 = tpu.vector_load %arg8[%swap3A_929, %swap3A_930, %swap3A_931] {strides = array<i32>} : memref<4x128x128xf32, #tpu.memory_space<vmem>>, vector<1x1x16xf32>,
      %swap3A_933 = vector.shape_cast %swap3A_932 : vector<1x1x16xf32> to vector<16xf32>
      %swap3A_934 = vector.shape_cast %get3A_256 : vector<16xf32> to vector<1x1x16xf32>
      tpu.vector_store %arg8[%swap3A_929, %swap3A_930, %swap3A_931], %swap3A_934 {add = true, strides = array<i32>} : memref<4x128x128xf32, #tpu.memory_space<vmem>>, vector<1x1x16xf32>,
      %swap3A_935 = arith.constant 2 : i32
      %swap3A_936 = arith.index_cast %swap3A_935 : i32 to index
      %swap3A_937 = arith.index_cast %scan3A_927 : i32 to index
      %swap3A_938 = arith.constant 16 : index
      %swap3A_939 = tpu.vector_load %arg8[%swap3A_936, %swap3A_937, %swap3A_938] {strides = array<i32>} : memref<4x128x128xf32, #tpu.memory_space<vmem>>, vector<1x1x16xf32>,
      %swap3A_940 = vector.shape_cast %swap3A_939 : vector<1x1x16xf32> to vector<16xf32>
      %swap3A_941 = vector.shape_cast %get3A_260 : vector<16xf32> to vector<1x1x16xf32>
      tpu.vector_store %arg8[%swap3A_936, %swap3A_937, %swap3A_938], %swap3A_941 {add = true, strides = array<i32>} : memref<4x128x128xf32, #tpu.memory_space<vmem>>, vector<1x1x16xf32>,
      %swap3A_942 = arith.constant 2 : i32
      %swap3A_943 = arith.index_cast %swap3A_942 : i32 to index
      %swap3A_944 = arith.index_cast %scan3A_927 : i32 to index
      %swap3A_945 = arith.constant 32 : index
      %swap3A_946 = tpu.vector_load %arg8[%swap3A_943, %swap3A_944, %swap3A_945] {strides = array<i32>} : memref<4x128x128xf32, #tpu.memory_space<vmem>>, vector<1x1x16xf32>,
      %swap3A_947 = vector.shape_cast %swap3A_946 : vector<1x1x16xf32> to vector<16xf32>
      %swap3A_948 = vector.shape_cast %get3A_264 : vector<16xf32> to vector<1x1x16xf32>
      tpu.vector_store %arg8[%swap3A_943, %swap3A_944, %swap3A_945], %swap3A_948 {add = true, strides = array<i32>} : memref<4x128x128xf32, #tpu.memory_space<vmem>>, vector<1x1x16xf32>,
      %swap3A_949 = arith.constant 2 : i32
      %swap3A_950 = arith.index_cast %swap3A_949 : i32 to index
      %swap3A_951 = arith.index_cast %scan3A_927 : i32 to index
      %swap3A_952 = arith.constant 48 : index
      %swap3A_953 = tpu.vector_load %arg8[%swap3A_950, %swap3A_951, %swap3A_952] {strides = array<i32>} : memref<4x128x128xf32, #tpu.memory_space<vmem>>, vector<1x1x16xf32>,
      %swap3A_954 = vector.shape_cast %swap3A_953 : vector<1x1x16xf32> to vector<16xf32>
      %swap3A_955 = vector.shape_cast %get3A_268 : vector<16xf32> to vector<1x1x16xf32>
      tpu.vector_store %arg8[%swap3A_950, %swap3A_951, %swap3A_952], %swap3A_955 {add = true, strides = array<i32>} : memref<4x128x128xf32, #tpu.memory_space<vmem>>, vector<1x1x16xf32>,
      %swap3A_956 = arith.constant 2 : i32
      %swap3A_957 = arith.index_cast %swap3A_956 : i32 to index
      %swap3A_958 = arith.index_cast %scan3A_927 : i32 to index
      %swap3A_959 = arith.constant 64 : index
      %swap3A_960 = tpu.vector_load %arg8[%swap3A_957, %swap3A_958, %swap3A_959] {strides = array<i32>} : memref<4x128x128xf32, #tpu.memory_space<vmem>>, vector<1x1x16xf32>,
      %swap3A_961 = vector.shape_cast %swap3A_960 : vector<1x1x16xf32> to vector<16xf32>
      %swap3A_962 = vector.shape_cast %get3A_272 : vector<16xf32> to vector<1x1x16xf32>
      tpu.vector_store %arg8[%swap3A_957, %swap3A_958, %swap3A_959], %swap3A_962 {add = true, strides = array<i32>} : memref<4x128x128xf32, #tpu.memory_space<vmem>>, vector<1x1x16xf32>,
      %swap3A_963 = arith.constant 2 : i32
      %swap3A_964 = arith.index_cast %swap3A_963 : i32 to index
      %swap3A_965 = arith.index_cast %scan3A_927 : i32 to index
      %swap3A_966 = arith.constant 80 : index
      %swap3A_967 = tpu.vector_load %arg8[%swap3A_964, %swap3A_965, %swap3A_966] {strides = array<i32>} : memref<4x128x128xf32, #tpu.memory_space<vmem>>, vector<1x1x16xf32>,
      %swap3A_968 = vector.shape_cast %swap3A_967 : vector<1x1x16xf32> to vector<16xf32>
      %swap3A_969 = vector.shape_cast %get3A_276 : vector<16xf32> to vector<1x1x16xf32>
      tpu.vector_store %arg8[%swap3A_964, %swap3A_965, %swap3A_966], %swap3A_969 {add = true, strides = array<i32>} : memref<4x128x128xf32, #tpu.memory_space<vmem>>, vector<1x1x16xf32>,
      %swap3A_970 = arith.constant 2 : i32
      %swap3A_971 = arith.index_cast %swap3A_970 : i32 to index
      %swap3A_972 = arith.index_cast %scan3A_927 : i32 to index
      %swap3A_973 = arith.constant 96 : index
      %swap3A_974 = tpu.vector_load %arg8[%swap3A_971, %swap3A_972, %swap3A_973] {strides = array<i32>} : memref<4x128x128xf32, #tpu.memory_space<vmem>>, vector<1x1x16xf32>,
      %swap3A_975 = vector.shape_cast %swap3A_974 : vector<1x1x16xf32> to vector<16xf32>
      %swap3A_976 = vector.shape_cast %get3A_280 : vector<16xf32> to vector<1x1x16xf32>
      tpu.vector_store %arg8[%swap3A_971, %swap3A_972, %swap3A_973], %swap3A_976 {add = true, strides = array<i32>} : memref<4x128x128xf32, #tpu.memory_space<vmem>>, vector<1x1x16xf32>,
      %swap3A_977 = arith.constant 2 : i32
      %swap3A_978 = arith.index_cast %swap3A_977 : i32 to index
      %swap3A_979 = arith.index_cast %scan3A_927 : i32 to index
      %swap3A_980 = arith.constant 112 : index
      %swap3A_981 = tpu.vector_load %arg8[%swap3A_978, %swap3A_979, %swap3A_980] {strides = array<i32>} : memref<4x128x128xf32, #tpu.memory_space<vmem>>, vector<1x1x16xf32>,
      %swap3A_982 = vector.shape_cast %swap3A_981 : vector<1x1x16xf32> to vector<16xf32>
      %swap3A_983 = vector.shape_cast %get3A_284 : vector<16xf32> to vector<1x1x16xf32>
      tpu.vector_store %arg8[%swap3A_978, %swap3A_979, %swap3A_980], %swap3A_983 {add = true, strides = array<i32>} : memref<4x128x128xf32, #tpu.memory_space<vmem>>, vector<1x1x16xf32>,
      %scan3A_984 = arith.constant 3 : i32
      %scan3A_985 = arith.addi %scan3A_812, %scan3A_984 : i32
      %swap3A_986 = arith.constant 2 : i32
      %swap3A_987 = arith.index_cast %swap3A_986 : i32 to index
      %swap3A_988 = arith.index_cast %scan3A_985 : i32 to index
      %swap3A_989 = arith.constant 0 : index
      %swap3A_990 = tpu.vector_load %arg8[%swap3A_987, %swap3A_988, %swap3A_989] {strides = array<i32>} : memref<4x128x128xf32, #tpu.memory_space<vmem>>, vector<1x1x16xf32>,
      %swap3A_991 = vector.shape_cast %swap3A_990 : vector<1x1x16xf32> to vector<16xf32>
      %swap3A_992 = vector.shape_cast %get3A_256 : vector<16xf32> to vector<1x1x16xf32>
      tpu.vector_store %arg8[%swap3A_987, %swap3A_988, %swap3A_989], %swap3A_992 {add = true, strides = array<i32>} : memref<4x128x128xf32, #tpu.memory_space<vmem>>, vector<1x1x16xf32>,
      %swap3A_993 = arith.constant 2 : i32
      %swap3A_994 = arith.index_cast %swap3A_993 : i32 to index
      %swap3A_995 = arith.index_cast %scan3A_985 : i32 to index
      %swap3A_996 = arith.constant 16 : index
      %swap3A_997 = tpu.vector_load %arg8[%swap3A_994, %swap3A_995, %swap3A_996] {strides = array<i32>} : memref<4x128x128xf32, #tpu.memory_space<vmem>>, vector<1x1x16xf32>,
      %swap3A_998 = vector.shape_cast %swap3A_997 : vector<1x1x16xf32> to vector<16xf32>
      %swap3A_999 = vector.shape_cast %get3A_260 : vector<16xf32> to vector<1x1x16xf32>
      tpu.vector_store %arg8[%swap3A_994, %swap3A_995, %swap3A_996], %swap3A_999 {add = true, strides = array<i32>} : memref<4x128x128xf32, #tpu.memory_space<vmem>>, vector<1x1x16xf32>,
      %swap3A_1000 = arith.constant 2 : i32
      %swap3A_1001 = arith.index_cast %swap3A_1000 : i32 to index
      %swap3A_1002 = arith.index_cast %scan3A_985 : i32 to index
      %swap3A_1003 = arith.constant 32 : index
      %swap3A_1004 = tpu.vector_load %arg8[%swap3A_1001, %swap3A_1002, %swap3A_1003] {strides = array<i32>} : memref<4x128x128xf32, #tpu.memory_space<vmem>>, vector<1x1x16xf32>,
      %swap3A_1005 = vector.shape_cast %swap3A_1004 : vector<1x1x16xf32> to vector<16xf32>
      %swap3A_1006 = vector.shape_cast %get3A_264 : vector<16xf32> to vector<1x1x16xf32>
      tpu.vector_store %arg8[%swap3A_1001, %swap3A_1002, %swap3A_1003], %swap3A_1006 {add = true, strides = array<i32>} : memref<4x128x128xf32, #tpu.memory_space<vmem>>, vector<1x1x16xf32>,
      %swap3A_1007 = arith.constant 2 : i32
      %swap3A_1008 = arith.index_cast %swap3A_1007 : i32 to index
      %swap3A_1009 = arith.index_cast %scan3A_985 : i32 to index
      %swap3A_1010 = arith.constant 48 : index
      %swap3A_1011 = tpu.vector_load %arg8[%swap3A_1008, %swap3A_1009, %swap3A_1010] {strides = array<i32>} : memref<4x128x128xf32, #tpu.memory_space<vmem>>, vector<1x1x16xf32>,
      %swap3A_1012 = vector.shape_cast %swap3A_1011 : vector<1x1x16xf32> to vector<16xf32>
      %swap3A_1013 = vector.shape_cast %get3A_268 : vector<16xf32> to vector<1x1x16xf32>
      tpu.vector_store %arg8[%swap3A_1008, %swap3A_1009, %swap3A_1010], %swap3A_1013 {add = true, strides = array<i32>} : memref<4x128x128xf32, #tpu.memory_space<vmem>>, vector<1x1x16xf32>,
      %swap3A_1014 = arith.constant 2 : i32
      %swap3A_1015 = arith.index_cast %swap3A_1014 : i32 to index
      %swap3A_1016 = arith.index_cast %scan3A_985 : i32 to index
      %swap3A_1017 = arith.constant 64 : index
      %swap3A_1018 = tpu.vector_load %arg8[%swap3A_1015, %swap3A_1016, %swap3A_1017] {strides = array<i32>} : memref<4x128x128xf32, #tpu.memory_space<vmem>>, vector<1x1x16xf32>,
      %swap3A_1019 = vector.shape_cast %swap3A_1018 : vector<1x1x16xf32> to vector<16xf32>
      %swap3A_1020 = vector.shape_cast %get3A_272 : vector<16xf32> to vector<1x1x16xf32>
      tpu.vector_store %arg8[%swap3A_1015, %swap3A_1016, %swap3A_1017], %swap3A_1020 {add = true, strides = array<i32>} : memref<4x128x128xf32, #tpu.memory_space<vmem>>, vector<1x1x16xf32>,
      %swap3A_1021 = arith.constant 2 : i32
      %swap3A_1022 = arith.index_cast %swap3A_1021 : i32 to index
      %swap3A_1023 = arith.index_cast %scan3A_985 : i32 to index
      %swap3A_1024 = arith.constant 80 : index
      %swap3A_1025 = tpu.vector_load %arg8[%swap3A_1022, %swap3A_1023, %swap3A_1024] {strides = array<i32>} : memref<4x128x128xf32, #tpu.memory_space<vmem>>, vector<1x1x16xf32>,
      %swap3A_1026 = vector.shape_cast %swap3A_1025 : vector<1x1x16xf32> to vector<16xf32>
      %swap3A_1027 = vector.shape_cast %get3A_276 : vector<16xf32> to vector<1x1x16xf32>
      tpu.vector_store %arg8[%swap3A_1022, %swap3A_1023, %swap3A_1024], %swap3A_1027 {add = true, strides = array<i32>} : memref<4x128x128xf32, #tpu.memory_space<vmem>>, vector<1x1x16xf32>,
      %swap3A_1028 = arith.constant 2 : i32
      %swap3A_1029 = arith.index_cast %swap3A_1028 : i32 to index
      %swap3A_1030 = arith.index_cast %scan3A_985 : i32 to index
      %swap3A_1031 = arith.constant 96 : index
      %swap3A_1032 = tpu.vector_load %arg8[%swap3A_1029, %swap3A_1030, %swap3A_1031] {strides = array<i32>} : memref<4x128x128xf32, #tpu.memory_space<vmem>>, vector<1x1x16xf32>,
      %swap3A_1033 = vector.shape_cast %swap3A_1032 : vector<1x1x16xf32> to vector<16xf32>
      %swap3A_1034 = vector.shape_cast %get3A_280 : vector<16xf32> to vector<1x1x16xf32>
      tpu.vector_store %arg8[%swap3A_1029, %swap3A_1030, %swap3A_1031], %swap3A_1034 {add = true, strides = array<i32>} : memref<4x128x128xf32, #tpu.memory_space<vmem>>, vector<1x1x16xf32>,
      %swap3A_1035 = arith.constant 2 : i32
      %swap3A_1036 = arith.index_cast %swap3A_1035 : i32 to index
      %swap3A_1037 = arith.index_cast %scan3A_985 : i32 to index
      %swap3A_1038 = arith.constant 112 : index
      %swap3A_1039 = tpu.vector_load %arg8[%swap3A_1036, %swap3A_1037, %swap3A_1038] {strides = array<i32>} : memref<4x128x128xf32, #tpu.memory_space<vmem>>, vector<1x1x16xf32>,
      %swap3A_1040 = vector.shape_cast %swap3A_1039 : vector<1x1x16xf32> to vector<16xf32>
      %swap3A_1041 = vector.shape_cast %get3A_284 : vector<16xf32> to vector<1x1x16xf32>
      tpu.vector_store %arg8[%swap3A_1036, %swap3A_1037, %swap3A_1038], %swap3A_1041 {add = true, strides = array<i32>} : memref<4x128x128xf32, #tpu.memory_space<vmem>>, vector<1x1x16xf32>,
    }
    %scan3A_290 = arith.constant 128 : i32
    %add3A_291 = arith.constant 256 : i32
    %add3A_292 = arith.addi %mul3A_2, %add3A_291 : i32
    %div3A_293 = arith.constant 4096 : i32
    %div3A_294 = arith.divsi %add3A_292, %div3A_293 : i32
    %rem3A_295 = arith.constant 4096 : i32
    %rem3A_296 = arith.remsi %add3A_292, %rem3A_295 : i32
    %dma_start3A_297 = arith.constant 2 : i32
    %dma_start3A_298 = arith.constant 0 : i32
    %dma_start3A_299 = arith.constant 0 : i32
    %dma_start3A_300 = tpu.memref_slice %arg8[%dma_start3A_297, %dma_start3A_298, %dma_start3A_299] : memref<4x128x128xf32, #tpu.memory_space<vmem>> -> memref<1x128x128xf32, #tpu.memory_space<vmem>>
    %dma_start3A_301 = tpu.memref_squeeze %dma_start3A_300 : memref<1x128x128xf32, #tpu.memory_space<vmem>> -> memref<128x128xf32, #tpu.memory_space<vmem>>
    %dma_start3A_302 = arith.constant 0 : i32
    %dma_start3A_303 = tpu.memref_slice %arg5[%rem3A_296, %div3A_294, %dma_start3A_302] : memref<4096x200x128xf32, #tpu.memory_space<hbm>> -> memref<128x1x128xf32, #tpu.memory_space<hbm>>
    %dma_start3A_304 = tpu.memref_squeeze %dma_start3A_303 : memref<128x1x128xf32, #tpu.memory_space<hbm>> -> memref<128x128xf32, #tpu.memory_space<hbm>>
    %dma_start3A_305 = arith.constant 0 : i32
    %dma_start3A_306 = tpu.memref_slice %arg5[%rem3A_296, %div3A_294, %dma_start3A_305] : memref<4096x200x128xf32, #tpu.memory_space<hbm>> -> memref<128x1x128xf32, #tpu.memory_space<hbm>>
    %dma_start3A_307 = tpu.memref_squeeze %dma_start3A_306 : memref<128x1x128xf32, #tpu.memory_space<hbm>> -> memref<128x128xf32, #tpu.memory_space<hbm>>
    %dma_start3A_308 = arith.constant 0 : i32
    %dma_start3A_309 = arith.constant 0 : i32
    %dma_start3A_310 = tpu.memref_slice %arg8[%dma_start3A_297, %dma_start3A_308, %dma_start3A_309] : memref<4x128x128xf32, #tpu.memory_space<vmem>> -> memref<1x128x128xf32, #tpu.memory_space<vmem>>
    %dma_start3A_311 = tpu.memref_squeeze %dma_start3A_310 : memref<1x128x128xf32, #tpu.memory_space<vmem>> -> memref<128x128xf32, #tpu.memory_space<vmem>>
    tpu.enqueue_dma source(%dma_start3A_311 : memref<128x128xf32, #tpu.memory_space<vmem>>) target(%dma_start3A_307 : memref<128x128xf32, #tpu.memory_space<hbm>>) target_semaphore(%arg15 : memref<!tpu.dma_semaphore, #tpu.memory_space<semaphore_mem>>)
    %dma_wait3A_312 = arith.constant 2 : i32
    %dma_wait3A_313 = arith.constant 0 : i32
    %dma_wait3A_314 = arith.constant 0 : i32
    %dma_wait3A_315 = arith.constant 0 : i32
    %dma_wait3A_316 = tpu.memref_slice %arg8[%dma_wait3A_312, %dma_wait3A_314, %dma_wait3A_315] : memref<4x128x128xf32, #tpu.memory_space<vmem>> -> memref<1x128x128xf32, #tpu.memory_space<vmem>>
    %dma_wait3A_317 = tpu.memref_squeeze %dma_wait3A_316 : memref<1x128x128xf32, #tpu.memory_space<vmem>> -> memref<128x128xf32, #tpu.memory_space<vmem>>
    %dma_wait3A_318 = arith.constant 0 : i32
    %dma_wait3A_319 = arith.constant 0 : i32
    %dma_wait3A_320 = tpu.memref_slice %arg5[%dma_wait3A_318, %dma_wait3A_313, %dma_wait3A_319] : memref<4096x200x128xf32, #tpu.memory_space<hbm>> -> memref<128x1x128xf32, #tpu.memory_space<hbm>>
    %dma_wait3A_321 = tpu.memref_squeeze %dma_wait3A_320 : memref<128x1x128xf32, #tpu.memory_space<hbm>> -> memref<128x128xf32, #tpu.memory_space<hbm>>
    %dma_wait3A_322 = arith.constant 0 : i32
    %dma_wait3A_323 = arith.constant 0 : i32
    %dma_wait3A_324 = tpu.memref_slice %arg5[%dma_wait3A_322, %dma_wait3A_313, %dma_wait3A_323] : memref<4096x200x128xf32, #tpu.memory_space<hbm>> -> memref<128x1x128xf32, #tpu.memory_space<hbm>>
    %dma_wait3A_325 = tpu.memref_squeeze %dma_wait3A_324 : memref<128x1x128xf32, #tpu.memory_space<hbm>> -> memref<128x128xf32, #tpu.memory_space<hbm>>
    %dma_wait3A_326 = arith.constant 0 : i32
    %dma_wait3A_327 = arith.constant 0 : i32
    %dma_wait3A_328 = tpu.memref_slice %arg8[%dma_wait3A_312, %dma_wait3A_326, %dma_wait3A_327] : memref<4x128x128xf32, #tpu.memory_space<vmem>> -> memref<1x128x128xf32, #tpu.memory_space<vmem>>
    %dma_wait3A_329 = tpu.memref_squeeze %dma_wait3A_328 : memref<1x128x128xf32, #tpu.memory_space<vmem>> -> memref<128x128xf32, #tpu.memory_space<vmem>>
    tpu.wait_dma2 semaphore(%arg15 : memref<!tpu.dma_semaphore, #tpu.memory_space<semaphore_mem>>) src(%dma_wait3A_329 : memref<128x128xf32, #tpu.memory_space<vmem>>) dst(%dma_wait3A_325 : memref<128x128xf32, #tpu.memory_space<hbm>>)
    %dma_start3A_330 = arith.constant 2 : i32
    %dma_start3A_331 = arith.constant 0 : i32
    %dma_start3A_332 = arith.constant 0 : i32
    %dma_start3A_333 = tpu.memref_slice %arg8[%dma_start3A_330, %dma_start3A_331, %dma_start3A_332] : memref<4x128x128xf32, #tpu.memory_space<vmem>> -> memref<1x128x128xf32, #tpu.memory_space<vmem>>
    %dma_start3A_334 = tpu.memref_squeeze %dma_start3A_333 : memref<1x128x128xf32, #tpu.memory_space<vmem>> -> memref<128x128xf32, #tpu.memory_space<vmem>>
    %dma_start3A_335 = arith.constant 768 : i32
    %dma_start3A_336 = tpu.memref_slice %arg6[%dma_start3A_335] : memref<25600xi32, #tpu.memory_space<vmem>> -> memref<128xi32, #tpu.memory_space<vmem>>
    %dma_start3A_337 = arith.constant 0 : i32
    %dma_start3A_338 = arith.constant 0 : i32
    %dma_start3A_339 = tpu.memref_slice %arg3[%dma_start3A_337, %dma_start3A_338] : memref<100000x128xf32, #tpu.memory_space<hbm>> -> memref<100000x128xf32, #tpu.memory_space<hbm>>
    tpu.enqueue_indirect_dma source(%dma_start3A_339 : memref<100000x128xf32, #tpu.memory_space<hbm>>) target(%dma_start3A_334 : memref<128x128xf32, #tpu.memory_space<vmem>>) offsets(%dma_start3A_336 : memref<128xi32, #tpu.memory_space<vmem>>) semaphore(%arg11 : memref<!tpu.dma_semaphore, #tpu.memory_space<semaphore_mem>>)
    %dma_wait3A_340 = arith.constant 3 : i32
    %dma_wait3A_341 = arith.constant 0 : i32
    %dma_wait3A_342 = arith.constant 0 : i32
    %dma_wait3A_343 = tpu.memref_slice %arg8[%dma_wait3A_340, %dma_wait3A_341, %dma_wait3A_342] : memref<4x128x128xf32, #tpu.memory_space<vmem>> -> memref<1x128x128xf32, #tpu.memory_space<vmem>>
    %dma_wait3A_344 = tpu.memref_squeeze %dma_wait3A_343 : memref<1x128x128xf32, #tpu.memory_space<vmem>> -> memref<128x128xf32, #tpu.memory_space<vmem>>
    %dma_wait3A_345 = arith.constant 0 : i32
    %dma_wait3A_346 = tpu.memref_slice %arg6[%dma_wait3A_345] : memref<25600xi32, #tpu.memory_space<vmem>> -> memref<128xi32, #tpu.memory_space<vmem>>
    %dma_wait3A_347 = arith.constant 0 : i32
    %dma_wait3A_348 = arith.constant 0 : i32
    %dma_wait3A_349 = tpu.memref_slice %arg3[%dma_wait3A_347, %dma_wait3A_348] : memref<100000x128xf32, #tpu.memory_space<hbm>> -> memref<100000x128xf32, #tpu.memory_space<hbm>>
    tpu.wait_indirect_dma semaphore(%arg12 : memref<!tpu.dma_semaphore, #tpu.memory_space<semaphore_mem>>) src(%dma_wait3A_349 : memref<100000x128xf32, #tpu.memory_space<hbm>>) dst(%dma_wait3A_344 : memref<128x128xf32, #tpu.memory_space<vmem>>)
    %add3A_350 = arith.constant 384 : i32
    %add3A_351 = arith.addi %mul3A_2, %add3A_350 : i32
    %div3A_352 = arith.constant 4096 : i32
    %div3A_353 = arith.divsi %add3A_351, %div3A_352 : i32
    %get3A_354 = arith.index_cast %div3A_353 : i32 to index
    %get3A_355 = arith.constant 0 : index
    %get3A_356 = tpu.vector_load %arg7[%get3A_354, %get3A_355] {strides = array<i32>} : memref<200x128xf32, #tpu.memory_space<vmem>>, vector<1x16xf32>,
    %get3A_357 = vector.shape_cast %get3A_356 : vector<1x16xf32> to vector<16xf32>
    %get3A_358 = arith.index_cast %div3A_353 : i32 to index
    %get3A_359 = arith.constant 16 : index
    %get3A_360 = tpu.vector_load %arg7[%get3A_358, %get3A_359] {strides = array<i32>} : memref<200x128xf32, #tpu.memory_space<vmem>>, vector<1x16xf32>,
    %get3A_361 = vector.shape_cast %get3A_360 : vector<1x16xf32> to vector<16xf32>
    %get3A_362 = arith.index_cast %div3A_353 : i32 to index
    %get3A_363 = arith.constant 32 : index
    %get3A_364 = tpu.vector_load %arg7[%get3A_362, %get3A_363] {strides = array<i32>} : memref<200x128xf32, #tpu.memory_space<vmem>>, vector<1x16xf32>,
    %get3A_365 = vector.shape_cast %get3A_364 : vector<1x16xf32> to vector<16xf32>
    %get3A_366 = arith.index_cast %div3A_353 : i32 to index
    %get3A_367 = arith.constant 48 : index
    %get3A_368 = tpu.vector_load %arg7[%get3A_366, %get3A_367] {strides = array<i32>} : memref<200x128xf32, #tpu.memory_space<vmem>>, vector<1x16xf32>,
    %get3A_369 = vector.shape_cast %get3A_368 : vector<1x16xf32> to vector<16xf32>
    %get3A_370 = arith.index_cast %div3A_353 : i32 to index
    %get3A_371 = arith.constant 64 : index
    %get3A_372 = tpu.vector_load %arg7[%get3A_370, %get3A_371] {strides = array<i32>} : memref<200x128xf32, #tpu.memory_space<vmem>>, vector<1x16xf32>,
    %get3A_373 = vector.shape_cast %get3A_372 : vector<1x16xf32> to vector<16xf32>
    %get3A_374 = arith.index_cast %div3A_353 : i32 to index
    %get3A_375 = arith.constant 80 : index
    %get3A_376 = tpu.vector_load %arg7[%get3A_374, %get3A_375] {strides = array<i32>} : memref<200x128xf32, #tpu.memory_space<vmem>>, vector<1x16xf32>,
    %get3A_377 = vector.shape_cast %get3A_376 : vector<1x16xf32> to vector<16xf32>
    %get3A_378 = arith.index_cast %div3A_353 : i32 to index
    %get3A_379 = arith.constant 96 : index
    %get3A_380 = tpu.vector_load %arg7[%get3A_378, %get3A_379] {strides = array<i32>} : memref<200x128xf32, #tpu.memory_space<vmem>>, vector<1x16xf32>,
    %get3A_381 = vector.shape_cast %get3A_380 : vector<1x16xf32> to vector<16xf32>
    %get3A_382 = arith.index_cast %div3A_353 : i32 to index
    %get3A_383 = arith.constant 112 : index
    %get3A_384 = tpu.vector_load %arg7[%get3A_382, %get3A_383] {strides = array<i32>} : memref<200x128xf32, #tpu.memory_space<vmem>>, vector<1x16xf32>,
    %get3A_385 = vector.shape_cast %get3A_384 : vector<1x16xf32> to vector<16xf32>
    %scan3A_386 = arith.constant 0 : i32
    %scan3A_387 = arith.constant 0 : i32
    %scan3A_388 = arith.constant 128 : i32
    %scan3A_389 = arith.addi %scan3A_387, %scan3A_388 : i32
    %scan3A_390 = arith.constant 4 : i32
    scf.for %scan3A_812 = %scan3A_387 to %scan3A_389 step %scan3A_390  : i32 {
      %swap3A = arith.constant 3 : i32
      %swap3A_813 = arith.index_cast %swap3A : i32 to index
      %swap3A_814 = arith.index_cast %scan3A_812 : i32 to index
      %swap3A_815 = arith.constant 0 : index
      %swap3A_816 = tpu.vector_load %arg8[%swap3A_813, %swap3A_814, %swap3A_815] {strides = array<i32>} : memref<4x128x128xf32, #tpu.memory_space<vmem>>, vector<1x1x16xf32>,
      %swap3A_817 = vector.shape_cast %swap3A_816 : vector<1x1x16xf32> to vector<16xf32>
      %swap3A_818 = vector.shape_cast %get3A_357 : vector<16xf32> to vector<1x1x16xf32>
      tpu.vector_store %arg8[%swap3A_813, %swap3A_814, %swap3A_815], %swap3A_818 {add = true, strides = array<i32>} : memref<4x128x128xf32, #tpu.memory_space<vmem>>, vector<1x1x16xf32>,
      %swap3A_819 = arith.constant 3 : i32
      %swap3A_820 = arith.index_cast %swap3A_819 : i32 to index
      %swap3A_821 = arith.index_cast %scan3A_812 : i32 to index
      %swap3A_822 = arith.constant 16 : index
      %swap3A_823 = tpu.vector_load %arg8[%swap3A_820, %swap3A_821, %swap3A_822] {strides = array<i32>} : memref<4x128x128xf32, #tpu.memory_space<vmem>>, vector<1x1x16xf32>,
      %swap3A_824 = vector.shape_cast %swap3A_823 : vector<1x1x16xf32> to vector<16xf32>
      %swap3A_825 = vector.shape_cast %get3A_361 : vector<16xf32> to vector<1x1x16xf32>
      tpu.vector_store %arg8[%swap3A_820, %swap3A_821, %swap3A_822], %swap3A_825 {add = true, strides = array<i32>} : memref<4x128x128xf32, #tpu.memory_space<vmem>>, vector<1x1x16xf32>,
      %swap3A_826 = arith.constant 3 : i32
      %swap3A_827 = arith.index_cast %swap3A_826 : i32 to index
      %swap3A_828 = arith.index_cast %scan3A_812 : i32 to index
      %swap3A_829 = arith.constant 32 : index
      %swap3A_830 = tpu.vector_load %arg8[%swap3A_827, %swap3A_828, %swap3A_829] {strides = array<i32>} : memref<4x128x128xf32, #tpu.memory_space<vmem>>, vector<1x1x16xf32>,
      %swap3A_831 = vector.shape_cast %swap3A_830 : vector<1x1x16xf32> to vector<16xf32>
      %swap3A_832 = vector.shape_cast %get3A_365 : vector<16xf32> to vector<1x1x16xf32>
      tpu.vector_store %arg8[%swap3A_827, %swap3A_828, %swap3A_829], %swap3A_832 {add = true, strides = array<i32>} : memref<4x128x128xf32, #tpu.memory_space<vmem>>, vector<1x1x16xf32>,
      %swap3A_833 = arith.constant 3 : i32
      %swap3A_834 = arith.index_cast %swap3A_833 : i32 to index
      %swap3A_835 = arith.index_cast %scan3A_812 : i32 to index
      %swap3A_836 = arith.constant 48 : index
      %swap3A_837 = tpu.vector_load %arg8[%swap3A_834, %swap3A_835, %swap3A_836] {strides = array<i32>} : memref<4x128x128xf32, #tpu.memory_space<vmem>>, vector<1x1x16xf32>,
      %swap3A_838 = vector.shape_cast %swap3A_837 : vector<1x1x16xf32> to vector<16xf32>
      %swap3A_839 = vector.shape_cast %get3A_369 : vector<16xf32> to vector<1x1x16xf32>
      tpu.vector_store %arg8[%swap3A_834, %swap3A_835, %swap3A_836], %swap3A_839 {add = true, strides = array<i32>} : memref<4x128x128xf32, #tpu.memory_space<vmem>>, vector<1x1x16xf32>,
      %swap3A_840 = arith.constant 3 : i32
      %swap3A_841 = arith.index_cast %swap3A_840 : i32 to index
      %swap3A_842 = arith.index_cast %scan3A_812 : i32 to index
      %swap3A_843 = arith.constant 64 : index
      %swap3A_844 = tpu.vector_load %arg8[%swap3A_841, %swap3A_842, %swap3A_843] {strides = array<i32>} : memref<4x128x128xf32, #tpu.memory_space<vmem>>, vector<1x1x16xf32>,
      %swap3A_845 = vector.shape_cast %swap3A_844 : vector<1x1x16xf32> to vector<16xf32>
      %swap3A_846 = vector.shape_cast %get3A_373 : vector<16xf32> to vector<1x1x16xf32>
      tpu.vector_store %arg8[%swap3A_841, %swap3A_842, %swap3A_843], %swap3A_846 {add = true, strides = array<i32>} : memref<4x128x128xf32, #tpu.memory_space<vmem>>, vector<1x1x16xf32>,
      %swap3A_847 = arith.constant 3 : i32
      %swap3A_848 = arith.index_cast %swap3A_847 : i32 to index
      %swap3A_849 = arith.index_cast %scan3A_812 : i32 to index
      %swap3A_850 = arith.constant 80 : index
      %swap3A_851 = tpu.vector_load %arg8[%swap3A_848, %swap3A_849, %swap3A_850] {strides = array<i32>} : memref<4x128x128xf32, #tpu.memory_space<vmem>>, vector<1x1x16xf32>,
      %swap3A_852 = vector.shape_cast %swap3A_851 : vector<1x1x16xf32> to vector<16xf32>
      %swap3A_853 = vector.shape_cast %get3A_377 : vector<16xf32> to vector<1x1x16xf32>
      tpu.vector_store %arg8[%swap3A_848, %swap3A_849, %swap3A_850], %swap3A_853 {add = true, strides = array<i32>} : memref<4x128x128xf32, #tpu.memory_space<vmem>>, vector<1x1x16xf32>,
      %swap3A_854 = arith.constant 3 : i32
      %swap3A_855 = arith.index_cast %swap3A_854 : i32 to index
      %swap3A_856 = arith.index_cast %scan3A_812 : i32 to index
      %swap3A_857 = arith.constant 96 : index
      %swap3A_858 = tpu.vector_load %arg8[%swap3A_855, %swap3A_856, %swap3A_857] {strides = array<i32>} : memref<4x128x128xf32, #tpu.memory_space<vmem>>, vector<1x1x16xf32>,
      %swap3A_859 = vector.shape_cast %swap3A_858 : vector<1x1x16xf32> to vector<16xf32>
      %swap3A_860 = vector.shape_cast %get3A_381 : vector<16xf32> to vector<1x1x16xf32>
      tpu.vector_store %arg8[%swap3A_855, %swap3A_856, %swap3A_857], %swap3A_860 {add = true, strides = array<i32>} : memref<4x128x128xf32, #tpu.memory_space<vmem>>, vector<1x1x16xf32>,
      %swap3A_861 = arith.constant 3 : i32
      %swap3A_862 = arith.index_cast %swap3A_861 : i32 to index
      %swap3A_863 = arith.index_cast %scan3A_812 : i32 to index
      %swap3A_864 = arith.constant 112 : index
      %swap3A_865 = tpu.vector_load %arg8[%swap3A_862, %swap3A_863, %swap3A_864] {strides = array<i32>} : memref<4x128x128xf32, #tpu.memory_space<vmem>>, vector<1x1x16xf32>,
      %swap3A_866 = vector.shape_cast %swap3A_865 : vector<1x1x16xf32> to vector<16xf32>
      %swap3A_867 = vector.shape_cast %get3A_385 : vector<16xf32> to vector<1x1x16xf32>
      tpu.vector_store %arg8[%swap3A_862, %swap3A_863, %swap3A_864], %swap3A_867 {add = true, strides = array<i32>} : memref<4x128x128xf32, #tpu.memory_space<vmem>>, vector<1x1x16xf32>,
      %scan3A_868 = arith.constant 1 : i32
      %scan3A_869 = arith.addi %scan3A_812, %scan3A_868 : i32
      %swap3A_870 = arith.constant 3 : i32
      %swap3A_871 = arith.index_cast %swap3A_870 : i32 to index
      %swap3A_872 = arith.index_cast %scan3A_869 : i32 to index
      %swap3A_873 = arith.constant 0 : index
      %swap3A_874 = tpu.vector_load %arg8[%swap3A_871, %swap3A_872, %swap3A_873] {strides = array<i32>} : memref<4x128x128xf32, #tpu.memory_space<vmem>>, vector<1x1x16xf32>,
      %swap3A_875 = vector.shape_cast %swap3A_874 : vector<1x1x16xf32> to vector<16xf32>
      %swap3A_876 = vector.shape_cast %get3A_357 : vector<16xf32> to vector<1x1x16xf32>
      tpu.vector_store %arg8[%swap3A_871, %swap3A_872, %swap3A_873], %swap3A_876 {add = true, strides = array<i32>} : memref<4x128x128xf32, #tpu.memory_space<vmem>>, vector<1x1x16xf32>,
      %swap3A_877 = arith.constant 3 : i32
      %swap3A_878 = arith.index_cast %swap3A_877 : i32 to index
      %swap3A_879 = arith.index_cast %scan3A_869 : i32 to index
      %swap3A_880 = arith.constant 16 : index
      %swap3A_881 = tpu.vector_load %arg8[%swap3A_878, %swap3A_879, %swap3A_880] {strides = array<i32>} : memref<4x128x128xf32, #tpu.memory_space<vmem>>, vector<1x1x16xf32>,
      %swap3A_882 = vector.shape_cast %swap3A_881 : vector<1x1x16xf32> to vector<16xf32>
      %swap3A_883 = vector.shape_cast %get3A_361 : vector<16xf32> to vector<1x1x16xf32>
      tpu.vector_store %arg8[%swap3A_878, %swap3A_879, %swap3A_880], %swap3A_883 {add = true, strides = array<i32>} : memref<4x128x128xf32, #tpu.memory_space<vmem>>, vector<1x1x16xf32>,
      %swap3A_884 = arith.constant 3 : i32
      %swap3A_885 = arith.index_cast %swap3A_884 : i32 to index
      %swap3A_886 = arith.index_cast %scan3A_869 : i32 to index
      %swap3A_887 = arith.constant 32 : index
      %swap3A_888 = tpu.vector_load %arg8[%swap3A_885, %swap3A_886, %swap3A_887] {strides = array<i32>} : memref<4x128x128xf32, #tpu.memory_space<vmem>>, vector<1x1x16xf32>,
      %swap3A_889 = vector.shape_cast %swap3A_888 : vector<1x1x16xf32> to vector<16xf32>
      %swap3A_890 = vector.shape_cast %get3A_365 : vector<16xf32> to vector<1x1x16xf32>
      tpu.vector_store %arg8[%swap3A_885, %swap3A_886, %swap3A_887], %swap3A_890 {add = true, strides = array<i32>} : memref<4x128x128xf32, #tpu.memory_space<vmem>>, vector<1x1x16xf32>,
      %swap3A_891 = arith.constant 3 : i32
      %swap3A_892 = arith.index_cast %swap3A_891 : i32 to index
      %swap3A_893 = arith.index_cast %scan3A_869 : i32 to index
      %swap3A_894 = arith.constant 48 : index
      %swap3A_895 = tpu.vector_load %arg8[%swap3A_892, %swap3A_893, %swap3A_894] {strides = array<i32>} : memref<4x128x128xf32, #tpu.memory_space<vmem>>, vector<1x1x16xf32>,
      %swap3A_896 = vector.shape_cast %swap3A_895 : vector<1x1x16xf32> to vector<16xf32>
      %swap3A_897 = vector.shape_cast %get3A_369 : vector<16xf32> to vector<1x1x16xf32>
      tpu.vector_store %arg8[%swap3A_892, %swap3A_893, %swap3A_894], %swap3A_897 {add = true, strides = array<i32>} : memref<4x128x128xf32, #tpu.memory_space<vmem>>, vector<1x1x16xf32>,
      %swap3A_898 = arith.constant 3 : i32
      %swap3A_899 = arith.index_cast %swap3A_898 : i32 to index
      %swap3A_900 = arith.index_cast %scan3A_869 : i32 to index
      %swap3A_901 = arith.constant 64 : index
      %swap3A_902 = tpu.vector_load %arg8[%swap3A_899, %swap3A_900, %swap3A_901] {strides = array<i32>} : memref<4x128x128xf32, #tpu.memory_space<vmem>>, vector<1x1x16xf32>,
      %swap3A_903 = vector.shape_cast %swap3A_902 : vector<1x1x16xf32> to vector<16xf32>
      %swap3A_904 = vector.shape_cast %get3A_373 : vector<16xf32> to vector<1x1x16xf32>
      tpu.vector_store %arg8[%swap3A_899, %swap3A_900, %swap3A_901], %swap3A_904 {add = true, strides = array<i32>} : memref<4x128x128xf32, #tpu.memory_space<vmem>>, vector<1x1x16xf32>,
      %swap3A_905 = arith.constant 3 : i32
      %swap3A_906 = arith.index_cast %swap3A_905 : i32 to index
      %swap3A_907 = arith.index_cast %scan3A_869 : i32 to index
      %swap3A_908 = arith.constant 80 : index
      %swap3A_909 = tpu.vector_load %arg8[%swap3A_906, %swap3A_907, %swap3A_908] {strides = array<i32>} : memref<4x128x128xf32, #tpu.memory_space<vmem>>, vector<1x1x16xf32>,
      %swap3A_910 = vector.shape_cast %swap3A_909 : vector<1x1x16xf32> to vector<16xf32>
      %swap3A_911 = vector.shape_cast %get3A_377 : vector<16xf32> to vector<1x1x16xf32>
      tpu.vector_store %arg8[%swap3A_906, %swap3A_907, %swap3A_908], %swap3A_911 {add = true, strides = array<i32>} : memref<4x128x128xf32, #tpu.memory_space<vmem>>, vector<1x1x16xf32>,
      %swap3A_912 = arith.constant 3 : i32
      %swap3A_913 = arith.index_cast %swap3A_912 : i32 to index
      %swap3A_914 = arith.index_cast %scan3A_869 : i32 to index
      %swap3A_915 = arith.constant 96 : index
      %swap3A_916 = tpu.vector_load %arg8[%swap3A_913, %swap3A_914, %swap3A_915] {strides = array<i32>} : memref<4x128x128xf32, #tpu.memory_space<vmem>>, vector<1x1x16xf32>,
      %swap3A_917 = vector.shape_cast %swap3A_916 : vector<1x1x16xf32> to vector<16xf32>
      %swap3A_918 = vector.shape_cast %get3A_381 : vector<16xf32> to vector<1x1x16xf32>
      tpu.vector_store %arg8[%swap3A_913, %swap3A_914, %swap3A_915], %swap3A_918 {add = true, strides = array<i32>} : memref<4x128x128xf32, #tpu.memory_space<vmem>>, vector<1x1x16xf32>,
      %swap3A_919 = arith.constant 3 : i32
      %swap3A_920 = arith.index_cast %swap3A_919 : i32 to index
      %swap3A_921 = arith.index_cast %scan3A_869 : i32 to index
      %swap3A_922 = arith.constant 112 : index
      %swap3A_923 = tpu.vector_load %arg8[%swap3A_920, %swap3A_921, %swap3A_922] {strides = array<i32>} : memref<4x128x128xf32, #tpu.memory_space<vmem>>, vector<1x1x16xf32>,
      %swap3A_924 = vector.shape_cast %swap3A_923 : vector<1x1x16xf32> to vector<16xf32>
      %swap3A_925 = vector.shape_cast %get3A_385 : vector<16xf32> to vector<1x1x16xf32>
      tpu.vector_store %arg8[%swap3A_920, %swap3A_921, %swap3A_922], %swap3A_925 {add = true, strides = array<i32>} : memref<4x128x128xf32, #tpu.memory_space<vmem>>, vector<1x1x16xf32>,
      %scan3A_926 = arith.constant 2 : i32
      %scan3A_927 = arith.addi %scan3A_812, %scan3A_926 : i32
      %swap3A_928 = arith.constant 3 : i32
      %swap3A_929 = arith.index_cast %swap3A_928 : i32 to index
      %swap3A_930 = arith.index_cast %scan3A_927 : i32 to index
      %swap3A_931 = arith.constant 0 : index
      %swap3A_932 = tpu.vector_load %arg8[%swap3A_929, %swap3A_930, %swap3A_931] {strides = array<i32>} : memref<4x128x128xf32, #tpu.memory_space<vmem>>, vector<1x1x16xf32>,
      %swap3A_933 = vector.shape_cast %swap3A_932 : vector<1x1x16xf32> to vector<16xf32>
      %swap3A_934 = vector.shape_cast %get3A_357 : vector<16xf32> to vector<1x1x16xf32>
      tpu.vector_store %arg8[%swap3A_929, %swap3A_930, %swap3A_931], %swap3A_934 {add = true, strides = array<i32>} : memref<4x128x128xf32, #tpu.memory_space<vmem>>, vector<1x1x16xf32>,
      %swap3A_935 = arith.constant 3 : i32
      %swap3A_936 = arith.index_cast %swap3A_935 : i32 to index
      %swap3A_937 = arith.index_cast %scan3A_927 : i32 to index
      %swap3A_938 = arith.constant 16 : index
      %swap3A_939 = tpu.vector_load %arg8[%swap3A_936, %swap3A_937, %swap3A_938] {strides = array<i32>} : memref<4x128x128xf32, #tpu.memory_space<vmem>>, vector<1x1x16xf32>,
      %swap3A_940 = vector.shape_cast %swap3A_939 : vector<1x1x16xf32> to vector<16xf32>
      %swap3A_941 = vector.shape_cast %get3A_361 : vector<16xf32> to vector<1x1x16xf32>
      tpu.vector_store %arg8[%swap3A_936, %swap3A_937, %swap3A_938], %swap3A_941 {add = true, strides = array<i32>} : memref<4x128x128xf32, #tpu.memory_space<vmem>>, vector<1x1x16xf32>,
      %swap3A_942 = arith.constant 3 : i32
      %swap3A_943 = arith.index_cast %swap3A_942 : i32 to index
      %swap3A_944 = arith.index_cast %scan3A_927 : i32 to index
      %swap3A_945 = arith.constant 32 : index
      %swap3A_946 = tpu.vector_load %arg8[%swap3A_943, %swap3A_944, %swap3A_945] {strides = array<i32>} : memref<4x128x128xf32, #tpu.memory_space<vmem>>, vector<1x1x16xf32>,
      %swap3A_947 = vector.shape_cast %swap3A_946 : vector<1x1x16xf32> to vector<16xf32>
      %swap3A_948 = vector.shape_cast %get3A_365 : vector<16xf32> to vector<1x1x16xf32>
      tpu.vector_store %arg8[%swap3A_943, %swap3A_944, %swap3A_945], %swap3A_948 {add = true, strides = array<i32>} : memref<4x128x128xf32, #tpu.memory_space<vmem>>, vector<1x1x16xf32>,
      %swap3A_949 = arith.constant 3 : i32
      %swap3A_950 = arith.index_cast %swap3A_949 : i32 to index
      %swap3A_951 = arith.index_cast %scan3A_927 : i32 to index
      %swap3A_952 = arith.constant 48 : index
      %swap3A_953 = tpu.vector_load %arg8[%swap3A_950, %swap3A_951, %swap3A_952] {strides = array<i32>} : memref<4x128x128xf32, #tpu.memory_space<vmem>>, vector<1x1x16xf32>,
      %swap3A_954 = vector.shape_cast %swap3A_953 : vector<1x1x16xf32> to vector<16xf32>
      %swap3A_955 = vector.shape_cast %get3A_369 : vector<16xf32> to vector<1x1x16xf32>
      tpu.vector_store %arg8[%swap3A_950, %swap3A_951, %swap3A_952], %swap3A_955 {add = true, strides = array<i32>} : memref<4x128x128xf32, #tpu.memory_space<vmem>>, vector<1x1x16xf32>,
      %swap3A_956 = arith.constant 3 : i32
      %swap3A_957 = arith.index_cast %swap3A_956 : i32 to index
      %swap3A_958 = arith.index_cast %scan3A_927 : i32 to index
      %swap3A_959 = arith.constant 64 : index
      %swap3A_960 = tpu.vector_load %arg8[%swap3A_957, %swap3A_958, %swap3A_959] {strides = array<i32>} : memref<4x128x128xf32, #tpu.memory_space<vmem>>, vector<1x1x16xf32>,
      %swap3A_961 = vector.shape_cast %swap3A_960 : vector<1x1x16xf32> to vector<16xf32>
      %swap3A_962 = vector.shape_cast %get3A_373 : vector<16xf32> to vector<1x1x16xf32>
      tpu.vector_store %arg8[%swap3A_957, %swap3A_958, %swap3A_959], %swap3A_962 {add = true, strides = array<i32>} : memref<4x128x128xf32, #tpu.memory_space<vmem>>, vector<1x1x16xf32>,
      %swap3A_963 = arith.constant 3 : i32
      %swap3A_964 = arith.index_cast %swap3A_963 : i32 to index
      %swap3A_965 = arith.index_cast %scan3A_927 : i32 to index
      %swap3A_966 = arith.constant 80 : index
      %swap3A_967 = tpu.vector_load %arg8[%swap3A_964, %swap3A_965, %swap3A_966] {strides = array<i32>} : memref<4x128x128xf32, #tpu.memory_space<vmem>>, vector<1x1x16xf32>,
      %swap3A_968 = vector.shape_cast %swap3A_967 : vector<1x1x16xf32> to vector<16xf32>
      %swap3A_969 = vector.shape_cast %get3A_377 : vector<16xf32> to vector<1x1x16xf32>
      tpu.vector_store %arg8[%swap3A_964, %swap3A_965, %swap3A_966], %swap3A_969 {add = true, strides = array<i32>} : memref<4x128x128xf32, #tpu.memory_space<vmem>>, vector<1x1x16xf32>,
      %swap3A_970 = arith.constant 3 : i32
      %swap3A_971 = arith.index_cast %swap3A_970 : i32 to index
      %swap3A_972 = arith.index_cast %scan3A_927 : i32 to index
      %swap3A_973 = arith.constant 96 : index
      %swap3A_974 = tpu.vector_load %arg8[%swap3A_971, %swap3A_972, %swap3A_973] {strides = array<i32>} : memref<4x128x128xf32, #tpu.memory_space<vmem>>, vector<1x1x16xf32>,
      %swap3A_975 = vector.shape_cast %swap3A_974 : vector<1x1x16xf32> to vector<16xf32>
      %swap3A_976 = vector.shape_cast %get3A_381 : vector<16xf32> to vector<1x1x16xf32>
      tpu.vector_store %arg8[%swap3A_971, %swap3A_972, %swap3A_973], %swap3A_976 {add = true, strides = array<i32>} : memref<4x128x128xf32, #tpu.memory_space<vmem>>, vector<1x1x16xf32>,
      %swap3A_977 = arith.constant 3 : i32
      %swap3A_978 = arith.index_cast %swap3A_977 : i32 to index
      %swap3A_979 = arith.index_cast %scan3A_927 : i32 to index
      %swap3A_980 = arith.constant 112 : index
      %swap3A_981 = tpu.vector_load %arg8[%swap3A_978, %swap3A_979, %swap3A_980] {strides = array<i32>} : memref<4x128x128xf32, #tpu.memory_space<vmem>>, vector<1x1x16xf32>,
      %swap3A_982 = vector.shape_cast %swap3A_981 : vector<1x1x16xf32> to vector<16xf32>
      %swap3A_983 = vector.shape_cast %get3A_385 : vector<16xf32> to vector<1x1x16xf32>
      tpu.vector_store %arg8[%swap3A_978, %swap3A_979, %swap3A_980], %swap3A_983 {add = true, strides = array<i32>} : memref<4x128x128xf32, #tpu.memory_space<vmem>>, vector<1x1x16xf32>,
      %scan3A_984 = arith.constant 3 : i32
      %scan3A_985 = arith.addi %scan3A_812, %scan3A_984 : i32
      %swap3A_986 = arith.constant 3 : i32
      %swap3A_987 = arith.index_cast %swap3A_986 : i32 to index
      %swap3A_988 = arith.index_cast %scan3A_985 : i32 to index
      %swap3A_989 = arith.constant 0 : index
      %swap3A_990 = tpu.vector_load %arg8[%swap3A_987, %swap3A_988, %swap3A_989] {strides = array<i32>} : memref<4x128x128xf32, #tpu.memory_space<vmem>>, vector<1x1x16xf32>,
      %swap3A_991 = vector.shape_cast %swap3A_990 : vector<1x1x16xf32> to vector<16xf32>
      %swap3A_992 = vector.shape_cast %get3A_357 : vector<16xf32> to vector<1x1x16xf32>
      tpu.vector_store %arg8[%swap3A_987, %swap3A_988, %swap3A_989], %swap3A_992 {add = true, strides = array<i32>} : memref<4x128x128xf32, #tpu.memory_space<vmem>>, vector<1x1x16xf32>,
      %swap3A_993 = arith.constant 3 : i32
      %swap3A_994 = arith.index_cast %swap3A_993 : i32 to index
      %swap3A_995 = arith.index_cast %scan3A_985 : i32 to index
      %swap3A_996 = arith.constant 16 : index
      %swap3A_997 = tpu.vector_load %arg8[%swap3A_994, %swap3A_995, %swap3A_996] {strides = array<i32>} : memref<4x128x128xf32, #tpu.memory_space<vmem>>, vector<1x1x16xf32>,
      %swap3A_998 = vector.shape_cast %swap3A_997 : vector<1x1x16xf32> to vector<16xf32>
      %swap3A_999 = vector.shape_cast %get3A_361 : vector<16xf32> to vector<1x1x16xf32>
      tpu.vector_store %arg8[%swap3A_994, %swap3A_995, %swap3A_996], %swap3A_999 {add = true, strides = array<i32>} : memref<4x128x128xf32, #tpu.memory_space<vmem>>, vector<1x1x16xf32>,
      %swap3A_1000 = arith.constant 3 : i32
      %swap3A_1001 = arith.index_cast %swap3A_1000 : i32 to index
      %swap3A_1002 = arith.index_cast %scan3A_985 : i32 to index
      %swap3A_1003 = arith.constant 32 : index
      %swap3A_1004 = tpu.vector_load %arg8[%swap3A_1001, %swap3A_1002, %swap3A_1003] {strides = array<i32>} : memref<4x128x128xf32, #tpu.memory_space<vmem>>, vector<1x1x16xf32>,
      %swap3A_1005 = vector.shape_cast %swap3A_1004 : vector<1x1x16xf32> to vector<16xf32>
      %swap3A_1006 = vector.shape_cast %get3A_365 : vector<16xf32> to vector<1x1x16xf32>
      tpu.vector_store %arg8[%swap3A_1001, %swap3A_1002, %swap3A_1003], %swap3A_1006 {add = true, strides = array<i32>} : memref<4x128x128xf32, #tpu.memory_space<vmem>>, vector<1x1x16xf32>,
      %swap3A_1007 = arith.constant 3 : i32
      %swap3A_1008 = arith.index_cast %swap3A_1007 : i32 to index
      %swap3A_1009 = arith.index_cast %scan3A_985 : i32 to index
      %swap3A_1010 = arith.constant 48 : index
      %swap3A_1011 = tpu.vector_load %arg8[%swap3A_1008, %swap3A_1009, %swap3A_1010] {strides = array<i32>} : memref<4x128x128xf32, #tpu.memory_space<vmem>>, vector<1x1x16xf32>,
      %swap3A_1012 = vector.shape_cast %swap3A_1011 : vector<1x1x16xf32> to vector<16xf32>
      %swap3A_1013 = vector.shape_cast %get3A_369 : vector<16xf32> to vector<1x1x16xf32>
      tpu.vector_store %arg8[%swap3A_1008, %swap3A_1009, %swap3A_1010], %swap3A_1013 {add = true, strides = array<i32>} : memref<4x128x128xf32, #tpu.memory_space<vmem>>, vector<1x1x16xf32>,
      %swap3A_1014 = arith.constant 3 : i32
      %swap3A_1015 = arith.index_cast %swap3A_1014 : i32 to index
      %swap3A_1016 = arith.index_cast %scan3A_985 : i32 to index
      %swap3A_1017 = arith.constant 64 : index
      %swap3A_1018 = tpu.vector_load %arg8[%swap3A_1015, %swap3A_1016, %swap3A_1017] {strides = array<i32>} : memref<4x128x128xf32, #tpu.memory_space<vmem>>, vector<1x1x16xf32>,
      %swap3A_1019 = vector.shape_cast %swap3A_1018 : vector<1x1x16xf32> to vector<16xf32>
      %swap3A_1020 = vector.shape_cast %get3A_373 : vector<16xf32> to vector<1x1x16xf32>
      tpu.vector_store %arg8[%swap3A_1015, %swap3A_1016, %swap3A_1017], %swap3A_1020 {add = true, strides = array<i32>} : memref<4x128x128xf32, #tpu.memory_space<vmem>>, vector<1x1x16xf32>,
      %swap3A_1021 = arith.constant 3 : i32
      %swap3A_1022 = arith.index_cast %swap3A_1021 : i32 to index
      %swap3A_1023 = arith.index_cast %scan3A_985 : i32 to index
      %swap3A_1024 = arith.constant 80 : index
      %swap3A_1025 = tpu.vector_load %arg8[%swap3A_1022, %swap3A_1023, %swap3A_1024] {strides = array<i32>} : memref<4x128x128xf32, #tpu.memory_space<vmem>>, vector<1x1x16xf32>,
      %swap3A_1026 = vector.shape_cast %swap3A_1025 : vector<1x1x16xf32> to vector<16xf32>
      %swap3A_1027 = vector.shape_cast %get3A_377 : vector<16xf32> to vector<1x1x16xf32>
      tpu.vector_store %arg8[%swap3A_1022, %swap3A_1023, %swap3A_1024], %swap3A_1027 {add = true, strides = array<i32>} : memref<4x128x128xf32, #tpu.memory_space<vmem>>, vector<1x1x16xf32>,
      %swap3A_1028 = arith.constant 3 : i32
      %swap3A_1029 = arith.index_cast %swap3A_1028 : i32 to index
      %swap3A_1030 = arith.index_cast %scan3A_985 : i32 to index
      %swap3A_1031 = arith.constant 96 : index
      %swap3A_1032 = tpu.vector_load %arg8[%swap3A_1029, %swap3A_1030, %swap3A_1031] {strides = array<i32>} : memref<4x128x128xf32, #tpu.memory_space<vmem>>, vector<1x1x16xf32>,
      %swap3A_1033 = vector.shape_cast %swap3A_1032 : vector<1x1x16xf32> to vector<16xf32>
      %swap3A_1034 = vector.shape_cast %get3A_381 : vector<16xf32> to vector<1x1x16xf32>
      tpu.vector_store %arg8[%swap3A_1029, %swap3A_1030, %swap3A_1031], %swap3A_1034 {add = true, strides = array<i32>} : memref<4x128x128xf32, #tpu.memory_space<vmem>>, vector<1x1x16xf32>,
      %swap3A_1035 = arith.constant 3 : i32
      %swap3A_1036 = arith.index_cast %swap3A_1035 : i32 to index
      %swap3A_1037 = arith.index_cast %scan3A_985 : i32 to index
      %swap3A_1038 = arith.constant 112 : index
      %swap3A_1039 = tpu.vector_load %arg8[%swap3A_1036, %swap3A_1037, %swap3A_1038] {strides = array<i32>} : memref<4x128x128xf32, #tpu.memory_space<vmem>>, vector<1x1x16xf32>,
      %swap3A_1040 = vector.shape_cast %swap3A_1039 : vector<1x1x16xf32> to vector<16xf32>
      %swap3A_1041 = vector.shape_cast %get3A_385 : vector<16xf32> to vector<1x1x16xf32>
      tpu.vector_store %arg8[%swap3A_1036, %swap3A_1037, %swap3A_1038], %swap3A_1041 {add = true, strides = array<i32>} : memref<4x128x128xf32, #tpu.memory_space<vmem>>, vector<1x1x16xf32>,
    }
    %scan3A_391 = arith.constant 128 : i32
    %add3A_392 = arith.constant 384 : i32
    %add3A_393 = arith.addi %mul3A_2, %add3A_392 : i32
    %div3A_394 = arith.constant 4096 : i32
    %div3A_395 = arith.divsi %add3A_393, %div3A_394 : i32
    %rem3A_396 = arith.constant 4096 : i32
    %rem3A_397 = arith.remsi %add3A_393, %rem3A_396 : i32
    %dma_start3A_398 = arith.constant 3 : i32
    %dma_start3A_399 = arith.constant 0 : i32
    %dma_start3A_400 = arith.constant 0 : i32
    %dma_start3A_401 = tpu.memref_slice %arg8[%dma_start3A_398, %dma_start3A_399, %dma_start3A_400] : memref<4x128x128xf32, #tpu.memory_space<vmem>> -> memref<1x128x128xf32, #tpu.memory_space<vmem>>
    %dma_start3A_402 = tpu.memref_squeeze %dma_start3A_401 : memref<1x128x128xf32, #tpu.memory_space<vmem>> -> memref<128x128xf32, #tpu.memory_space<vmem>>
    %dma_start3A_403 = arith.constant 0 : i32
    %dma_start3A_404 = tpu.memref_slice %arg5[%rem3A_397, %div3A_395, %dma_start3A_403] : memref<4096x200x128xf32, #tpu.memory_space<hbm>> -> memref<128x1x128xf32, #tpu.memory_space<hbm>>
    %dma_start3A_405 = tpu.memref_squeeze %dma_start3A_404 : memref<128x1x128xf32, #tpu.memory_space<hbm>> -> memref<128x128xf32, #tpu.memory_space<hbm>>
    %dma_start3A_406 = arith.constant 0 : i32
    %dma_start3A_407 = tpu.memref_slice %arg5[%rem3A_397, %div3A_395, %dma_start3A_406] : memref<4096x200x128xf32, #tpu.memory_space<hbm>> -> memref<128x1x128xf32, #tpu.memory_space<hbm>>
    %dma_start3A_408 = tpu.memref_squeeze %dma_start3A_407 : memref<128x1x128xf32, #tpu.memory_space<hbm>> -> memref<128x128xf32, #tpu.memory_space<hbm>>
    %dma_start3A_409 = arith.constant 0 : i32
    %dma_start3A_410 = arith.constant 0 : i32
    %dma_start3A_411 = tpu.memref_slice %arg8[%dma_start3A_398, %dma_start3A_409, %dma_start3A_410] : memref<4x128x128xf32, #tpu.memory_space<vmem>> -> memref<1x128x128xf32, #tpu.memory_space<vmem>>
    %dma_start3A_412 = tpu.memref_squeeze %dma_start3A_411 : memref<1x128x128xf32, #tpu.memory_space<vmem>> -> memref<128x128xf32, #tpu.memory_space<vmem>>
    tpu.enqueue_dma source(%dma_start3A_412 : memref<128x128xf32, #tpu.memory_space<vmem>>) target(%dma_start3A_408 : memref<128x128xf32, #tpu.memory_space<hbm>>) target_semaphore(%arg16 : memref<!tpu.dma_semaphore, #tpu.memory_space<semaphore_mem>>)
    %scan3A_413 = arith.constant 0 : i32
    %scan3A_414 = arith.constant 1 : i32
    %scan3A_415 = arith.constant 48 : i32
    %scan3A_416 = arith.addi %scan3A_414, %scan3A_415 : i32
    %scan3A_417 = arith.constant 1 : i32
    %scan3A_418 = scf.for %scan3A_812 = %scan3A_414 to %scan3A_416 step %scan3A_417 iter_args(%scan3A_813 = %scan3A_413) -> (i32)  : i32 {
      %mul3A_814 = arith.constant 4 : i32
      %mul3A_815 = arith.muli %scan3A_812, %mul3A_814 : i32
      %add3A_816 = arith.constant 0 : i32
      %add3A_817 = arith.addi %mul3A_815, %add3A_816 : i32
      %dma_wait3A_818 = arith.constant 3 : i32
      %dma_wait3A_819 = arith.constant 0 : i32
      %dma_wait3A_820 = arith.constant 0 : i32
      %dma_wait3A_821 = arith.constant 0 : i32
      %dma_wait3A_822 = tpu.memref_slice %arg8[%dma_wait3A_818, %dma_wait3A_820, %dma_wait3A_821] : memref<4x128x128xf32, #tpu.memory_space<vmem>> -> memref<1x128x128xf32, #tpu.memory_space<vmem>>
      %dma_wait3A_823 = tpu.memref_squeeze %dma_wait3A_822 : memref<1x128x128xf32, #tpu.memory_space<vmem>> -> memref<128x128xf32, #tpu.memory_space<vmem>>
      %dma_wait3A_824 = arith.constant 0 : i32
      %dma_wait3A_825 = arith.constant 0 : i32
      %dma_wait3A_826 = tpu.memref_slice %arg5[%dma_wait3A_824, %dma_wait3A_819, %dma_wait3A_825] : memref<4096x200x128xf32, #tpu.memory_space<hbm>> -> memref<128x1x128xf32, #tpu.memory_space<hbm>>
      %dma_wait3A_827 = tpu.memref_squeeze %dma_wait3A_826 : memref<128x1x128xf32, #tpu.memory_space<hbm>> -> memref<128x128xf32, #tpu.memory_space<hbm>>
      %dma_wait3A_828 = arith.constant 0 : i32
      %dma_wait3A_829 = arith.constant 0 : i32
      %dma_wait3A_830 = tpu.memref_slice %arg5[%dma_wait3A_828, %dma_wait3A_819, %dma_wait3A_829] : memref<4096x200x128xf32, #tpu.memory_space<hbm>> -> memref<128x1x128xf32, #tpu.memory_space<hbm>>
      %dma_wait3A_831 = tpu.memref_squeeze %dma_wait3A_830 : memref<128x1x128xf32, #tpu.memory_space<hbm>> -> memref<128x128xf32, #tpu.memory_space<hbm>>
      %dma_wait3A_832 = arith.constant 0 : i32
      %dma_wait3A_833 = arith.constant 0 : i32
      %dma_wait3A_834 = tpu.memref_slice %arg8[%dma_wait3A_818, %dma_wait3A_832, %dma_wait3A_833] : memref<4x128x128xf32, #tpu.memory_space<vmem>> -> memref<1x128x128xf32, #tpu.memory_space<vmem>>
      %dma_wait3A_835 = tpu.memref_squeeze %dma_wait3A_834 : memref<1x128x128xf32, #tpu.memory_space<vmem>> -> memref<128x128xf32, #tpu.memory_space<vmem>>
      tpu.wait_dma2 semaphore(%arg16 : memref<!tpu.dma_semaphore, #tpu.memory_space<semaphore_mem>>) src(%dma_wait3A_835 : memref<128x128xf32, #tpu.memory_space<vmem>>) dst(%dma_wait3A_831 : memref<128x128xf32, #tpu.memory_space<hbm>>)
      %add3A_836 = arith.constant 4 : i32
      %add3A_837 = arith.addi %add3A_817, %add3A_836 : i32
      %sub3A = arith.constant 1 : i32
      %sub3A_838 = arith.subi %add3A_837, %sub3A : i32
      %mul3A_839 = arith.constant 128 : i32
      %mul3A_840 = arith.muli %sub3A_838, %mul3A_839 : i32
      %dma_start3A_841 = arith.constant 3 : i32
      %dma_start3A_842 = arith.constant 0 : i32
      %dma_start3A_843 = arith.constant 0 : i32
      %dma_start3A_844 = tpu.memref_slice %arg8[%dma_start3A_841, %dma_start3A_842, %dma_start3A_843] : memref<4x128x128xf32, #tpu.memory_space<vmem>> -> memref<1x128x128xf32, #tpu.memory_space<vmem>>
      %dma_start3A_845 = tpu.memref_squeeze %dma_start3A_844 : memref<1x128x128xf32, #tpu.memory_space<vmem>> -> memref<128x128xf32, #tpu.memory_space<vmem>>
      %dma_start3A_846 = tpu.memref_slice %arg6[%mul3A_840] : memref<25600xi32, #tpu.memory_space<vmem>> -> memref<128xi32, #tpu.memory_space<vmem>>
      %dma_start3A_847 = arith.constant 0 : i32
      %dma_start3A_848 = arith.constant 0 : i32
      %dma_start3A_849 = tpu.memref_slice %arg3[%dma_start3A_847, %dma_start3A_848] : memref<100000x128xf32, #tpu.memory_space<hbm>> -> memref<100000x128xf32, #tpu.memory_space<hbm>>
      tpu.enqueue_indirect_dma source(%dma_start3A_849 : memref<100000x128xf32, #tpu.memory_space<hbm>>) target(%dma_start3A_845 : memref<128x128xf32, #tpu.memory_space<vmem>>) offsets(%dma_start3A_846 : memref<128xi32, #tpu.memory_space<vmem>>) semaphore(%arg12 : memref<!tpu.dma_semaphore, #tpu.memory_space<semaphore_mem>>)
      %dma_wait3A_850 = arith.constant 0 : i32
      %dma_wait3A_851 = arith.constant 0 : i32
      %dma_wait3A_852 = arith.constant 0 : i32
      %dma_wait3A_853 = tpu.memref_slice %arg8[%dma_wait3A_850, %dma_wait3A_851, %dma_wait3A_852] : memref<4x128x128xf32, #tpu.memory_space<vmem>> -> memref<1x128x128xf32, #tpu.memory_space<vmem>>
      %dma_wait3A_854 = tpu.memref_squeeze %dma_wait3A_853 : memref<1x128x128xf32, #tpu.memory_space<vmem>> -> memref<128x128xf32, #tpu.memory_space<vmem>>
      %dma_wait3A_855 = arith.constant 0 : i32
      %dma_wait3A_856 = tpu.memref_slice %arg6[%dma_wait3A_855] : memref<25600xi32, #tpu.memory_space<vmem>> -> memref<128xi32, #tpu.memory_space<vmem>>
      %dma_wait3A_857 = arith.constant 0 : i32
      %dma_wait3A_858 = arith.constant 0 : i32
      %dma_wait3A_859 = tpu.memref_slice %arg3[%dma_wait3A_857, %dma_wait3A_858] : memref<100000x128xf32, #tpu.memory_space<hbm>> -> memref<100000x128xf32, #tpu.memory_space<hbm>>
      tpu.wait_indirect_dma semaphore(%arg9 : memref<!tpu.dma_semaphore, #tpu.memory_space<semaphore_mem>>) src(%dma_wait3A_859 : memref<100000x128xf32, #tpu.memory_space<hbm>>) dst(%dma_wait3A_854 : memref<128x128xf32, #tpu.memory_space<vmem>>)
      %mul3A_860 = arith.constant 128 : i32
      %mul3A_861 = arith.muli %add3A_817, %mul3A_860 : i32
      %add3A_862 = arith.addi %mul3A_2, %mul3A_861 : i32
      %div3A_863 = arith.constant 4096 : i32
      %div3A_864 = arith.divsi %add3A_862, %div3A_863 : i32
      %get3A_865 = arith.index_cast %div3A_864 : i32 to index
      %get3A_866 = arith.constant 0 : index
      %get3A_867 = tpu.vector_load %arg7[%get3A_865, %get3A_866] {strides = array<i32>} : memref<200x128xf32, #tpu.memory_space<vmem>>, vector<1x16xf32>,
      %get3A_868 = vector.shape_cast %get3A_867 : vector<1x16xf32> to vector<16xf32>
      %get3A_869 = arith.index_cast %div3A_864 : i32 to index
      %get3A_870 = arith.constant 16 : index
      %get3A_871 = tpu.vector_load %arg7[%get3A_869, %get3A_870] {strides = array<i32>} : memref<200x128xf32, #tpu.memory_space<vmem>>, vector<1x16xf32>,
      %get3A_872 = vector.shape_cast %get3A_871 : vector<1x16xf32> to vector<16xf32>
      %get3A_873 = arith.index_cast %div3A_864 : i32 to index
      %get3A_874 = arith.constant 32 : index
      %get3A_875 = tpu.vector_load %arg7[%get3A_873, %get3A_874] {strides = array<i32>} : memref<200x128xf32, #tpu.memory_space<vmem>>, vector<1x16xf32>,
      %get3A_876 = vector.shape_cast %get3A_875 : vector<1x16xf32> to vector<16xf32>
      %get3A_877 = arith.index_cast %div3A_864 : i32 to index
      %get3A_878 = arith.constant 48 : index
      %get3A_879 = tpu.vector_load %arg7[%get3A_877, %get3A_878] {strides = array<i32>} : memref<200x128xf32, #tpu.memory_space<vmem>>, vector<1x16xf32>,
      %get3A_880 = vector.shape_cast %get3A_879 : vector<1x16xf32> to vector<16xf32>
      %get3A_881 = arith.index_cast %div3A_864 : i32 to index
      %get3A_882 = arith.constant 64 : index
      %get3A_883 = tpu.vector_load %arg7[%get3A_881, %get3A_882] {strides = array<i32>} : memref<200x128xf32, #tpu.memory_space<vmem>>, vector<1x16xf32>,
      %get3A_884 = vector.shape_cast %get3A_883 : vector<1x16xf32> to vector<16xf32>
      %get3A_885 = arith.index_cast %div3A_864 : i32 to index
      %get3A_886 = arith.constant 80 : index
      %get3A_887 = tpu.vector_load %arg7[%get3A_885, %get3A_886] {strides = array<i32>} : memref<200x128xf32, #tpu.memory_space<vmem>>, vector<1x16xf32>,
      %get3A_888 = vector.shape_cast %get3A_887 : vector<1x16xf32> to vector<16xf32>
      %get3A_889 = arith.index_cast %div3A_864 : i32 to index
      %get3A_890 = arith.constant 96 : index
      %get3A_891 = tpu.vector_load %arg7[%get3A_889, %get3A_890] {strides = array<i32>} : memref<200x128xf32, #tpu.memory_space<vmem>>, vector<1x16xf32>,
      %get3A_892 = vector.shape_cast %get3A_891 : vector<1x16xf32> to vector<16xf32>
      %get3A_893 = arith.index_cast %div3A_864 : i32 to index
      %get3A_894 = arith.constant 112 : index
      %get3A_895 = tpu.vector_load %arg7[%get3A_893, %get3A_894] {strides = array<i32>} : memref<200x128xf32, #tpu.memory_space<vmem>>, vector<1x16xf32>,
      %get3A_896 = vector.shape_cast %get3A_895 : vector<1x16xf32> to vector<16xf32>
      %scan3A_897 = arith.constant 0 : i32
      %scan3A_898 = arith.constant 0 : i32
      %scan3A_899 = arith.constant 128 : i32
      %scan3A_900 = arith.addi %scan3A_898, %scan3A_899 : i32
      %scan3A_901 = arith.constant 4 : i32
      scf.for %scan3A_1262 = %scan3A_898 to %scan3A_900 step %scan3A_901  : i32 {
        %swap3A = arith.constant 0 : i32
        %swap3A_1263 = arith.index_cast %swap3A : i32 to index
        %swap3A_1264 = arith.index_cast %scan3A_1262 : i32 to index
        %swap3A_1265 = arith.constant 0 : index
        %swap3A_1266 = tpu.vector_load %arg8[%swap3A_1263, %swap3A_1264, %swap3A_1265] {strides = array<i32>} : memref<4x128x128xf32, #tpu.memory_space<vmem>>, vector<1x1x16xf32>,
        %swap3A_1267 = vector.shape_cast %swap3A_1266 : vector<1x1x16xf32> to vector<16xf32>
        %swap3A_1268 = vector.shape_cast %get3A_868 : vector<16xf32> to vector<1x1x16xf32>
        tpu.vector_store %arg8[%swap3A_1263, %swap3A_1264, %swap3A_1265], %swap3A_1268 {add = true, strides = array<i32>} : memref<4x128x128xf32, #tpu.memory_space<vmem>>, vector<1x1x16xf32>,
        %swap3A_1269 = arith.constant 0 : i32
        %swap3A_1270 = arith.index_cast %swap3A_1269 : i32 to index
        %swap3A_1271 = arith.index_cast %scan3A_1262 : i32 to index
        %swap3A_1272 = arith.constant 16 : index
        %swap3A_1273 = tpu.vector_load %arg8[%swap3A_1270, %swap3A_1271, %swap3A_1272] {strides = array<i32>} : memref<4x128x128xf32, #tpu.memory_space<vmem>>, vector<1x1x16xf32>,
        %swap3A_1274 = vector.shape_cast %swap3A_1273 : vector<1x1x16xf32> to vector<16xf32>
        %swap3A_1275 = vector.shape_cast %get3A_872 : vector<16xf32> to vector<1x1x16xf32>
        tpu.vector_store %arg8[%swap3A_1270, %swap3A_1271, %swap3A_1272], %swap3A_1275 {add = true, strides = array<i32>} : memref<4x128x128xf32, #tpu.memory_space<vmem>>, vector<1x1x16xf32>,
        %swap3A_1276 = arith.constant 0 : i32
        %swap3A_1277 = arith.index_cast %swap3A_1276 : i32 to index
        %swap3A_1278 = arith.index_cast %scan3A_1262 : i32 to index
        %swap3A_1279 = arith.constant 32 : index
        %swap3A_1280 = tpu.vector_load %arg8[%swap3A_1277, %swap3A_1278, %swap3A_1279] {strides = array<i32>} : memref<4x128x128xf32, #tpu.memory_space<vmem>>, vector<1x1x16xf32>,
        %swap3A_1281 = vector.shape_cast %swap3A_1280 : vector<1x1x16xf32> to vector<16xf32>
        %swap3A_1282 = vector.shape_cast %get3A_876 : vector<16xf32> to vector<1x1x16xf32>
        tpu.vector_store %arg8[%swap3A_1277, %swap3A_1278, %swap3A_1279], %swap3A_1282 {add = true, strides = array<i32>} : memref<4x128x128xf32, #tpu.memory_space<vmem>>, vector<1x1x16xf32>,
        %swap3A_1283 = arith.constant 0 : i32
        %swap3A_1284 = arith.index_cast %swap3A_1283 : i32 to index
        %swap3A_1285 = arith.index_cast %scan3A_1262 : i32 to index
        %swap3A_1286 = arith.constant 48 : index
        %swap3A_1287 = tpu.vector_load %arg8[%swap3A_1284, %swap3A_1285, %swap3A_1286] {strides = array<i32>} : memref<4x128x128xf32, #tpu.memory_space<vmem>>, vector<1x1x16xf32>,
        %swap3A_1288 = vector.shape_cast %swap3A_1287 : vector<1x1x16xf32> to vector<16xf32>
        %swap3A_1289 = vector.shape_cast %get3A_880 : vector<16xf32> to vector<1x1x16xf32>
        tpu.vector_store %arg8[%swap3A_1284, %swap3A_1285, %swap3A_1286], %swap3A_1289 {add = true, strides = array<i32>} : memref<4x128x128xf32, #tpu.memory_space<vmem>>, vector<1x1x16xf32>,
        %swap3A_1290 = arith.constant 0 : i32
        %swap3A_1291 = arith.index_cast %swap3A_1290 : i32 to index
        %swap3A_1292 = arith.index_cast %scan3A_1262 : i32 to index
        %swap3A_1293 = arith.constant 64 : index
        %swap3A_1294 = tpu.vector_load %arg8[%swap3A_1291, %swap3A_1292, %swap3A_1293] {strides = array<i32>} : memref<4x128x128xf32, #tpu.memory_space<vmem>>, vector<1x1x16xf32>,
        %swap3A_1295 = vector.shape_cast %swap3A_1294 : vector<1x1x16xf32> to vector<16xf32>
        %swap3A_1296 = vector.shape_cast %get3A_884 : vector<16xf32> to vector<1x1x16xf32>
        tpu.vector_store %arg8[%swap3A_1291, %swap3A_1292, %swap3A_1293], %swap3A_1296 {add = true, strides = array<i32>} : memref<4x128x128xf32, #tpu.memory_space<vmem>>, vector<1x1x16xf32>,
        %swap3A_1297 = arith.constant 0 : i32
        %swap3A_1298 = arith.index_cast %swap3A_1297 : i32 to index
        %swap3A_1299 = arith.index_cast %scan3A_1262 : i32 to index
        %swap3A_1300 = arith.constant 80 : index
        %swap3A_1301 = tpu.vector_load %arg8[%swap3A_1298, %swap3A_1299, %swap3A_1300] {strides = array<i32>} : memref<4x128x128xf32, #tpu.memory_space<vmem>>, vector<1x1x16xf32>,
        %swap3A_1302 = vector.shape_cast %swap3A_1301 : vector<1x1x16xf32> to vector<16xf32>
        %swap3A_1303 = vector.shape_cast %get3A_888 : vector<16xf32> to vector<1x1x16xf32>
        tpu.vector_store %arg8[%swap3A_1298, %swap3A_1299, %swap3A_1300], %swap3A_1303 {add = true, strides = array<i32>} : memref<4x128x128xf32, #tpu.memory_space<vmem>>, vector<1x1x16xf32>,
        %swap3A_1304 = arith.constant 0 : i32
        %swap3A_1305 = arith.index_cast %swap3A_1304 : i32 to index
        %swap3A_1306 = arith.index_cast %scan3A_1262 : i32 to index
        %swap3A_1307 = arith.constant 96 : index
        %swap3A_1308 = tpu.vector_load %arg8[%swap3A_1305, %swap3A_1306, %swap3A_1307] {strides = array<i32>} : memref<4x128x128xf32, #tpu.memory_space<vmem>>, vector<1x1x16xf32>,
        %swap3A_1309 = vector.shape_cast %swap3A_1308 : vector<1x1x16xf32> to vector<16xf32>
        %swap3A_1310 = vector.shape_cast %get3A_892 : vector<16xf32> to vector<1x1x16xf32>
        tpu.vector_store %arg8[%swap3A_1305, %swap3A_1306, %swap3A_1307], %swap3A_1310 {add = true, strides = array<i32>} : memref<4x128x128xf32, #tpu.memory_space<vmem>>, vector<1x1x16xf32>,
        %swap3A_1311 = arith.constant 0 : i32
        %swap3A_1312 = arith.index_cast %swap3A_1311 : i32 to index
        %swap3A_1313 = arith.index_cast %scan3A_1262 : i32 to index
        %swap3A_1314 = arith.constant 112 : index
        %swap3A_1315 = tpu.vector_load %arg8[%swap3A_1312, %swap3A_1313, %swap3A_1314] {strides = array<i32>} : memref<4x128x128xf32, #tpu.memory_space<vmem>>, vector<1x1x16xf32>,
        %swap3A_1316 = vector.shape_cast %swap3A_1315 : vector<1x1x16xf32> to vector<16xf32>
        %swap3A_1317 = vector.shape_cast %get3A_896 : vector<16xf32> to vector<1x1x16xf32>
        tpu.vector_store %arg8[%swap3A_1312, %swap3A_1313, %swap3A_1314], %swap3A_1317 {add = true, strides = array<i32>} : memref<4x128x128xf32, #tpu.memory_space<vmem>>, vector<1x1x16xf32>,
        %scan3A_1318 = arith.constant 1 : i32
        %scan3A_1319 = arith.addi %scan3A_1262, %scan3A_1318 : i32
        %swap3A_1320 = arith.constant 0 : i32
        %swap3A_1321 = arith.index_cast %swap3A_1320 : i32 to index
        %swap3A_1322 = arith.index_cast %scan3A_1319 : i32 to index
        %swap3A_1323 = arith.constant 0 : index
        %swap3A_1324 = tpu.vector_load %arg8[%swap3A_1321, %swap3A_1322, %swap3A_1323] {strides = array<i32>} : memref<4x128x128xf32, #tpu.memory_space<vmem>>, vector<1x1x16xf32>,
        %swap3A_1325 = vector.shape_cast %swap3A_1324 : vector<1x1x16xf32> to vector<16xf32>
        %swap3A_1326 = vector.shape_cast %get3A_868 : vector<16xf32> to vector<1x1x16xf32>
        tpu.vector_store %arg8[%swap3A_1321, %swap3A_1322, %swap3A_1323], %swap3A_1326 {add = true, strides = array<i32>} : memref<4x128x128xf32, #tpu.memory_space<vmem>>, vector<1x1x16xf32>,
        %swap3A_1327 = arith.constant 0 : i32
        %swap3A_1328 = arith.index_cast %swap3A_1327 : i32 to index
        %swap3A_1329 = arith.index_cast %scan3A_1319 : i32 to index
        %swap3A_1330 = arith.constant 16 : index
        %swap3A_1331 = tpu.vector_load %arg8[%swap3A_1328, %swap3A_1329, %swap3A_1330] {strides = array<i32>} : memref<4x128x128xf32, #tpu.memory_space<vmem>>, vector<1x1x16xf32>,
        %swap3A_1332 = vector.shape_cast %swap3A_1331 : vector<1x1x16xf32> to vector<16xf32>
        %swap3A_1333 = vector.shape_cast %get3A_872 : vector<16xf32> to vector<1x1x16xf32>
        tpu.vector_store %arg8[%swap3A_1328, %swap3A_1329, %swap3A_1330], %swap3A_1333 {add = true, strides = array<i32>} : memref<4x128x128xf32, #tpu.memory_space<vmem>>, vector<1x1x16xf32>,
        %swap3A_1334 = arith.constant 0 : i32
        %swap3A_1335 = arith.index_cast %swap3A_1334 : i32 to index
        %swap3A_1336 = arith.index_cast %scan3A_1319 : i32 to index
        %swap3A_1337 = arith.constant 32 : index
        %swap3A_1338 = tpu.vector_load %arg8[%swap3A_1335, %swap3A_1336, %swap3A_1337] {strides = array<i32>} : memref<4x128x128xf32, #tpu.memory_space<vmem>>, vector<1x1x16xf32>,
        %swap3A_1339 = vector.shape_cast %swap3A_1338 : vector<1x1x16xf32> to vector<16xf32>
        %swap3A_1340 = vector.shape_cast %get3A_876 : vector<16xf32> to vector<1x1x16xf32>
        tpu.vector_store %arg8[%swap3A_1335, %swap3A_1336, %swap3A_1337], %swap3A_1340 {add = true, strides = array<i32>} : memref<4x128x128xf32, #tpu.memory_space<vmem>>, vector<1x1x16xf32>,
        %swap3A_1341 = arith.constant 0 : i32
        %swap3A_1342 = arith.index_cast %swap3A_1341 : i32 to index
        %swap3A_1343 = arith.index_cast %scan3A_1319 : i32 to index
        %swap3A_1344 = arith.constant 48 : index
        %swap3A_1345 = tpu.vector_load %arg8[%swap3A_1342, %swap3A_1343, %swap3A_1344] {strides = array<i32>} : memref<4x128x128xf32, #tpu.memory_space<vmem>>, vector<1x1x16xf32>,
        %swap3A_1346 = vector.shape_cast %swap3A_1345 : vector<1x1x16xf32> to vector<16xf32>
        %swap3A_1347 = vector.shape_cast %get3A_880 : vector<16xf32> to vector<1x1x16xf32>
        tpu.vector_store %arg8[%swap3A_1342, %swap3A_1343, %swap3A_1344], %swap3A_1347 {add = true, strides = array<i32>} : memref<4x128x128xf32, #tpu.memory_space<vmem>>, vector<1x1x16xf32>,
        %swap3A_1348 = arith.constant 0 : i32
        %swap3A_1349 = arith.index_cast %swap3A_1348 : i32 to index
        %swap3A_1350 = arith.index_cast %scan3A_1319 : i32 to index
        %swap3A_1351 = arith.constant 64 : index
        %swap3A_1352 = tpu.vector_load %arg8[%swap3A_1349, %swap3A_1350, %swap3A_1351] {strides = array<i32>} : memref<4x128x128xf32, #tpu.memory_space<vmem>>, vector<1x1x16xf32>,
        %swap3A_1353 = vector.shape_cast %swap3A_1352 : vector<1x1x16xf32> to vector<16xf32>
        %swap3A_1354 = vector.shape_cast %get3A_884 : vector<16xf32> to vector<1x1x16xf32>
        tpu.vector_store %arg8[%swap3A_1349, %swap3A_1350, %swap3A_1351], %swap3A_1354 {add = true, strides = array<i32>} : memref<4x128x128xf32, #tpu.memory_space<vmem>>, vector<1x1x16xf32>,
        %swap3A_1355 = arith.constant 0 : i32
        %swap3A_1356 = arith.index_cast %swap3A_1355 : i32 to index
        %swap3A_1357 = arith.index_cast %scan3A_1319 : i32 to index
        %swap3A_1358 = arith.constant 80 : index
        %swap3A_1359 = tpu.vector_load %arg8[%swap3A_1356, %swap3A_1357, %swap3A_1358] {strides = array<i32>} : memref<4x128x128xf32, #tpu.memory_space<vmem>>, vector<1x1x16xf32>,
        %swap3A_1360 = vector.shape_cast %swap3A_1359 : vector<1x1x16xf32> to vector<16xf32>
        %swap3A_1361 = vector.shape_cast %get3A_888 : vector<16xf32> to vector<1x1x16xf32>
        tpu.vector_store %arg8[%swap3A_1356, %swap3A_1357, %swap3A_1358], %swap3A_1361 {add = true, strides = array<i32>} : memref<4x128x128xf32, #tpu.memory_space<vmem>>, vector<1x1x16xf32>,
        %swap3A_1362 = arith.constant 0 : i32
        %swap3A_1363 = arith.index_cast %swap3A_1362 : i32 to index
        %swap3A_1364 = arith.index_cast %scan3A_1319 : i32 to index
        %swap3A_1365 = arith.constant 96 : index
        %swap3A_1366 = tpu.vector_load %arg8[%swap3A_1363, %swap3A_1364, %swap3A_1365] {strides = array<i32>} : memref<4x128x128xf32, #tpu.memory_space<vmem>>, vector<1x1x16xf32>,
        %swap3A_1367 = vector.shape_cast %swap3A_1366 : vector<1x1x16xf32> to vector<16xf32>
        %swap3A_1368 = vector.shape_cast %get3A_892 : vector<16xf32> to vector<1x1x16xf32>
        tpu.vector_store %arg8[%swap3A_1363, %swap3A_1364, %swap3A_1365], %swap3A_1368 {add = true, strides = array<i32>} : memref<4x128x128xf32, #tpu.memory_space<vmem>>, vector<1x1x16xf32>,
        %swap3A_1369 = arith.constant 0 : i32
        %swap3A_1370 = arith.index_cast %swap3A_1369 : i32 to index
        %swap3A_1371 = arith.index_cast %scan3A_1319 : i32 to index
        %swap3A_1372 = arith.constant 112 : index
        %swap3A_1373 = tpu.vector_load %arg8[%swap3A_1370, %swap3A_1371, %swap3A_1372] {strides = array<i32>} : memref<4x128x128xf32, #tpu.memory_space<vmem>>, vector<1x1x16xf32>,
        %swap3A_1374 = vector.shape_cast %swap3A_1373 : vector<1x1x16xf32> to vector<16xf32>
        %swap3A_1375 = vector.shape_cast %get3A_896 : vector<16xf32> to vector<1x1x16xf32>
        tpu.vector_store %arg8[%swap3A_1370, %swap3A_1371, %swap3A_1372], %swap3A_1375 {add = true, strides = array<i32>} : memref<4x128x128xf32, #tpu.memory_space<vmem>>, vector<1x1x16xf32>,
        %scan3A_1376 = arith.constant 2 : i32
        %scan3A_1377 = arith.addi %scan3A_1262, %scan3A_1376 : i32
        %swap3A_1378 = arith.constant 0 : i32
        %swap3A_1379 = arith.index_cast %swap3A_1378 : i32 to index
        %swap3A_1380 = arith.index_cast %scan3A_1377 : i32 to index
        %swap3A_1381 = arith.constant 0 : index
        %swap3A_1382 = tpu.vector_load %arg8[%swap3A_1379, %swap3A_1380, %swap3A_1381] {strides = array<i32>} : memref<4x128x128xf32, #tpu.memory_space<vmem>>, vector<1x1x16xf32>,
        %swap3A_1383 = vector.shape_cast %swap3A_1382 : vector<1x1x16xf32> to vector<16xf32>
        %swap3A_1384 = vector.shape_cast %get3A_868 : vector<16xf32> to vector<1x1x16xf32>
        tpu.vector_store %arg8[%swap3A_1379, %swap3A_1380, %swap3A_1381], %swap3A_1384 {add = true, strides = array<i32>} : memref<4x128x128xf32, #tpu.memory_space<vmem>>, vector<1x1x16xf32>,
        %swap3A_1385 = arith.constant 0 : i32
        %swap3A_1386 = arith.index_cast %swap3A_1385 : i32 to index
        %swap3A_1387 = arith.index_cast %scan3A_1377 : i32 to index
        %swap3A_1388 = arith.constant 16 : index
        %swap3A_1389 = tpu.vector_load %arg8[%swap3A_1386, %swap3A_1387, %swap3A_1388] {strides = array<i32>} : memref<4x128x128xf32, #tpu.memory_space<vmem>>, vector<1x1x16xf32>,
        %swap3A_1390 = vector.shape_cast %swap3A_1389 : vector<1x1x16xf32> to vector<16xf32>
        %swap3A_1391 = vector.shape_cast %get3A_872 : vector<16xf32> to vector<1x1x16xf32>
        tpu.vector_store %arg8[%swap3A_1386, %swap3A_1387, %swap3A_1388], %swap3A_1391 {add = true, strides = array<i32>} : memref<4x128x128xf32, #tpu.memory_space<vmem>>, vector<1x1x16xf32>,
        %swap3A_1392 = arith.constant 0 : i32
        %swap3A_1393 = arith.index_cast %swap3A_1392 : i32 to index
        %swap3A_1394 = arith.index_cast %scan3A_1377 : i32 to index
        %swap3A_1395 = arith.constant 32 : index
        %swap3A_1396 = tpu.vector_load %arg8[%swap3A_1393, %swap3A_1394, %swap3A_1395] {strides = array<i32>} : memref<4x128x128xf32, #tpu.memory_space<vmem>>, vector<1x1x16xf32>,
        %swap3A_1397 = vector.shape_cast %swap3A_1396 : vector<1x1x16xf32> to vector<16xf32>
        %swap3A_1398 = vector.shape_cast %get3A_876 : vector<16xf32> to vector<1x1x16xf32>
        tpu.vector_store %arg8[%swap3A_1393, %swap3A_1394, %swap3A_1395], %swap3A_1398 {add = true, strides = array<i32>} : memref<4x128x128xf32, #tpu.memory_space<vmem>>, vector<1x1x16xf32>,
        %swap3A_1399 = arith.constant 0 : i32
        %swap3A_1400 = arith.index_cast %swap3A_1399 : i32 to index
        %swap3A_1401 = arith.index_cast %scan3A_1377 : i32 to index
        %swap3A_1402 = arith.constant 48 : index
        %swap3A_1403 = tpu.vector_load %arg8[%swap3A_1400, %swap3A_1401, %swap3A_1402] {strides = array<i32>} : memref<4x128x128xf32, #tpu.memory_space<vmem>>, vector<1x1x16xf32>,
        %swap3A_1404 = vector.shape_cast %swap3A_1403 : vector<1x1x16xf32> to vector<16xf32>
        %swap3A_1405 = vector.shape_cast %get3A_880 : vector<16xf32> to vector<1x1x16xf32>
        tpu.vector_store %arg8[%swap3A_1400, %swap3A_1401, %swap3A_1402], %swap3A_1405 {add = true, strides = array<i32>} : memref<4x128x128xf32, #tpu.memory_space<vmem>>, vector<1x1x16xf32>,
        %swap3A_1406 = arith.constant 0 : i32
        %swap3A_1407 = arith.index_cast %swap3A_1406 : i32 to index
        %swap3A_1408 = arith.index_cast %scan3A_1377 : i32 to index
        %swap3A_1409 = arith.constant 64 : index
        %swap3A_1410 = tpu.vector_load %arg8[%swap3A_1407, %swap3A_1408, %swap3A_1409] {strides = array<i32>} : memref<4x128x128xf32, #tpu.memory_space<vmem>>, vector<1x1x16xf32>,
        %swap3A_1411 = vector.shape_cast %swap3A_1410 : vector<1x1x16xf32> to vector<16xf32>
        %swap3A_1412 = vector.shape_cast %get3A_884 : vector<16xf32> to vector<1x1x16xf32>
        tpu.vector_store %arg8[%swap3A_1407, %swap3A_1408, %swap3A_1409], %swap3A_1412 {add = true, strides = array<i32>} : memref<4x128x128xf32, #tpu.memory_space<vmem>>, vector<1x1x16xf32>,
        %swap3A_1413 = arith.constant 0 : i32
        %swap3A_1414 = arith.index_cast %swap3A_1413 : i32 to index
        %swap3A_1415 = arith.index_cast %scan3A_1377 : i32 to index
        %swap3A_1416 = arith.constant 80 : index
        %swap3A_1417 = tpu.vector_load %arg8[%swap3A_1414, %swap3A_1415, %swap3A_1416] {strides = array<i32>} : memref<4x128x128xf32, #tpu.memory_space<vmem>>, vector<1x1x16xf32>,
        %swap3A_1418 = vector.shape_cast %swap3A_1417 : vector<1x1x16xf32> to vector<16xf32>
        %swap3A_1419 = vector.shape_cast %get3A_888 : vector<16xf32> to vector<1x1x16xf32>
        tpu.vector_store %arg8[%swap3A_1414, %swap3A_1415, %swap3A_1416], %swap3A_1419 {add = true, strides = array<i32>} : memref<4x128x128xf32, #tpu.memory_space<vmem>>, vector<1x1x16xf32>,
        %swap3A_1420 = arith.constant 0 : i32
        %swap3A_1421 = arith.index_cast %swap3A_1420 : i32 to index
        %swap3A_1422 = arith.index_cast %scan3A_1377 : i32 to index
        %swap3A_1423 = arith.constant 96 : index
        %swap3A_1424 = tpu.vector_load %arg8[%swap3A_1421, %swap3A_1422, %swap3A_1423] {strides = array<i32>} : memref<4x128x128xf32, #tpu.memory_space<vmem>>, vector<1x1x16xf32>,
        %swap3A_1425 = vector.shape_cast %swap3A_1424 : vector<1x1x16xf32> to vector<16xf32>
        %swap3A_1426 = vector.shape_cast %get3A_892 : vector<16xf32> to vector<1x1x16xf32>
        tpu.vector_store %arg8[%swap3A_1421, %swap3A_1422, %swap3A_1423], %swap3A_1426 {add = true, strides = array<i32>} : memref<4x128x128xf32, #tpu.memory_space<vmem>>, vector<1x1x16xf32>,
        %swap3A_1427 = arith.constant 0 : i32
        %swap3A_1428 = arith.index_cast %swap3A_1427 : i32 to index
        %swap3A_1429 = arith.index_cast %scan3A_1377 : i32 to index
        %swap3A_1430 = arith.constant 112 : index
        %swap3A_1431 = tpu.vector_load %arg8[%swap3A_1428, %swap3A_1429, %swap3A_1430] {strides = array<i32>} : memref<4x128x128xf32, #tpu.memory_space<vmem>>, vector<1x1x16xf32>,
        %swap3A_1432 = vector.shape_cast %swap3A_1431 : vector<1x1x16xf32> to vector<16xf32>
        %swap3A_1433 = vector.shape_cast %get3A_896 : vector<16xf32> to vector<1x1x16xf32>
        tpu.vector_store %arg8[%swap3A_1428, %swap3A_1429, %swap3A_1430], %swap3A_1433 {add = true, strides = array<i32>} : memref<4x128x128xf32, #tpu.memory_space<vmem>>, vector<1x1x16xf32>,
        %scan3A_1434 = arith.constant 3 : i32
        %scan3A_1435 = arith.addi %scan3A_1262, %scan3A_1434 : i32
        %swap3A_1436 = arith.constant 0 : i32
        %swap3A_1437 = arith.index_cast %swap3A_1436 : i32 to index
        %swap3A_1438 = arith.index_cast %scan3A_1435 : i32 to index
        %swap3A_1439 = arith.constant 0 : index
        %swap3A_1440 = tpu.vector_load %arg8[%swap3A_1437, %swap3A_1438, %swap3A_1439] {strides = array<i32>} : memref<4x128x128xf32, #tpu.memory_space<vmem>>, vector<1x1x16xf32>,
        %swap3A_1441 = vector.shape_cast %swap3A_1440 : vector<1x1x16xf32> to vector<16xf32>
        %swap3A_1442 = vector.shape_cast %get3A_868 : vector<16xf32> to vector<1x1x16xf32>
        tpu.vector_store %arg8[%swap3A_1437, %swap3A_1438, %swap3A_1439], %swap3A_1442 {add = true, strides = array<i32>} : memref<4x128x128xf32, #tpu.memory_space<vmem>>, vector<1x1x16xf32>,
        %swap3A_1443 = arith.constant 0 : i32
        %swap3A_1444 = arith.index_cast %swap3A_1443 : i32 to index
        %swap3A_1445 = arith.index_cast %scan3A_1435 : i32 to index
        %swap3A_1446 = arith.constant 16 : index
        %swap3A_1447 = tpu.vector_load %arg8[%swap3A_1444, %swap3A_1445, %swap3A_1446] {strides = array<i32>} : memref<4x128x128xf32, #tpu.memory_space<vmem>>, vector<1x1x16xf32>,
        %swap3A_1448 = vector.shape_cast %swap3A_1447 : vector<1x1x16xf32> to vector<16xf32>
        %swap3A_1449 = vector.shape_cast %get3A_872 : vector<16xf32> to vector<1x1x16xf32>
        tpu.vector_store %arg8[%swap3A_1444, %swap3A_1445, %swap3A_1446], %swap3A_1449 {add = true, strides = array<i32>} : memref<4x128x128xf32, #tpu.memory_space<vmem>>, vector<1x1x16xf32>,
        %swap3A_1450 = arith.constant 0 : i32
        %swap3A_1451 = arith.index_cast %swap3A_1450 : i32 to index
        %swap3A_1452 = arith.index_cast %scan3A_1435 : i32 to index
        %swap3A_1453 = arith.constant 32 : index
        %swap3A_1454 = tpu.vector_load %arg8[%swap3A_1451, %swap3A_1452, %swap3A_1453] {strides = array<i32>} : memref<4x128x128xf32, #tpu.memory_space<vmem>>, vector<1x1x16xf32>,
        %swap3A_1455 = vector.shape_cast %swap3A_1454 : vector<1x1x16xf32> to vector<16xf32>
        %swap3A_1456 = vector.shape_cast %get3A_876 : vector<16xf32> to vector<1x1x16xf32>
        tpu.vector_store %arg8[%swap3A_1451, %swap3A_1452, %swap3A_1453], %swap3A_1456 {add = true, strides = array<i32>} : memref<4x128x128xf32, #tpu.memory_space<vmem>>, vector<1x1x16xf32>,
        %swap3A_1457 = arith.constant 0 : i32
        %swap3A_1458 = arith.index_cast %swap3A_1457 : i32 to index
        %swap3A_1459 = arith.index_cast %scan3A_1435 : i32 to index
        %swap3A_1460 = arith.constant 48 : index
        %swap3A_1461 = tpu.vector_load %arg8[%swap3A_1458, %swap3A_1459, %swap3A_1460] {strides = array<i32>} : memref<4x128x128xf32, #tpu.memory_space<vmem>>, vector<1x1x16xf32>,
        %swap3A_1462 = vector.shape_cast %swap3A_1461 : vector<1x1x16xf32> to vector<16xf32>
        %swap3A_1463 = vector.shape_cast %get3A_880 : vector<16xf32> to vector<1x1x16xf32>
        tpu.vector_store %arg8[%swap3A_1458, %swap3A_1459, %swap3A_1460], %swap3A_1463 {add = true, strides = array<i32>} : memref<4x128x128xf32, #tpu.memory_space<vmem>>, vector<1x1x16xf32>,
        %swap3A_1464 = arith.constant 0 : i32
        %swap3A_1465 = arith.index_cast %swap3A_1464 : i32 to index
        %swap3A_1466 = arith.index_cast %scan3A_1435 : i32 to index
        %swap3A_1467 = arith.constant 64 : index
        %swap3A_1468 = tpu.vector_load %arg8[%swap3A_1465, %swap3A_1466, %swap3A_1467] {strides = array<i32>} : memref<4x128x128xf32, #tpu.memory_space<vmem>>, vector<1x1x16xf32>,
        %swap3A_1469 = vector.shape_cast %swap3A_1468 : vector<1x1x16xf32> to vector<16xf32>
        %swap3A_1470 = vector.shape_cast %get3A_884 : vector<16xf32> to vector<1x1x16xf32>
        tpu.vector_store %arg8[%swap3A_1465, %swap3A_1466, %swap3A_1467], %swap3A_1470 {add = true, strides = array<i32>} : memref<4x128x128xf32, #tpu.memory_space<vmem>>, vector<1x1x16xf32>,
        %swap3A_1471 = arith.constant 0 : i32
        %swap3A_1472 = arith.index_cast %swap3A_1471 : i32 to index
        %swap3A_1473 = arith.index_cast %scan3A_1435 : i32 to index
        %swap3A_1474 = arith.constant 80 : index
        %swap3A_1475 = tpu.vector_load %arg8[%swap3A_1472, %swap3A_1473, %swap3A_1474] {strides = array<i32>} : memref<4x128x128xf32, #tpu.memory_space<vmem>>, vector<1x1x16xf32>,
        %swap3A_1476 = vector.shape_cast %swap3A_1475 : vector<1x1x16xf32> to vector<16xf32>
        %swap3A_1477 = vector.shape_cast %get3A_888 : vector<16xf32> to vector<1x1x16xf32>
        tpu.vector_store %arg8[%swap3A_1472, %swap3A_1473, %swap3A_1474], %swap3A_1477 {add = true, strides = array<i32>} : memref<4x128x128xf32, #tpu.memory_space<vmem>>, vector<1x1x16xf32>,
        %swap3A_1478 = arith.constant 0 : i32
        %swap3A_1479 = arith.index_cast %swap3A_1478 : i32 to index
        %swap3A_1480 = arith.index_cast %scan3A_1435 : i32 to index
        %swap3A_1481 = arith.constant 96 : index
        %swap3A_1482 = tpu.vector_load %arg8[%swap3A_1479, %swap3A_1480, %swap3A_1481] {strides = array<i32>} : memref<4x128x128xf32, #tpu.memory_space<vmem>>, vector<1x1x16xf32>,
        %swap3A_1483 = vector.shape_cast %swap3A_1482 : vector<1x1x16xf32> to vector<16xf32>
        %swap3A_1484 = vector.shape_cast %get3A_892 : vector<16xf32> to vector<1x1x16xf32>
        tpu.vector_store %arg8[%swap3A_1479, %swap3A_1480, %swap3A_1481], %swap3A_1484 {add = true, strides = array<i32>} : memref<4x128x128xf32, #tpu.memory_space<vmem>>, vector<1x1x16xf32>,
        %swap3A_1485 = arith.constant 0 : i32
        %swap3A_1486 = arith.index_cast %swap3A_1485 : i32 to index
        %swap3A_1487 = arith.index_cast %scan3A_1435 : i32 to index
        %swap3A_1488 = arith.constant 112 : index
        %swap3A_1489 = tpu.vector_load %arg8[%swap3A_1486, %swap3A_1487, %swap3A_1488] {strides = array<i32>} : memref<4x128x128xf32, #tpu.memory_space<vmem>>, vector<1x1x16xf32>,
        %swap3A_1490 = vector.shape_cast %swap3A_1489 : vector<1x1x16xf32> to vector<16xf32>
        %swap3A_1491 = vector.shape_cast %get3A_896 : vector<16xf32> to vector<1x1x16xf32>
        tpu.vector_store %arg8[%swap3A_1486, %swap3A_1487, %swap3A_1488], %swap3A_1491 {add = true, strides = array<i32>} : memref<4x128x128xf32, #tpu.memory_space<vmem>>, vector<1x1x16xf32>,
      }
      %scan3A_902 = arith.constant 128 : i32
      %mul3A_903 = arith.constant 128 : i32
      %mul3A_904 = arith.muli %add3A_817, %mul3A_903 : i32
      %add3A_905 = arith.addi %mul3A_2, %mul3A_904 : i32
      %div3A_906 = arith.constant 4096 : i32
      %div3A_907 = arith.divsi %add3A_905, %div3A_906 : i32
      %rem3A_908 = arith.constant 4096 : i32
      %rem3A_909 = arith.remsi %add3A_905, %rem3A_908 : i32
      %dma_start3A_910 = arith.constant 0 : i32
      %dma_start3A_911 = arith.constant 0 : i32
      %dma_start3A_912 = arith.constant 0 : i32
      %dma_start3A_913 = tpu.memref_slice %arg8[%dma_start3A_910, %dma_start3A_911, %dma_start3A_912] : memref<4x128x128xf32, #tpu.memory_space<vmem>> -> memref<1x128x128xf32, #tpu.memory_space<vmem>>
      %dma_start3A_914 = tpu.memref_squeeze %dma_start3A_913 : memref<1x128x128xf32, #tpu.memory_space<vmem>> -> memref<128x128xf32, #tpu.memory_space<vmem>>
      %dma_start3A_915 = arith.constant 0 : i32
      %dma_start3A_916 = tpu.memref_slice %arg5[%rem3A_909, %div3A_907, %dma_start3A_915] : memref<4096x200x128xf32, #tpu.memory_space<hbm>> -> memref<128x1x128xf32, #tpu.memory_space<hbm>>
      %dma_start3A_917 = tpu.memref_squeeze %dma_start3A_916 : memref<128x1x128xf32, #tpu.memory_space<hbm>> -> memref<128x128xf32, #tpu.memory_space<hbm>>
      %dma_start3A_918 = arith.constant 0 : i32
      %dma_start3A_919 = tpu.memref_slice %arg5[%rem3A_909, %div3A_907, %dma_start3A_918] : memref<4096x200x128xf32, #tpu.memory_space<hbm>> -> memref<128x1x128xf32, #tpu.memory_space<hbm>>
      %dma_start3A_920 = tpu.memref_squeeze %dma_start3A_919 : memref<128x1x128xf32, #tpu.memory_space<hbm>> -> memref<128x128xf32, #tpu.memory_space<hbm>>
      %dma_start3A_921 = arith.constant 0 : i32
      %dma_start3A_922 = arith.constant 0 : i32
      %dma_start3A_923 = tpu.memref_slice %arg8[%dma_start3A_910, %dma_start3A_921, %dma_start3A_922] : memref<4x128x128xf32, #tpu.memory_space<vmem>> -> memref<1x128x128xf32, #tpu.memory_space<vmem>>
      %dma_start3A_924 = tpu.memref_squeeze %dma_start3A_923 : memref<1x128x128xf32, #tpu.memory_space<vmem>> -> memref<128x128xf32, #tpu.memory_space<vmem>>
      tpu.enqueue_dma source(%dma_start3A_924 : memref<128x128xf32, #tpu.memory_space<vmem>>) target(%dma_start3A_920 : memref<128x128xf32, #tpu.memory_space<hbm>>) target_semaphore(%arg13 : memref<!tpu.dma_semaphore, #tpu.memory_space<semaphore_mem>>)
      %mul3A_925 = arith.constant 4 : i32
      %mul3A_926 = arith.muli %scan3A_812, %mul3A_925 : i32
      %add3A_927 = arith.constant 1 : i32
      %add3A_928 = arith.addi %mul3A_926, %add3A_927 : i32
      %dma_wait3A_929 = arith.constant 0 : i32
      %dma_wait3A_930 = arith.constant 0 : i32
      %dma_wait3A_931 = arith.constant 0 : i32
      %dma_wait3A_932 = arith.constant 0 : i32
      %dma_wait3A_933 = tpu.memref_slice %arg8[%dma_wait3A_929, %dma_wait3A_931, %dma_wait3A_932] : memref<4x128x128xf32, #tpu.memory_space<vmem>> -> memref<1x128x128xf32, #tpu.memory_space<vmem>>
      %dma_wait3A_934 = tpu.memref_squeeze %dma_wait3A_933 : memref<1x128x128xf32, #tpu.memory_space<vmem>> -> memref<128x128xf32, #tpu.memory_space<vmem>>
      %dma_wait3A_935 = arith.constant 0 : i32
      %dma_wait3A_936 = arith.constant 0 : i32
      %dma_wait3A_937 = tpu.memref_slice %arg5[%dma_wait3A_935, %dma_wait3A_930, %dma_wait3A_936] : memref<4096x200x128xf32, #tpu.memory_space<hbm>> -> memref<128x1x128xf32, #tpu.memory_space<hbm>>
      %dma_wait3A_938 = tpu.memref_squeeze %dma_wait3A_937 : memref<128x1x128xf32, #tpu.memory_space<hbm>> -> memref<128x128xf32, #tpu.memory_space<hbm>>
      %dma_wait3A_939 = arith.constant 0 : i32
      %dma_wait3A_940 = arith.constant 0 : i32
      %dma_wait3A_941 = tpu.memref_slice %arg5[%dma_wait3A_939, %dma_wait3A_930, %dma_wait3A_940] : memref<4096x200x128xf32, #tpu.memory_space<hbm>> -> memref<128x1x128xf32, #tpu.memory_space<hbm>>
      %dma_wait3A_942 = tpu.memref_squeeze %dma_wait3A_941 : memref<128x1x128xf32, #tpu.memory_space<hbm>> -> memref<128x128xf32, #tpu.memory_space<hbm>>
      %dma_wait3A_943 = arith.constant 0 : i32
      %dma_wait3A_944 = arith.constant 0 : i32
      %dma_wait3A_945 = tpu.memref_slice %arg8[%dma_wait3A_929, %dma_wait3A_943, %dma_wait3A_944] : memref<4x128x128xf32, #tpu.memory_space<vmem>> -> memref<1x128x128xf32, #tpu.memory_space<vmem>>
      %dma_wait3A_946 = tpu.memref_squeeze %dma_wait3A_945 : memref<1x128x128xf32, #tpu.memory_space<vmem>> -> memref<128x128xf32, #tpu.memory_space<vmem>>
      tpu.wait_dma2 semaphore(%arg13 : memref<!tpu.dma_semaphore, #tpu.memory_space<semaphore_mem>>) src(%dma_wait3A_946 : memref<128x128xf32, #tpu.memory_space<vmem>>) dst(%dma_wait3A_942 : memref<128x128xf32, #tpu.memory_space<hbm>>)
      %add3A_947 = arith.constant 4 : i32
      %add3A_948 = arith.addi %add3A_928, %add3A_947 : i32
      %sub3A_949 = arith.constant 1 : i32
      %sub3A_950 = arith.subi %add3A_948, %sub3A_949 : i32
      %mul3A_951 = arith.constant 128 : i32
      %mul3A_952 = arith.muli %sub3A_950, %mul3A_951 : i32
      %dma_start3A_953 = arith.constant 0 : i32
      %dma_start3A_954 = arith.constant 0 : i32
      %dma_start3A_955 = arith.constant 0 : i32
      %dma_start3A_956 = tpu.memref_slice %arg8[%dma_start3A_953, %dma_start3A_954, %dma_start3A_955] : memref<4x128x128xf32, #tpu.memory_space<vmem>> -> memref<1x128x128xf32, #tpu.memory_space<vmem>>
      %dma_start3A_957 = tpu.memref_squeeze %dma_start3A_956 : memref<1x128x128xf32, #tpu.memory_space<vmem>> -> memref<128x128xf32, #tpu.memory_space<vmem>>
      %dma_start3A_958 = tpu.memref_slice %arg6[%mul3A_952] : memref<25600xi32, #tpu.memory_space<vmem>> -> memref<128xi32, #tpu.memory_space<vmem>>
      %dma_start3A_959 = arith.constant 0 : i32
      %dma_start3A_960 = arith.constant 0 : i32
      %dma_start3A_961 = tpu.memref_slice %arg3[%dma_start3A_959, %dma_start3A_960] : memref<100000x128xf32, #tpu.memory_space<hbm>> -> memref<100000x128xf32, #tpu.memory_space<hbm>>
      tpu.enqueue_indirect_dma source(%dma_start3A_961 : memref<100000x128xf32, #tpu.memory_space<hbm>>) target(%dma_start3A_957 : memref<128x128xf32, #tpu.memory_space<vmem>>) offsets(%dma_start3A_958 : memref<128xi32, #tpu.memory_space<vmem>>) semaphore(%arg9 : memref<!tpu.dma_semaphore, #tpu.memory_space<semaphore_mem>>)
      %dma_wait3A_962 = arith.constant 1 : i32
      %dma_wait3A_963 = arith.constant 0 : i32
      %dma_wait3A_964 = arith.constant 0 : i32
      %dma_wait3A_965 = tpu.memref_slice %arg8[%dma_wait3A_962, %dma_wait3A_963, %dma_wait3A_964] : memref<4x128x128xf32, #tpu.memory_space<vmem>> -> memref<1x128x128xf32, #tpu.memory_space<vmem>>
      %dma_wait3A_966 = tpu.memref_squeeze %dma_wait3A_965 : memref<1x128x128xf32, #tpu.memory_space<vmem>> -> memref<128x128xf32, #tpu.memory_space<vmem>>
      %dma_wait3A_967 = arith.constant 0 : i32
      %dma_wait3A_968 = tpu.memref_slice %arg6[%dma_wait3A_967] : memref<25600xi32, #tpu.memory_space<vmem>> -> memref<128xi32, #tpu.memory_space<vmem>>
      %dma_wait3A_969 = arith.constant 0 : i32
      %dma_wait3A_970 = arith.constant 0 : i32
      %dma_wait3A_971 = tpu.memref_slice %arg3[%dma_wait3A_969, %dma_wait3A_970] : memref<100000x128xf32, #tpu.memory_space<hbm>> -> memref<100000x128xf32, #tpu.memory_space<hbm>>
      tpu.wait_indirect_dma semaphore(%arg10 : memref<!tpu.dma_semaphore, #tpu.memory_space<semaphore_mem>>) src(%dma_wait3A_971 : memref<100000x128xf32, #tpu.memory_space<hbm>>) dst(%dma_wait3A_966 : memref<128x128xf32, #tpu.memory_space<vmem>>)
      %mul3A_972 = arith.constant 128 : i32
      %mul3A_973 = arith.muli %add3A_928, %mul3A_972 : i32
      %add3A_974 = arith.addi %mul3A_2, %mul3A_973 : i32
      %div3A_975 = arith.constant 4096 : i32
      %div3A_976 = arith.divsi %add3A_974, %div3A_975 : i32
      %get3A_977 = arith.index_cast %div3A_976 : i32 to index
      %get3A_978 = arith.constant 0 : index
      %get3A_979 = tpu.vector_load %arg7[%get3A_977, %get3A_978] {strides = array<i32>} : memref<200x128xf32, #tpu.memory_space<vmem>>, vector<1x16xf32>,
      %get3A_980 = vector.shape_cast %get3A_979 : vector<1x16xf32> to vector<16xf32>
      %get3A_981 = arith.index_cast %div3A_976 : i32 to index
      %get3A_982 = arith.constant 16 : index
      %get3A_983 = tpu.vector_load %arg7[%get3A_981, %get3A_982] {strides = array<i32>} : memref<200x128xf32, #tpu.memory_space<vmem>>, vector<1x16xf32>,
      %get3A_984 = vector.shape_cast %get3A_983 : vector<1x16xf32> to vector<16xf32>
      %get3A_985 = arith.index_cast %div3A_976 : i32 to index
      %get3A_986 = arith.constant 32 : index
      %get3A_987 = tpu.vector_load %arg7[%get3A_985, %get3A_986] {strides = array<i32>} : memref<200x128xf32, #tpu.memory_space<vmem>>, vector<1x16xf32>,
      %get3A_988 = vector.shape_cast %get3A_987 : vector<1x16xf32> to vector<16xf32>
      %get3A_989 = arith.index_cast %div3A_976 : i32 to index
      %get3A_990 = arith.constant 48 : index
      %get3A_991 = tpu.vector_load %arg7[%get3A_989, %get3A_990] {strides = array<i32>} : memref<200x128xf32, #tpu.memory_space<vmem>>, vector<1x16xf32>,
      %get3A_992 = vector.shape_cast %get3A_991 : vector<1x16xf32> to vector<16xf32>
      %get3A_993 = arith.index_cast %div3A_976 : i32 to index
      %get3A_994 = arith.constant 64 : index
      %get3A_995 = tpu.vector_load %arg7[%get3A_993, %get3A_994] {strides = array<i32>} : memref<200x128xf32, #tpu.memory_space<vmem>>, vector<1x16xf32>,
      %get3A_996 = vector.shape_cast %get3A_995 : vector<1x16xf32> to vector<16xf32>
      %get3A_997 = arith.index_cast %div3A_976 : i32 to index
      %get3A_998 = arith.constant 80 : index
      %get3A_999 = tpu.vector_load %arg7[%get3A_997, %get3A_998] {strides = array<i32>} : memref<200x128xf32, #tpu.memory_space<vmem>>, vector<1x16xf32>,
      %get3A_1000 = vector.shape_cast %get3A_999 : vector<1x16xf32> to vector<16xf32>
      %get3A_1001 = arith.index_cast %div3A_976 : i32 to index
      %get3A_1002 = arith.constant 96 : index
      %get3A_1003 = tpu.vector_load %arg7[%get3A_1001, %get3A_1002] {strides = array<i32>} : memref<200x128xf32, #tpu.memory_space<vmem>>, vector<1x16xf32>,
      %get3A_1004 = vector.shape_cast %get3A_1003 : vector<1x16xf32> to vector<16xf32>
      %get3A_1005 = arith.index_cast %div3A_976 : i32 to index
      %get3A_1006 = arith.constant 112 : index
      %get3A_1007 = tpu.vector_load %arg7[%get3A_1005, %get3A_1006] {strides = array<i32>} : memref<200x128xf32, #tpu.memory_space<vmem>>, vector<1x16xf32>,
      %get3A_1008 = vector.shape_cast %get3A_1007 : vector<1x16xf32> to vector<16xf32>
      %scan3A_1009 = arith.constant 0 : i32
      %scan3A_1010 = arith.constant 0 : i32
      %scan3A_1011 = arith.constant 128 : i32
      %scan3A_1012 = arith.addi %scan3A_1010, %scan3A_1011 : i32
      %scan3A_1013 = arith.constant 4 : i32
      scf.for %scan3A_1262 = %scan3A_1010 to %scan3A_1012 step %scan3A_1013  : i32 {
        %swap3A = arith.constant 1 : i32
        %swap3A_1263 = arith.index_cast %swap3A : i32 to index
        %swap3A_1264 = arith.index_cast %scan3A_1262 : i32 to index
        %swap3A_1265 = arith.constant 0 : index
        %swap3A_1266 = tpu.vector_load %arg8[%swap3A_1263, %swap3A_1264, %swap3A_1265] {strides = array<i32>} : memref<4x128x128xf32, #tpu.memory_space<vmem>>, vector<1x1x16xf32>,
        %swap3A_1267 = vector.shape_cast %swap3A_1266 : vector<1x1x16xf32> to vector<16xf32>
        %swap3A_1268 = vector.shape_cast %get3A_980 : vector<16xf32> to vector<1x1x16xf32>
        tpu.vector_store %arg8[%swap3A_1263, %swap3A_1264, %swap3A_1265], %swap3A_1268 {add = true, strides = array<i32>} : memref<4x128x128xf32, #tpu.memory_space<vmem>>, vector<1x1x16xf32>,
        %swap3A_1269 = arith.constant 1 : i32
        %swap3A_1270 = arith.index_cast %swap3A_1269 : i32 to index
        %swap3A_1271 = arith.index_cast %scan3A_1262 : i32 to index
        %swap3A_1272 = arith.constant 16 : index
        %swap3A_1273 = tpu.vector_load %arg8[%swap3A_1270, %swap3A_1271, %swap3A_1272] {strides = array<i32>} : memref<4x128x128xf32, #tpu.memory_space<vmem>>, vector<1x1x16xf32>,
        %swap3A_1274 = vector.shape_cast %swap3A_1273 : vector<1x1x16xf32> to vector<16xf32>
        %swap3A_1275 = vector.shape_cast %get3A_984 : vector<16xf32> to vector<1x1x16xf32>
        tpu.vector_store %arg8[%swap3A_1270, %swap3A_1271, %swap3A_1272], %swap3A_1275 {add = true, strides = array<i32>} : memref<4x128x128xf32, #tpu.memory_space<vmem>>, vector<1x1x16xf32>,
        %swap3A_1276 = arith.constant 1 : i32
        %swap3A_1277 = arith.index_cast %swap3A_1276 : i32 to index
        %swap3A_1278 = arith.index_cast %scan3A_1262 : i32 to index
        %swap3A_1279 = arith.constant 32 : index
        %swap3A_1280 = tpu.vector_load %arg8[%swap3A_1277, %swap3A_1278, %swap3A_1279] {strides = array<i32>} : memref<4x128x128xf32, #tpu.memory_space<vmem>>, vector<1x1x16xf32>,
        %swap3A_1281 = vector.shape_cast %swap3A_1280 : vector<1x1x16xf32> to vector<16xf32>
        %swap3A_1282 = vector.shape_cast %get3A_988 : vector<16xf32> to vector<1x1x16xf32>
        tpu.vector_store %arg8[%swap3A_1277, %swap3A_1278, %swap3A_1279], %swap3A_1282 {add = true, strides = array<i32>} : memref<4x128x128xf32, #tpu.memory_space<vmem>>, vector<1x1x16xf32>,
        %swap3A_1283 = arith.constant 1 : i32
        %swap3A_1284 = arith.index_cast %swap3A_1283 : i32 to index
        %swap3A_1285 = arith.index_cast %scan3A_1262 : i32 to index
        %swap3A_1286 = arith.constant 48 : index
        %swap3A_1287 = tpu.vector_load %arg8[%swap3A_1284, %swap3A_1285, %swap3A_1286] {strides = array<i32>} : memref<4x128x128xf32, #tpu.memory_space<vmem>>, vector<1x1x16xf32>,
        %swap3A_1288 = vector.shape_cast %swap3A_1287 : vector<1x1x16xf32> to vector<16xf32>
        %swap3A_1289 = vector.shape_cast %get3A_992 : vector<16xf32> to vector<1x1x16xf32>
        tpu.vector_store %arg8[%swap3A_1284, %swap3A_1285, %swap3A_1286], %swap3A_1289 {add = true, strides = array<i32>} : memref<4x128x128xf32, #tpu.memory_space<vmem>>, vector<1x1x16xf32>,
        %swap3A_1290 = arith.constant 1 : i32
        %swap3A_1291 = arith.index_cast %swap3A_1290 : i32 to index
        %swap3A_1292 = arith.index_cast %scan3A_1262 : i32 to index
        %swap3A_1293 = arith.constant 64 : index
        %swap3A_1294 = tpu.vector_load %arg8[%swap3A_1291, %swap3A_1292, %swap3A_1293] {strides = array<i32>} : memref<4x128x128xf32, #tpu.memory_space<vmem>>, vector<1x1x16xf32>,
        %swap3A_1295 = vector.shape_cast %swap3A_1294 : vector<1x1x16xf32> to vector<16xf32>
        %swap3A_1296 = vector.shape_cast %get3A_996 : vector<16xf32> to vector<1x1x16xf32>
        tpu.vector_store %arg8[%swap3A_1291, %swap3A_1292, %swap3A_1293], %swap3A_1296 {add = true, strides = array<i32>} : memref<4x128x128xf32, #tpu.memory_space<vmem>>, vector<1x1x16xf32>,
        %swap3A_1297 = arith.constant 1 : i32
        %swap3A_1298 = arith.index_cast %swap3A_1297 : i32 to index
        %swap3A_1299 = arith.index_cast %scan3A_1262 : i32 to index
        %swap3A_1300 = arith.constant 80 : index
        %swap3A_1301 = tpu.vector_load %arg8[%swap3A_1298, %swap3A_1299, %swap3A_1300] {strides = array<i32>} : memref<4x128x128xf32, #tpu.memory_space<vmem>>, vector<1x1x16xf32>,
        %swap3A_1302 = vector.shape_cast %swap3A_1301 : vector<1x1x16xf32> to vector<16xf32>
        %swap3A_1303 = vector.shape_cast %get3A_1000 : vector<16xf32> to vector<1x1x16xf32>
        tpu.vector_store %arg8[%swap3A_1298, %swap3A_1299, %swap3A_1300], %swap3A_1303 {add = true, strides = array<i32>} : memref<4x128x128xf32, #tpu.memory_space<vmem>>, vector<1x1x16xf32>,
        %swap3A_1304 = arith.constant 1 : i32
        %swap3A_1305 = arith.index_cast %swap3A_1304 : i32 to index
        %swap3A_1306 = arith.index_cast %scan3A_1262 : i32 to index
        %swap3A_1307 = arith.constant 96 : index
        %swap3A_1308 = tpu.vector_load %arg8[%swap3A_1305, %swap3A_1306, %swap3A_1307] {strides = array<i32>} : memref<4x128x128xf32, #tpu.memory_space<vmem>>, vector<1x1x16xf32>,
        %swap3A_1309 = vector.shape_cast %swap3A_1308 : vector<1x1x16xf32> to vector<16xf32>
        %swap3A_1310 = vector.shape_cast %get3A_1004 : vector<16xf32> to vector<1x1x16xf32>
        tpu.vector_store %arg8[%swap3A_1305, %swap3A_1306, %swap3A_1307], %swap3A_1310 {add = true, strides = array<i32>} : memref<4x128x128xf32, #tpu.memory_space<vmem>>, vector<1x1x16xf32>,
        %swap3A_1311 = arith.constant 1 : i32
        %swap3A_1312 = arith.index_cast %swap3A_1311 : i32 to index
        %swap3A_1313 = arith.index_cast %scan3A_1262 : i32 to index
        %swap3A_1314 = arith.constant 112 : index
        %swap3A_1315 = tpu.vector_load %arg8[%swap3A_1312, %swap3A_1313, %swap3A_1314] {strides = array<i32>} : memref<4x128x128xf32, #tpu.memory_space<vmem>>, vector<1x1x16xf32>,
        %swap3A_1316 = vector.shape_cast %swap3A_1315 : vector<1x1x16xf32> to vector<16xf32>
        %swap3A_1317 = vector.shape_cast %get3A_1008 : vector<16xf32> to vector<1x1x16xf32>
        tpu.vector_store %arg8[%swap3A_1312, %swap3A_1313, %swap3A_1314], %swap3A_1317 {add = true, strides = array<i32>} : memref<4x128x128xf32, #tpu.memory_space<vmem>>, vector<1x1x16xf32>,
        %scan3A_1318 = arith.constant 1 : i32
        %scan3A_1319 = arith.addi %scan3A_1262, %scan3A_1318 : i32
        %swap3A_1320 = arith.constant 1 : i32
        %swap3A_1321 = arith.index_cast %swap3A_1320 : i32 to index
        %swap3A_1322 = arith.index_cast %scan3A_1319 : i32 to index
        %swap3A_1323 = arith.constant 0 : index
        %swap3A_1324 = tpu.vector_load %arg8[%swap3A_1321, %swap3A_1322, %swap3A_1323] {strides = array<i32>} : memref<4x128x128xf32, #tpu.memory_space<vmem>>, vector<1x1x16xf32>,
        %swap3A_1325 = vector.shape_cast %swap3A_1324 : vector<1x1x16xf32> to vector<16xf32>
        %swap3A_1326 = vector.shape_cast %get3A_980 : vector<16xf32> to vector<1x1x16xf32>
        tpu.vector_store %arg8[%swap3A_1321, %swap3A_1322, %swap3A_1323], %swap3A_1326 {add = true, strides = array<i32>} : memref<4x128x128xf32, #tpu.memory_space<vmem>>, vector<1x1x16xf32>,
        %swap3A_1327 = arith.constant 1 : i32
        %swap3A_1328 = arith.index_cast %swap3A_1327 : i32 to index
        %swap3A_1329 = arith.index_cast %scan3A_1319 : i32 to index
        %swap3A_1330 = arith.constant 16 : index
        %swap3A_1331 = tpu.vector_load %arg8[%swap3A_1328, %swap3A_1329, %swap3A_1330] {strides = array<i32>} : memref<4x128x128xf32, #tpu.memory_space<vmem>>, vector<1x1x16xf32>,
        %swap3A_1332 = vector.shape_cast %swap3A_1331 : vector<1x1x16xf32> to vector<16xf32>
        %swap3A_1333 = vector.shape_cast %get3A_984 : vector<16xf32> to vector<1x1x16xf32>
        tpu.vector_store %arg8[%swap3A_1328, %swap3A_1329, %swap3A_1330], %swap3A_1333 {add = true, strides = array<i32>} : memref<4x128x128xf32, #tpu.memory_space<vmem>>, vector<1x1x16xf32>,
        %swap3A_1334 = arith.constant 1 : i32
        %swap3A_1335 = arith.index_cast %swap3A_1334 : i32 to index
        %swap3A_1336 = arith.index_cast %scan3A_1319 : i32 to index
        %swap3A_1337 = arith.constant 32 : index
        %swap3A_1338 = tpu.vector_load %arg8[%swap3A_1335, %swap3A_1336, %swap3A_1337] {strides = array<i32>} : memref<4x128x128xf32, #tpu.memory_space<vmem>>, vector<1x1x16xf32>,
        %swap3A_1339 = vector.shape_cast %swap3A_1338 : vector<1x1x16xf32> to vector<16xf32>
        %swap3A_1340 = vector.shape_cast %get3A_988 : vector<16xf32> to vector<1x1x16xf32>
        tpu.vector_store %arg8[%swap3A_1335, %swap3A_1336, %swap3A_1337], %swap3A_1340 {add = true, strides = array<i32>} : memref<4x128x128xf32, #tpu.memory_space<vmem>>, vector<1x1x16xf32>,
        %swap3A_1341 = arith.constant 1 : i32
        %swap3A_1342 = arith.index_cast %swap3A_1341 : i32 to index
        %swap3A_1343 = arith.index_cast %scan3A_1319 : i32 to index
        %swap3A_1344 = arith.constant 48 : index
        %swap3A_1345 = tpu.vector_load %arg8[%swap3A_1342, %swap3A_1343, %swap3A_1344] {strides = array<i32>} : memref<4x128x128xf32, #tpu.memory_space<vmem>>, vector<1x1x16xf32>,
        %swap3A_1346 = vector.shape_cast %swap3A_1345 : vector<1x1x16xf32> to vector<16xf32>
        %swap3A_1347 = vector.shape_cast %get3A_992 : vector<16xf32> to vector<1x1x16xf32>
        tpu.vector_store %arg8[%swap3A_1342, %swap3A_1343, %swap3A_1344], %swap3A_1347 {add = true, strides = array<i32>} : memref<4x128x128xf32, #tpu.memory_space<vmem>>, vector<1x1x16xf32>,
        %swap3A_1348 = arith.constant 1 : i32
        %swap3A_1349 = arith.index_cast %swap3A_1348 : i32 to index
        %swap3A_1350 = arith.index_cast %scan3A_1319 : i32 to index
        %swap3A_1351 = arith.constant 64 : index
        %swap3A_1352 = tpu.vector_load %arg8[%swap3A_1349, %swap3A_1350, %swap3A_1351] {strides = array<i32>} : memref<4x128x128xf32, #tpu.memory_space<vmem>>, vector<1x1x16xf32>,
        %swap3A_1353 = vector.shape_cast %swap3A_1352 : vector<1x1x16xf32> to vector<16xf32>
        %swap3A_1354 = vector.shape_cast %get3A_996 : vector<16xf32> to vector<1x1x16xf32>
        tpu.vector_store %arg8[%swap3A_1349, %swap3A_1350, %swap3A_1351], %swap3A_1354 {add = true, strides = array<i32>} : memref<4x128x128xf32, #tpu.memory_space<vmem>>, vector<1x1x16xf32>,
        %swap3A_1355 = arith.constant 1 : i32
        %swap3A_1356 = arith.index_cast %swap3A_1355 : i32 to index
        %swap3A_1357 = arith.index_cast %scan3A_1319 : i32 to index
        %swap3A_1358 = arith.constant 80 : index
        %swap3A_1359 = tpu.vector_load %arg8[%swap3A_1356, %swap3A_1357, %swap3A_1358] {strides = array<i32>} : memref<4x128x128xf32, #tpu.memory_space<vmem>>, vector<1x1x16xf32>,
        %swap3A_1360 = vector.shape_cast %swap3A_1359 : vector<1x1x16xf32> to vector<16xf32>
        %swap3A_1361 = vector.shape_cast %get3A_1000 : vector<16xf32> to vector<1x1x16xf32>
        tpu.vector_store %arg8[%swap3A_1356, %swap3A_1357, %swap3A_1358], %swap3A_1361 {add = true, strides = array<i32>} : memref<4x128x128xf32, #tpu.memory_space<vmem>>, vector<1x1x16xf32>,
        %swap3A_1362 = arith.constant 1 : i32
        %swap3A_1363 = arith.index_cast %swap3A_1362 : i32 to index
        %swap3A_1364 = arith.index_cast %scan3A_1319 : i32 to index
        %swap3A_1365 = arith.constant 96 : index
        %swap3A_1366 = tpu.vector_load %arg8[%swap3A_1363, %swap3A_1364, %swap3A_1365] {strides = array<i32>} : memref<4x128x128xf32, #tpu.memory_space<vmem>>, vector<1x1x16xf32>,
        %swap3A_1367 = vector.shape_cast %swap3A_1366 : vector<1x1x16xf32> to vector<16xf32>
        %swap3A_1368 = vector.shape_cast %get3A_1004 : vector<16xf32> to vector<1x1x16xf32>
        tpu.vector_store %arg8[%swap3A_1363, %swap3A_1364, %swap3A_1365], %swap3A_1368 {add = true, strides = array<i32>} : memref<4x128x128xf32, #tpu.memory_space<vmem>>, vector<1x1x16xf32>,
        %swap3A_1369 = arith.constant 1 : i32
        %swap3A_1370 = arith.index_cast %swap3A_1369 : i32 to index
        %swap3A_1371 = arith.index_cast %scan3A_1319 : i32 to index
        %swap3A_1372 = arith.constant 112 : index
        %swap3A_1373 = tpu.vector_load %arg8[%swap3A_1370, %swap3A_1371, %swap3A_1372] {strides = array<i32>} : memref<4x128x128xf32, #tpu.memory_space<vmem>>, vector<1x1x16xf32>,
        %swap3A_1374 = vector.shape_cast %swap3A_1373 : vector<1x1x16xf32> to vector<16xf32>
        %swap3A_1375 = vector.shape_cast %get3A_1008 : vector<16xf32> to vector<1x1x16xf32>
        tpu.vector_store %arg8[%swap3A_1370, %swap3A_1371, %swap3A_1372], %swap3A_1375 {add = true, strides = array<i32>} : memref<4x128x128xf32, #tpu.memory_space<vmem>>, vector<1x1x16xf32>,
        %scan3A_1376 = arith.constant 2 : i32
        %scan3A_1377 = arith.addi %scan3A_1262, %scan3A_1376 : i32
        %swap3A_1378 = arith.constant 1 : i32
        %swap3A_1379 = arith.index_cast %swap3A_1378 : i32 to index
        %swap3A_1380 = arith.index_cast %scan3A_1377 : i32 to index
        %swap3A_1381 = arith.constant 0 : index
        %swap3A_1382 = tpu.vector_load %arg8[%swap3A_1379, %swap3A_1380, %swap3A_1381] {strides = array<i32>} : memref<4x128x128xf32, #tpu.memory_space<vmem>>, vector<1x1x16xf32>,
        %swap3A_1383 = vector.shape_cast %swap3A_1382 : vector<1x1x16xf32> to vector<16xf32>
        %swap3A_1384 = vector.shape_cast %get3A_980 : vector<16xf32> to vector<1x1x16xf32>
        tpu.vector_store %arg8[%swap3A_1379, %swap3A_1380, %swap3A_1381], %swap3A_1384 {add = true, strides = array<i32>} : memref<4x128x128xf32, #tpu.memory_space<vmem>>, vector<1x1x16xf32>,
        %swap3A_1385 = arith.constant 1 : i32
        %swap3A_1386 = arith.index_cast %swap3A_1385 : i32 to index
        %swap3A_1387 = arith.index_cast %scan3A_1377 : i32 to index
        %swap3A_1388 = arith.constant 16 : index
        %swap3A_1389 = tpu.vector_load %arg8[%swap3A_1386, %swap3A_1387, %swap3A_1388] {strides = array<i32>} : memref<4x128x128xf32, #tpu.memory_space<vmem>>, vector<1x1x16xf32>,
        %swap3A_1390 = vector.shape_cast %swap3A_1389 : vector<1x1x16xf32> to vector<16xf32>
        %swap3A_1391 = vector.shape_cast %get3A_984 : vector<16xf32> to vector<1x1x16xf32>
        tpu.vector_store %arg8[%swap3A_1386, %swap3A_1387, %swap3A_1388], %swap3A_1391 {add = true, strides = array<i32>} : memref<4x128x128xf32, #tpu.memory_space<vmem>>, vector<1x1x16xf32>,
        %swap3A_1392 = arith.constant 1 : i32
        %swap3A_1393 = arith.index_cast %swap3A_1392 : i32 to index
        %swap3A_1394 = arith.index_cast %scan3A_1377 : i32 to index
        %swap3A_1395 = arith.constant 32 : index
        %swap3A_1396 = tpu.vector_load %arg8[%swap3A_1393, %swap3A_1394, %swap3A_1395] {strides = array<i32>} : memref<4x128x128xf32, #tpu.memory_space<vmem>>, vector<1x1x16xf32>,
        %swap3A_1397 = vector.shape_cast %swap3A_1396 : vector<1x1x16xf32> to vector<16xf32>
        %swap3A_1398 = vector.shape_cast %get3A_988 : vector<16xf32> to vector<1x1x16xf32>
        tpu.vector_store %arg8[%swap3A_1393, %swap3A_1394, %swap3A_1395], %swap3A_1398 {add = true, strides = array<i32>} : memref<4x128x128xf32, #tpu.memory_space<vmem>>, vector<1x1x16xf32>,
        %swap3A_1399 = arith.constant 1 : i32
        %swap3A_1400 = arith.index_cast %swap3A_1399 : i32 to index
        %swap3A_1401 = arith.index_cast %scan3A_1377 : i32 to index
        %swap3A_1402 = arith.constant 48 : index
        %swap3A_1403 = tpu.vector_load %arg8[%swap3A_1400, %swap3A_1401, %swap3A_1402] {strides = array<i32>} : memref<4x128x128xf32, #tpu.memory_space<vmem>>, vector<1x1x16xf32>,
        %swap3A_1404 = vector.shape_cast %swap3A_1403 : vector<1x1x16xf32> to vector<16xf32>
        %swap3A_1405 = vector.shape_cast %get3A_992 : vector<16xf32> to vector<1x1x16xf32>
        tpu.vector_store %arg8[%swap3A_1400, %swap3A_1401, %swap3A_1402], %swap3A_1405 {add = true, strides = array<i32>} : memref<4x128x128xf32, #tpu.memory_space<vmem>>, vector<1x1x16xf32>,
        %swap3A_1406 = arith.constant 1 : i32
        %swap3A_1407 = arith.index_cast %swap3A_1406 : i32 to index
        %swap3A_1408 = arith.index_cast %scan3A_1377 : i32 to index
        %swap3A_1409 = arith.constant 64 : index
        %swap3A_1410 = tpu.vector_load %arg8[%swap3A_1407, %swap3A_1408, %swap3A_1409] {strides = array<i32>} : memref<4x128x128xf32, #tpu.memory_space<vmem>>, vector<1x1x16xf32>,
        %swap3A_1411 = vector.shape_cast %swap3A_1410 : vector<1x1x16xf32> to vector<16xf32>
        %swap3A_1412 = vector.shape_cast %get3A_996 : vector<16xf32> to vector<1x1x16xf32>
        tpu.vector_store %arg8[%swap3A_1407, %swap3A_1408, %swap3A_1409], %swap3A_1412 {add = true, strides = array<i32>} : memref<4x128x128xf32, #tpu.memory_space<vmem>>, vector<1x1x16xf32>,
        %swap3A_1413 = arith.constant 1 : i32
        %swap3A_1414 = arith.index_cast %swap3A_1413 : i32 to index
        %swap3A_1415 = arith.index_cast %scan3A_1377 : i32 to index
        %swap3A_1416 = arith.constant 80 : index
        %swap3A_1417 = tpu.vector_load %arg8[%swap3A_1414, %swap3A_1415, %swap3A_1416] {strides = array<i32>} : memref<4x128x128xf32, #tpu.memory_space<vmem>>, vector<1x1x16xf32>,
        %swap3A_1418 = vector.shape_cast %swap3A_1417 : vector<1x1x16xf32> to vector<16xf32>
        %swap3A_1419 = vector.shape_cast %get3A_1000 : vector<16xf32> to vector<1x1x16xf32>
        tpu.vector_store %arg8[%swap3A_1414, %swap3A_1415, %swap3A_1416], %swap3A_1419 {add = true, strides = array<i32>} : memref<4x128x128xf32, #tpu.memory_space<vmem>>, vector<1x1x16xf32>,
        %swap3A_1420 = arith.constant 1 : i32
        %swap3A_1421 = arith.index_cast %swap3A_1420 : i32 to index
        %swap3A_1422 = arith.index_cast %scan3A_1377 : i32 to index
        %swap3A_1423 = arith.constant 96 : index
        %swap3A_1424 = tpu.vector_load %arg8[%swap3A_1421, %swap3A_1422, %swap3A_1423] {strides = array<i32>} : memref<4x128x128xf32, #tpu.memory_space<vmem>>, vector<1x1x16xf32>,
        %swap3A_1425 = vector.shape_cast %swap3A_1424 : vector<1x1x16xf32> to vector<16xf32>
        %swap3A_1426 = vector.shape_cast %get3A_1004 : vector<16xf32> to vector<1x1x16xf32>
        tpu.vector_store %arg8[%swap3A_1421, %swap3A_1422, %swap3A_1423], %swap3A_1426 {add = true, strides = array<i32>} : memref<4x128x128xf32, #tpu.memory_space<vmem>>, vector<1x1x16xf32>,
        %swap3A_1427 = arith.constant 1 : i32
        %swap3A_1428 = arith.index_cast %swap3A_1427 : i32 to index
        %swap3A_1429 = arith.index_cast %scan3A_1377 : i32 to index
        %swap3A_1430 = arith.constant 112 : index
        %swap3A_1431 = tpu.vector_load %arg8[%swap3A_1428, %swap3A_1429, %swap3A_1430] {strides = array<i32>} : memref<4x128x128xf32, #tpu.memory_space<vmem>>, vector<1x1x16xf32>,
        %swap3A_1432 = vector.shape_cast %swap3A_1431 : vector<1x1x16xf32> to vector<16xf32>
        %swap3A_1433 = vector.shape_cast %get3A_1008 : vector<16xf32> to vector<1x1x16xf32>
        tpu.vector_store %arg8[%swap3A_1428, %swap3A_1429, %swap3A_1430], %swap3A_1433 {add = true, strides = array<i32>} : memref<4x128x128xf32, #tpu.memory_space<vmem>>, vector<1x1x16xf32>,
        %scan3A_1434 = arith.constant 3 : i32
        %scan3A_1435 = arith.addi %scan3A_1262, %scan3A_1434 : i32
        %swap3A_1436 = arith.constant 1 : i32
        %swap3A_1437 = arith.index_cast %swap3A_1436 : i32 to index
        %swap3A_1438 = arith.index_cast %scan3A_1435 : i32 to index
        %swap3A_1439 = arith.constant 0 : index
        %swap3A_1440 = tpu.vector_load %arg8[%swap3A_1437, %swap3A_1438, %swap3A_1439] {strides = array<i32>} : memref<4x128x128xf32, #tpu.memory_space<vmem>>, vector<1x1x16xf32>,
        %swap3A_1441 = vector.shape_cast %swap3A_1440 : vector<1x1x16xf32> to vector<16xf32>
        %swap3A_1442 = vector.shape_cast %get3A_980 : vector<16xf32> to vector<1x1x16xf32>
        tpu.vector_store %arg8[%swap3A_1437, %swap3A_1438, %swap3A_1439], %swap3A_1442 {add = true, strides = array<i32>} : memref<4x128x128xf32, #tpu.memory_space<vmem>>, vector<1x1x16xf32>,
        %swap3A_1443 = arith.constant 1 : i32
        %swap3A_1444 = arith.index_cast %swap3A_1443 : i32 to index
        %swap3A_1445 = arith.index_cast %scan3A_1435 : i32 to index
        %swap3A_1446 = arith.constant 16 : index
        %swap3A_1447 = tpu.vector_load %arg8[%swap3A_1444, %swap3A_1445, %swap3A_1446] {strides = array<i32>} : memref<4x128x128xf32, #tpu.memory_space<vmem>>, vector<1x1x16xf32>,
        %swap3A_1448 = vector.shape_cast %swap3A_1447 : vector<1x1x16xf32> to vector<16xf32>
        %swap3A_1449 = vector.shape_cast %get3A_984 : vector<16xf32> to vector<1x1x16xf32>
        tpu.vector_store %arg8[%swap3A_1444, %swap3A_1445, %swap3A_1446], %swap3A_1449 {add = true, strides = array<i32>} : memref<4x128x128xf32, #tpu.memory_space<vmem>>, vector<1x1x16xf32>,
        %swap3A_1450 = arith.constant 1 : i32
        %swap3A_1451 = arith.index_cast %swap3A_1450 : i32 to index
        %swap3A_1452 = arith.index_cast %scan3A_1435 : i32 to index
        %swap3A_1453 = arith.constant 32 : index
        %swap3A_1454 = tpu.vector_load %arg8[%swap3A_1451, %swap3A_1452, %swap3A_1453] {strides = array<i32>} : memref<4x128x128xf32, #tpu.memory_space<vmem>>, vector<1x1x16xf32>,
        %swap3A_1455 = vector.shape_cast %swap3A_1454 : vector<1x1x16xf32> to vector<16xf32>
        %swap3A_1456 = vector.shape_cast %get3A_988 : vector<16xf32> to vector<1x1x16xf32>
        tpu.vector_store %arg8[%swap3A_1451, %swap3A_1452, %swap3A_1453], %swap3A_1456 {add = true, strides = array<i32>} : memref<4x128x128xf32, #tpu.memory_space<vmem>>, vector<1x1x16xf32>,
        %swap3A_1457 = arith.constant 1 : i32
        %swap3A_1458 = arith.index_cast %swap3A_1457 : i32 to index
        %swap3A_1459 = arith.index_cast %scan3A_1435 : i32 to index
        %swap3A_1460 = arith.constant 48 : index
        %swap3A_1461 = tpu.vector_load %arg8[%swap3A_1458, %swap3A_1459, %swap3A_1460] {strides = array<i32>} : memref<4x128x128xf32, #tpu.memory_space<vmem>>, vector<1x1x16xf32>,
        %swap3A_1462 = vector.shape_cast %swap3A_1461 : vector<1x1x16xf32> to vector<16xf32>
        %swap3A_1463 = vector.shape_cast %get3A_992 : vector<16xf32> to vector<1x1x16xf32>
        tpu.vector_store %arg8[%swap3A_1458, %swap3A_1459, %swap3A_1460], %swap3A_1463 {add = true, strides = array<i32>} : memref<4x128x128xf32, #tpu.memory_space<vmem>>, vector<1x1x16xf32>,
        %swap3A_1464 = arith.constant 1 : i32
        %swap3A_1465 = arith.index_cast %swap3A_1464 : i32 to index
        %swap3A_1466 = arith.index_cast %scan3A_1435 : i32 to index
        %swap3A_1467 = arith.constant 64 : index
        %swap3A_1468 = tpu.vector_load %arg8[%swap3A_1465, %swap3A_1466, %swap3A_1467] {strides = array<i32>} : memref<4x128x128xf32, #tpu.memory_space<vmem>>, vector<1x1x16xf32>,
        %swap3A_1469 = vector.shape_cast %swap3A_1468 : vector<1x1x16xf32> to vector<16xf32>
        %swap3A_1470 = vector.shape_cast %get3A_996 : vector<16xf32> to vector<1x1x16xf32>
        tpu.vector_store %arg8[%swap3A_1465, %swap3A_1466, %swap3A_1467], %swap3A_1470 {add = true, strides = array<i32>} : memref<4x128x128xf32, #tpu.memory_space<vmem>>, vector<1x1x16xf32>,
        %swap3A_1471 = arith.constant 1 : i32
        %swap3A_1472 = arith.index_cast %swap3A_1471 : i32 to index
        %swap3A_1473 = arith.index_cast %scan3A_1435 : i32 to index
        %swap3A_1474 = arith.constant 80 : index
        %swap3A_1475 = tpu.vector_load %arg8[%swap3A_1472, %swap3A_1473, %swap3A_1474] {strides = array<i32>} : memref<4x128x128xf32, #tpu.memory_space<vmem>>, vector<1x1x16xf32>,
        %swap3A_1476 = vector.shape_cast %swap3A_1475 : vector<1x1x16xf32> to vector<16xf32>
        %swap3A_1477 = vector.shape_cast %get3A_1000 : vector<16xf32> to vector<1x1x16xf32>
        tpu.vector_store %arg8[%swap3A_1472, %swap3A_1473, %swap3A_1474], %swap3A_1477 {add = true, strides = array<i32>} : memref<4x128x128xf32, #tpu.memory_space<vmem>>, vector<1x1x16xf32>,
        %swap3A_1478 = arith.constant 1 : i32
        %swap3A_1479 = arith.index_cast %swap3A_1478 : i32 to index
        %swap3A_1480 = arith.index_cast %scan3A_1435 : i32 to index
        %swap3A_1481 = arith.constant 96 : index
        %swap3A_1482 = tpu.vector_load %arg8[%swap3A_1479, %swap3A_1480, %swap3A_1481] {strides = array<i32>} : memref<4x128x128xf32, #tpu.memory_space<vmem>>, vector<1x1x16xf32>,
        %swap3A_1483 = vector.shape_cast %swap3A_1482 : vector<1x1x16xf32> to vector<16xf32>
        %swap3A_1484 = vector.shape_cast %get3A_1004 : vector<16xf32> to vector<1x1x16xf32>
        tpu.vector_store %arg8[%swap3A_1479, %swap3A_1480, %swap3A_1481], %swap3A_1484 {add = true, strides = array<i32>} : memref<4x128x128xf32, #tpu.memory_space<vmem>>, vector<1x1x16xf32>,
        %swap3A_1485 = arith.constant 1 : i32
        %swap3A_1486 = arith.index_cast %swap3A_1485 : i32 to index
        %swap3A_1487 = arith.index_cast %scan3A_1435 : i32 to index
        %swap3A_1488 = arith.constant 112 : index
        %swap3A_1489 = tpu.vector_load %arg8[%swap3A_1486, %swap3A_1487, %swap3A_1488] {strides = array<i32>} : memref<4x128x128xf32, #tpu.memory_space<vmem>>, vector<1x1x16xf32>,
        %swap3A_1490 = vector.shape_cast %swap3A_1489 : vector<1x1x16xf32> to vector<16xf32>
        %swap3A_1491 = vector.shape_cast %get3A_1008 : vector<16xf32> to vector<1x1x16xf32>
        tpu.vector_store %arg8[%swap3A_1486, %swap3A_1487, %swap3A_1488], %swap3A_1491 {add = true, strides = array<i32>} : memref<4x128x128xf32, #tpu.memory_space<vmem>>, vector<1x1x16xf32>,
      }
      %scan3A_1014 = arith.constant 128 : i32
      %mul3A_1015 = arith.constant 128 : i32
      %mul3A_1016 = arith.muli %add3A_928, %mul3A_1015 : i32
      %add3A_1017 = arith.addi %mul3A_2, %mul3A_1016 : i32
      %div3A_1018 = arith.constant 4096 : i32
      %div3A_1019 = arith.divsi %add3A_1017, %div3A_1018 : i32
      %rem3A_1020 = arith.constant 4096 : i32
      %rem3A_1021 = arith.remsi %add3A_1017, %rem3A_1020 : i32
      %dma_start3A_1022 = arith.constant 1 : i32
      %dma_start3A_1023 = arith.constant 0 : i32
      %dma_start3A_1024 = arith.constant 0 : i32
      %dma_start3A_1025 = tpu.memref_slice %arg8[%dma_start3A_1022, %dma_start3A_1023, %dma_start3A_1024] : memref<4x128x128xf32, #tpu.memory_space<vmem>> -> memref<1x128x128xf32, #tpu.memory_space<vmem>>
      %dma_start3A_1026 = tpu.memref_squeeze %dma_start3A_1025 : memref<1x128x128xf32, #tpu.memory_space<vmem>> -> memref<128x128xf32, #tpu.memory_space<vmem>>
      %dma_start3A_1027 = arith.constant 0 : i32
      %dma_start3A_1028 = tpu.memref_slice %arg5[%rem3A_1021, %div3A_1019, %dma_start3A_1027] : memref<4096x200x128xf32, #tpu.memory_space<hbm>> -> memref<128x1x128xf32, #tpu.memory_space<hbm>>
      %dma_start3A_1029 = tpu.memref_squeeze %dma_start3A_1028 : memref<128x1x128xf32, #tpu.memory_space<hbm>> -> memref<128x128xf32, #tpu.memory_space<hbm>>
      %dma_start3A_1030 = arith.constant 0 : i32
      %dma_start3A_1031 = tpu.memref_slice %arg5[%rem3A_1021, %div3A_1019, %dma_start3A_1030] : memref<4096x200x128xf32, #tpu.memory_space<hbm>> -> memref<128x1x128xf32, #tpu.memory_space<hbm>>
      %dma_start3A_1032 = tpu.memref_squeeze %dma_start3A_1031 : memref<128x1x128xf32, #tpu.memory_space<hbm>> -> memref<128x128xf32, #tpu.memory_space<hbm>>
      %dma_start3A_1033 = arith.constant 0 : i32
      %dma_start3A_1034 = arith.constant 0 : i32
      %dma_start3A_1035 = tpu.memref_slice %arg8[%dma_start3A_1022, %dma_start3A_1033, %dma_start3A_1034] : memref<4x128x128xf32, #tpu.memory_space<vmem>> -> memref<1x128x128xf32, #tpu.memory_space<vmem>>
      %dma_start3A_1036 = tpu.memref_squeeze %dma_start3A_1035 : memref<1x128x128xf32, #tpu.memory_space<vmem>> -> memref<128x128xf32, #tpu.memory_space<vmem>>
      tpu.enqueue_dma source(%dma_start3A_1036 : memref<128x128xf32, #tpu.memory_space<vmem>>) target(%dma_start3A_1032 : memref<128x128xf32, #tpu.memory_space<hbm>>) target_semaphore(%arg14 : memref<!tpu.dma_semaphore, #tpu.memory_space<semaphore_mem>>)
      %mul3A_1037 = arith.constant 4 : i32
      %mul3A_1038 = arith.muli %scan3A_812, %mul3A_1037 : i32
      %add3A_1039 = arith.constant 2 : i32
      %add3A_1040 = arith.addi %mul3A_1038, %add3A_1039 : i32
      %dma_wait3A_1041 = arith.constant 1 : i32
      %dma_wait3A_1042 = arith.constant 0 : i32
      %dma_wait3A_1043 = arith.constant 0 : i32
      %dma_wait3A_1044 = arith.constant 0 : i32
      %dma_wait3A_1045 = tpu.memref_slice %arg8[%dma_wait3A_1041, %dma_wait3A_1043, %dma_wait3A_1044] : memref<4x128x128xf32, #tpu.memory_space<vmem>> -> memref<1x128x128xf32, #tpu.memory_space<vmem>>
      %dma_wait3A_1046 = tpu.memref_squeeze %dma_wait3A_1045 : memref<1x128x128xf32, #tpu.memory_space<vmem>> -> memref<128x128xf32, #tpu.memory_space<vmem>>
      %dma_wait3A_1047 = arith.constant 0 : i32
      %dma_wait3A_1048 = arith.constant 0 : i32
      %dma_wait3A_1049 = tpu.memref_slice %arg5[%dma_wait3A_1047, %dma_wait3A_1042, %dma_wait3A_1048] : memref<4096x200x128xf32, #tpu.memory_space<hbm>> -> memref<128x1x128xf32, #tpu.memory_space<hbm>>
      %dma_wait3A_1050 = tpu.memref_squeeze %dma_wait3A_1049 : memref<128x1x128xf32, #tpu.memory_space<hbm>> -> memref<128x128xf32, #tpu.memory_space<hbm>>
      %dma_wait3A_1051 = arith.constant 0 : i32
      %dma_wait3A_1052 = arith.constant 0 : i32
      %dma_wait3A_1053 = tpu.memref_slice %arg5[%dma_wait3A_1051, %dma_wait3A_1042, %dma_wait3A_1052] : memref<4096x200x128xf32, #tpu.memory_space<hbm>> -> memref<128x1x128xf32, #tpu.memory_space<hbm>>
      %dma_wait3A_1054 = tpu.memref_squeeze %dma_wait3A_1053 : memref<128x1x128xf32, #tpu.memory_space<hbm>> -> memref<128x128xf32, #tpu.memory_space<hbm>>
      %dma_wait3A_1055 = arith.constant 0 : i32
      %dma_wait3A_1056 = arith.constant 0 : i32
      %dma_wait3A_1057 = tpu.memref_slice %arg8[%dma_wait3A_1041, %dma_wait3A_1055, %dma_wait3A_1056] : memref<4x128x128xf32, #tpu.memory_space<vmem>> -> memref<1x128x128xf32, #tpu.memory_space<vmem>>
      %dma_wait3A_1058 = tpu.memref_squeeze %dma_wait3A_1057 : memref<1x128x128xf32, #tpu.memory_space<vmem>> -> memref<128x128xf32, #tpu.memory_space<vmem>>
      tpu.wait_dma2 semaphore(%arg14 : memref<!tpu.dma_semaphore, #tpu.memory_space<semaphore_mem>>) src(%dma_wait3A_1058 : memref<128x128xf32, #tpu.memory_space<vmem>>) dst(%dma_wait3A_1054 : memref<128x128xf32, #tpu.memory_space<hbm>>)
      %add3A_1059 = arith.constant 4 : i32
      %add3A_1060 = arith.addi %add3A_1040, %add3A_1059 : i32
      %sub3A_1061 = arith.constant 1 : i32
      %sub3A_1062 = arith.subi %add3A_1060, %sub3A_1061 : i32
      %mul3A_1063 = arith.constant 128 : i32
      %mul3A_1064 = arith.muli %sub3A_1062, %mul3A_1063 : i32
      %dma_start3A_1065 = arith.constant 1 : i32
      %dma_start3A_1066 = arith.constant 0 : i32
      %dma_start3A_1067 = arith.constant 0 : i32
      %dma_start3A_1068 = tpu.memref_slice %arg8[%dma_start3A_1065, %dma_start3A_1066, %dma_start3A_1067] : memref<4x128x128xf32, #tpu.memory_space<vmem>> -> memref<1x128x128xf32, #tpu.memory_space<vmem>>
      %dma_start3A_1069 = tpu.memref_squeeze %dma_start3A_1068 : memref<1x128x128xf32, #tpu.memory_space<vmem>> -> memref<128x128xf32, #tpu.memory_space<vmem>>
      %dma_start3A_1070 = tpu.memref_slice %arg6[%mul3A_1064] : memref<25600xi32, #tpu.memory_space<vmem>> -> memref<128xi32, #tpu.memory_space<vmem>>
      %dma_start3A_1071 = arith.constant 0 : i32
      %dma_start3A_1072 = arith.constant 0 : i32
      %dma_start3A_1073 = tpu.memref_slice %arg3[%dma_start3A_1071, %dma_start3A_1072] : memref<100000x128xf32, #tpu.memory_space<hbm>> -> memref<100000x128xf32, #tpu.memory_space<hbm>>
      tpu.enqueue_indirect_dma source(%dma_start3A_1073 : memref<100000x128xf32, #tpu.memory_space<hbm>>) target(%dma_start3A_1069 : memref<128x128xf32, #tpu.memory_space<vmem>>) offsets(%dma_start3A_1070 : memref<128xi32, #tpu.memory_space<vmem>>) semaphore(%arg10 : memref<!tpu.dma_semaphore, #tpu.memory_space<semaphore_mem>>)
      %dma_wait3A_1074 = arith.constant 2 : i32
      %dma_wait3A_1075 = arith.constant 0 : i32
      %dma_wait3A_1076 = arith.constant 0 : i32
      %dma_wait3A_1077 = tpu.memref_slice %arg8[%dma_wait3A_1074, %dma_wait3A_1075, %dma_wait3A_1076] : memref<4x128x128xf32, #tpu.memory_space<vmem>> -> memref<1x128x128xf32, #tpu.memory_space<vmem>>
      %dma_wait3A_1078 = tpu.memref_squeeze %dma_wait3A_1077 : memref<1x128x128xf32, #tpu.memory_space<vmem>> -> memref<128x128xf32, #tpu.memory_space<vmem>>
      %dma_wait3A_1079 = arith.constant 0 : i32
      %dma_wait3A_1080 = tpu.memref_slice %arg6[%dma_wait3A_1079] : memref<25600xi32, #tpu.memory_space<vmem>> -> memref<128xi32, #tpu.memory_space<vmem>>
      %dma_wait3A_1081 = arith.constant 0 : i32
      %dma_wait3A_1082 = arith.constant 0 : i32
      %dma_wait3A_1083 = tpu.memref_slice %arg3[%dma_wait3A_1081, %dma_wait3A_1082] : memref<100000x128xf32, #tpu.memory_space<hbm>> -> memref<100000x128xf32, #tpu.memory_space<hbm>>
      tpu.wait_indirect_dma semaphore(%arg11 : memref<!tpu.dma_semaphore, #tpu.memory_space<semaphore_mem>>) src(%dma_wait3A_1083 : memref<100000x128xf32, #tpu.memory_space<hbm>>) dst(%dma_wait3A_1078 : memref<128x128xf32, #tpu.memory_space<vmem>>)
      %mul3A_1084 = arith.constant 128 : i32
      %mul3A_1085 = arith.muli %add3A_1040, %mul3A_1084 : i32
      %add3A_1086 = arith.addi %mul3A_2, %mul3A_1085 : i32
      %div3A_1087 = arith.constant 4096 : i32
      %div3A_1088 = arith.divsi %add3A_1086, %div3A_1087 : i32
      %get3A_1089 = arith.index_cast %div3A_1088 : i32 to index
      %get3A_1090 = arith.constant 0 : index
      %get3A_1091 = tpu.vector_load %arg7[%get3A_1089, %get3A_1090] {strides = array<i32>} : memref<200x128xf32, #tpu.memory_space<vmem>>, vector<1x16xf32>,
      %get3A_1092 = vector.shape_cast %get3A_1091 : vector<1x16xf32> to vector<16xf32>
      %get3A_1093 = arith.index_cast %div3A_1088 : i32 to index
      %get3A_1094 = arith.constant 16 : index
      %get3A_1095 = tpu.vector_load %arg7[%get3A_1093, %get3A_1094] {strides = array<i32>} : memref<200x128xf32, #tpu.memory_space<vmem>>, vector<1x16xf32>,
      %get3A_1096 = vector.shape_cast %get3A_1095 : vector<1x16xf32> to vector<16xf32>
      %get3A_1097 = arith.index_cast %div3A_1088 : i32 to index
      %get3A_1098 = arith.constant 32 : index
      %get3A_1099 = tpu.vector_load %arg7[%get3A_1097, %get3A_1098] {strides = array<i32>} : memref<200x128xf32, #tpu.memory_space<vmem>>, vector<1x16xf32>,
      %get3A_1100 = vector.shape_cast %get3A_1099 : vector<1x16xf32> to vector<16xf32>
      %get3A_1101 = arith.index_cast %div3A_1088 : i32 to index
      %get3A_1102 = arith.constant 48 : index
      %get3A_1103 = tpu.vector_load %arg7[%get3A_1101, %get3A_1102] {strides = array<i32>} : memref<200x128xf32, #tpu.memory_space<vmem>>, vector<1x16xf32>,
      %get3A_1104 = vector.shape_cast %get3A_1103 : vector<1x16xf32> to vector<16xf32>
      %get3A_1105 = arith.index_cast %div3A_1088 : i32 to index
      %get3A_1106 = arith.constant 64 : index
      %get3A_1107 = tpu.vector_load %arg7[%get3A_1105, %get3A_1106] {strides = array<i32>} : memref<200x128xf32, #tpu.memory_space<vmem>>, vector<1x16xf32>,
      %get3A_1108 = vector.shape_cast %get3A_1107 : vector<1x16xf32> to vector<16xf32>
      %get3A_1109 = arith.index_cast %div3A_1088 : i32 to index
      %get3A_1110 = arith.constant 80 : index
      %get3A_1111 = tpu.vector_load %arg7[%get3A_1109, %get3A_1110] {strides = array<i32>} : memref<200x128xf32, #tpu.memory_space<vmem>>, vector<1x16xf32>,
      %get3A_1112 = vector.shape_cast %get3A_1111 : vector<1x16xf32> to vector<16xf32>
      %get3A_1113 = arith.index_cast %div3A_1088 : i32 to index
      %get3A_1114 = arith.constant 96 : index
      %get3A_1115 = tpu.vector_load %arg7[%get3A_1113, %get3A_1114] {strides = array<i32>} : memref<200x128xf32, #tpu.memory_space<vmem>>, vector<1x16xf32>,
      %get3A_1116 = vector.shape_cast %get3A_1115 : vector<1x16xf32> to vector<16xf32>
      %get3A_1117 = arith.index_cast %div3A_1088 : i32 to index
      %get3A_1118 = arith.constant 112 : index
      %get3A_1119 = tpu.vector_load %arg7[%get3A_1117, %get3A_1118] {strides = array<i32>} : memref<200x128xf32, #tpu.memory_space<vmem>>, vector<1x16xf32>,
      %get3A_1120 = vector.shape_cast %get3A_1119 : vector<1x16xf32> to vector<16xf32>
      %scan3A_1121 = arith.constant 0 : i32
      %scan3A_1122 = arith.constant 0 : i32
      %scan3A_1123 = arith.constant 128 : i32
      %scan3A_1124 = arith.addi %scan3A_1122, %scan3A_1123 : i32
      %scan3A_1125 = arith.constant 4 : i32
      scf.for %scan3A_1262 = %scan3A_1122 to %scan3A_1124 step %scan3A_1125  : i32 {
        %swap3A = arith.constant 2 : i32
        %swap3A_1263 = arith.index_cast %swap3A : i32 to index
        %swap3A_1264 = arith.index_cast %scan3A_1262 : i32 to index
        %swap3A_1265 = arith.constant 0 : index
        %swap3A_1266 = tpu.vector_load %arg8[%swap3A_1263, %swap3A_1264, %swap3A_1265] {strides = array<i32>} : memref<4x128x128xf32, #tpu.memory_space<vmem>>, vector<1x1x16xf32>,
        %swap3A_1267 = vector.shape_cast %swap3A_1266 : vector<1x1x16xf32> to vector<16xf32>
        %swap3A_1268 = vector.shape_cast %get3A_1092 : vector<16xf32> to vector<1x1x16xf32>
        tpu.vector_store %arg8[%swap3A_1263, %swap3A_1264, %swap3A_1265], %swap3A_1268 {add = true, strides = array<i32>} : memref<4x128x128xf32, #tpu.memory_space<vmem>>, vector<1x1x16xf32>,
        %swap3A_1269 = arith.constant 2 : i32
        %swap3A_1270 = arith.index_cast %swap3A_1269 : i32 to index
        %swap3A_1271 = arith.index_cast %scan3A_1262 : i32 to index
        %swap3A_1272 = arith.constant 16 : index
        %swap3A_1273 = tpu.vector_load %arg8[%swap3A_1270, %swap3A_1271, %swap3A_1272] {strides = array<i32>} : memref<4x128x128xf32, #tpu.memory_space<vmem>>, vector<1x1x16xf32>,
        %swap3A_1274 = vector.shape_cast %swap3A_1273 : vector<1x1x16xf32> to vector<16xf32>
        %swap3A_1275 = vector.shape_cast %get3A_1096 : vector<16xf32> to vector<1x1x16xf32>
        tpu.vector_store %arg8[%swap3A_1270, %swap3A_1271, %swap3A_1272], %swap3A_1275 {add = true, strides = array<i32>} : memref<4x128x128xf32, #tpu.memory_space<vmem>>, vector<1x1x16xf32>,
        %swap3A_1276 = arith.constant 2 : i32
        %swap3A_1277 = arith.index_cast %swap3A_1276 : i32 to index
        %swap3A_1278 = arith.index_cast %scan3A_1262 : i32 to index
        %swap3A_1279 = arith.constant 32 : index
        %swap3A_1280 = tpu.vector_load %arg8[%swap3A_1277, %swap3A_1278, %swap3A_1279] {strides = array<i32>} : memref<4x128x128xf32, #tpu.memory_space<vmem>>, vector<1x1x16xf32>,
        %swap3A_1281 = vector.shape_cast %swap3A_1280 : vector<1x1x16xf32> to vector<16xf32>
        %swap3A_1282 = vector.shape_cast %get3A_1100 : vector<16xf32> to vector<1x1x16xf32>
        tpu.vector_store %arg8[%swap3A_1277, %swap3A_1278, %swap3A_1279], %swap3A_1282 {add = true, strides = array<i32>} : memref<4x128x128xf32, #tpu.memory_space<vmem>>, vector<1x1x16xf32>,
        %swap3A_1283 = arith.constant 2 : i32
        %swap3A_1284 = arith.index_cast %swap3A_1283 : i32 to index
        %swap3A_1285 = arith.index_cast %scan3A_1262 : i32 to index
        %swap3A_1286 = arith.constant 48 : index
        %swap3A_1287 = tpu.vector_load %arg8[%swap3A_1284, %swap3A_1285, %swap3A_1286] {strides = array<i32>} : memref<4x128x128xf32, #tpu.memory_space<vmem>>, vector<1x1x16xf32>,
        %swap3A_1288 = vector.shape_cast %swap3A_1287 : vector<1x1x16xf32> to vector<16xf32>
        %swap3A_1289 = vector.shape_cast %get3A_1104 : vector<16xf32> to vector<1x1x16xf32>
        tpu.vector_store %arg8[%swap3A_1284, %swap3A_1285, %swap3A_1286], %swap3A_1289 {add = true, strides = array<i32>} : memref<4x128x128xf32, #tpu.memory_space<vmem>>, vector<1x1x16xf32>,
        %swap3A_1290 = arith.constant 2 : i32
        %swap3A_1291 = arith.index_cast %swap3A_1290 : i32 to index
        %swap3A_1292 = arith.index_cast %scan3A_1262 : i32 to index
        %swap3A_1293 = arith.constant 64 : index
        %swap3A_1294 = tpu.vector_load %arg8[%swap3A_1291, %swap3A_1292, %swap3A_1293] {strides = array<i32>} : memref<4x128x128xf32, #tpu.memory_space<vmem>>, vector<1x1x16xf32>,
        %swap3A_1295 = vector.shape_cast %swap3A_1294 : vector<1x1x16xf32> to vector<16xf32>
        %swap3A_1296 = vector.shape_cast %get3A_1108 : vector<16xf32> to vector<1x1x16xf32>
        tpu.vector_store %arg8[%swap3A_1291, %swap3A_1292, %swap3A_1293], %swap3A_1296 {add = true, strides = array<i32>} : memref<4x128x128xf32, #tpu.memory_space<vmem>>, vector<1x1x16xf32>,
        %swap3A_1297 = arith.constant 2 : i32
        %swap3A_1298 = arith.index_cast %swap3A_1297 : i32 to index
        %swap3A_1299 = arith.index_cast %scan3A_1262 : i32 to index
        %swap3A_1300 = arith.constant 80 : index
        %swap3A_1301 = tpu.vector_load %arg8[%swap3A_1298, %swap3A_1299, %swap3A_1300] {strides = array<i32>} : memref<4x128x128xf32, #tpu.memory_space<vmem>>, vector<1x1x16xf32>,
        %swap3A_1302 = vector.shape_cast %swap3A_1301 : vector<1x1x16xf32> to vector<16xf32>
        %swap3A_1303 = vector.shape_cast %get3A_1112 : vector<16xf32> to vector<1x1x16xf32>
        tpu.vector_store %arg8[%swap3A_1298, %swap3A_1299, %swap3A_1300], %swap3A_1303 {add = true, strides = array<i32>} : memref<4x128x128xf32, #tpu.memory_space<vmem>>, vector<1x1x16xf32>,
        %swap3A_1304 = arith.constant 2 : i32
        %swap3A_1305 = arith.index_cast %swap3A_1304 : i32 to index
        %swap3A_1306 = arith.index_cast %scan3A_1262 : i32 to index
        %swap3A_1307 = arith.constant 96 : index
        %swap3A_1308 = tpu.vector_load %arg8[%swap3A_1305, %swap3A_1306, %swap3A_1307] {strides = array<i32>} : memref<4x128x128xf32, #tpu.memory_space<vmem>>, vector<1x1x16xf32>,
        %swap3A_1309 = vector.shape_cast %swap3A_1308 : vector<1x1x16xf32> to vector<16xf32>
        %swap3A_1310 = vector.shape_cast %get3A_1116 : vector<16xf32> to vector<1x1x16xf32>
        tpu.vector_store %arg8[%swap3A_1305, %swap3A_1306, %swap3A_1307], %swap3A_1310 {add = true, strides = array<i32>} : memref<4x128x128xf32, #tpu.memory_space<vmem>>, vector<1x1x16xf32>,
        %swap3A_1311 = arith.constant 2 : i32
        %swap3A_1312 = arith.index_cast %swap3A_1311 : i32 to index
        %swap3A_1313 = arith.index_cast %scan3A_1262 : i32 to index
        %swap3A_1314 = arith.constant 112 : index
        %swap3A_1315 = tpu.vector_load %arg8[%swap3A_1312, %swap3A_1313, %swap3A_1314] {strides = array<i32>} : memref<4x128x128xf32, #tpu.memory_space<vmem>>, vector<1x1x16xf32>,
        %swap3A_1316 = vector.shape_cast %swap3A_1315 : vector<1x1x16xf32> to vector<16xf32>
        %swap3A_1317 = vector.shape_cast %get3A_1120 : vector<16xf32> to vector<1x1x16xf32>
        tpu.vector_store %arg8[%swap3A_1312, %swap3A_1313, %swap3A_1314], %swap3A_1317 {add = true, strides = array<i32>} : memref<4x128x128xf32, #tpu.memory_space<vmem>>, vector<1x1x16xf32>,
        %scan3A_1318 = arith.constant 1 : i32
        %scan3A_1319 = arith.addi %scan3A_1262, %scan3A_1318 : i32
        %swap3A_1320 = arith.constant 2 : i32
        %swap3A_1321 = arith.index_cast %swap3A_1320 : i32 to index
        %swap3A_1322 = arith.index_cast %scan3A_1319 : i32 to index
        %swap3A_1323 = arith.constant 0 : index
        %swap3A_1324 = tpu.vector_load %arg8[%swap3A_1321, %swap3A_1322, %swap3A_1323] {strides = array<i32>} : memref<4x128x128xf32, #tpu.memory_space<vmem>>, vector<1x1x16xf32>,
        %swap3A_1325 = vector.shape_cast %swap3A_1324 : vector<1x1x16xf32> to vector<16xf32>
        %swap3A_1326 = vector.shape_cast %get3A_1092 : vector<16xf32> to vector<1x1x16xf32>
        tpu.vector_store %arg8[%swap3A_1321, %swap3A_1322, %swap3A_1323], %swap3A_1326 {add = true, strides = array<i32>} : memref<4x128x128xf32, #tpu.memory_space<vmem>>, vector<1x1x16xf32>,
        %swap3A_1327 = arith.constant 2 : i32
        %swap3A_1328 = arith.index_cast %swap3A_1327 : i32 to index
        %swap3A_1329 = arith.index_cast %scan3A_1319 : i32 to index
        %swap3A_1330 = arith.constant 16 : index
        %swap3A_1331 = tpu.vector_load %arg8[%swap3A_1328, %swap3A_1329, %swap3A_1330] {strides = array<i32>} : memref<4x128x128xf32, #tpu.memory_space<vmem>>, vector<1x1x16xf32>,
        %swap3A_1332 = vector.shape_cast %swap3A_1331 : vector<1x1x16xf32> to vector<16xf32>
        %swap3A_1333 = vector.shape_cast %get3A_1096 : vector<16xf32> to vector<1x1x16xf32>
        tpu.vector_store %arg8[%swap3A_1328, %swap3A_1329, %swap3A_1330], %swap3A_1333 {add = true, strides = array<i32>} : memref<4x128x128xf32, #tpu.memory_space<vmem>>, vector<1x1x16xf32>,
        %swap3A_1334 = arith.constant 2 : i32
        %swap3A_1335 = arith.index_cast %swap3A_1334 : i32 to index
        %swap3A_1336 = arith.index_cast %scan3A_1319 : i32 to index
        %swap3A_1337 = arith.constant 32 : index
        %swap3A_1338 = tpu.vector_load %arg8[%swap3A_1335, %swap3A_1336, %swap3A_1337] {strides = array<i32>} : memref<4x128x128xf32, #tpu.memory_space<vmem>>, vector<1x1x16xf32>,
        %swap3A_1339 = vector.shape_cast %swap3A_1338 : vector<1x1x16xf32> to vector<16xf32>
        %swap3A_1340 = vector.shape_cast %get3A_1100 : vector<16xf32> to vector<1x1x16xf32>
        tpu.vector_store %arg8[%swap3A_1335, %swap3A_1336, %swap3A_1337], %swap3A_1340 {add = true, strides = array<i32>} : memref<4x128x128xf32, #tpu.memory_space<vmem>>, vector<1x1x16xf32>,
        %swap3A_1341 = arith.constant 2 : i32
        %swap3A_1342 = arith.index_cast %swap3A_1341 : i32 to index
        %swap3A_1343 = arith.index_cast %scan3A_1319 : i32 to index
        %swap3A_1344 = arith.constant 48 : index
        %swap3A_1345 = tpu.vector_load %arg8[%swap3A_1342, %swap3A_1343, %swap3A_1344] {strides = array<i32>} : memref<4x128x128xf32, #tpu.memory_space<vmem>>, vector<1x1x16xf32>,
        %swap3A_1346 = vector.shape_cast %swap3A_1345 : vector<1x1x16xf32> to vector<16xf32>
        %swap3A_1347 = vector.shape_cast %get3A_1104 : vector<16xf32> to vector<1x1x16xf32>
        tpu.vector_store %arg8[%swap3A_1342, %swap3A_1343, %swap3A_1344], %swap3A_1347 {add = true, strides = array<i32>} : memref<4x128x128xf32, #tpu.memory_space<vmem>>, vector<1x1x16xf32>,
        %swap3A_1348 = arith.constant 2 : i32
        %swap3A_1349 = arith.index_cast %swap3A_1348 : i32 to index
        %swap3A_1350 = arith.index_cast %scan3A_1319 : i32 to index
        %swap3A_1351 = arith.constant 64 : index
        %swap3A_1352 = tpu.vector_load %arg8[%swap3A_1349, %swap3A_1350, %swap3A_1351] {strides = array<i32>} : memref<4x128x128xf32, #tpu.memory_space<vmem>>, vector<1x1x16xf32>,
        %swap3A_1353 = vector.shape_cast %swap3A_1352 : vector<1x1x16xf32> to vector<16xf32>
        %swap3A_1354 = vector.shape_cast %get3A_1108 : vector<16xf32> to vector<1x1x16xf32>
        tpu.vector_store %arg8[%swap3A_1349, %swap3A_1350, %swap3A_1351], %swap3A_1354 {add = true, strides = array<i32>} : memref<4x128x128xf32, #tpu.memory_space<vmem>>, vector<1x1x16xf32>,
        %swap3A_1355 = arith.constant 2 : i32
        %swap3A_1356 = arith.index_cast %swap3A_1355 : i32 to index
        %swap3A_1357 = arith.index_cast %scan3A_1319 : i32 to index
        %swap3A_1358 = arith.constant 80 : index
        %swap3A_1359 = tpu.vector_load %arg8[%swap3A_1356, %swap3A_1357, %swap3A_1358] {strides = array<i32>} : memref<4x128x128xf32, #tpu.memory_space<vmem>>, vector<1x1x16xf32>,
        %swap3A_1360 = vector.shape_cast %swap3A_1359 : vector<1x1x16xf32> to vector<16xf32>
        %swap3A_1361 = vector.shape_cast %get3A_1112 : vector<16xf32> to vector<1x1x16xf32>
        tpu.vector_store %arg8[%swap3A_1356, %swap3A_1357, %swap3A_1358], %swap3A_1361 {add = true, strides = array<i32>} : memref<4x128x128xf32, #tpu.memory_space<vmem>>, vector<1x1x16xf32>,
        %swap3A_1362 = arith.constant 2 : i32
        %swap3A_1363 = arith.index_cast %swap3A_1362 : i32 to index
        %swap3A_1364 = arith.index_cast %scan3A_1319 : i32 to index
        %swap3A_1365 = arith.constant 96 : index
        %swap3A_1366 = tpu.vector_load %arg8[%swap3A_1363, %swap3A_1364, %swap3A_1365] {strides = array<i32>} : memref<4x128x128xf32, #tpu.memory_space<vmem>>, vector<1x1x16xf32>,
        %swap3A_1367 = vector.shape_cast %swap3A_1366 : vector<1x1x16xf32> to vector<16xf32>
        %swap3A_1368 = vector.shape_cast %get3A_1116 : vector<16xf32> to vector<1x1x16xf32>
        tpu.vector_store %arg8[%swap3A_1363, %swap3A_1364, %swap3A_1365], %swap3A_1368 {add = true, strides = array<i32>} : memref<4x128x128xf32, #tpu.memory_space<vmem>>, vector<1x1x16xf32>,
        %swap3A_1369 = arith.constant 2 : i32
        %swap3A_1370 = arith.index_cast %swap3A_1369 : i32 to index
        %swap3A_1371 = arith.index_cast %scan3A_1319 : i32 to index
        %swap3A_1372 = arith.constant 112 : index
        %swap3A_1373 = tpu.vector_load %arg8[%swap3A_1370, %swap3A_1371, %swap3A_1372] {strides = array<i32>} : memref<4x128x128xf32, #tpu.memory_space<vmem>>, vector<1x1x16xf32>,
        %swap3A_1374 = vector.shape_cast %swap3A_1373 : vector<1x1x16xf32> to vector<16xf32>
        %swap3A_1375 = vector.shape_cast %get3A_1120 : vector<16xf32> to vector<1x1x16xf32>
        tpu.vector_store %arg8[%swap3A_1370, %swap3A_1371, %swap3A_1372], %swap3A_1375 {add = true, strides = array<i32>} : memref<4x128x128xf32, #tpu.memory_space<vmem>>, vector<1x1x16xf32>,
        %scan3A_1376 = arith.constant 2 : i32
        %scan3A_1377 = arith.addi %scan3A_1262, %scan3A_1376 : i32
        %swap3A_1378 = arith.constant 2 : i32
        %swap3A_1379 = arith.index_cast %swap3A_1378 : i32 to index
        %swap3A_1380 = arith.index_cast %scan3A_1377 : i32 to index
        %swap3A_1381 = arith.constant 0 : index
        %swap3A_1382 = tpu.vector_load %arg8[%swap3A_1379, %swap3A_1380, %swap3A_1381] {strides = array<i32>} : memref<4x128x128xf32, #tpu.memory_space<vmem>>, vector<1x1x16xf32>,
        %swap3A_1383 = vector.shape_cast %swap3A_1382 : vector<1x1x16xf32> to vector<16xf32>
        %swap3A_1384 = vector.shape_cast %get3A_1092 : vector<16xf32> to vector<1x1x16xf32>
        tpu.vector_store %arg8[%swap3A_1379, %swap3A_1380, %swap3A_1381], %swap3A_1384 {add = true, strides = array<i32>} : memref<4x128x128xf32, #tpu.memory_space<vmem>>, vector<1x1x16xf32>,
        %swap3A_1385 = arith.constant 2 : i32
        %swap3A_1386 = arith.index_cast %swap3A_1385 : i32 to index
        %swap3A_1387 = arith.index_cast %scan3A_1377 : i32 to index
        %swap3A_1388 = arith.constant 16 : index
        %swap3A_1389 = tpu.vector_load %arg8[%swap3A_1386, %swap3A_1387, %swap3A_1388] {strides = array<i32>} : memref<4x128x128xf32, #tpu.memory_space<vmem>>, vector<1x1x16xf32>,
        %swap3A_1390 = vector.shape_cast %swap3A_1389 : vector<1x1x16xf32> to vector<16xf32>
        %swap3A_1391 = vector.shape_cast %get3A_1096 : vector<16xf32> to vector<1x1x16xf32>
        tpu.vector_store %arg8[%swap3A_1386, %swap3A_1387, %swap3A_1388], %swap3A_1391 {add = true, strides = array<i32>} : memref<4x128x128xf32, #tpu.memory_space<vmem>>, vector<1x1x16xf32>,
        %swap3A_1392 = arith.constant 2 : i32
        %swap3A_1393 = arith.index_cast %swap3A_1392 : i32 to index
        %swap3A_1394 = arith.index_cast %scan3A_1377 : i32 to index
        %swap3A_1395 = arith.constant 32 : index
        %swap3A_1396 = tpu.vector_load %arg8[%swap3A_1393, %swap3A_1394, %swap3A_1395] {strides = array<i32>} : memref<4x128x128xf32, #tpu.memory_space<vmem>>, vector<1x1x16xf32>,
        %swap3A_1397 = vector.shape_cast %swap3A_1396 : vector<1x1x16xf32> to vector<16xf32>
        %swap3A_1398 = vector.shape_cast %get3A_1100 : vector<16xf32> to vector<1x1x16xf32>
        tpu.vector_store %arg8[%swap3A_1393, %swap3A_1394, %swap3A_1395], %swap3A_1398 {add = true, strides = array<i32>} : memref<4x128x128xf32, #tpu.memory_space<vmem>>, vector<1x1x16xf32>,
        %swap3A_1399 = arith.constant 2 : i32
        %swap3A_1400 = arith.index_cast %swap3A_1399 : i32 to index
        %swap3A_1401 = arith.index_cast %scan3A_1377 : i32 to index
        %swap3A_1402 = arith.constant 48 : index
        %swap3A_1403 = tpu.vector_load %arg8[%swap3A_1400, %swap3A_1401, %swap3A_1402] {strides = array<i32>} : memref<4x128x128xf32, #tpu.memory_space<vmem>>, vector<1x1x16xf32>,
        %swap3A_1404 = vector.shape_cast %swap3A_1403 : vector<1x1x16xf32> to vector<16xf32>
        %swap3A_1405 = vector.shape_cast %get3A_1104 : vector<16xf32> to vector<1x1x16xf32>
        tpu.vector_store %arg8[%swap3A_1400, %swap3A_1401, %swap3A_1402], %swap3A_1405 {add = true, strides = array<i32>} : memref<4x128x128xf32, #tpu.memory_space<vmem>>, vector<1x1x16xf32>,
        %swap3A_1406 = arith.constant 2 : i32
        %swap3A_1407 = arith.index_cast %swap3A_1406 : i32 to index
        %swap3A_1408 = arith.index_cast %scan3A_1377 : i32 to index
        %swap3A_1409 = arith.constant 64 : index
        %swap3A_1410 = tpu.vector_load %arg8[%swap3A_1407, %swap3A_1408, %swap3A_1409] {strides = array<i32>} : memref<4x128x128xf32, #tpu.memory_space<vmem>>, vector<1x1x16xf32>,
        %swap3A_1411 = vector.shape_cast %swap3A_1410 : vector<1x1x16xf32> to vector<16xf32>
        %swap3A_1412 = vector.shape_cast %get3A_1108 : vector<16xf32> to vector<1x1x16xf32>
        tpu.vector_store %arg8[%swap3A_1407, %swap3A_1408, %swap3A_1409], %swap3A_1412 {add = true, strides = array<i32>} : memref<4x128x128xf32, #tpu.memory_space<vmem>>, vector<1x1x16xf32>,
        %swap3A_1413 = arith.constant 2 : i32
        %swap3A_1414 = arith.index_cast %swap3A_1413 : i32 to index
        %swap3A_1415 = arith.index_cast %scan3A_1377 : i32 to index
        %swap3A_1416 = arith.constant 80 : index
        %swap3A_1417 = tpu.vector_load %arg8[%swap3A_1414, %swap3A_1415, %swap3A_1416] {strides = array<i32>} : memref<4x128x128xf32, #tpu.memory_space<vmem>>, vector<1x1x16xf32>,
        %swap3A_1418 = vector.shape_cast %swap3A_1417 : vector<1x1x16xf32> to vector<16xf32>
        %swap3A_1419 = vector.shape_cast %get3A_1112 : vector<16xf32> to vector<1x1x16xf32>
        tpu.vector_store %arg8[%swap3A_1414, %swap3A_1415, %swap3A_1416], %swap3A_1419 {add = true, strides = array<i32>} : memref<4x128x128xf32, #tpu.memory_space<vmem>>, vector<1x1x16xf32>,
        %swap3A_1420 = arith.constant 2 : i32
        %swap3A_1421 = arith.index_cast %swap3A_1420 : i32 to index
        %swap3A_1422 = arith.index_cast %scan3A_1377 : i32 to index
        %swap3A_1423 = arith.constant 96 : index
        %swap3A_1424 = tpu.vector_load %arg8[%swap3A_1421, %swap3A_1422, %swap3A_1423] {strides = array<i32>} : memref<4x128x128xf32, #tpu.memory_space<vmem>>, vector<1x1x16xf32>,
        %swap3A_1425 = vector.shape_cast %swap3A_1424 : vector<1x1x16xf32> to vector<16xf32>
        %swap3A_1426 = vector.shape_cast %get3A_1116 : vector<16xf32> to vector<1x1x16xf32>
        tpu.vector_store %arg8[%swap3A_1421, %swap3A_1422, %swap3A_1423], %swap3A_1426 {add = true, strides = array<i32>} : memref<4x128x128xf32, #tpu.memory_space<vmem>>, vector<1x1x16xf32>,
        %swap3A_1427 = arith.constant 2 : i32
        %swap3A_1428 = arith.index_cast %swap3A_1427 : i32 to index
        %swap3A_1429 = arith.index_cast %scan3A_1377 : i32 to index
        %swap3A_1430 = arith.constant 112 : index
        %swap3A_1431 = tpu.vector_load %arg8[%swap3A_1428, %swap3A_1429, %swap3A_1430] {strides = array<i32>} : memref<4x128x128xf32, #tpu.memory_space<vmem>>, vector<1x1x16xf32>,
        %swap3A_1432 = vector.shape_cast %swap3A_1431 : vector<1x1x16xf32> to vector<16xf32>
        %swap3A_1433 = vector.shape_cast %get3A_1120 : vector<16xf32> to vector<1x1x16xf32>
        tpu.vector_store %arg8[%swap3A_1428, %swap3A_1429, %swap3A_1430], %swap3A_1433 {add = true, strides = array<i32>} : memref<4x128x128xf32, #tpu.memory_space<vmem>>, vector<1x1x16xf32>,
        %scan3A_1434 = arith.constant 3 : i32
        %scan3A_1435 = arith.addi %scan3A_1262, %scan3A_1434 : i32
        %swap3A_1436 = arith.constant 2 : i32
        %swap3A_1437 = arith.index_cast %swap3A_1436 : i32 to index
        %swap3A_1438 = arith.index_cast %scan3A_1435 : i32 to index
        %swap3A_1439 = arith.constant 0 : index
        %swap3A_1440 = tpu.vector_load %arg8[%swap3A_1437, %swap3A_1438, %swap3A_1439] {strides = array<i32>} : memref<4x128x128xf32, #tpu.memory_space<vmem>>, vector<1x1x16xf32>,
        %swap3A_1441 = vector.shape_cast %swap3A_1440 : vector<1x1x16xf32> to vector<16xf32>
        %swap3A_1442 = vector.shape_cast %get3A_1092 : vector<16xf32> to vector<1x1x16xf32>
        tpu.vector_store %arg8[%swap3A_1437, %swap3A_1438, %swap3A_1439], %swap3A_1442 {add = true, strides = array<i32>} : memref<4x128x128xf32, #tpu.memory_space<vmem>>, vector<1x1x16xf32>,
        %swap3A_1443 = arith.constant 2 : i32
        %swap3A_1444 = arith.index_cast %swap3A_1443 : i32 to index
        %swap3A_1445 = arith.index_cast %scan3A_1435 : i32 to index
        %swap3A_1446 = arith.constant 16 : index
        %swap3A_1447 = tpu.vector_load %arg8[%swap3A_1444, %swap3A_1445, %swap3A_1446] {strides = array<i32>} : memref<4x128x128xf32, #tpu.memory_space<vmem>>, vector<1x1x16xf32>,
        %swap3A_1448 = vector.shape_cast %swap3A_1447 : vector<1x1x16xf32> to vector<16xf32>
        %swap3A_1449 = vector.shape_cast %get3A_1096 : vector<16xf32> to vector<1x1x16xf32>
        tpu.vector_store %arg8[%swap3A_1444, %swap3A_1445, %swap3A_1446], %swap3A_1449 {add = true, strides = array<i32>} : memref<4x128x128xf32, #tpu.memory_space<vmem>>, vector<1x1x16xf32>,
        %swap3A_1450 = arith.constant 2 : i32
        %swap3A_1451 = arith.index_cast %swap3A_1450 : i32 to index
        %swap3A_1452 = arith.index_cast %scan3A_1435 : i32 to index
        %swap3A_1453 = arith.constant 32 : index
        %swap3A_1454 = tpu.vector_load %arg8[%swap3A_1451, %swap3A_1452, %swap3A_1453] {strides = array<i32>} : memref<4x128x128xf32, #tpu.memory_space<vmem>>, vector<1x1x16xf32>,
        %swap3A_1455 = vector.shape_cast %swap3A_1454 : vector<1x1x16xf32> to vector<16xf32>
        %swap3A_1456 = vector.shape_cast %get3A_1100 : vector<16xf32> to vector<1x1x16xf32>
        tpu.vector_store %arg8[%swap3A_1451, %swap3A_1452, %swap3A_1453], %swap3A_1456 {add = true, strides = array<i32>} : memref<4x128x128xf32, #tpu.memory_space<vmem>>, vector<1x1x16xf32>,
        %swap3A_1457 = arith.constant 2 : i32
        %swap3A_1458 = arith.index_cast %swap3A_1457 : i32 to index
        %swap3A_1459 = arith.index_cast %scan3A_1435 : i32 to index
        %swap3A_1460 = arith.constant 48 : index
        %swap3A_1461 = tpu.vector_load %arg8[%swap3A_1458, %swap3A_1459, %swap3A_1460] {strides = array<i32>} : memref<4x128x128xf32, #tpu.memory_space<vmem>>, vector<1x1x16xf32>,
        %swap3A_1462 = vector.shape_cast %swap3A_1461 : vector<1x1x16xf32> to vector<16xf32>
        %swap3A_1463 = vector.shape_cast %get3A_1104 : vector<16xf32> to vector<1x1x16xf32>
        tpu.vector_store %arg8[%swap3A_1458, %swap3A_1459, %swap3A_1460], %swap3A_1463 {add = true, strides = array<i32>} : memref<4x128x128xf32, #tpu.memory_space<vmem>>, vector<1x1x16xf32>,
        %swap3A_1464 = arith.constant 2 : i32
        %swap3A_1465 = arith.index_cast %swap3A_1464 : i32 to index
        %swap3A_1466 = arith.index_cast %scan3A_1435 : i32 to index
        %swap3A_1467 = arith.constant 64 : index
        %swap3A_1468 = tpu.vector_load %arg8[%swap3A_1465, %swap3A_1466, %swap3A_1467] {strides = array<i32>} : memref<4x128x128xf32, #tpu.memory_space<vmem>>, vector<1x1x16xf32>,
        %swap3A_1469 = vector.shape_cast %swap3A_1468 : vector<1x1x16xf32> to vector<16xf32>
        %swap3A_1470 = vector.shape_cast %get3A_1108 : vector<16xf32> to vector<1x1x16xf32>
        tpu.vector_store %arg8[%swap3A_1465, %swap3A_1466, %swap3A_1467], %swap3A_1470 {add = true, strides = array<i32>} : memref<4x128x128xf32, #tpu.memory_space<vmem>>, vector<1x1x16xf32>,
        %swap3A_1471 = arith.constant 2 : i32
        %swap3A_1472 = arith.index_cast %swap3A_1471 : i32 to index
        %swap3A_1473 = arith.index_cast %scan3A_1435 : i32 to index
        %swap3A_1474 = arith.constant 80 : index
        %swap3A_1475 = tpu.vector_load %arg8[%swap3A_1472, %swap3A_1473, %swap3A_1474] {strides = array<i32>} : memref<4x128x128xf32, #tpu.memory_space<vmem>>, vector<1x1x16xf32>,
        %swap3A_1476 = vector.shape_cast %swap3A_1475 : vector<1x1x16xf32> to vector<16xf32>
        %swap3A_1477 = vector.shape_cast %get3A_1112 : vector<16xf32> to vector<1x1x16xf32>
        tpu.vector_store %arg8[%swap3A_1472, %swap3A_1473, %swap3A_1474], %swap3A_1477 {add = true, strides = array<i32>} : memref<4x128x128xf32, #tpu.memory_space<vmem>>, vector<1x1x16xf32>,
        %swap3A_1478 = arith.constant 2 : i32
        %swap3A_1479 = arith.index_cast %swap3A_1478 : i32 to index
        %swap3A_1480 = arith.index_cast %scan3A_1435 : i32 to index
        %swap3A_1481 = arith.constant 96 : index
        %swap3A_1482 = tpu.vector_load %arg8[%swap3A_1479, %swap3A_1480, %swap3A_1481] {strides = array<i32>} : memref<4x128x128xf32, #tpu.memory_space<vmem>>, vector<1x1x16xf32>,
        %swap3A_1483 = vector.shape_cast %swap3A_1482 : vector<1x1x16xf32> to vector<16xf32>
        %swap3A_1484 = vector.shape_cast %get3A_1116 : vector<16xf32> to vector<1x1x16xf32>
        tpu.vector_store %arg8[%swap3A_1479, %swap3A_1480, %swap3A_1481], %swap3A_1484 {add = true, strides = array<i32>} : memref<4x128x128xf32, #tpu.memory_space<vmem>>, vector<1x1x16xf32>,
        %swap3A_1485 = arith.constant 2 : i32
        %swap3A_1486 = arith.index_cast %swap3A_1485 : i32 to index
        %swap3A_1487 = arith.index_cast %scan3A_1435 : i32 to index
        %swap3A_1488 = arith.constant 112 : index
        %swap3A_1489 = tpu.vector_load %arg8[%swap3A_1486, %swap3A_1487, %swap3A_1488] {strides = array<i32>} : memref<4x128x128xf32, #tpu.memory_space<vmem>>, vector<1x1x16xf32>,
        %swap3A_1490 = vector.shape_cast %swap3A_1489 : vector<1x1x16xf32> to vector<16xf32>
        %swap3A_1491 = vector.shape_cast %get3A_1120 : vector<16xf32> to vector<1x1x16xf32>
        tpu.vector_store %arg8[%swap3A_1486, %swap3A_1487, %swap3A_1488], %swap3A_1491 {add = true, strides = array<i32>} : memref<4x128x128xf32, #tpu.memory_space<vmem>>, vector<1x1x16xf32>,
      }
      %scan3A_1126 = arith.constant 128 : i32
      %mul3A_1127 = arith.constant 128 : i32
      %mul3A_1128 = arith.muli %add3A_1040, %mul3A_1127 : i32
      %add3A_1129 = arith.addi %mul3A_2, %mul3A_1128 : i32
      %div3A_1130 = arith.constant 4096 : i32
      %div3A_1131 = arith.divsi %add3A_1129, %div3A_1130 : i32
      %rem3A_1132 = arith.constant 4096 : i32
      %rem3A_1133 = arith.remsi %add3A_1129, %rem3A_1132 : i32
      %dma_start3A_1134 = arith.constant 2 : i32
      %dma_start3A_1135 = arith.constant 0 : i32
      %dma_start3A_1136 = arith.constant 0 : i32
      %dma_start3A_1137 = tpu.memref_slice %arg8[%dma_start3A_1134, %dma_start3A_1135, %dma_start3A_1136] : memref<4x128x128xf32, #tpu.memory_space<vmem>> -> memref<1x128x128xf32, #tpu.memory_space<vmem>>
      %dma_start3A_1138 = tpu.memref_squeeze %dma_start3A_1137 : memref<1x128x128xf32, #tpu.memory_space<vmem>> -> memref<128x128xf32, #tpu.memory_space<vmem>>
      %dma_start3A_1139 = arith.constant 0 : i32
      %dma_start3A_1140 = tpu.memref_slice %arg5[%rem3A_1133, %div3A_1131, %dma_start3A_1139] : memref<4096x200x128xf32, #tpu.memory_space<hbm>> -> memref<128x1x128xf32, #tpu.memory_space<hbm>>
      %dma_start3A_1141 = tpu.memref_squeeze %dma_start3A_1140 : memref<128x1x128xf32, #tpu.memory_space<hbm>> -> memref<128x128xf32, #tpu.memory_space<hbm>>
      %dma_start3A_1142 = arith.constant 0 : i32
      %dma_start3A_1143 = tpu.memref_slice %arg5[%rem3A_1133, %div3A_1131, %dma_start3A_1142] : memref<4096x200x128xf32, #tpu.memory_space<hbm>> -> memref<128x1x128xf32, #tpu.memory_space<hbm>>
      %dma_start3A_1144 = tpu.memref_squeeze %dma_start3A_1143 : memref<128x1x128xf32, #tpu.memory_space<hbm>> -> memref<128x128xf32, #tpu.memory_space<hbm>>
      %dma_start3A_1145 = arith.constant 0 : i32
      %dma_start3A_1146 = arith.constant 0 : i32
      %dma_start3A_1147 = tpu.memref_slice %arg8[%dma_start3A_1134, %dma_start3A_1145, %dma_start3A_1146] : memref<4x128x128xf32, #tpu.memory_space<vmem>> -> memref<1x128x128xf32, #tpu.memory_space<vmem>>
      %dma_start3A_1148 = tpu.memref_squeeze %dma_start3A_1147 : memref<1x128x128xf32, #tpu.memory_space<vmem>> -> memref<128x128xf32, #tpu.memory_space<vmem>>
      tpu.enqueue_dma source(%dma_start3A_1148 : memref<128x128xf32, #tpu.memory_space<vmem>>) target(%dma_start3A_1144 : memref<128x128xf32, #tpu.memory_space<hbm>>) target_semaphore(%arg15 : memref<!tpu.dma_semaphore, #tpu.memory_space<semaphore_mem>>)
      %mul3A_1149 = arith.constant 4 : i32
      %mul3A_1150 = arith.muli %scan3A_812, %mul3A_1149 : i32
      %add3A_1151 = arith.constant 3 : i32
      %add3A_1152 = arith.addi %mul3A_1150, %add3A_1151 : i32
      %dma_wait3A_1153 = arith.constant 2 : i32
      %dma_wait3A_1154 = arith.constant 0 : i32
      %dma_wait3A_1155 = arith.constant 0 : i32
      %dma_wait3A_1156 = arith.constant 0 : i32
      %dma_wait3A_1157 = tpu.memref_slice %arg8[%dma_wait3A_1153, %dma_wait3A_1155, %dma_wait3A_1156] : memref<4x128x128xf32, #tpu.memory_space<vmem>> -> memref<1x128x128xf32, #tpu.memory_space<vmem>>
      %dma_wait3A_1158 = tpu.memref_squeeze %dma_wait3A_1157 : memref<1x128x128xf32, #tpu.memory_space<vmem>> -> memref<128x128xf32, #tpu.memory_space<vmem>>
      %dma_wait3A_1159 = arith.constant 0 : i32
      %dma_wait3A_1160 = arith.constant 0 : i32
      %dma_wait3A_1161 = tpu.memref_slice %arg5[%dma_wait3A_1159, %dma_wait3A_1154, %dma_wait3A_1160] : memref<4096x200x128xf32, #tpu.memory_space<hbm>> -> memref<128x1x128xf32, #tpu.memory_space<hbm>>
      %dma_wait3A_1162 = tpu.memref_squeeze %dma_wait3A_1161 : memref<128x1x128xf32, #tpu.memory_space<hbm>> -> memref<128x128xf32, #tpu.memory_space<hbm>>
      %dma_wait3A_1163 = arith.constant 0 : i32
      %dma_wait3A_1164 = arith.constant 0 : i32
      %dma_wait3A_1165 = tpu.memref_slice %arg5[%dma_wait3A_1163, %dma_wait3A_1154, %dma_wait3A_1164] : memref<4096x200x128xf32, #tpu.memory_space<hbm>> -> memref<128x1x128xf32, #tpu.memory_space<hbm>>
      %dma_wait3A_1166 = tpu.memref_squeeze %dma_wait3A_1165 : memref<128x1x128xf32, #tpu.memory_space<hbm>> -> memref<128x128xf32, #tpu.memory_space<hbm>>
      %dma_wait3A_1167 = arith.constant 0 : i32
      %dma_wait3A_1168 = arith.constant 0 : i32
      %dma_wait3A_1169 = tpu.memref_slice %arg8[%dma_wait3A_1153, %dma_wait3A_1167, %dma_wait3A_1168] : memref<4x128x128xf32, #tpu.memory_space<vmem>> -> memref<1x128x128xf32, #tpu.memory_space<vmem>>
      %dma_wait3A_1170 = tpu.memref_squeeze %dma_wait3A_1169 : memref<1x128x128xf32, #tpu.memory_space<vmem>> -> memref<128x128xf32, #tpu.memory_space<vmem>>
      tpu.wait_dma2 semaphore(%arg15 : memref<!tpu.dma_semaphore, #tpu.memory_space<semaphore_mem>>) src(%dma_wait3A_1170 : memref<128x128xf32, #tpu.memory_space<vmem>>) dst(%dma_wait3A_1166 : memref<128x128xf32, #tpu.memory_space<hbm>>)
      %add3A_1171 = arith.constant 4 : i32
      %add3A_1172 = arith.addi %add3A_1152, %add3A_1171 : i32
      %sub3A_1173 = arith.constant 1 : i32
      %sub3A_1174 = arith.subi %add3A_1172, %sub3A_1173 : i32
      %mul3A_1175 = arith.constant 128 : i32
      %mul3A_1176 = arith.muli %sub3A_1174, %mul3A_1175 : i32
      %dma_start3A_1177 = arith.constant 2 : i32
      %dma_start3A_1178 = arith.constant 0 : i32
      %dma_start3A_1179 = arith.constant 0 : i32
      %dma_start3A_1180 = tpu.memref_slice %arg8[%dma_start3A_1177, %dma_start3A_1178, %dma_start3A_1179] : memref<4x128x128xf32, #tpu.memory_space<vmem>> -> memref<1x128x128xf32, #tpu.memory_space<vmem>>
      %dma_start3A_1181 = tpu.memref_squeeze %dma_start3A_1180 : memref<1x128x128xf32, #tpu.memory_space<vmem>> -> memref<128x128xf32, #tpu.memory_space<vmem>>
      %dma_start3A_1182 = tpu.memref_slice %arg6[%mul3A_1176] : memref<25600xi32, #tpu.memory_space<vmem>> -> memref<128xi32, #tpu.memory_space<vmem>>
      %dma_start3A_1183 = arith.constant 0 : i32
      %dma_start3A_1184 = arith.constant 0 : i32
      %dma_start3A_1185 = tpu.memref_slice %arg3[%dma_start3A_1183, %dma_start3A_1184] : memref<100000x128xf32, #tpu.memory_space<hbm>> -> memref<100000x128xf32, #tpu.memory_space<hbm>>
      tpu.enqueue_indirect_dma source(%dma_start3A_1185 : memref<100000x128xf32, #tpu.memory_space<hbm>>) target(%dma_start3A_1181 : memref<128x128xf32, #tpu.memory_space<vmem>>) offsets(%dma_start3A_1182 : memref<128xi32, #tpu.memory_space<vmem>>) semaphore(%arg11 : memref<!tpu.dma_semaphore, #tpu.memory_space<semaphore_mem>>)
      %dma_wait3A_1186 = arith.constant 3 : i32
      %dma_wait3A_1187 = arith.constant 0 : i32
      %dma_wait3A_1188 = arith.constant 0 : i32
      %dma_wait3A_1189 = tpu.memref_slice %arg8[%dma_wait3A_1186, %dma_wait3A_1187, %dma_wait3A_1188] : memref<4x128x128xf32, #tpu.memory_space<vmem>> -> memref<1x128x128xf32, #tpu.memory_space<vmem>>
      %dma_wait3A_1190 = tpu.memref_squeeze %dma_wait3A_1189 : memref<1x128x128xf32, #tpu.memory_space<vmem>> -> memref<128x128xf32, #tpu.memory_space<vmem>>
      %dma_wait3A_1191 = arith.constant 0 : i32
      %dma_wait3A_1192 = tpu.memref_slice %arg6[%dma_wait3A_1191] : memref<25600xi32, #tpu.memory_space<vmem>> -> memref<128xi32, #tpu.memory_space<vmem>>
      %dma_wait3A_1193 = arith.constant 0 : i32
      %dma_wait3A_1194 = arith.constant 0 : i32
      %dma_wait3A_1195 = tpu.memref_slice %arg3[%dma_wait3A_1193, %dma_wait3A_1194] : memref<100000x128xf32, #tpu.memory_space<hbm>> -> memref<100000x128xf32, #tpu.memory_space<hbm>>
      tpu.wait_indirect_dma semaphore(%arg12 : memref<!tpu.dma_semaphore, #tpu.memory_space<semaphore_mem>>) src(%dma_wait3A_1195 : memref<100000x128xf32, #tpu.memory_space<hbm>>) dst(%dma_wait3A_1190 : memref<128x128xf32, #tpu.memory_space<vmem>>)
      %mul3A_1196 = arith.constant 128 : i32
      %mul3A_1197 = arith.muli %add3A_1152, %mul3A_1196 : i32
      %add3A_1198 = arith.addi %mul3A_2, %mul3A_1197 : i32
      %div3A_1199 = arith.constant 4096 : i32
      %div3A_1200 = arith.divsi %add3A_1198, %div3A_1199 : i32
      %get3A_1201 = arith.index_cast %div3A_1200 : i32 to index
      %get3A_1202 = arith.constant 0 : index
      %get3A_1203 = tpu.vector_load %arg7[%get3A_1201, %get3A_1202] {strides = array<i32>} : memref<200x128xf32, #tpu.memory_space<vmem>>, vector<1x16xf32>,
      %get3A_1204 = vector.shape_cast %get3A_1203 : vector<1x16xf32> to vector<16xf32>
      %get3A_1205 = arith.index_cast %div3A_1200 : i32 to index
      %get3A_1206 = arith.constant 16 : index
      %get3A_1207 = tpu.vector_load %arg7[%get3A_1205, %get3A_1206] {strides = array<i32>} : memref<200x128xf32, #tpu.memory_space<vmem>>, vector<1x16xf32>,
      %get3A_1208 = vector.shape_cast %get3A_1207 : vector<1x16xf32> to vector<16xf32>
      %get3A_1209 = arith.index_cast %div3A_1200 : i32 to index
      %get3A_1210 = arith.constant 32 : index
      %get3A_1211 = tpu.vector_load %arg7[%get3A_1209, %get3A_1210] {strides = array<i32>} : memref<200x128xf32, #tpu.memory_space<vmem>>, vector<1x16xf32>,
      %get3A_1212 = vector.shape_cast %get3A_1211 : vector<1x16xf32> to vector<16xf32>
      %get3A_1213 = arith.index_cast %div3A_1200 : i32 to index
      %get3A_1214 = arith.constant 48 : index
      %get3A_1215 = tpu.vector_load %arg7[%get3A_1213, %get3A_1214] {strides = array<i32>} : memref<200x128xf32, #tpu.memory_space<vmem>>, vector<1x16xf32>,
      %get3A_1216 = vector.shape_cast %get3A_1215 : vector<1x16xf32> to vector<16xf32>
      %get3A_1217 = arith.index_cast %div3A_1200 : i32 to index
      %get3A_1218 = arith.constant 64 : index
      %get3A_1219 = tpu.vector_load %arg7[%get3A_1217, %get3A_1218] {strides = array<i32>} : memref<200x128xf32, #tpu.memory_space<vmem>>, vector<1x16xf32>,
      %get3A_1220 = vector.shape_cast %get3A_1219 : vector<1x16xf32> to vector<16xf32>
      %get3A_1221 = arith.index_cast %div3A_1200 : i32 to index
      %get3A_1222 = arith.constant 80 : index
      %get3A_1223 = tpu.vector_load %arg7[%get3A_1221, %get3A_1222] {strides = array<i32>} : memref<200x128xf32, #tpu.memory_space<vmem>>, vector<1x16xf32>,
      %get3A_1224 = vector.shape_cast %get3A_1223 : vector<1x16xf32> to vector<16xf32>
      %get3A_1225 = arith.index_cast %div3A_1200 : i32 to index
      %get3A_1226 = arith.constant 96 : index
      %get3A_1227 = tpu.vector_load %arg7[%get3A_1225, %get3A_1226] {strides = array<i32>} : memref<200x128xf32, #tpu.memory_space<vmem>>, vector<1x16xf32>,
      %get3A_1228 = vector.shape_cast %get3A_1227 : vector<1x16xf32> to vector<16xf32>
      %get3A_1229 = arith.index_cast %div3A_1200 : i32 to index
      %get3A_1230 = arith.constant 112 : index
      %get3A_1231 = tpu.vector_load %arg7[%get3A_1229, %get3A_1230] {strides = array<i32>} : memref<200x128xf32, #tpu.memory_space<vmem>>, vector<1x16xf32>,
      %get3A_1232 = vector.shape_cast %get3A_1231 : vector<1x16xf32> to vector<16xf32>
      %scan3A_1233 = arith.constant 0 : i32
      %scan3A_1234 = arith.constant 0 : i32
      %scan3A_1235 = arith.constant 128 : i32
      %scan3A_1236 = arith.addi %scan3A_1234, %scan3A_1235 : i32
      %scan3A_1237 = arith.constant 4 : i32
      scf.for %scan3A_1262 = %scan3A_1234 to %scan3A_1236 step %scan3A_1237  : i32 {
        %swap3A = arith.constant 3 : i32
        %swap3A_1263 = arith.index_cast %swap3A : i32 to index
        %swap3A_1264 = arith.index_cast %scan3A_1262 : i32 to index
        %swap3A_1265 = arith.constant 0 : index
        %swap3A_1266 = tpu.vector_load %arg8[%swap3A_1263, %swap3A_1264, %swap3A_1265] {strides = array<i32>} : memref<4x128x128xf32, #tpu.memory_space<vmem>>, vector<1x1x16xf32>,
        %swap3A_1267 = vector.shape_cast %swap3A_1266 : vector<1x1x16xf32> to vector<16xf32>
        %swap3A_1268 = vector.shape_cast %get3A_1204 : vector<16xf32> to vector<1x1x16xf32>
        tpu.vector_store %arg8[%swap3A_1263, %swap3A_1264, %swap3A_1265], %swap3A_1268 {add = true, strides = array<i32>} : memref<4x128x128xf32, #tpu.memory_space<vmem>>, vector<1x1x16xf32>,
        %swap3A_1269 = arith.constant 3 : i32
        %swap3A_1270 = arith.index_cast %swap3A_1269 : i32 to index
        %swap3A_1271 = arith.index_cast %scan3A_1262 : i32 to index
        %swap3A_1272 = arith.constant 16 : index
        %swap3A_1273 = tpu.vector_load %arg8[%swap3A_1270, %swap3A_1271, %swap3A_1272] {strides = array<i32>} : memref<4x128x128xf32, #tpu.memory_space<vmem>>, vector<1x1x16xf32>,
        %swap3A_1274 = vector.shape_cast %swap3A_1273 : vector<1x1x16xf32> to vector<16xf32>
        %swap3A_1275 = vector.shape_cast %get3A_1208 : vector<16xf32> to vector<1x1x16xf32>
        tpu.vector_store %arg8[%swap3A_1270, %swap3A_1271, %swap3A_1272], %swap3A_1275 {add = true, strides = array<i32>} : memref<4x128x128xf32, #tpu.memory_space<vmem>>, vector<1x1x16xf32>,
        %swap3A_1276 = arith.constant 3 : i32
        %swap3A_1277 = arith.index_cast %swap3A_1276 : i32 to index
        %swap3A_1278 = arith.index_cast %scan3A_1262 : i32 to index
        %swap3A_1279 = arith.constant 32 : index
        %swap3A_1280 = tpu.vector_load %arg8[%swap3A_1277, %swap3A_1278, %swap3A_1279] {strides = array<i32>} : memref<4x128x128xf32, #tpu.memory_space<vmem>>, vector<1x1x16xf32>,
        %swap3A_1281 = vector.shape_cast %swap3A_1280 : vector<1x1x16xf32> to vector<16xf32>
        %swap3A_1282 = vector.shape_cast %get3A_1212 : vector<16xf32> to vector<1x1x16xf32>
        tpu.vector_store %arg8[%swap3A_1277, %swap3A_1278, %swap3A_1279], %swap3A_1282 {add = true, strides = array<i32>} : memref<4x128x128xf32, #tpu.memory_space<vmem>>, vector<1x1x16xf32>,
        %swap3A_1283 = arith.constant 3 : i32
        %swap3A_1284 = arith.index_cast %swap3A_1283 : i32 to index
        %swap3A_1285 = arith.index_cast %scan3A_1262 : i32 to index
        %swap3A_1286 = arith.constant 48 : index
        %swap3A_1287 = tpu.vector_load %arg8[%swap3A_1284, %swap3A_1285, %swap3A_1286] {strides = array<i32>} : memref<4x128x128xf32, #tpu.memory_space<vmem>>, vector<1x1x16xf32>,
        %swap3A_1288 = vector.shape_cast %swap3A_1287 : vector<1x1x16xf32> to vector<16xf32>
        %swap3A_1289 = vector.shape_cast %get3A_1216 : vector<16xf32> to vector<1x1x16xf32>
        tpu.vector_store %arg8[%swap3A_1284, %swap3A_1285, %swap3A_1286], %swap3A_1289 {add = true, strides = array<i32>} : memref<4x128x128xf32, #tpu.memory_space<vmem>>, vector<1x1x16xf32>,
        %swap3A_1290 = arith.constant 3 : i32
        %swap3A_1291 = arith.index_cast %swap3A_1290 : i32 to index
        %swap3A_1292 = arith.index_cast %scan3A_1262 : i32 to index
        %swap3A_1293 = arith.constant 64 : index
        %swap3A_1294 = tpu.vector_load %arg8[%swap3A_1291, %swap3A_1292, %swap3A_1293] {strides = array<i32>} : memref<4x128x128xf32, #tpu.memory_space<vmem>>, vector<1x1x16xf32>,
        %swap3A_1295 = vector.shape_cast %swap3A_1294 : vector<1x1x16xf32> to vector<16xf32>
        %swap3A_1296 = vector.shape_cast %get3A_1220 : vector<16xf32> to vector<1x1x16xf32>
        tpu.vector_store %arg8[%swap3A_1291, %swap3A_1292, %swap3A_1293], %swap3A_1296 {add = true, strides = array<i32>} : memref<4x128x128xf32, #tpu.memory_space<vmem>>, vector<1x1x16xf32>,
        %swap3A_1297 = arith.constant 3 : i32
        %swap3A_1298 = arith.index_cast %swap3A_1297 : i32 to index
        %swap3A_1299 = arith.index_cast %scan3A_1262 : i32 to index
        %swap3A_1300 = arith.constant 80 : index
        %swap3A_1301 = tpu.vector_load %arg8[%swap3A_1298, %swap3A_1299, %swap3A_1300] {strides = array<i32>} : memref<4x128x128xf32, #tpu.memory_space<vmem>>, vector<1x1x16xf32>,
        %swap3A_1302 = vector.shape_cast %swap3A_1301 : vector<1x1x16xf32> to vector<16xf32>
        %swap3A_1303 = vector.shape_cast %get3A_1224 : vector<16xf32> to vector<1x1x16xf32>
        tpu.vector_store %arg8[%swap3A_1298, %swap3A_1299, %swap3A_1300], %swap3A_1303 {add = true, strides = array<i32>} : memref<4x128x128xf32, #tpu.memory_space<vmem>>, vector<1x1x16xf32>,
        %swap3A_1304 = arith.constant 3 : i32
        %swap3A_1305 = arith.index_cast %swap3A_1304 : i32 to index
        %swap3A_1306 = arith.index_cast %scan3A_1262 : i32 to index
        %swap3A_1307 = arith.constant 96 : index
        %swap3A_1308 = tpu.vector_load %arg8[%swap3A_1305, %swap3A_1306, %swap3A_1307] {strides = array<i32>} : memref<4x128x128xf32, #tpu.memory_space<vmem>>, vector<1x1x16xf32>,
        %swap3A_1309 = vector.shape_cast %swap3A_1308 : vector<1x1x16xf32> to vector<16xf32>
        %swap3A_1310 = vector.shape_cast %get3A_1228 : vector<16xf32> to vector<1x1x16xf32>
        tpu.vector_store %arg8[%swap3A_1305, %swap3A_1306, %swap3A_1307], %swap3A_1310 {add = true, strides = array<i32>} : memref<4x128x128xf32, #tpu.memory_space<vmem>>, vector<1x1x16xf32>,
        %swap3A_1311 = arith.constant 3 : i32
        %swap3A_1312 = arith.index_cast %swap3A_1311 : i32 to index
        %swap3A_1313 = arith.index_cast %scan3A_1262 : i32 to index
        %swap3A_1314 = arith.constant 112 : index
        %swap3A_1315 = tpu.vector_load %arg8[%swap3A_1312, %swap3A_1313, %swap3A_1314] {strides = array<i32>} : memref<4x128x128xf32, #tpu.memory_space<vmem>>, vector<1x1x16xf32>,
        %swap3A_1316 = vector.shape_cast %swap3A_1315 : vector<1x1x16xf32> to vector<16xf32>
        %swap3A_1317 = vector.shape_cast %get3A_1232 : vector<16xf32> to vector<1x1x16xf32>
        tpu.vector_store %arg8[%swap3A_1312, %swap3A_1313, %swap3A_1314], %swap3A_1317 {add = true, strides = array<i32>} : memref<4x128x128xf32, #tpu.memory_space<vmem>>, vector<1x1x16xf32>,
        %scan3A_1318 = arith.constant 1 : i32
        %scan3A_1319 = arith.addi %scan3A_1262, %scan3A_1318 : i32
        %swap3A_1320 = arith.constant 3 : i32
        %swap3A_1321 = arith.index_cast %swap3A_1320 : i32 to index
        %swap3A_1322 = arith.index_cast %scan3A_1319 : i32 to index
        %swap3A_1323 = arith.constant 0 : index
        %swap3A_1324 = tpu.vector_load %arg8[%swap3A_1321, %swap3A_1322, %swap3A_1323] {strides = array<i32>} : memref<4x128x128xf32, #tpu.memory_space<vmem>>, vector<1x1x16xf32>,
        %swap3A_1325 = vector.shape_cast %swap3A_1324 : vector<1x1x16xf32> to vector<16xf32>
        %swap3A_1326 = vector.shape_cast %get3A_1204 : vector<16xf32> to vector<1x1x16xf32>
        tpu.vector_store %arg8[%swap3A_1321, %swap3A_1322, %swap3A_1323], %swap3A_1326 {add = true, strides = array<i32>} : memref<4x128x128xf32, #tpu.memory_space<vmem>>, vector<1x1x16xf32>,
        %swap3A_1327 = arith.constant 3 : i32
        %swap3A_1328 = arith.index_cast %swap3A_1327 : i32 to index
        %swap3A_1329 = arith.index_cast %scan3A_1319 : i32 to index
        %swap3A_1330 = arith.constant 16 : index
        %swap3A_1331 = tpu.vector_load %arg8[%swap3A_1328, %swap3A_1329, %swap3A_1330] {strides = array<i32>} : memref<4x128x128xf32, #tpu.memory_space<vmem>>, vector<1x1x16xf32>,
        %swap3A_1332 = vector.shape_cast %swap3A_1331 : vector<1x1x16xf32> to vector<16xf32>
        %swap3A_1333 = vector.shape_cast %get3A_1208 : vector<16xf32> to vector<1x1x16xf32>
        tpu.vector_store %arg8[%swap3A_1328, %swap3A_1329, %swap3A_1330], %swap3A_1333 {add = true, strides = array<i32>} : memref<4x128x128xf32, #tpu.memory_space<vmem>>, vector<1x1x16xf32>,
        %swap3A_1334 = arith.constant 3 : i32
        %swap3A_1335 = arith.index_cast %swap3A_1334 : i32 to index
        %swap3A_1336 = arith.index_cast %scan3A_1319 : i32 to index
        %swap3A_1337 = arith.constant 32 : index
        %swap3A_1338 = tpu.vector_load %arg8[%swap3A_1335, %swap3A_1336, %swap3A_1337] {strides = array<i32>} : memref<4x128x128xf32, #tpu.memory_space<vmem>>, vector<1x1x16xf32>,
        %swap3A_1339 = vector.shape_cast %swap3A_1338 : vector<1x1x16xf32> to vector<16xf32>
        %swap3A_1340 = vector.shape_cast %get3A_1212 : vector<16xf32> to vector<1x1x16xf32>
        tpu.vector_store %arg8[%swap3A_1335, %swap3A_1336, %swap3A_1337], %swap3A_1340 {add = true, strides = array<i32>} : memref<4x128x128xf32, #tpu.memory_space<vmem>>, vector<1x1x16xf32>,
        %swap3A_1341 = arith.constant 3 : i32
        %swap3A_1342 = arith.index_cast %swap3A_1341 : i32 to index
        %swap3A_1343 = arith.index_cast %scan3A_1319 : i32 to index
        %swap3A_1344 = arith.constant 48 : index
        %swap3A_1345 = tpu.vector_load %arg8[%swap3A_1342, %swap3A_1343, %swap3A_1344] {strides = array<i32>} : memref<4x128x128xf32, #tpu.memory_space<vmem>>, vector<1x1x16xf32>,
        %swap3A_1346 = vector.shape_cast %swap3A_1345 : vector<1x1x16xf32> to vector<16xf32>
        %swap3A_1347 = vector.shape_cast %get3A_1216 : vector<16xf32> to vector<1x1x16xf32>
        tpu.vector_store %arg8[%swap3A_1342, %swap3A_1343, %swap3A_1344], %swap3A_1347 {add = true, strides = array<i32>} : memref<4x128x128xf32, #tpu.memory_space<vmem>>, vector<1x1x16xf32>,
        %swap3A_1348 = arith.constant 3 : i32
        %swap3A_1349 = arith.index_cast %swap3A_1348 : i32 to index
        %swap3A_1350 = arith.index_cast %scan3A_1319 : i32 to index
        %swap3A_1351 = arith.constant 64 : index
        %swap3A_1352 = tpu.vector_load %arg8[%swap3A_1349, %swap3A_1350, %swap3A_1351] {strides = array<i32>} : memref<4x128x128xf32, #tpu.memory_space<vmem>>, vector<1x1x16xf32>,
        %swap3A_1353 = vector.shape_cast %swap3A_1352 : vector<1x1x16xf32> to vector<16xf32>
        %swap3A_1354 = vector.shape_cast %get3A_1220 : vector<16xf32> to vector<1x1x16xf32>
        tpu.vector_store %arg8[%swap3A_1349, %swap3A_1350, %swap3A_1351], %swap3A_1354 {add = true, strides = array<i32>} : memref<4x128x128xf32, #tpu.memory_space<vmem>>, vector<1x1x16xf32>,
        %swap3A_1355 = arith.constant 3 : i32
        %swap3A_1356 = arith.index_cast %swap3A_1355 : i32 to index
        %swap3A_1357 = arith.index_cast %scan3A_1319 : i32 to index
        %swap3A_1358 = arith.constant 80 : index
        %swap3A_1359 = tpu.vector_load %arg8[%swap3A_1356, %swap3A_1357, %swap3A_1358] {strides = array<i32>} : memref<4x128x128xf32, #tpu.memory_space<vmem>>, vector<1x1x16xf32>,
        %swap3A_1360 = vector.shape_cast %swap3A_1359 : vector<1x1x16xf32> to vector<16xf32>
        %swap3A_1361 = vector.shape_cast %get3A_1224 : vector<16xf32> to vector<1x1x16xf32>
        tpu.vector_store %arg8[%swap3A_1356, %swap3A_1357, %swap3A_1358], %swap3A_1361 {add = true, strides = array<i32>} : memref<4x128x128xf32, #tpu.memory_space<vmem>>, vector<1x1x16xf32>,
        %swap3A_1362 = arith.constant 3 : i32
        %swap3A_1363 = arith.index_cast %swap3A_1362 : i32 to index
        %swap3A_1364 = arith.index_cast %scan3A_1319 : i32 to index
        %swap3A_1365 = arith.constant 96 : index
        %swap3A_1366 = tpu.vector_load %arg8[%swap3A_1363, %swap3A_1364, %swap3A_1365] {strides = array<i32>} : memref<4x128x128xf32, #tpu.memory_space<vmem>>, vector<1x1x16xf32>,
        %swap3A_1367 = vector.shape_cast %swap3A_1366 : vector<1x1x16xf32> to vector<16xf32>
        %swap3A_1368 = vector.shape_cast %get3A_1228 : vector<16xf32> to vector<1x1x16xf32>
        tpu.vector_store %arg8[%swap3A_1363, %swap3A_1364, %swap3A_1365], %swap3A_1368 {add = true, strides = array<i32>} : memref<4x128x128xf32, #tpu.memory_space<vmem>>, vector<1x1x16xf32>,
        %swap3A_1369 = arith.constant 3 : i32
        %swap3A_1370 = arith.index_cast %swap3A_1369 : i32 to index
        %swap3A_1371 = arith.index_cast %scan3A_1319 : i32 to index
        %swap3A_1372 = arith.constant 112 : index
        %swap3A_1373 = tpu.vector_load %arg8[%swap3A_1370, %swap3A_1371, %swap3A_1372] {strides = array<i32>} : memref<4x128x128xf32, #tpu.memory_space<vmem>>, vector<1x1x16xf32>,
        %swap3A_1374 = vector.shape_cast %swap3A_1373 : vector<1x1x16xf32> to vector<16xf32>
        %swap3A_1375 = vector.shape_cast %get3A_1232 : vector<16xf32> to vector<1x1x16xf32>
        tpu.vector_store %arg8[%swap3A_1370, %swap3A_1371, %swap3A_1372], %swap3A_1375 {add = true, strides = array<i32>} : memref<4x128x128xf32, #tpu.memory_space<vmem>>, vector<1x1x16xf32>,
        %scan3A_1376 = arith.constant 2 : i32
        %scan3A_1377 = arith.addi %scan3A_1262, %scan3A_1376 : i32
        %swap3A_1378 = arith.constant 3 : i32
        %swap3A_1379 = arith.index_cast %swap3A_1378 : i32 to index
        %swap3A_1380 = arith.index_cast %scan3A_1377 : i32 to index
        %swap3A_1381 = arith.constant 0 : index
        %swap3A_1382 = tpu.vector_load %arg8[%swap3A_1379, %swap3A_1380, %swap3A_1381] {strides = array<i32>} : memref<4x128x128xf32, #tpu.memory_space<vmem>>, vector<1x1x16xf32>,
        %swap3A_1383 = vector.shape_cast %swap3A_1382 : vector<1x1x16xf32> to vector<16xf32>
        %swap3A_1384 = vector.shape_cast %get3A_1204 : vector<16xf32> to vector<1x1x16xf32>
        tpu.vector_store %arg8[%swap3A_1379, %swap3A_1380, %swap3A_1381], %swap3A_1384 {add = true, strides = array<i32>} : memref<4x128x128xf32, #tpu.memory_space<vmem>>, vector<1x1x16xf32>,
        %swap3A_1385 = arith.constant 3 : i32
        %swap3A_1386 = arith.index_cast %swap3A_1385 : i32 to index
        %swap3A_1387 = arith.index_cast %scan3A_1377 : i32 to index
        %swap3A_1388 = arith.constant 16 : index
        %swap3A_1389 = tpu.vector_load %arg8[%swap3A_1386, %swap3A_1387, %swap3A_1388] {strides = array<i32>} : memref<4x128x128xf32, #tpu.memory_space<vmem>>, vector<1x1x16xf32>,
        %swap3A_1390 = vector.shape_cast %swap3A_1389 : vector<1x1x16xf32> to vector<16xf32>
        %swap3A_1391 = vector.shape_cast %get3A_1208 : vector<16xf32> to vector<1x1x16xf32>
        tpu.vector_store %arg8[%swap3A_1386, %swap3A_1387, %swap3A_1388], %swap3A_1391 {add = true, strides = array<i32>} : memref<4x128x128xf32, #tpu.memory_space<vmem>>, vector<1x1x16xf32>,
        %swap3A_1392 = arith.constant 3 : i32
        %swap3A_1393 = arith.index_cast %swap3A_1392 : i32 to index
        %swap3A_1394 = arith.index_cast %scan3A_1377 : i32 to index
        %swap3A_1395 = arith.constant 32 : index
        %swap3A_1396 = tpu.vector_load %arg8[%swap3A_1393, %swap3A_1394, %swap3A_1395] {strides = array<i32>} : memref<4x128x128xf32, #tpu.memory_space<vmem>>, vector<1x1x16xf32>,
        %swap3A_1397 = vector.shape_cast %swap3A_1396 : vector<1x1x16xf32> to vector<16xf32>
        %swap3A_1398 = vector.shape_cast %get3A_1212 : vector<16xf32> to vector<1x1x16xf32>
        tpu.vector_store %arg8[%swap3A_1393, %swap3A_1394, %swap3A_1395], %swap3A_1398 {add = true, strides = array<i32>} : memref<4x128x128xf32, #tpu.memory_space<vmem>>, vector<1x1x16xf32>,
        %swap3A_1399 = arith.constant 3 : i32
        %swap3A_1400 = arith.index_cast %swap3A_1399 : i32 to index
        %swap3A_1401 = arith.index_cast %scan3A_1377 : i32 to index
        %swap3A_1402 = arith.constant 48 : index
        %swap3A_1403 = tpu.vector_load %arg8[%swap3A_1400, %swap3A_1401, %swap3A_1402] {strides = array<i32>} : memref<4x128x128xf32, #tpu.memory_space<vmem>>, vector<1x1x16xf32>,
        %swap3A_1404 = vector.shape_cast %swap3A_1403 : vector<1x1x16xf32> to vector<16xf32>
        %swap3A_1405 = vector.shape_cast %get3A_1216 : vector<16xf32> to vector<1x1x16xf32>
        tpu.vector_store %arg8[%swap3A_1400, %swap3A_1401, %swap3A_1402], %swap3A_1405 {add = true, strides = array<i32>} : memref<4x128x128xf32, #tpu.memory_space<vmem>>, vector<1x1x16xf32>,
        %swap3A_1406 = arith.constant 3 : i32
        %swap3A_1407 = arith.index_cast %swap3A_1406 : i32 to index
        %swap3A_1408 = arith.index_cast %scan3A_1377 : i32 to index
        %swap3A_1409 = arith.constant 64 : index
        %swap3A_1410 = tpu.vector_load %arg8[%swap3A_1407, %swap3A_1408, %swap3A_1409] {strides = array<i32>} : memref<4x128x128xf32, #tpu.memory_space<vmem>>, vector<1x1x16xf32>,
        %swap3A_1411 = vector.shape_cast %swap3A_1410 : vector<1x1x16xf32> to vector<16xf32>
        %swap3A_1412 = vector.shape_cast %get3A_1220 : vector<16xf32> to vector<1x1x16xf32>
        tpu.vector_store %arg8[%swap3A_1407, %swap3A_1408, %swap3A_1409], %swap3A_1412 {add = true, strides = array<i32>} : memref<4x128x128xf32, #tpu.memory_space<vmem>>, vector<1x1x16xf32>,
        %swap3A_1413 = arith.constant 3 : i32
        %swap3A_1414 = arith.index_cast %swap3A_1413 : i32 to index
        %swap3A_1415 = arith.index_cast %scan3A_1377 : i32 to index
        %swap3A_1416 = arith.constant 80 : index
        %swap3A_1417 = tpu.vector_load %arg8[%swap3A_1414, %swap3A_1415, %swap3A_1416] {strides = array<i32>} : memref<4x128x128xf32, #tpu.memory_space<vmem>>, vector<1x1x16xf32>,
        %swap3A_1418 = vector.shape_cast %swap3A_1417 : vector<1x1x16xf32> to vector<16xf32>
        %swap3A_1419 = vector.shape_cast %get3A_1224 : vector<16xf32> to vector<1x1x16xf32>
        tpu.vector_store %arg8[%swap3A_1414, %swap3A_1415, %swap3A_1416], %swap3A_1419 {add = true, strides = array<i32>} : memref<4x128x128xf32, #tpu.memory_space<vmem>>, vector<1x1x16xf32>,
        %swap3A_1420 = arith.constant 3 : i32
        %swap3A_1421 = arith.index_cast %swap3A_1420 : i32 to index
        %swap3A_1422 = arith.index_cast %scan3A_1377 : i32 to index
        %swap3A_1423 = arith.constant 96 : index
        %swap3A_1424 = tpu.vector_load %arg8[%swap3A_1421, %swap3A_1422, %swap3A_1423] {strides = array<i32>} : memref<4x128x128xf32, #tpu.memory_space<vmem>>, vector<1x1x16xf32>,
        %swap3A_1425 = vector.shape_cast %swap3A_1424 : vector<1x1x16xf32> to vector<16xf32>
        %swap3A_1426 = vector.shape_cast %get3A_1228 : vector<16xf32> to vector<1x1x16xf32>
        tpu.vector_store %arg8[%swap3A_1421, %swap3A_1422, %swap3A_1423], %swap3A_1426 {add = true, strides = array<i32>} : memref<4x128x128xf32, #tpu.memory_space<vmem>>, vector<1x1x16xf32>,
        %swap3A_1427 = arith.constant 3 : i32
        %swap3A_1428 = arith.index_cast %swap3A_1427 : i32 to index
        %swap3A_1429 = arith.index_cast %scan3A_1377 : i32 to index
        %swap3A_1430 = arith.constant 112 : index
        %swap3A_1431 = tpu.vector_load %arg8[%swap3A_1428, %swap3A_1429, %swap3A_1430] {strides = array<i32>} : memref<4x128x128xf32, #tpu.memory_space<vmem>>, vector<1x1x16xf32>,
        %swap3A_1432 = vector.shape_cast %swap3A_1431 : vector<1x1x16xf32> to vector<16xf32>
        %swap3A_1433 = vector.shape_cast %get3A_1232 : vector<16xf32> to vector<1x1x16xf32>
        tpu.vector_store %arg8[%swap3A_1428, %swap3A_1429, %swap3A_1430], %swap3A_1433 {add = true, strides = array<i32>} : memref<4x128x128xf32, #tpu.memory_space<vmem>>, vector<1x1x16xf32>,
        %scan3A_1434 = arith.constant 3 : i32
        %scan3A_1435 = arith.addi %scan3A_1262, %scan3A_1434 : i32
        %swap3A_1436 = arith.constant 3 : i32
        %swap3A_1437 = arith.index_cast %swap3A_1436 : i32 to index
        %swap3A_1438 = arith.index_cast %scan3A_1435 : i32 to index
        %swap3A_1439 = arith.constant 0 : index
        %swap3A_1440 = tpu.vector_load %arg8[%swap3A_1437, %swap3A_1438, %swap3A_1439] {strides = array<i32>} : memref<4x128x128xf32, #tpu.memory_space<vmem>>, vector<1x1x16xf32>,
        %swap3A_1441 = vector.shape_cast %swap3A_1440 : vector<1x1x16xf32> to vector<16xf32>
        %swap3A_1442 = vector.shape_cast %get3A_1204 : vector<16xf32> to vector<1x1x16xf32>
        tpu.vector_store %arg8[%swap3A_1437, %swap3A_1438, %swap3A_1439], %swap3A_1442 {add = true, strides = array<i32>} : memref<4x128x128xf32, #tpu.memory_space<vmem>>, vector<1x1x16xf32>,
        %swap3A_1443 = arith.constant 3 : i32
        %swap3A_1444 = arith.index_cast %swap3A_1443 : i32 to index
        %swap3A_1445 = arith.index_cast %scan3A_1435 : i32 to index
        %swap3A_1446 = arith.constant 16 : index
        %swap3A_1447 = tpu.vector_load %arg8[%swap3A_1444, %swap3A_1445, %swap3A_1446] {strides = array<i32>} : memref<4x128x128xf32, #tpu.memory_space<vmem>>, vector<1x1x16xf32>,
        %swap3A_1448 = vector.shape_cast %swap3A_1447 : vector<1x1x16xf32> to vector<16xf32>
        %swap3A_1449 = vector.shape_cast %get3A_1208 : vector<16xf32> to vector<1x1x16xf32>
        tpu.vector_store %arg8[%swap3A_1444, %swap3A_1445, %swap3A_1446], %swap3A_1449 {add = true, strides = array<i32>} : memref<4x128x128xf32, #tpu.memory_space<vmem>>, vector<1x1x16xf32>,
        %swap3A_1450 = arith.constant 3 : i32
        %swap3A_1451 = arith.index_cast %swap3A_1450 : i32 to index
        %swap3A_1452 = arith.index_cast %scan3A_1435 : i32 to index
        %swap3A_1453 = arith.constant 32 : index
        %swap3A_1454 = tpu.vector_load %arg8[%swap3A_1451, %swap3A_1452, %swap3A_1453] {strides = array<i32>} : memref<4x128x128xf32, #tpu.memory_space<vmem>>, vector<1x1x16xf32>,
        %swap3A_1455 = vector.shape_cast %swap3A_1454 : vector<1x1x16xf32> to vector<16xf32>
        %swap3A_1456 = vector.shape_cast %get3A_1212 : vector<16xf32> to vector<1x1x16xf32>
        tpu.vector_store %arg8[%swap3A_1451, %swap3A_1452, %swap3A_1453], %swap3A_1456 {add = true, strides = array<i32>} : memref<4x128x128xf32, #tpu.memory_space<vmem>>, vector<1x1x16xf32>,
        %swap3A_1457 = arith.constant 3 : i32
        %swap3A_1458 = arith.index_cast %swap3A_1457 : i32 to index
        %swap3A_1459 = arith.index_cast %scan3A_1435 : i32 to index
        %swap3A_1460 = arith.constant 48 : index
        %swap3A_1461 = tpu.vector_load %arg8[%swap3A_1458, %swap3A_1459, %swap3A_1460] {strides = array<i32>} : memref<4x128x128xf32, #tpu.memory_space<vmem>>, vector<1x1x16xf32>,
        %swap3A_1462 = vector.shape_cast %swap3A_1461 : vector<1x1x16xf32> to vector<16xf32>
        %swap3A_1463 = vector.shape_cast %get3A_1216 : vector<16xf32> to vector<1x1x16xf32>
        tpu.vector_store %arg8[%swap3A_1458, %swap3A_1459, %swap3A_1460], %swap3A_1463 {add = true, strides = array<i32>} : memref<4x128x128xf32, #tpu.memory_space<vmem>>, vector<1x1x16xf32>,
        %swap3A_1464 = arith.constant 3 : i32
        %swap3A_1465 = arith.index_cast %swap3A_1464 : i32 to index
        %swap3A_1466 = arith.index_cast %scan3A_1435 : i32 to index
        %swap3A_1467 = arith.constant 64 : index
        %swap3A_1468 = tpu.vector_load %arg8[%swap3A_1465, %swap3A_1466, %swap3A_1467] {strides = array<i32>} : memref<4x128x128xf32, #tpu.memory_space<vmem>>, vector<1x1x16xf32>,
        %swap3A_1469 = vector.shape_cast %swap3A_1468 : vector<1x1x16xf32> to vector<16xf32>
        %swap3A_1470 = vector.shape_cast %get3A_1220 : vector<16xf32> to vector<1x1x16xf32>
        tpu.vector_store %arg8[%swap3A_1465, %swap3A_1466, %swap3A_1467], %swap3A_1470 {add = true, strides = array<i32>} : memref<4x128x128xf32, #tpu.memory_space<vmem>>, vector<1x1x16xf32>,
        %swap3A_1471 = arith.constant 3 : i32
        %swap3A_1472 = arith.index_cast %swap3A_1471 : i32 to index
        %swap3A_1473 = arith.index_cast %scan3A_1435 : i32 to index
        %swap3A_1474 = arith.constant 80 : index
        %swap3A_1475 = tpu.vector_load %arg8[%swap3A_1472, %swap3A_1473, %swap3A_1474] {strides = array<i32>} : memref<4x128x128xf32, #tpu.memory_space<vmem>>, vector<1x1x16xf32>,
        %swap3A_1476 = vector.shape_cast %swap3A_1475 : vector<1x1x16xf32> to vector<16xf32>
        %swap3A_1477 = vector.shape_cast %get3A_1224 : vector<16xf32> to vector<1x1x16xf32>
        tpu.vector_store %arg8[%swap3A_1472, %swap3A_1473, %swap3A_1474], %swap3A_1477 {add = true, strides = array<i32>} : memref<4x128x128xf32, #tpu.memory_space<vmem>>, vector<1x1x16xf32>,
        %swap3A_1478 = arith.constant 3 : i32
        %swap3A_1479 = arith.index_cast %swap3A_1478 : i32 to index
        %swap3A_1480 = arith.index_cast %scan3A_1435 : i32 to index
        %swap3A_1481 = arith.constant 96 : index
        %swap3A_1482 = tpu.vector_load %arg8[%swap3A_1479, %swap3A_1480, %swap3A_1481] {strides = array<i32>} : memref<4x128x128xf32, #tpu.memory_space<vmem>>, vector<1x1x16xf32>,
        %swap3A_1483 = vector.shape_cast %swap3A_1482 : vector<1x1x16xf32> to vector<16xf32>
        %swap3A_1484 = vector.shape_cast %get3A_1228 : vector<16xf32> to vector<1x1x16xf32>
        tpu.vector_store %arg8[%swap3A_1479, %swap3A_1480, %swap3A_1481], %swap3A_1484 {add = true, strides = array<i32>} : memref<4x128x128xf32, #tpu.memory_space<vmem>>, vector<1x1x16xf32>,
        %swap3A_1485 = arith.constant 3 : i32
        %swap3A_1486 = arith.index_cast %swap3A_1485 : i32 to index
        %swap3A_1487 = arith.index_cast %scan3A_1435 : i32 to index
        %swap3A_1488 = arith.constant 112 : index
        %swap3A_1489 = tpu.vector_load %arg8[%swap3A_1486, %swap3A_1487, %swap3A_1488] {strides = array<i32>} : memref<4x128x128xf32, #tpu.memory_space<vmem>>, vector<1x1x16xf32>,
        %swap3A_1490 = vector.shape_cast %swap3A_1489 : vector<1x1x16xf32> to vector<16xf32>
        %swap3A_1491 = vector.shape_cast %get3A_1232 : vector<16xf32> to vector<1x1x16xf32>
        tpu.vector_store %arg8[%swap3A_1486, %swap3A_1487, %swap3A_1488], %swap3A_1491 {add = true, strides = array<i32>} : memref<4x128x128xf32, #tpu.memory_space<vmem>>, vector<1x1x16xf32>,
      }
      %scan3A_1238 = arith.constant 128 : i32
      %mul3A_1239 = arith.constant 128 : i32
      %mul3A_1240 = arith.muli %add3A_1152, %mul3A_1239 : i32
      %add3A_1241 = arith.addi %mul3A_2, %mul3A_1240 : i32
      %div3A_1242 = arith.constant 4096 : i32
      %div3A_1243 = arith.divsi %add3A_1241, %div3A_1242 : i32
      %rem3A_1244 = arith.constant 4096 : i32
      %rem3A_1245 = arith.remsi %add3A_1241, %rem3A_1244 : i32
      %dma_start3A_1246 = arith.constant 3 : i32
      %dma_start3A_1247 = arith.constant 0 : i32
      %dma_start3A_1248 = arith.constant 0 : i32
      %dma_start3A_1249 = tpu.memref_slice %arg8[%dma_start3A_1246, %dma_start3A_1247, %dma_start3A_1248] : memref<4x128x128xf32, #tpu.memory_space<vmem>> -> memref<1x128x128xf32, #tpu.memory_space<vmem>>
      %dma_start3A_1250 = tpu.memref_squeeze %dma_start3A_1249 : memref<1x128x128xf32, #tpu.memory_space<vmem>> -> memref<128x128xf32, #tpu.memory_space<vmem>>
      %dma_start3A_1251 = arith.constant 0 : i32
      %dma_start3A_1252 = tpu.memref_slice %arg5[%rem3A_1245, %div3A_1243, %dma_start3A_1251] : memref<4096x200x128xf32, #tpu.memory_space<hbm>> -> memref<128x1x128xf32, #tpu.memory_space<hbm>>
      %dma_start3A_1253 = tpu.memref_squeeze %dma_start3A_1252 : memref<128x1x128xf32, #tpu.memory_space<hbm>> -> memref<128x128xf32, #tpu.memory_space<hbm>>
      %dma_start3A_1254 = arith.constant 0 : i32
      %dma_start3A_1255 = tpu.memref_slice %arg5[%rem3A_1245, %div3A_1243, %dma_start3A_1254] : memref<4096x200x128xf32, #tpu.memory_space<hbm>> -> memref<128x1x128xf32, #tpu.memory_space<hbm>>
      %dma_start3A_1256 = tpu.memref_squeeze %dma_start3A_1255 : memref<128x1x128xf32, #tpu.memory_space<hbm>> -> memref<128x128xf32, #tpu.memory_space<hbm>>
      %dma_start3A_1257 = arith.constant 0 : i32
      %dma_start3A_1258 = arith.constant 0 : i32
      %dma_start3A_1259 = tpu.memref_slice %arg8[%dma_start3A_1246, %dma_start3A_1257, %dma_start3A_1258] : memref<4x128x128xf32, #tpu.memory_space<vmem>> -> memref<1x128x128xf32, #tpu.memory_space<vmem>>
      %dma_start3A_1260 = tpu.memref_squeeze %dma_start3A_1259 : memref<1x128x128xf32, #tpu.memory_space<vmem>> -> memref<128x128xf32, #tpu.memory_space<vmem>>
      tpu.enqueue_dma source(%dma_start3A_1260 : memref<128x128xf32, #tpu.memory_space<vmem>>) target(%dma_start3A_1256 : memref<128x128xf32, #tpu.memory_space<hbm>>) target_semaphore(%arg16 : memref<!tpu.dma_semaphore, #tpu.memory_space<semaphore_mem>>)
      %scan3A_1261 = arith.constant 0 : i32
      scf.yield %scan3A_1261 : i32
    }
    %scan3A_419 = arith.constant 48 : i32
    %dma_wait3A_420 = arith.constant 3 : i32
    %dma_wait3A_421 = arith.constant 0 : i32
    %dma_wait3A_422 = arith.constant 0 : i32
    %dma_wait3A_423 = arith.constant 0 : i32
    %dma_wait3A_424 = tpu.memref_slice %arg8[%dma_wait3A_420, %dma_wait3A_422, %dma_wait3A_423] : memref<4x128x128xf32, #tpu.memory_space<vmem>> -> memref<1x128x128xf32, #tpu.memory_space<vmem>>
    %dma_wait3A_425 = tpu.memref_squeeze %dma_wait3A_424 : memref<1x128x128xf32, #tpu.memory_space<vmem>> -> memref<128x128xf32, #tpu.memory_space<vmem>>
    %dma_wait3A_426 = arith.constant 0 : i32
    %dma_wait3A_427 = arith.constant 0 : i32
    %dma_wait3A_428 = tpu.memref_slice %arg5[%dma_wait3A_426, %dma_wait3A_421, %dma_wait3A_427] : memref<4096x200x128xf32, #tpu.memory_space<hbm>> -> memref<128x1x128xf32, #tpu.memory_space<hbm>>
    %dma_wait3A_429 = tpu.memref_squeeze %dma_wait3A_428 : memref<128x1x128xf32, #tpu.memory_space<hbm>> -> memref<128x128xf32, #tpu.memory_space<hbm>>
    %dma_wait3A_430 = arith.constant 0 : i32
    %dma_wait3A_431 = arith.constant 0 : i32
    %dma_wait3A_432 = tpu.memref_slice %arg5[%dma_wait3A_430, %dma_wait3A_421, %dma_wait3A_431] : memref<4096x200x128xf32, #tpu.memory_space<hbm>> -> memref<128x1x128xf32, #tpu.memory_space<hbm>>
    %dma_wait3A_433 = tpu.memref_squeeze %dma_wait3A_432 : memref<128x1x128xf32, #tpu.memory_space<hbm>> -> memref<128x128xf32, #tpu.memory_space<hbm>>
    %dma_wait3A_434 = arith.constant 0 : i32
    %dma_wait3A_435 = arith.constant 0 : i32
    %dma_wait3A_436 = tpu.memref_slice %arg8[%dma_wait3A_420, %dma_wait3A_434, %dma_wait3A_435] : memref<4x128x128xf32, #tpu.memory_space<vmem>> -> memref<1x128x128xf32, #tpu.memory_space<vmem>>
    %dma_wait3A_437 = tpu.memref_squeeze %dma_wait3A_436 : memref<1x128x128xf32, #tpu.memory_space<vmem>> -> memref<128x128xf32, #tpu.memory_space<vmem>>
    tpu.wait_dma2 semaphore(%arg16 : memref<!tpu.dma_semaphore, #tpu.memory_space<semaphore_mem>>) src(%dma_wait3A_437 : memref<128x128xf32, #tpu.memory_space<vmem>>) dst(%dma_wait3A_433 : memref<128x128xf32, #tpu.memory_space<hbm>>)
    %dma_start3A_438 = arith.constant 3 : i32
    %dma_start3A_439 = arith.constant 0 : i32
    %dma_start3A_440 = arith.constant 0 : i32
    %dma_start3A_441 = tpu.memref_slice %arg8[%dma_start3A_438, %dma_start3A_439, %dma_start3A_440] : memref<4x128x128xf32, #tpu.memory_space<vmem>> -> memref<1x128x128xf32, #tpu.memory_space<vmem>>
    %dma_start3A_442 = tpu.memref_squeeze %dma_start3A_441 : memref<1x128x128xf32, #tpu.memory_space<vmem>> -> memref<128x128xf32, #tpu.memory_space<vmem>>
    %dma_start3A_443 = arith.constant 25472 : i32
    %dma_start3A_444 = tpu.memref_slice %arg6[%dma_start3A_443] : memref<25600xi32, #tpu.memory_space<vmem>> -> memref<128xi32, #tpu.memory_space<vmem>>
    %dma_start3A_445 = arith.constant 0 : i32
    %dma_start3A_446 = arith.constant 0 : i32
    %dma_start3A_447 = tpu.memref_slice %arg3[%dma_start3A_445, %dma_start3A_446] : memref<100000x128xf32, #tpu.memory_space<hbm>> -> memref<100000x128xf32, #tpu.memory_space<hbm>>
    tpu.enqueue_indirect_dma source(%dma_start3A_447 : memref<100000x128xf32, #tpu.memory_space<hbm>>) target(%dma_start3A_442 : memref<128x128xf32, #tpu.memory_space<vmem>>) offsets(%dma_start3A_444 : memref<128xi32, #tpu.memory_space<vmem>>) semaphore(%arg12 : memref<!tpu.dma_semaphore, #tpu.memory_space<semaphore_mem>>)
    %dma_wait3A_448 = arith.constant 0 : i32
    %dma_wait3A_449 = arith.constant 0 : i32
    %dma_wait3A_450 = arith.constant 0 : i32
    %dma_wait3A_451 = tpu.memref_slice %arg8[%dma_wait3A_448, %dma_wait3A_449, %dma_wait3A_450] : memref<4x128x128xf32, #tpu.memory_space<vmem>> -> memref<1x128x128xf32, #tpu.memory_space<vmem>>
    %dma_wait3A_452 = tpu.memref_squeeze %dma_wait3A_451 : memref<1x128x128xf32, #tpu.memory_space<vmem>> -> memref<128x128xf32, #tpu.memory_space<vmem>>
    %dma_wait3A_453 = arith.constant 0 : i32
    %dma_wait3A_454 = tpu.memref_slice %arg6[%dma_wait3A_453] : memref<25600xi32, #tpu.memory_space<vmem>> -> memref<128xi32, #tpu.memory_space<vmem>>
    %dma_wait3A_455 = arith.constant 0 : i32
    %dma_wait3A_456 = arith.constant 0 : i32
    %dma_wait3A_457 = tpu.memref_slice %arg3[%dma_wait3A_455, %dma_wait3A_456] : memref<100000x128xf32, #tpu.memory_space<hbm>> -> memref<100000x128xf32, #tpu.memory_space<hbm>>
    tpu.wait_indirect_dma semaphore(%arg9 : memref<!tpu.dma_semaphore, #tpu.memory_space<semaphore_mem>>) src(%dma_wait3A_457 : memref<100000x128xf32, #tpu.memory_space<hbm>>) dst(%dma_wait3A_452 : memref<128x128xf32, #tpu.memory_space<vmem>>)
    %add3A_458 = arith.constant 25088 : i32
    %add3A_459 = arith.addi %mul3A_2, %add3A_458 : i32
    %div3A_460 = arith.constant 4096 : i32
    %div3A_461 = arith.divsi %add3A_459, %div3A_460 : i32
    %get3A_462 = arith.index_cast %div3A_461 : i32 to index
    %get3A_463 = arith.constant 0 : index
    %get3A_464 = tpu.vector_load %arg7[%get3A_462, %get3A_463] {strides = array<i32>} : memref<200x128xf32, #tpu.memory_space<vmem>>, vector<1x16xf32>,
    %get3A_465 = vector.shape_cast %get3A_464 : vector<1x16xf32> to vector<16xf32>
    %get3A_466 = arith.index_cast %div3A_461 : i32 to index
    %get3A_467 = arith.constant 16 : index
    %get3A_468 = tpu.vector_load %arg7[%get3A_466, %get3A_467] {strides = array<i32>} : memref<200x128xf32, #tpu.memory_space<vmem>>, vector<1x16xf32>,
    %get3A_469 = vector.shape_cast %get3A_468 : vector<1x16xf32> to vector<16xf32>
    %get3A_470 = arith.index_cast %div3A_461 : i32 to index
    %get3A_471 = arith.constant 32 : index
    %get3A_472 = tpu.vector_load %arg7[%get3A_470, %get3A_471] {strides = array<i32>} : memref<200x128xf32, #tpu.memory_space<vmem>>, vector<1x16xf32>,
    %get3A_473 = vector.shape_cast %get3A_472 : vector<1x16xf32> to vector<16xf32>
    %get3A_474 = arith.index_cast %div3A_461 : i32 to index
    %get3A_475 = arith.constant 48 : index
    %get3A_476 = tpu.vector_load %arg7[%get3A_474, %get3A_475] {strides = array<i32>} : memref<200x128xf32, #tpu.memory_space<vmem>>, vector<1x16xf32>,
    %get3A_477 = vector.shape_cast %get3A_476 : vector<1x16xf32> to vector<16xf32>
    %get3A_478 = arith.index_cast %div3A_461 : i32 to index
    %get3A_479 = arith.constant 64 : index
    %get3A_480 = tpu.vector_load %arg7[%get3A_478, %get3A_479] {strides = array<i32>} : memref<200x128xf32, #tpu.memory_space<vmem>>, vector<1x16xf32>,
    %get3A_481 = vector.shape_cast %get3A_480 : vector<1x16xf32> to vector<16xf32>
    %get3A_482 = arith.index_cast %div3A_461 : i32 to index
    %get3A_483 = arith.constant 80 : index
    %get3A_484 = tpu.vector_load %arg7[%get3A_482, %get3A_483] {strides = array<i32>} : memref<200x128xf32, #tpu.memory_space<vmem>>, vector<1x16xf32>,
    %get3A_485 = vector.shape_cast %get3A_484 : vector<1x16xf32> to vector<16xf32>
    %get3A_486 = arith.index_cast %div3A_461 : i32 to index
    %get3A_487 = arith.constant 96 : index
    %get3A_488 = tpu.vector_load %arg7[%get3A_486, %get3A_487] {strides = array<i32>} : memref<200x128xf32, #tpu.memory_space<vmem>>, vector<1x16xf32>,
    %get3A_489 = vector.shape_cast %get3A_488 : vector<1x16xf32> to vector<16xf32>
    %get3A_490 = arith.index_cast %div3A_461 : i32 to index
    %get3A_491 = arith.constant 112 : index
    %get3A_492 = tpu.vector_load %arg7[%get3A_490, %get3A_491] {strides = array<i32>} : memref<200x128xf32, #tpu.memory_space<vmem>>, vector<1x16xf32>,
    %get3A_493 = vector.shape_cast %get3A_492 : vector<1x16xf32> to vector<16xf32>
    %scan3A_494 = arith.constant 0 : i32
    %scan3A_495 = arith.constant 0 : i32
    %scan3A_496 = arith.constant 128 : i32
    %scan3A_497 = arith.addi %scan3A_495, %scan3A_496 : i32
    %scan3A_498 = arith.constant 4 : i32
    scf.for %scan3A_812 = %scan3A_495 to %scan3A_497 step %scan3A_498  : i32 {
      %swap3A = arith.constant 0 : i32
      %swap3A_813 = arith.index_cast %swap3A : i32 to index
      %swap3A_814 = arith.index_cast %scan3A_812 : i32 to index
      %swap3A_815 = arith.constant 0 : index
      %swap3A_816 = tpu.vector_load %arg8[%swap3A_813, %swap3A_814, %swap3A_815] {strides = array<i32>} : memref<4x128x128xf32, #tpu.memory_space<vmem>>, vector<1x1x16xf32>,
      %swap3A_817 = vector.shape_cast %swap3A_816 : vector<1x1x16xf32> to vector<16xf32>
      %swap3A_818 = vector.shape_cast %get3A_465 : vector<16xf32> to vector<1x1x16xf32>
      tpu.vector_store %arg8[%swap3A_813, %swap3A_814, %swap3A_815], %swap3A_818 {add = true, strides = array<i32>} : memref<4x128x128xf32, #tpu.memory_space<vmem>>, vector<1x1x16xf32>,
      %swap3A_819 = arith.constant 0 : i32
      %swap3A_820 = arith.index_cast %swap3A_819 : i32 to index
      %swap3A_821 = arith.index_cast %scan3A_812 : i32 to index
      %swap3A_822 = arith.constant 16 : index
      %swap3A_823 = tpu.vector_load %arg8[%swap3A_820, %swap3A_821, %swap3A_822] {strides = array<i32>} : memref<4x128x128xf32, #tpu.memory_space<vmem>>, vector<1x1x16xf32>,
      %swap3A_824 = vector.shape_cast %swap3A_823 : vector<1x1x16xf32> to vector<16xf32>
      %swap3A_825 = vector.shape_cast %get3A_469 : vector<16xf32> to vector<1x1x16xf32>
      tpu.vector_store %arg8[%swap3A_820, %swap3A_821, %swap3A_822], %swap3A_825 {add = true, strides = array<i32>} : memref<4x128x128xf32, #tpu.memory_space<vmem>>, vector<1x1x16xf32>,
      %swap3A_826 = arith.constant 0 : i32
      %swap3A_827 = arith.index_cast %swap3A_826 : i32 to index
      %swap3A_828 = arith.index_cast %scan3A_812 : i32 to index
      %swap3A_829 = arith.constant 32 : index
      %swap3A_830 = tpu.vector_load %arg8[%swap3A_827, %swap3A_828, %swap3A_829] {strides = array<i32>} : memref<4x128x128xf32, #tpu.memory_space<vmem>>, vector<1x1x16xf32>,
      %swap3A_831 = vector.shape_cast %swap3A_830 : vector<1x1x16xf32> to vector<16xf32>
      %swap3A_832 = vector.shape_cast %get3A_473 : vector<16xf32> to vector<1x1x16xf32>
      tpu.vector_store %arg8[%swap3A_827, %swap3A_828, %swap3A_829], %swap3A_832 {add = true, strides = array<i32>} : memref<4x128x128xf32, #tpu.memory_space<vmem>>, vector<1x1x16xf32>,
      %swap3A_833 = arith.constant 0 : i32
      %swap3A_834 = arith.index_cast %swap3A_833 : i32 to index
      %swap3A_835 = arith.index_cast %scan3A_812 : i32 to index
      %swap3A_836 = arith.constant 48 : index
      %swap3A_837 = tpu.vector_load %arg8[%swap3A_834, %swap3A_835, %swap3A_836] {strides = array<i32>} : memref<4x128x128xf32, #tpu.memory_space<vmem>>, vector<1x1x16xf32>,
      %swap3A_838 = vector.shape_cast %swap3A_837 : vector<1x1x16xf32> to vector<16xf32>
      %swap3A_839 = vector.shape_cast %get3A_477 : vector<16xf32> to vector<1x1x16xf32>
      tpu.vector_store %arg8[%swap3A_834, %swap3A_835, %swap3A_836], %swap3A_839 {add = true, strides = array<i32>} : memref<4x128x128xf32, #tpu.memory_space<vmem>>, vector<1x1x16xf32>,
      %swap3A_840 = arith.constant 0 : i32
      %swap3A_841 = arith.index_cast %swap3A_840 : i32 to index
      %swap3A_842 = arith.index_cast %scan3A_812 : i32 to index
      %swap3A_843 = arith.constant 64 : index
      %swap3A_844 = tpu.vector_load %arg8[%swap3A_841, %swap3A_842, %swap3A_843] {strides = array<i32>} : memref<4x128x128xf32, #tpu.memory_space<vmem>>, vector<1x1x16xf32>,
      %swap3A_845 = vector.shape_cast %swap3A_844 : vector<1x1x16xf32> to vector<16xf32>
      %swap3A_846 = vector.shape_cast %get3A_481 : vector<16xf32> to vector<1x1x16xf32>
      tpu.vector_store %arg8[%swap3A_841, %swap3A_842, %swap3A_843], %swap3A_846 {add = true, strides = array<i32>} : memref<4x128x128xf32, #tpu.memory_space<vmem>>, vector<1x1x16xf32>,
      %swap3A_847 = arith.constant 0 : i32
      %swap3A_848 = arith.index_cast %swap3A_847 : i32 to index
      %swap3A_849 = arith.index_cast %scan3A_812 : i32 to index
      %swap3A_850 = arith.constant 80 : index
      %swap3A_851 = tpu.vector_load %arg8[%swap3A_848, %swap3A_849, %swap3A_850] {strides = array<i32>} : memref<4x128x128xf32, #tpu.memory_space<vmem>>, vector<1x1x16xf32>,
      %swap3A_852 = vector.shape_cast %swap3A_851 : vector<1x1x16xf32> to vector<16xf32>
      %swap3A_853 = vector.shape_cast %get3A_485 : vector<16xf32> to vector<1x1x16xf32>
      tpu.vector_store %arg8[%swap3A_848, %swap3A_849, %swap3A_850], %swap3A_853 {add = true, strides = array<i32>} : memref<4x128x128xf32, #tpu.memory_space<vmem>>, vector<1x1x16xf32>,
      %swap3A_854 = arith.constant 0 : i32
      %swap3A_855 = arith.index_cast %swap3A_854 : i32 to index
      %swap3A_856 = arith.index_cast %scan3A_812 : i32 to index
      %swap3A_857 = arith.constant 96 : index
      %swap3A_858 = tpu.vector_load %arg8[%swap3A_855, %swap3A_856, %swap3A_857] {strides = array<i32>} : memref<4x128x128xf32, #tpu.memory_space<vmem>>, vector<1x1x16xf32>,
      %swap3A_859 = vector.shape_cast %swap3A_858 : vector<1x1x16xf32> to vector<16xf32>
      %swap3A_860 = vector.shape_cast %get3A_489 : vector<16xf32> to vector<1x1x16xf32>
      tpu.vector_store %arg8[%swap3A_855, %swap3A_856, %swap3A_857], %swap3A_860 {add = true, strides = array<i32>} : memref<4x128x128xf32, #tpu.memory_space<vmem>>, vector<1x1x16xf32>,
      %swap3A_861 = arith.constant 0 : i32
      %swap3A_862 = arith.index_cast %swap3A_861 : i32 to index
      %swap3A_863 = arith.index_cast %scan3A_812 : i32 to index
      %swap3A_864 = arith.constant 112 : index
      %swap3A_865 = tpu.vector_load %arg8[%swap3A_862, %swap3A_863, %swap3A_864] {strides = array<i32>} : memref<4x128x128xf32, #tpu.memory_space<vmem>>, vector<1x1x16xf32>,
      %swap3A_866 = vector.shape_cast %swap3A_865 : vector<1x1x16xf32> to vector<16xf32>
      %swap3A_867 = vector.shape_cast %get3A_493 : vector<16xf32> to vector<1x1x16xf32>
      tpu.vector_store %arg8[%swap3A_862, %swap3A_863, %swap3A_864], %swap3A_867 {add = true, strides = array<i32>} : memref<4x128x128xf32, #tpu.memory_space<vmem>>, vector<1x1x16xf32>,
      %scan3A_868 = arith.constant 1 : i32
      %scan3A_869 = arith.addi %scan3A_812, %scan3A_868 : i32
      %swap3A_870 = arith.constant 0 : i32
      %swap3A_871 = arith.index_cast %swap3A_870 : i32 to index
      %swap3A_872 = arith.index_cast %scan3A_869 : i32 to index
      %swap3A_873 = arith.constant 0 : index
      %swap3A_874 = tpu.vector_load %arg8[%swap3A_871, %swap3A_872, %swap3A_873] {strides = array<i32>} : memref<4x128x128xf32, #tpu.memory_space<vmem>>, vector<1x1x16xf32>,
      %swap3A_875 = vector.shape_cast %swap3A_874 : vector<1x1x16xf32> to vector<16xf32>
      %swap3A_876 = vector.shape_cast %get3A_465 : vector<16xf32> to vector<1x1x16xf32>
      tpu.vector_store %arg8[%swap3A_871, %swap3A_872, %swap3A_873], %swap3A_876 {add = true, strides = array<i32>} : memref<4x128x128xf32, #tpu.memory_space<vmem>>, vector<1x1x16xf32>,
      %swap3A_877 = arith.constant 0 : i32
      %swap3A_878 = arith.index_cast %swap3A_877 : i32 to index
      %swap3A_879 = arith.index_cast %scan3A_869 : i32 to index
      %swap3A_880 = arith.constant 16 : index
      %swap3A_881 = tpu.vector_load %arg8[%swap3A_878, %swap3A_879, %swap3A_880] {strides = array<i32>} : memref<4x128x128xf32, #tpu.memory_space<vmem>>, vector<1x1x16xf32>,
      %swap3A_882 = vector.shape_cast %swap3A_881 : vector<1x1x16xf32> to vector<16xf32>
      %swap3A_883 = vector.shape_cast %get3A_469 : vector<16xf32> to vector<1x1x16xf32>
      tpu.vector_store %arg8[%swap3A_878, %swap3A_879, %swap3A_880], %swap3A_883 {add = true, strides = array<i32>} : memref<4x128x128xf32, #tpu.memory_space<vmem>>, vector<1x1x16xf32>,
      %swap3A_884 = arith.constant 0 : i32
      %swap3A_885 = arith.index_cast %swap3A_884 : i32 to index
      %swap3A_886 = arith.index_cast %scan3A_869 : i32 to index
      %swap3A_887 = arith.constant 32 : index
      %swap3A_888 = tpu.vector_load %arg8[%swap3A_885, %swap3A_886, %swap3A_887] {strides = array<i32>} : memref<4x128x128xf32, #tpu.memory_space<vmem>>, vector<1x1x16xf32>,
      %swap3A_889 = vector.shape_cast %swap3A_888 : vector<1x1x16xf32> to vector<16xf32>
      %swap3A_890 = vector.shape_cast %get3A_473 : vector<16xf32> to vector<1x1x16xf32>
      tpu.vector_store %arg8[%swap3A_885, %swap3A_886, %swap3A_887], %swap3A_890 {add = true, strides = array<i32>} : memref<4x128x128xf32, #tpu.memory_space<vmem>>, vector<1x1x16xf32>,
      %swap3A_891 = arith.constant 0 : i32
      %swap3A_892 = arith.index_cast %swap3A_891 : i32 to index
      %swap3A_893 = arith.index_cast %scan3A_869 : i32 to index
      %swap3A_894 = arith.constant 48 : index
      %swap3A_895 = tpu.vector_load %arg8[%swap3A_892, %swap3A_893, %swap3A_894] {strides = array<i32>} : memref<4x128x128xf32, #tpu.memory_space<vmem>>, vector<1x1x16xf32>,
      %swap3A_896 = vector.shape_cast %swap3A_895 : vector<1x1x16xf32> to vector<16xf32>
      %swap3A_897 = vector.shape_cast %get3A_477 : vector<16xf32> to vector<1x1x16xf32>
      tpu.vector_store %arg8[%swap3A_892, %swap3A_893, %swap3A_894], %swap3A_897 {add = true, strides = array<i32>} : memref<4x128x128xf32, #tpu.memory_space<vmem>>, vector<1x1x16xf32>,
      %swap3A_898 = arith.constant 0 : i32
      %swap3A_899 = arith.index_cast %swap3A_898 : i32 to index
      %swap3A_900 = arith.index_cast %scan3A_869 : i32 to index
      %swap3A_901 = arith.constant 64 : index
      %swap3A_902 = tpu.vector_load %arg8[%swap3A_899, %swap3A_900, %swap3A_901] {strides = array<i32>} : memref<4x128x128xf32, #tpu.memory_space<vmem>>, vector<1x1x16xf32>,
      %swap3A_903 = vector.shape_cast %swap3A_902 : vector<1x1x16xf32> to vector<16xf32>
      %swap3A_904 = vector.shape_cast %get3A_481 : vector<16xf32> to vector<1x1x16xf32>
      tpu.vector_store %arg8[%swap3A_899, %swap3A_900, %swap3A_901], %swap3A_904 {add = true, strides = array<i32>} : memref<4x128x128xf32, #tpu.memory_space<vmem>>, vector<1x1x16xf32>,
      %swap3A_905 = arith.constant 0 : i32
      %swap3A_906 = arith.index_cast %swap3A_905 : i32 to index
      %swap3A_907 = arith.index_cast %scan3A_869 : i32 to index
      %swap3A_908 = arith.constant 80 : index
      %swap3A_909 = tpu.vector_load %arg8[%swap3A_906, %swap3A_907, %swap3A_908] {strides = array<i32>} : memref<4x128x128xf32, #tpu.memory_space<vmem>>, vector<1x1x16xf32>,
      %swap3A_910 = vector.shape_cast %swap3A_909 : vector<1x1x16xf32> to vector<16xf32>
      %swap3A_911 = vector.shape_cast %get3A_485 : vector<16xf32> to vector<1x1x16xf32>
      tpu.vector_store %arg8[%swap3A_906, %swap3A_907, %swap3A_908], %swap3A_911 {add = true, strides = array<i32>} : memref<4x128x128xf32, #tpu.memory_space<vmem>>, vector<1x1x16xf32>,
      %swap3A_912 = arith.constant 0 : i32
      %swap3A_913 = arith.index_cast %swap3A_912 : i32 to index
      %swap3A_914 = arith.index_cast %scan3A_869 : i32 to index
      %swap3A_915 = arith.constant 96 : index
      %swap3A_916 = tpu.vector_load %arg8[%swap3A_913, %swap3A_914, %swap3A_915] {strides = array<i32>} : memref<4x128x128xf32, #tpu.memory_space<vmem>>, vector<1x1x16xf32>,
      %swap3A_917 = vector.shape_cast %swap3A_916 : vector<1x1x16xf32> to vector<16xf32>
      %swap3A_918 = vector.shape_cast %get3A_489 : vector<16xf32> to vector<1x1x16xf32>
      tpu.vector_store %arg8[%swap3A_913, %swap3A_914, %swap3A_915], %swap3A_918 {add = true, strides = array<i32>} : memref<4x128x128xf32, #tpu.memory_space<vmem>>, vector<1x1x16xf32>,
      %swap3A_919 = arith.constant 0 : i32
      %swap3A_920 = arith.index_cast %swap3A_919 : i32 to index
      %swap3A_921 = arith.index_cast %scan3A_869 : i32 to index
      %swap3A_922 = arith.constant 112 : index
      %swap3A_923 = tpu.vector_load %arg8[%swap3A_920, %swap3A_921, %swap3A_922] {strides = array<i32>} : memref<4x128x128xf32, #tpu.memory_space<vmem>>, vector<1x1x16xf32>,
      %swap3A_924 = vector.shape_cast %swap3A_923 : vector<1x1x16xf32> to vector<16xf32>
      %swap3A_925 = vector.shape_cast %get3A_493 : vector<16xf32> to vector<1x1x16xf32>
      tpu.vector_store %arg8[%swap3A_920, %swap3A_921, %swap3A_922], %swap3A_925 {add = true, strides = array<i32>} : memref<4x128x128xf32, #tpu.memory_space<vmem>>, vector<1x1x16xf32>,
      %scan3A_926 = arith.constant 2 : i32
      %scan3A_927 = arith.addi %scan3A_812, %scan3A_926 : i32
      %swap3A_928 = arith.constant 0 : i32
      %swap3A_929 = arith.index_cast %swap3A_928 : i32 to index
      %swap3A_930 = arith.index_cast %scan3A_927 : i32 to index
      %swap3A_931 = arith.constant 0 : index
      %swap3A_932 = tpu.vector_load %arg8[%swap3A_929, %swap3A_930, %swap3A_931] {strides = array<i32>} : memref<4x128x128xf32, #tpu.memory_space<vmem>>, vector<1x1x16xf32>,
      %swap3A_933 = vector.shape_cast %swap3A_932 : vector<1x1x16xf32> to vector<16xf32>
      %swap3A_934 = vector.shape_cast %get3A_465 : vector<16xf32> to vector<1x1x16xf32>
      tpu.vector_store %arg8[%swap3A_929, %swap3A_930, %swap3A_931], %swap3A_934 {add = true, strides = array<i32>} : memref<4x128x128xf32, #tpu.memory_space<vmem>>, vector<1x1x16xf32>,
      %swap3A_935 = arith.constant 0 : i32
      %swap3A_936 = arith.index_cast %swap3A_935 : i32 to index
      %swap3A_937 = arith.index_cast %scan3A_927 : i32 to index
      %swap3A_938 = arith.constant 16 : index
      %swap3A_939 = tpu.vector_load %arg8[%swap3A_936, %swap3A_937, %swap3A_938] {strides = array<i32>} : memref<4x128x128xf32, #tpu.memory_space<vmem>>, vector<1x1x16xf32>,
      %swap3A_940 = vector.shape_cast %swap3A_939 : vector<1x1x16xf32> to vector<16xf32>
      %swap3A_941 = vector.shape_cast %get3A_469 : vector<16xf32> to vector<1x1x16xf32>
      tpu.vector_store %arg8[%swap3A_936, %swap3A_937, %swap3A_938], %swap3A_941 {add = true, strides = array<i32>} : memref<4x128x128xf32, #tpu.memory_space<vmem>>, vector<1x1x16xf32>,
      %swap3A_942 = arith.constant 0 : i32
      %swap3A_943 = arith.index_cast %swap3A_942 : i32 to index
      %swap3A_944 = arith.index_cast %scan3A_927 : i32 to index
      %swap3A_945 = arith.constant 32 : index
      %swap3A_946 = tpu.vector_load %arg8[%swap3A_943, %swap3A_944, %swap3A_945] {strides = array<i32>} : memref<4x128x128xf32, #tpu.memory_space<vmem>>, vector<1x1x16xf32>,
      %swap3A_947 = vector.shape_cast %swap3A_946 : vector<1x1x16xf32> to vector<16xf32>
      %swap3A_948 = vector.shape_cast %get3A_473 : vector<16xf32> to vector<1x1x16xf32>
      tpu.vector_store %arg8[%swap3A_943, %swap3A_944, %swap3A_945], %swap3A_948 {add = true, strides = array<i32>} : memref<4x128x128xf32, #tpu.memory_space<vmem>>, vector<1x1x16xf32>,
      %swap3A_949 = arith.constant 0 : i32
      %swap3A_950 = arith.index_cast %swap3A_949 : i32 to index
      %swap3A_951 = arith.index_cast %scan3A_927 : i32 to index
      %swap3A_952 = arith.constant 48 : index
      %swap3A_953 = tpu.vector_load %arg8[%swap3A_950, %swap3A_951, %swap3A_952] {strides = array<i32>} : memref<4x128x128xf32, #tpu.memory_space<vmem>>, vector<1x1x16xf32>,
      %swap3A_954 = vector.shape_cast %swap3A_953 : vector<1x1x16xf32> to vector<16xf32>
      %swap3A_955 = vector.shape_cast %get3A_477 : vector<16xf32> to vector<1x1x16xf32>
      tpu.vector_store %arg8[%swap3A_950, %swap3A_951, %swap3A_952], %swap3A_955 {add = true, strides = array<i32>} : memref<4x128x128xf32, #tpu.memory_space<vmem>>, vector<1x1x16xf32>,
      %swap3A_956 = arith.constant 0 : i32
      %swap3A_957 = arith.index_cast %swap3A_956 : i32 to index
      %swap3A_958 = arith.index_cast %scan3A_927 : i32 to index
      %swap3A_959 = arith.constant 64 : index
      %swap3A_960 = tpu.vector_load %arg8[%swap3A_957, %swap3A_958, %swap3A_959] {strides = array<i32>} : memref<4x128x128xf32, #tpu.memory_space<vmem>>, vector<1x1x16xf32>,
      %swap3A_961 = vector.shape_cast %swap3A_960 : vector<1x1x16xf32> to vector<16xf32>
      %swap3A_962 = vector.shape_cast %get3A_481 : vector<16xf32> to vector<1x1x16xf32>
      tpu.vector_store %arg8[%swap3A_957, %swap3A_958, %swap3A_959], %swap3A_962 {add = true, strides = array<i32>} : memref<4x128x128xf32, #tpu.memory_space<vmem>>, vector<1x1x16xf32>,
      %swap3A_963 = arith.constant 0 : i32
      %swap3A_964 = arith.index_cast %swap3A_963 : i32 to index
      %swap3A_965 = arith.index_cast %scan3A_927 : i32 to index
      %swap3A_966 = arith.constant 80 : index
      %swap3A_967 = tpu.vector_load %arg8[%swap3A_964, %swap3A_965, %swap3A_966] {strides = array<i32>} : memref<4x128x128xf32, #tpu.memory_space<vmem>>, vector<1x1x16xf32>,
      %swap3A_968 = vector.shape_cast %swap3A_967 : vector<1x1x16xf32> to vector<16xf32>
      %swap3A_969 = vector.shape_cast %get3A_485 : vector<16xf32> to vector<1x1x16xf32>
      tpu.vector_store %arg8[%swap3A_964, %swap3A_965, %swap3A_966], %swap3A_969 {add = true, strides = array<i32>} : memref<4x128x128xf32, #tpu.memory_space<vmem>>, vector<1x1x16xf32>,
      %swap3A_970 = arith.constant 0 : i32
      %swap3A_971 = arith.index_cast %swap3A_970 : i32 to index
      %swap3A_972 = arith.index_cast %scan3A_927 : i32 to index
      %swap3A_973 = arith.constant 96 : index
      %swap3A_974 = tpu.vector_load %arg8[%swap3A_971, %swap3A_972, %swap3A_973] {strides = array<i32>} : memref<4x128x128xf32, #tpu.memory_space<vmem>>, vector<1x1x16xf32>,
      %swap3A_975 = vector.shape_cast %swap3A_974 : vector<1x1x16xf32> to vector<16xf32>
      %swap3A_976 = vector.shape_cast %get3A_489 : vector<16xf32> to vector<1x1x16xf32>
      tpu.vector_store %arg8[%swap3A_971, %swap3A_972, %swap3A_973], %swap3A_976 {add = true, strides = array<i32>} : memref<4x128x128xf32, #tpu.memory_space<vmem>>, vector<1x1x16xf32>,
      %swap3A_977 = arith.constant 0 : i32
      %swap3A_978 = arith.index_cast %swap3A_977 : i32 to index
      %swap3A_979 = arith.index_cast %scan3A_927 : i32 to index
      %swap3A_980 = arith.constant 112 : index
      %swap3A_981 = tpu.vector_load %arg8[%swap3A_978, %swap3A_979, %swap3A_980] {strides = array<i32>} : memref<4x128x128xf32, #tpu.memory_space<vmem>>, vector<1x1x16xf32>,
      %swap3A_982 = vector.shape_cast %swap3A_981 : vector<1x1x16xf32> to vector<16xf32>
      %swap3A_983 = vector.shape_cast %get3A_493 : vector<16xf32> to vector<1x1x16xf32>
      tpu.vector_store %arg8[%swap3A_978, %swap3A_979, %swap3A_980], %swap3A_983 {add = true, strides = array<i32>} : memref<4x128x128xf32, #tpu.memory_space<vmem>>, vector<1x1x16xf32>,
      %scan3A_984 = arith.constant 3 : i32
      %scan3A_985 = arith.addi %scan3A_812, %scan3A_984 : i32
      %swap3A_986 = arith.constant 0 : i32
      %swap3A_987 = arith.index_cast %swap3A_986 : i32 to index
      %swap3A_988 = arith.index_cast %scan3A_985 : i32 to index
      %swap3A_989 = arith.constant 0 : index
      %swap3A_990 = tpu.vector_load %arg8[%swap3A_987, %swap3A_988, %swap3A_989] {strides = array<i32>} : memref<4x128x128xf32, #tpu.memory_space<vmem>>, vector<1x1x16xf32>,
      %swap3A_991 = vector.shape_cast %swap3A_990 : vector<1x1x16xf32> to vector<16xf32>
      %swap3A_992 = vector.shape_cast %get3A_465 : vector<16xf32> to vector<1x1x16xf32>
      tpu.vector_store %arg8[%swap3A_987, %swap3A_988, %swap3A_989], %swap3A_992 {add = true, strides = array<i32>} : memref<4x128x128xf32, #tpu.memory_space<vmem>>, vector<1x1x16xf32>,
      %swap3A_993 = arith.constant 0 : i32
      %swap3A_994 = arith.index_cast %swap3A_993 : i32 to index
      %swap3A_995 = arith.index_cast %scan3A_985 : i32 to index
      %swap3A_996 = arith.constant 16 : index
      %swap3A_997 = tpu.vector_load %arg8[%swap3A_994, %swap3A_995, %swap3A_996] {strides = array<i32>} : memref<4x128x128xf32, #tpu.memory_space<vmem>>, vector<1x1x16xf32>,
      %swap3A_998 = vector.shape_cast %swap3A_997 : vector<1x1x16xf32> to vector<16xf32>
      %swap3A_999 = vector.shape_cast %get3A_469 : vector<16xf32> to vector<1x1x16xf32>
      tpu.vector_store %arg8[%swap3A_994, %swap3A_995, %swap3A_996], %swap3A_999 {add = true, strides = array<i32>} : memref<4x128x128xf32, #tpu.memory_space<vmem>>, vector<1x1x16xf32>,
      %swap3A_1000 = arith.constant 0 : i32
      %swap3A_1001 = arith.index_cast %swap3A_1000 : i32 to index
      %swap3A_1002 = arith.index_cast %scan3A_985 : i32 to index
      %swap3A_1003 = arith.constant 32 : index
      %swap3A_1004 = tpu.vector_load %arg8[%swap3A_1001, %swap3A_1002, %swap3A_1003] {strides = array<i32>} : memref<4x128x128xf32, #tpu.memory_space<vmem>>, vector<1x1x16xf32>,
      %swap3A_1005 = vector.shape_cast %swap3A_1004 : vector<1x1x16xf32> to vector<16xf32>
      %swap3A_1006 = vector.shape_cast %get3A_473 : vector<16xf32> to vector<1x1x16xf32>
      tpu.vector_store %arg8[%swap3A_1001, %swap3A_1002, %swap3A_1003], %swap3A_1006 {add = true, strides = array<i32>} : memref<4x128x128xf32, #tpu.memory_space<vmem>>, vector<1x1x16xf32>,
      %swap3A_1007 = arith.constant 0 : i32
      %swap3A_1008 = arith.index_cast %swap3A_1007 : i32 to index
      %swap3A_1009 = arith.index_cast %scan3A_985 : i32 to index
      %swap3A_1010 = arith.constant 48 : index
      %swap3A_1011 = tpu.vector_load %arg8[%swap3A_1008, %swap3A_1009, %swap3A_1010] {strides = array<i32>} : memref<4x128x128xf32, #tpu.memory_space<vmem>>, vector<1x1x16xf32>,
      %swap3A_1012 = vector.shape_cast %swap3A_1011 : vector<1x1x16xf32> to vector<16xf32>
      %swap3A_1013 = vector.shape_cast %get3A_477 : vector<16xf32> to vector<1x1x16xf32>
      tpu.vector_store %arg8[%swap3A_1008, %swap3A_1009, %swap3A_1010], %swap3A_1013 {add = true, strides = array<i32>} : memref<4x128x128xf32, #tpu.memory_space<vmem>>, vector<1x1x16xf32>,
      %swap3A_1014 = arith.constant 0 : i32
      %swap3A_1015 = arith.index_cast %swap3A_1014 : i32 to index
      %swap3A_1016 = arith.index_cast %scan3A_985 : i32 to index
      %swap3A_1017 = arith.constant 64 : index
      %swap3A_1018 = tpu.vector_load %arg8[%swap3A_1015, %swap3A_1016, %swap3A_1017] {strides = array<i32>} : memref<4x128x128xf32, #tpu.memory_space<vmem>>, vector<1x1x16xf32>,
      %swap3A_1019 = vector.shape_cast %swap3A_1018 : vector<1x1x16xf32> to vector<16xf32>
      %swap3A_1020 = vector.shape_cast %get3A_481 : vector<16xf32> to vector<1x1x16xf32>
      tpu.vector_store %arg8[%swap3A_1015, %swap3A_1016, %swap3A_1017], %swap3A_1020 {add = true, strides = array<i32>} : memref<4x128x128xf32, #tpu.memory_space<vmem>>, vector<1x1x16xf32>,
      %swap3A_1021 = arith.constant 0 : i32
      %swap3A_1022 = arith.index_cast %swap3A_1021 : i32 to index
      %swap3A_1023 = arith.index_cast %scan3A_985 : i32 to index
      %swap3A_1024 = arith.constant 80 : index
      %swap3A_1025 = tpu.vector_load %arg8[%swap3A_1022, %swap3A_1023, %swap3A_1024] {strides = array<i32>} : memref<4x128x128xf32, #tpu.memory_space<vmem>>, vector<1x1x16xf32>,
      %swap3A_1026 = vector.shape_cast %swap3A_1025 : vector<1x1x16xf32> to vector<16xf32>
      %swap3A_1027 = vector.shape_cast %get3A_485 : vector<16xf32> to vector<1x1x16xf32>
      tpu.vector_store %arg8[%swap3A_1022, %swap3A_1023, %swap3A_1024], %swap3A_1027 {add = true, strides = array<i32>} : memref<4x128x128xf32, #tpu.memory_space<vmem>>, vector<1x1x16xf32>,
      %swap3A_1028 = arith.constant 0 : i32
      %swap3A_1029 = arith.index_cast %swap3A_1028 : i32 to index
      %swap3A_1030 = arith.index_cast %scan3A_985 : i32 to index
      %swap3A_1031 = arith.constant 96 : index
      %swap3A_1032 = tpu.vector_load %arg8[%swap3A_1029, %swap3A_1030, %swap3A_1031] {strides = array<i32>} : memref<4x128x128xf32, #tpu.memory_space<vmem>>, vector<1x1x16xf32>,
      %swap3A_1033 = vector.shape_cast %swap3A_1032 : vector<1x1x16xf32> to vector<16xf32>
      %swap3A_1034 = vector.shape_cast %get3A_489 : vector<16xf32> to vector<1x1x16xf32>
      tpu.vector_store %arg8[%swap3A_1029, %swap3A_1030, %swap3A_1031], %swap3A_1034 {add = true, strides = array<i32>} : memref<4x128x128xf32, #tpu.memory_space<vmem>>, vector<1x1x16xf32>,
      %swap3A_1035 = arith.constant 0 : i32
      %swap3A_1036 = arith.index_cast %swap3A_1035 : i32 to index
      %swap3A_1037 = arith.index_cast %scan3A_985 : i32 to index
      %swap3A_1038 = arith.constant 112 : index
      %swap3A_1039 = tpu.vector_load %arg8[%swap3A_1036, %swap3A_1037, %swap3A_1038] {strides = array<i32>} : memref<4x128x128xf32, #tpu.memory_space<vmem>>, vector<1x1x16xf32>,
      %swap3A_1040 = vector.shape_cast %swap3A_1039 : vector<1x1x16xf32> to vector<16xf32>
      %swap3A_1041 = vector.shape_cast %get3A_493 : vector<16xf32> to vector<1x1x16xf32>
      tpu.vector_store %arg8[%swap3A_1036, %swap3A_1037, %swap3A_1038], %swap3A_1041 {add = true, strides = array<i32>} : memref<4x128x128xf32, #tpu.memory_space<vmem>>, vector<1x1x16xf32>,
    }
    %scan3A_499 = arith.constant 128 : i32
    %add3A_500 = arith.constant 25088 : i32
    %add3A_501 = arith.addi %mul3A_2, %add3A_500 : i32
    %div3A_502 = arith.constant 4096 : i32
    %div3A_503 = arith.divsi %add3A_501, %div3A_502 : i32
    %rem3A_504 = arith.constant 4096 : i32
    %rem3A_505 = arith.remsi %add3A_501, %rem3A_504 : i32
    %dma_start3A_506 = arith.constant 0 : i32
    %dma_start3A_507 = arith.constant 0 : i32
    %dma_start3A_508 = arith.constant 0 : i32
    %dma_start3A_509 = tpu.memref_slice %arg8[%dma_start3A_506, %dma_start3A_507, %dma_start3A_508] : memref<4x128x128xf32, #tpu.memory_space<vmem>> -> memref<1x128x128xf32, #tpu.memory_space<vmem>>
    %dma_start3A_510 = tpu.memref_squeeze %dma_start3A_509 : memref<1x128x128xf32, #tpu.memory_space<vmem>> -> memref<128x128xf32, #tpu.memory_space<vmem>>
    %dma_start3A_511 = arith.constant 0 : i32
    %dma_start3A_512 = tpu.memref_slice %arg5[%rem3A_505, %div3A_503, %dma_start3A_511] : memref<4096x200x128xf32, #tpu.memory_space<hbm>> -> memref<128x1x128xf32, #tpu.memory_space<hbm>>
    %dma_start3A_513 = tpu.memref_squeeze %dma_start3A_512 : memref<128x1x128xf32, #tpu.memory_space<hbm>> -> memref<128x128xf32, #tpu.memory_space<hbm>>
    %dma_start3A_514 = arith.constant 0 : i32
    %dma_start3A_515 = tpu.memref_slice %arg5[%rem3A_505, %div3A_503, %dma_start3A_514] : memref<4096x200x128xf32, #tpu.memory_space<hbm>> -> memref<128x1x128xf32, #tpu.memory_space<hbm>>
    %dma_start3A_516 = tpu.memref_squeeze %dma_start3A_515 : memref<128x1x128xf32, #tpu.memory_space<hbm>> -> memref<128x128xf32, #tpu.memory_space<hbm>>
    %dma_start3A_517 = arith.constant 0 : i32
    %dma_start3A_518 = arith.constant 0 : i32
    %dma_start3A_519 = tpu.memref_slice %arg8[%dma_start3A_506, %dma_start3A_517, %dma_start3A_518] : memref<4x128x128xf32, #tpu.memory_space<vmem>> -> memref<1x128x128xf32, #tpu.memory_space<vmem>>
    %dma_start3A_520 = tpu.memref_squeeze %dma_start3A_519 : memref<1x128x128xf32, #tpu.memory_space<vmem>> -> memref<128x128xf32, #tpu.memory_space<vmem>>
    tpu.enqueue_dma source(%dma_start3A_520 : memref<128x128xf32, #tpu.memory_space<vmem>>) target(%dma_start3A_516 : memref<128x128xf32, #tpu.memory_space<hbm>>) target_semaphore(%arg13 : memref<!tpu.dma_semaphore, #tpu.memory_space<semaphore_mem>>)
    %dma_wait3A_521 = arith.constant 1 : i32
    %dma_wait3A_522 = arith.constant 0 : i32
    %dma_wait3A_523 = arith.constant 0 : i32
    %dma_wait3A_524 = tpu.memref_slice %arg8[%dma_wait3A_521, %dma_wait3A_522, %dma_wait3A_523] : memref<4x128x128xf32, #tpu.memory_space<vmem>> -> memref<1x128x128xf32, #tpu.memory_space<vmem>>
    %dma_wait3A_525 = tpu.memref_squeeze %dma_wait3A_524 : memref<1x128x128xf32, #tpu.memory_space<vmem>> -> memref<128x128xf32, #tpu.memory_space<vmem>>
    %dma_wait3A_526 = arith.constant 0 : i32
    %dma_wait3A_527 = tpu.memref_slice %arg6[%dma_wait3A_526] : memref<25600xi32, #tpu.memory_space<vmem>> -> memref<128xi32, #tpu.memory_space<vmem>>
    %dma_wait3A_528 = arith.constant 0 : i32
    %dma_wait3A_529 = arith.constant 0 : i32
    %dma_wait3A_530 = tpu.memref_slice %arg3[%dma_wait3A_528, %dma_wait3A_529] : memref<100000x128xf32, #tpu.memory_space<hbm>> -> memref<100000x128xf32, #tpu.memory_space<hbm>>
    tpu.wait_indirect_dma semaphore(%arg10 : memref<!tpu.dma_semaphore, #tpu.memory_space<semaphore_mem>>) src(%dma_wait3A_530 : memref<100000x128xf32, #tpu.memory_space<hbm>>) dst(%dma_wait3A_525 : memref<128x128xf32, #tpu.memory_space<vmem>>)
    %add3A_531 = arith.constant 25216 : i32
    %add3A_532 = arith.addi %mul3A_2, %add3A_531 : i32
    %div3A_533 = arith.constant 4096 : i32
    %div3A_534 = arith.divsi %add3A_532, %div3A_533 : i32
    %get3A_535 = arith.index_cast %div3A_534 : i32 to index
    %get3A_536 = arith.constant 0 : index
    %get3A_537 = tpu.vector_load %arg7[%get3A_535, %get3A_536] {strides = array<i32>} : memref<200x128xf32, #tpu.memory_space<vmem>>, vector<1x16xf32>,
    %get3A_538 = vector.shape_cast %get3A_537 : vector<1x16xf32> to vector<16xf32>
    %get3A_539 = arith.index_cast %div3A_534 : i32 to index
    %get3A_540 = arith.constant 16 : index
    %get3A_541 = tpu.vector_load %arg7[%get3A_539, %get3A_540] {strides = array<i32>} : memref<200x128xf32, #tpu.memory_space<vmem>>, vector<1x16xf32>,
    %get3A_542 = vector.shape_cast %get3A_541 : vector<1x16xf32> to vector<16xf32>
    %get3A_543 = arith.index_cast %div3A_534 : i32 to index
    %get3A_544 = arith.constant 32 : index
    %get3A_545 = tpu.vector_load %arg7[%get3A_543, %get3A_544] {strides = array<i32>} : memref<200x128xf32, #tpu.memory_space<vmem>>, vector<1x16xf32>,
    %get3A_546 = vector.shape_cast %get3A_545 : vector<1x16xf32> to vector<16xf32>
    %get3A_547 = arith.index_cast %div3A_534 : i32 to index
    %get3A_548 = arith.constant 48 : index
    %get3A_549 = tpu.vector_load %arg7[%get3A_547, %get3A_548] {strides = array<i32>} : memref<200x128xf32, #tpu.memory_space<vmem>>, vector<1x16xf32>,
    %get3A_550 = vector.shape_cast %get3A_549 : vector<1x16xf32> to vector<16xf32>
    %get3A_551 = arith.index_cast %div3A_534 : i32 to index
    %get3A_552 = arith.constant 64 : index
    %get3A_553 = tpu.vector_load %arg7[%get3A_551, %get3A_552] {strides = array<i32>} : memref<200x128xf32, #tpu.memory_space<vmem>>, vector<1x16xf32>,
    %get3A_554 = vector.shape_cast %get3A_553 : vector<1x16xf32> to vector<16xf32>
    %get3A_555 = arith.index_cast %div3A_534 : i32 to index
    %get3A_556 = arith.constant 80 : index
    %get3A_557 = tpu.vector_load %arg7[%get3A_555, %get3A_556] {strides = array<i32>} : memref<200x128xf32, #tpu.memory_space<vmem>>, vector<1x16xf32>,
    %get3A_558 = vector.shape_cast %get3A_557 : vector<1x16xf32> to vector<16xf32>
    %get3A_559 = arith.index_cast %div3A_534 : i32 to index
    %get3A_560 = arith.constant 96 : index
    %get3A_561 = tpu.vector_load %arg7[%get3A_559, %get3A_560] {strides = array<i32>} : memref<200x128xf32, #tpu.memory_space<vmem>>, vector<1x16xf32>,
    %get3A_562 = vector.shape_cast %get3A_561 : vector<1x16xf32> to vector<16xf32>
    %get3A_563 = arith.index_cast %div3A_534 : i32 to index
    %get3A_564 = arith.constant 112 : index
    %get3A_565 = tpu.vector_load %arg7[%get3A_563, %get3A_564] {strides = array<i32>} : memref<200x128xf32, #tpu.memory_space<vmem>>, vector<1x16xf32>,
    %get3A_566 = vector.shape_cast %get3A_565 : vector<1x16xf32> to vector<16xf32>
    %scan3A_567 = arith.constant 0 : i32
    %scan3A_568 = arith.constant 0 : i32
    %scan3A_569 = arith.constant 128 : i32
    %scan3A_570 = arith.addi %scan3A_568, %scan3A_569 : i32
    %scan3A_571 = arith.constant 4 : i32
    scf.for %scan3A_812 = %scan3A_568 to %scan3A_570 step %scan3A_571  : i32 {
      %swap3A = arith.constant 1 : i32
      %swap3A_813 = arith.index_cast %swap3A : i32 to index
      %swap3A_814 = arith.index_cast %scan3A_812 : i32 to index
      %swap3A_815 = arith.constant 0 : index
      %swap3A_816 = tpu.vector_load %arg8[%swap3A_813, %swap3A_814, %swap3A_815] {strides = array<i32>} : memref<4x128x128xf32, #tpu.memory_space<vmem>>, vector<1x1x16xf32>,
      %swap3A_817 = vector.shape_cast %swap3A_816 : vector<1x1x16xf32> to vector<16xf32>
      %swap3A_818 = vector.shape_cast %get3A_538 : vector<16xf32> to vector<1x1x16xf32>
      tpu.vector_store %arg8[%swap3A_813, %swap3A_814, %swap3A_815], %swap3A_818 {add = true, strides = array<i32>} : memref<4x128x128xf32, #tpu.memory_space<vmem>>, vector<1x1x16xf32>,
      %swap3A_819 = arith.constant 1 : i32
      %swap3A_820 = arith.index_cast %swap3A_819 : i32 to index
      %swap3A_821 = arith.index_cast %scan3A_812 : i32 to index
      %swap3A_822 = arith.constant 16 : index
      %swap3A_823 = tpu.vector_load %arg8[%swap3A_820, %swap3A_821, %swap3A_822] {strides = array<i32>} : memref<4x128x128xf32, #tpu.memory_space<vmem>>, vector<1x1x16xf32>,
      %swap3A_824 = vector.shape_cast %swap3A_823 : vector<1x1x16xf32> to vector<16xf32>
      %swap3A_825 = vector.shape_cast %get3A_542 : vector<16xf32> to vector<1x1x16xf32>
      tpu.vector_store %arg8[%swap3A_820, %swap3A_821, %swap3A_822], %swap3A_825 {add = true, strides = array<i32>} : memref<4x128x128xf32, #tpu.memory_space<vmem>>, vector<1x1x16xf32>,
      %swap3A_826 = arith.constant 1 : i32
      %swap3A_827 = arith.index_cast %swap3A_826 : i32 to index
      %swap3A_828 = arith.index_cast %scan3A_812 : i32 to index
      %swap3A_829 = arith.constant 32 : index
      %swap3A_830 = tpu.vector_load %arg8[%swap3A_827, %swap3A_828, %swap3A_829] {strides = array<i32>} : memref<4x128x128xf32, #tpu.memory_space<vmem>>, vector<1x1x16xf32>,
      %swap3A_831 = vector.shape_cast %swap3A_830 : vector<1x1x16xf32> to vector<16xf32>
      %swap3A_832 = vector.shape_cast %get3A_546 : vector<16xf32> to vector<1x1x16xf32>
      tpu.vector_store %arg8[%swap3A_827, %swap3A_828, %swap3A_829], %swap3A_832 {add = true, strides = array<i32>} : memref<4x128x128xf32, #tpu.memory_space<vmem>>, vector<1x1x16xf32>,
      %swap3A_833 = arith.constant 1 : i32
      %swap3A_834 = arith.index_cast %swap3A_833 : i32 to index
      %swap3A_835 = arith.index_cast %scan3A_812 : i32 to index
      %swap3A_836 = arith.constant 48 : index
      %swap3A_837 = tpu.vector_load %arg8[%swap3A_834, %swap3A_835, %swap3A_836] {strides = array<i32>} : memref<4x128x128xf32, #tpu.memory_space<vmem>>, vector<1x1x16xf32>,
      %swap3A_838 = vector.shape_cast %swap3A_837 : vector<1x1x16xf32> to vector<16xf32>
      %swap3A_839 = vector.shape_cast %get3A_550 : vector<16xf32> to vector<1x1x16xf32>
      tpu.vector_store %arg8[%swap3A_834, %swap3A_835, %swap3A_836], %swap3A_839 {add = true, strides = array<i32>} : memref<4x128x128xf32, #tpu.memory_space<vmem>>, vector<1x1x16xf32>,
      %swap3A_840 = arith.constant 1 : i32
      %swap3A_841 = arith.index_cast %swap3A_840 : i32 to index
      %swap3A_842 = arith.index_cast %scan3A_812 : i32 to index
      %swap3A_843 = arith.constant 64 : index
      %swap3A_844 = tpu.vector_load %arg8[%swap3A_841, %swap3A_842, %swap3A_843] {strides = array<i32>} : memref<4x128x128xf32, #tpu.memory_space<vmem>>, vector<1x1x16xf32>,
      %swap3A_845 = vector.shape_cast %swap3A_844 : vector<1x1x16xf32> to vector<16xf32>
      %swap3A_846 = vector.shape_cast %get3A_554 : vector<16xf32> to vector<1x1x16xf32>
      tpu.vector_store %arg8[%swap3A_841, %swap3A_842, %swap3A_843], %swap3A_846 {add = true, strides = array<i32>} : memref<4x128x128xf32, #tpu.memory_space<vmem>>, vector<1x1x16xf32>,
      %swap3A_847 = arith.constant 1 : i32
      %swap3A_848 = arith.index_cast %swap3A_847 : i32 to index
      %swap3A_849 = arith.index_cast %scan3A_812 : i32 to index
      %swap3A_850 = arith.constant 80 : index
      %swap3A_851 = tpu.vector_load %arg8[%swap3A_848, %swap3A_849, %swap3A_850] {strides = array<i32>} : memref<4x128x128xf32, #tpu.memory_space<vmem>>, vector<1x1x16xf32>,
      %swap3A_852 = vector.shape_cast %swap3A_851 : vector<1x1x16xf32> to vector<16xf32>
      %swap3A_853 = vector.shape_cast %get3A_558 : vector<16xf32> to vector<1x1x16xf32>
      tpu.vector_store %arg8[%swap3A_848, %swap3A_849, %swap3A_850], %swap3A_853 {add = true, strides = array<i32>} : memref<4x128x128xf32, #tpu.memory_space<vmem>>, vector<1x1x16xf32>,
      %swap3A_854 = arith.constant 1 : i32
      %swap3A_855 = arith.index_cast %swap3A_854 : i32 to index
      %swap3A_856 = arith.index_cast %scan3A_812 : i32 to index
      %swap3A_857 = arith.constant 96 : index
      %swap3A_858 = tpu.vector_load %arg8[%swap3A_855, %swap3A_856, %swap3A_857] {strides = array<i32>} : memref<4x128x128xf32, #tpu.memory_space<vmem>>, vector<1x1x16xf32>,
      %swap3A_859 = vector.shape_cast %swap3A_858 : vector<1x1x16xf32> to vector<16xf32>
      %swap3A_860 = vector.shape_cast %get3A_562 : vector<16xf32> to vector<1x1x16xf32>
      tpu.vector_store %arg8[%swap3A_855, %swap3A_856, %swap3A_857], %swap3A_860 {add = true, strides = array<i32>} : memref<4x128x128xf32, #tpu.memory_space<vmem>>, vector<1x1x16xf32>,
      %swap3A_861 = arith.constant 1 : i32
      %swap3A_862 = arith.index_cast %swap3A_861 : i32 to index
      %swap3A_863 = arith.index_cast %scan3A_812 : i32 to index
      %swap3A_864 = arith.constant 112 : index
      %swap3A_865 = tpu.vector_load %arg8[%swap3A_862, %swap3A_863, %swap3A_864] {strides = array<i32>} : memref<4x128x128xf32, #tpu.memory_space<vmem>>, vector<1x1x16xf32>,
      %swap3A_866 = vector.shape_cast %swap3A_865 : vector<1x1x16xf32> to vector<16xf32>
      %swap3A_867 = vector.shape_cast %get3A_566 : vector<16xf32> to vector<1x1x16xf32>
      tpu.vector_store %arg8[%swap3A_862, %swap3A_863, %swap3A_864], %swap3A_867 {add = true, strides = array<i32>} : memref<4x128x128xf32, #tpu.memory_space<vmem>>, vector<1x1x16xf32>,
      %scan3A_868 = arith.constant 1 : i32
      %scan3A_869 = arith.addi %scan3A_812, %scan3A_868 : i32
      %swap3A_870 = arith.constant 1 : i32
      %swap3A_871 = arith.index_cast %swap3A_870 : i32 to index
      %swap3A_872 = arith.index_cast %scan3A_869 : i32 to index
      %swap3A_873 = arith.constant 0 : index
      %swap3A_874 = tpu.vector_load %arg8[%swap3A_871, %swap3A_872, %swap3A_873] {strides = array<i32>} : memref<4x128x128xf32, #tpu.memory_space<vmem>>, vector<1x1x16xf32>,
      %swap3A_875 = vector.shape_cast %swap3A_874 : vector<1x1x16xf32> to vector<16xf32>
      %swap3A_876 = vector.shape_cast %get3A_538 : vector<16xf32> to vector<1x1x16xf32>
      tpu.vector_store %arg8[%swap3A_871, %swap3A_872, %swap3A_873], %swap3A_876 {add = true, strides = array<i32>} : memref<4x128x128xf32, #tpu.memory_space<vmem>>, vector<1x1x16xf32>,
      %swap3A_877 = arith.constant 1 : i32
      %swap3A_878 = arith.index_cast %swap3A_877 : i32 to index
      %swap3A_879 = arith.index_cast %scan3A_869 : i32 to index
      %swap3A_880 = arith.constant 16 : index
      %swap3A_881 = tpu.vector_load %arg8[%swap3A_878, %swap3A_879, %swap3A_880] {strides = array<i32>} : memref<4x128x128xf32, #tpu.memory_space<vmem>>, vector<1x1x16xf32>,
      %swap3A_882 = vector.shape_cast %swap3A_881 : vector<1x1x16xf32> to vector<16xf32>
      %swap3A_883 = vector.shape_cast %get3A_542 : vector<16xf32> to vector<1x1x16xf32>
      tpu.vector_store %arg8[%swap3A_878, %swap3A_879, %swap3A_880], %swap3A_883 {add = true, strides = array<i32>} : memref<4x128x128xf32, #tpu.memory_space<vmem>>, vector<1x1x16xf32>,
      %swap3A_884 = arith.constant 1 : i32
      %swap3A_885 = arith.index_cast %swap3A_884 : i32 to index
      %swap3A_886 = arith.index_cast %scan3A_869 : i32 to index
      %swap3A_887 = arith.constant 32 : index
      %swap3A_888 = tpu.vector_load %arg8[%swap3A_885, %swap3A_886, %swap3A_887] {strides = array<i32>} : memref<4x128x128xf32, #tpu.memory_space<vmem>>, vector<1x1x16xf32>,
      %swap3A_889 = vector.shape_cast %swap3A_888 : vector<1x1x16xf32> to vector<16xf32>
      %swap3A_890 = vector.shape_cast %get3A_546 : vector<16xf32> to vector<1x1x16xf32>
      tpu.vector_store %arg8[%swap3A_885, %swap3A_886, %swap3A_887], %swap3A_890 {add = true, strides = array<i32>} : memref<4x128x128xf32, #tpu.memory_space<vmem>>, vector<1x1x16xf32>,
      %swap3A_891 = arith.constant 1 : i32
      %swap3A_892 = arith.index_cast %swap3A_891 : i32 to index
      %swap3A_893 = arith.index_cast %scan3A_869 : i32 to index
      %swap3A_894 = arith.constant 48 : index
      %swap3A_895 = tpu.vector_load %arg8[%swap3A_892, %swap3A_893, %swap3A_894] {strides = array<i32>} : memref<4x128x128xf32, #tpu.memory_space<vmem>>, vector<1x1x16xf32>,
      %swap3A_896 = vector.shape_cast %swap3A_895 : vector<1x1x16xf32> to vector<16xf32>
      %swap3A_897 = vector.shape_cast %get3A_550 : vector<16xf32> to vector<1x1x16xf32>
      tpu.vector_store %arg8[%swap3A_892, %swap3A_893, %swap3A_894], %swap3A_897 {add = true, strides = array<i32>} : memref<4x128x128xf32, #tpu.memory_space<vmem>>, vector<1x1x16xf32>,
      %swap3A_898 = arith.constant 1 : i32
      %swap3A_899 = arith.index_cast %swap3A_898 : i32 to index
      %swap3A_900 = arith.index_cast %scan3A_869 : i32 to index
      %swap3A_901 = arith.constant 64 : index
      %swap3A_902 = tpu.vector_load %arg8[%swap3A_899, %swap3A_900, %swap3A_901] {strides = array<i32>} : memref<4x128x128xf32, #tpu.memory_space<vmem>>, vector<1x1x16xf32>,
      %swap3A_903 = vector.shape_cast %swap3A_902 : vector<1x1x16xf32> to vector<16xf32>
      %swap3A_904 = vector.shape_cast %get3A_554 : vector<16xf32> to vector<1x1x16xf32>
      tpu.vector_store %arg8[%swap3A_899, %swap3A_900, %swap3A_901], %swap3A_904 {add = true, strides = array<i32>} : memref<4x128x128xf32, #tpu.memory_space<vmem>>, vector<1x1x16xf32>,
      %swap3A_905 = arith.constant 1 : i32
      %swap3A_906 = arith.index_cast %swap3A_905 : i32 to index
      %swap3A_907 = arith.index_cast %scan3A_869 : i32 to index
      %swap3A_908 = arith.constant 80 : index
      %swap3A_909 = tpu.vector_load %arg8[%swap3A_906, %swap3A_907, %swap3A_908] {strides = array<i32>} : memref<4x128x128xf32, #tpu.memory_space<vmem>>, vector<1x1x16xf32>,
      %swap3A_910 = vector.shape_cast %swap3A_909 : vector<1x1x16xf32> to vector<16xf32>
      %swap3A_911 = vector.shape_cast %get3A_558 : vector<16xf32> to vector<1x1x16xf32>
      tpu.vector_store %arg8[%swap3A_906, %swap3A_907, %swap3A_908], %swap3A_911 {add = true, strides = array<i32>} : memref<4x128x128xf32, #tpu.memory_space<vmem>>, vector<1x1x16xf32>,
      %swap3A_912 = arith.constant 1 : i32
      %swap3A_913 = arith.index_cast %swap3A_912 : i32 to index
      %swap3A_914 = arith.index_cast %scan3A_869 : i32 to index
      %swap3A_915 = arith.constant 96 : index
      %swap3A_916 = tpu.vector_load %arg8[%swap3A_913, %swap3A_914, %swap3A_915] {strides = array<i32>} : memref<4x128x128xf32, #tpu.memory_space<vmem>>, vector<1x1x16xf32>,
      %swap3A_917 = vector.shape_cast %swap3A_916 : vector<1x1x16xf32> to vector<16xf32>
      %swap3A_918 = vector.shape_cast %get3A_562 : vector<16xf32> to vector<1x1x16xf32>
      tpu.vector_store %arg8[%swap3A_913, %swap3A_914, %swap3A_915], %swap3A_918 {add = true, strides = array<i32>} : memref<4x128x128xf32, #tpu.memory_space<vmem>>, vector<1x1x16xf32>,
      %swap3A_919 = arith.constant 1 : i32
      %swap3A_920 = arith.index_cast %swap3A_919 : i32 to index
      %swap3A_921 = arith.index_cast %scan3A_869 : i32 to index
      %swap3A_922 = arith.constant 112 : index
      %swap3A_923 = tpu.vector_load %arg8[%swap3A_920, %swap3A_921, %swap3A_922] {strides = array<i32>} : memref<4x128x128xf32, #tpu.memory_space<vmem>>, vector<1x1x16xf32>,
      %swap3A_924 = vector.shape_cast %swap3A_923 : vector<1x1x16xf32> to vector<16xf32>
      %swap3A_925 = vector.shape_cast %get3A_566 : vector<16xf32> to vector<1x1x16xf32>
      tpu.vector_store %arg8[%swap3A_920, %swap3A_921, %swap3A_922], %swap3A_925 {add = true, strides = array<i32>} : memref<4x128x128xf32, #tpu.memory_space<vmem>>, vector<1x1x16xf32>,
      %scan3A_926 = arith.constant 2 : i32
      %scan3A_927 = arith.addi %scan3A_812, %scan3A_926 : i32
      %swap3A_928 = arith.constant 1 : i32
      %swap3A_929 = arith.index_cast %swap3A_928 : i32 to index
      %swap3A_930 = arith.index_cast %scan3A_927 : i32 to index
      %swap3A_931 = arith.constant 0 : index
      %swap3A_932 = tpu.vector_load %arg8[%swap3A_929, %swap3A_930, %swap3A_931] {strides = array<i32>} : memref<4x128x128xf32, #tpu.memory_space<vmem>>, vector<1x1x16xf32>,
      %swap3A_933 = vector.shape_cast %swap3A_932 : vector<1x1x16xf32> to vector<16xf32>
      %swap3A_934 = vector.shape_cast %get3A_538 : vector<16xf32> to vector<1x1x16xf32>
      tpu.vector_store %arg8[%swap3A_929, %swap3A_930, %swap3A_931], %swap3A_934 {add = true, strides = array<i32>} : memref<4x128x128xf32, #tpu.memory_space<vmem>>, vector<1x1x16xf32>,
      %swap3A_935 = arith.constant 1 : i32
      %swap3A_936 = arith.index_cast %swap3A_935 : i32 to index
      %swap3A_937 = arith.index_cast %scan3A_927 : i32 to index
      %swap3A_938 = arith.constant 16 : index
      %swap3A_939 = tpu.vector_load %arg8[%swap3A_936, %swap3A_937, %swap3A_938] {strides = array<i32>} : memref<4x128x128xf32, #tpu.memory_space<vmem>>, vector<1x1x16xf32>,
      %swap3A_940 = vector.shape_cast %swap3A_939 : vector<1x1x16xf32> to vector<16xf32>
      %swap3A_941 = vector.shape_cast %get3A_542 : vector<16xf32> to vector<1x1x16xf32>
      tpu.vector_store %arg8[%swap3A_936, %swap3A_937, %swap3A_938], %swap3A_941 {add = true, strides = array<i32>} : memref<4x128x128xf32, #tpu.memory_space<vmem>>, vector<1x1x16xf32>,
      %swap3A_942 = arith.constant 1 : i32
      %swap3A_943 = arith.index_cast %swap3A_942 : i32 to index
      %swap3A_944 = arith.index_cast %scan3A_927 : i32 to index
      %swap3A_945 = arith.constant 32 : index
      %swap3A_946 = tpu.vector_load %arg8[%swap3A_943, %swap3A_944, %swap3A_945] {strides = array<i32>} : memref<4x128x128xf32, #tpu.memory_space<vmem>>, vector<1x1x16xf32>,
      %swap3A_947 = vector.shape_cast %swap3A_946 : vector<1x1x16xf32> to vector<16xf32>
      %swap3A_948 = vector.shape_cast %get3A_546 : vector<16xf32> to vector<1x1x16xf32>
      tpu.vector_store %arg8[%swap3A_943, %swap3A_944, %swap3A_945], %swap3A_948 {add = true, strides = array<i32>} : memref<4x128x128xf32, #tpu.memory_space<vmem>>, vector<1x1x16xf32>,
      %swap3A_949 = arith.constant 1 : i32
      %swap3A_950 = arith.index_cast %swap3A_949 : i32 to index
      %swap3A_951 = arith.index_cast %scan3A_927 : i32 to index
      %swap3A_952 = arith.constant 48 : index
      %swap3A_953 = tpu.vector_load %arg8[%swap3A_950, %swap3A_951, %swap3A_952] {strides = array<i32>} : memref<4x128x128xf32, #tpu.memory_space<vmem>>, vector<1x1x16xf32>,
      %swap3A_954 = vector.shape_cast %swap3A_953 : vector<1x1x16xf32> to vector<16xf32>
      %swap3A_955 = vector.shape_cast %get3A_550 : vector<16xf32> to vector<1x1x16xf32>
      tpu.vector_store %arg8[%swap3A_950, %swap3A_951, %swap3A_952], %swap3A_955 {add = true, strides = array<i32>} : memref<4x128x128xf32, #tpu.memory_space<vmem>>, vector<1x1x16xf32>,
      %swap3A_956 = arith.constant 1 : i32
      %swap3A_957 = arith.index_cast %swap3A_956 : i32 to index
      %swap3A_958 = arith.index_cast %scan3A_927 : i32 to index
      %swap3A_959 = arith.constant 64 : index
      %swap3A_960 = tpu.vector_load %arg8[%swap3A_957, %swap3A_958, %swap3A_959] {strides = array<i32>} : memref<4x128x128xf32, #tpu.memory_space<vmem>>, vector<1x1x16xf32>,
      %swap3A_961 = vector.shape_cast %swap3A_960 : vector<1x1x16xf32> to vector<16xf32>
      %swap3A_962 = vector.shape_cast %get3A_554 : vector<16xf32> to vector<1x1x16xf32>
      tpu.vector_store %arg8[%swap3A_957, %swap3A_958, %swap3A_959], %swap3A_962 {add = true, strides = array<i32>} : memref<4x128x128xf32, #tpu.memory_space<vmem>>, vector<1x1x16xf32>,
      %swap3A_963 = arith.constant 1 : i32
      %swap3A_964 = arith.index_cast %swap3A_963 : i32 to index
      %swap3A_965 = arith.index_cast %scan3A_927 : i32 to index
      %swap3A_966 = arith.constant 80 : index
      %swap3A_967 = tpu.vector_load %arg8[%swap3A_964, %swap3A_965, %swap3A_966] {strides = array<i32>} : memref<4x128x128xf32, #tpu.memory_space<vmem>>, vector<1x1x16xf32>,
      %swap3A_968 = vector.shape_cast %swap3A_967 : vector<1x1x16xf32> to vector<16xf32>
      %swap3A_969 = vector.shape_cast %get3A_558 : vector<16xf32> to vector<1x1x16xf32>
      tpu.vector_store %arg8[%swap3A_964, %swap3A_965, %swap3A_966], %swap3A_969 {add = true, strides = array<i32>} : memref<4x128x128xf32, #tpu.memory_space<vmem>>, vector<1x1x16xf32>,
      %swap3A_970 = arith.constant 1 : i32
      %swap3A_971 = arith.index_cast %swap3A_970 : i32 to index
      %swap3A_972 = arith.index_cast %scan3A_927 : i32 to index
      %swap3A_973 = arith.constant 96 : index
      %swap3A_974 = tpu.vector_load %arg8[%swap3A_971, %swap3A_972, %swap3A_973] {strides = array<i32>} : memref<4x128x128xf32, #tpu.memory_space<vmem>>, vector<1x1x16xf32>,
      %swap3A_975 = vector.shape_cast %swap3A_974 : vector<1x1x16xf32> to vector<16xf32>
      %swap3A_976 = vector.shape_cast %get3A_562 : vector<16xf32> to vector<1x1x16xf32>
      tpu.vector_store %arg8[%swap3A_971, %swap3A_972, %swap3A_973], %swap3A_976 {add = true, strides = array<i32>} : memref<4x128x128xf32, #tpu.memory_space<vmem>>, vector<1x1x16xf32>,
      %swap3A_977 = arith.constant 1 : i32
      %swap3A_978 = arith.index_cast %swap3A_977 : i32 to index
      %swap3A_979 = arith.index_cast %scan3A_927 : i32 to index
      %swap3A_980 = arith.constant 112 : index
      %swap3A_981 = tpu.vector_load %arg8[%swap3A_978, %swap3A_979, %swap3A_980] {strides = array<i32>} : memref<4x128x128xf32, #tpu.memory_space<vmem>>, vector<1x1x16xf32>,
      %swap3A_982 = vector.shape_cast %swap3A_981 : vector<1x1x16xf32> to vector<16xf32>
      %swap3A_983 = vector.shape_cast %get3A_566 : vector<16xf32> to vector<1x1x16xf32>
      tpu.vector_store %arg8[%swap3A_978, %swap3A_979, %swap3A_980], %swap3A_983 {add = true, strides = array<i32>} : memref<4x128x128xf32, #tpu.memory_space<vmem>>, vector<1x1x16xf32>,
      %scan3A_984 = arith.constant 3 : i32
      %scan3A_985 = arith.addi %scan3A_812, %scan3A_984 : i32
      %swap3A_986 = arith.constant 1 : i32
      %swap3A_987 = arith.index_cast %swap3A_986 : i32 to index
      %swap3A_988 = arith.index_cast %scan3A_985 : i32 to index
      %swap3A_989 = arith.constant 0 : index
      %swap3A_990 = tpu.vector_load %arg8[%swap3A_987, %swap3A_988, %swap3A_989] {strides = array<i32>} : memref<4x128x128xf32, #tpu.memory_space<vmem>>, vector<1x1x16xf32>,
      %swap3A_991 = vector.shape_cast %swap3A_990 : vector<1x1x16xf32> to vector<16xf32>
      %swap3A_992 = vector.shape_cast %get3A_538 : vector<16xf32> to vector<1x1x16xf32>
      tpu.vector_store %arg8[%swap3A_987, %swap3A_988, %swap3A_989], %swap3A_992 {add = true, strides = array<i32>} : memref<4x128x128xf32, #tpu.memory_space<vmem>>, vector<1x1x16xf32>,
      %swap3A_993 = arith.constant 1 : i32
      %swap3A_994 = arith.index_cast %swap3A_993 : i32 to index
      %swap3A_995 = arith.index_cast %scan3A_985 : i32 to index
      %swap3A_996 = arith.constant 16 : index
      %swap3A_997 = tpu.vector_load %arg8[%swap3A_994, %swap3A_995, %swap3A_996] {strides = array<i32>} : memref<4x128x128xf32, #tpu.memory_space<vmem>>, vector<1x1x16xf32>,
      %swap3A_998 = vector.shape_cast %swap3A_997 : vector<1x1x16xf32> to vector<16xf32>
      %swap3A_999 = vector.shape_cast %get3A_542 : vector<16xf32> to vector<1x1x16xf32>
      tpu.vector_store %arg8[%swap3A_994, %swap3A_995, %swap3A_996], %swap3A_999 {add = true, strides = array<i32>} : memref<4x128x128xf32, #tpu.memory_space<vmem>>, vector<1x1x16xf32>,
      %swap3A_1000 = arith.constant 1 : i32
      %swap3A_1001 = arith.index_cast %swap3A_1000 : i32 to index
      %swap3A_1002 = arith.index_cast %scan3A_985 : i32 to index
      %swap3A_1003 = arith.constant 32 : index
      %swap3A_1004 = tpu.vector_load %arg8[%swap3A_1001, %swap3A_1002, %swap3A_1003] {strides = array<i32>} : memref<4x128x128xf32, #tpu.memory_space<vmem>>, vector<1x1x16xf32>,
      %swap3A_1005 = vector.shape_cast %swap3A_1004 : vector<1x1x16xf32> to vector<16xf32>
      %swap3A_1006 = vector.shape_cast %get3A_546 : vector<16xf32> to vector<1x1x16xf32>
      tpu.vector_store %arg8[%swap3A_1001, %swap3A_1002, %swap3A_1003], %swap3A_1006 {add = true, strides = array<i32>} : memref<4x128x128xf32, #tpu.memory_space<vmem>>, vector<1x1x16xf32>,
      %swap3A_1007 = arith.constant 1 : i32
      %swap3A_1008 = arith.index_cast %swap3A_1007 : i32 to index
      %swap3A_1009 = arith.index_cast %scan3A_985 : i32 to index
      %swap3A_1010 = arith.constant 48 : index
      %swap3A_1011 = tpu.vector_load %arg8[%swap3A_1008, %swap3A_1009, %swap3A_1010] {strides = array<i32>} : memref<4x128x128xf32, #tpu.memory_space<vmem>>, vector<1x1x16xf32>,
      %swap3A_1012 = vector.shape_cast %swap3A_1011 : vector<1x1x16xf32> to vector<16xf32>
      %swap3A_1013 = vector.shape_cast %get3A_550 : vector<16xf32> to vector<1x1x16xf32>
      tpu.vector_store %arg8[%swap3A_1008, %swap3A_1009, %swap3A_1010], %swap3A_1013 {add = true, strides = array<i32>} : memref<4x128x128xf32, #tpu.memory_space<vmem>>, vector<1x1x16xf32>,
      %swap3A_1014 = arith.constant 1 : i32
      %swap3A_1015 = arith.index_cast %swap3A_1014 : i32 to index
      %swap3A_1016 = arith.index_cast %scan3A_985 : i32 to index
      %swap3A_1017 = arith.constant 64 : index
      %swap3A_1018 = tpu.vector_load %arg8[%swap3A_1015, %swap3A_1016, %swap3A_1017] {strides = array<i32>} : memref<4x128x128xf32, #tpu.memory_space<vmem>>, vector<1x1x16xf32>,
      %swap3A_1019 = vector.shape_cast %swap3A_1018 : vector<1x1x16xf32> to vector<16xf32>
      %swap3A_1020 = vector.shape_cast %get3A_554 : vector<16xf32> to vector<1x1x16xf32>
      tpu.vector_store %arg8[%swap3A_1015, %swap3A_1016, %swap3A_1017], %swap3A_1020 {add = true, strides = array<i32>} : memref<4x128x128xf32, #tpu.memory_space<vmem>>, vector<1x1x16xf32>,
      %swap3A_1021 = arith.constant 1 : i32
      %swap3A_1022 = arith.index_cast %swap3A_1021 : i32 to index
      %swap3A_1023 = arith.index_cast %scan3A_985 : i32 to index
      %swap3A_1024 = arith.constant 80 : index
      %swap3A_1025 = tpu.vector_load %arg8[%swap3A_1022, %swap3A_1023, %swap3A_1024] {strides = array<i32>} : memref<4x128x128xf32, #tpu.memory_space<vmem>>, vector<1x1x16xf32>,
      %swap3A_1026 = vector.shape_cast %swap3A_1025 : vector<1x1x16xf32> to vector<16xf32>
      %swap3A_1027 = vector.shape_cast %get3A_558 : vector<16xf32> to vector<1x1x16xf32>
      tpu.vector_store %arg8[%swap3A_1022, %swap3A_1023, %swap3A_1024], %swap3A_1027 {add = true, strides = array<i32>} : memref<4x128x128xf32, #tpu.memory_space<vmem>>, vector<1x1x16xf32>,
      %swap3A_1028 = arith.constant 1 : i32
      %swap3A_1029 = arith.index_cast %swap3A_1028 : i32 to index
      %swap3A_1030 = arith.index_cast %scan3A_985 : i32 to index
      %swap3A_1031 = arith.constant 96 : index
      %swap3A_1032 = tpu.vector_load %arg8[%swap3A_1029, %swap3A_1030, %swap3A_1031] {strides = array<i32>} : memref<4x128x128xf32, #tpu.memory_space<vmem>>, vector<1x1x16xf32>,
      %swap3A_1033 = vector.shape_cast %swap3A_1032 : vector<1x1x16xf32> to vector<16xf32>
      %swap3A_1034 = vector.shape_cast %get3A_562 : vector<16xf32> to vector<1x1x16xf32>
      tpu.vector_store %arg8[%swap3A_1029, %swap3A_1030, %swap3A_1031], %swap3A_1034 {add = true, strides = array<i32>} : memref<4x128x128xf32, #tpu.memory_space<vmem>>, vector<1x1x16xf32>,
      %swap3A_1035 = arith.constant 1 : i32
      %swap3A_1036 = arith.index_cast %swap3A_1035 : i32 to index
      %swap3A_1037 = arith.index_cast %scan3A_985 : i32 to index
      %swap3A_1038 = arith.constant 112 : index
      %swap3A_1039 = tpu.vector_load %arg8[%swap3A_1036, %swap3A_1037, %swap3A_1038] {strides = array<i32>} : memref<4x128x128xf32, #tpu.memory_space<vmem>>, vector<1x1x16xf32>,
      %swap3A_1040 = vector.shape_cast %swap3A_1039 : vector<1x1x16xf32> to vector<16xf32>
      %swap3A_1041 = vector.shape_cast %get3A_566 : vector<16xf32> to vector<1x1x16xf32>
      tpu.vector_store %arg8[%swap3A_1036, %swap3A_1037, %swap3A_1038], %swap3A_1041 {add = true, strides = array<i32>} : memref<4x128x128xf32, #tpu.memory_space<vmem>>, vector<1x1x16xf32>,
    }
    %scan3A_572 = arith.constant 128 : i32
    %add3A_573 = arith.constant 25216 : i32
    %add3A_574 = arith.addi %mul3A_2, %add3A_573 : i32
    %div3A_575 = arith.constant 4096 : i32
    %div3A_576 = arith.divsi %add3A_574, %div3A_575 : i32
    %rem3A_577 = arith.constant 4096 : i32
    %rem3A_578 = arith.remsi %add3A_574, %rem3A_577 : i32
    %dma_start3A_579 = arith.constant 1 : i32
    %dma_start3A_580 = arith.constant 0 : i32
    %dma_start3A_581 = arith.constant 0 : i32
    %dma_start3A_582 = tpu.memref_slice %arg8[%dma_start3A_579, %dma_start3A_580, %dma_start3A_581] : memref<4x128x128xf32, #tpu.memory_space<vmem>> -> memref<1x128x128xf32, #tpu.memory_space<vmem>>
    %dma_start3A_583 = tpu.memref_squeeze %dma_start3A_582 : memref<1x128x128xf32, #tpu.memory_space<vmem>> -> memref<128x128xf32, #tpu.memory_space<vmem>>
    %dma_start3A_584 = arith.constant 0 : i32
    %dma_start3A_585 = tpu.memref_slice %arg5[%rem3A_578, %div3A_576, %dma_start3A_584] : memref<4096x200x128xf32, #tpu.memory_space<hbm>> -> memref<128x1x128xf32, #tpu.memory_space<hbm>>
    %dma_start3A_586 = tpu.memref_squeeze %dma_start3A_585 : memref<128x1x128xf32, #tpu.memory_space<hbm>> -> memref<128x128xf32, #tpu.memory_space<hbm>>
    %dma_start3A_587 = arith.constant 0 : i32
    %dma_start3A_588 = tpu.memref_slice %arg5[%rem3A_578, %div3A_576, %dma_start3A_587] : memref<4096x200x128xf32, #tpu.memory_space<hbm>> -> memref<128x1x128xf32, #tpu.memory_space<hbm>>
    %dma_start3A_589 = tpu.memref_squeeze %dma_start3A_588 : memref<128x1x128xf32, #tpu.memory_space<hbm>> -> memref<128x128xf32, #tpu.memory_space<hbm>>
    %dma_start3A_590 = arith.constant 0 : i32
    %dma_start3A_591 = arith.constant 0 : i32
    %dma_start3A_592 = tpu.memref_slice %arg8[%dma_start3A_579, %dma_start3A_590, %dma_start3A_591] : memref<4x128x128xf32, #tpu.memory_space<vmem>> -> memref<1x128x128xf32, #tpu.memory_space<vmem>>
    %dma_start3A_593 = tpu.memref_squeeze %dma_start3A_592 : memref<1x128x128xf32, #tpu.memory_space<vmem>> -> memref<128x128xf32, #tpu.memory_space<vmem>>
    tpu.enqueue_dma source(%dma_start3A_593 : memref<128x128xf32, #tpu.memory_space<vmem>>) target(%dma_start3A_589 : memref<128x128xf32, #tpu.memory_space<hbm>>) target_semaphore(%arg14 : memref<!tpu.dma_semaphore, #tpu.memory_space<semaphore_mem>>)
    %dma_wait3A_594 = arith.constant 2 : i32
    %dma_wait3A_595 = arith.constant 0 : i32
    %dma_wait3A_596 = arith.constant 0 : i32
    %dma_wait3A_597 = tpu.memref_slice %arg8[%dma_wait3A_594, %dma_wait3A_595, %dma_wait3A_596] : memref<4x128x128xf32, #tpu.memory_space<vmem>> -> memref<1x128x128xf32, #tpu.memory_space<vmem>>
    %dma_wait3A_598 = tpu.memref_squeeze %dma_wait3A_597 : memref<1x128x128xf32, #tpu.memory_space<vmem>> -> memref<128x128xf32, #tpu.memory_space<vmem>>
    %dma_wait3A_599 = arith.constant 0 : i32
    %dma_wait3A_600 = tpu.memref_slice %arg6[%dma_wait3A_599] : memref<25600xi32, #tpu.memory_space<vmem>> -> memref<128xi32, #tpu.memory_space<vmem>>
    %dma_wait3A_601 = arith.constant 0 : i32
    %dma_wait3A_602 = arith.constant 0 : i32
    %dma_wait3A_603 = tpu.memref_slice %arg3[%dma_wait3A_601, %dma_wait3A_602] : memref<100000x128xf32, #tpu.memory_space<hbm>> -> memref<100000x128xf32, #tpu.memory_space<hbm>>
    tpu.wait_indirect_dma semaphore(%arg11 : memref<!tpu.dma_semaphore, #tpu.memory_space<semaphore_mem>>) src(%dma_wait3A_603 : memref<100000x128xf32, #tpu.memory_space<hbm>>) dst(%dma_wait3A_598 : memref<128x128xf32, #tpu.memory_space<vmem>>)
    %add3A_604 = arith.constant 25344 : i32
    %add3A_605 = arith.addi %mul3A_2, %add3A_604 : i32
    %div3A_606 = arith.constant 4096 : i32
    %div3A_607 = arith.divsi %add3A_605, %div3A_606 : i32
    %get3A_608 = arith.index_cast %div3A_607 : i32 to index
    %get3A_609 = arith.constant 0 : index
    %get3A_610 = tpu.vector_load %arg7[%get3A_608, %get3A_609] {strides = array<i32>} : memref<200x128xf32, #tpu.memory_space<vmem>>, vector<1x16xf32>,
    %get3A_611 = vector.shape_cast %get3A_610 : vector<1x16xf32> to vector<16xf32>
    %get3A_612 = arith.index_cast %div3A_607 : i32 to index
    %get3A_613 = arith.constant 16 : index
    %get3A_614 = tpu.vector_load %arg7[%get3A_612, %get3A_613] {strides = array<i32>} : memref<200x128xf32, #tpu.memory_space<vmem>>, vector<1x16xf32>,
    %get3A_615 = vector.shape_cast %get3A_614 : vector<1x16xf32> to vector<16xf32>
    %get3A_616 = arith.index_cast %div3A_607 : i32 to index
    %get3A_617 = arith.constant 32 : index
    %get3A_618 = tpu.vector_load %arg7[%get3A_616, %get3A_617] {strides = array<i32>} : memref<200x128xf32, #tpu.memory_space<vmem>>, vector<1x16xf32>,
    %get3A_619 = vector.shape_cast %get3A_618 : vector<1x16xf32> to vector<16xf32>
    %get3A_620 = arith.index_cast %div3A_607 : i32 to index
    %get3A_621 = arith.constant 48 : index
    %get3A_622 = tpu.vector_load %arg7[%get3A_620, %get3A_621] {strides = array<i32>} : memref<200x128xf32, #tpu.memory_space<vmem>>, vector<1x16xf32>,
    %get3A_623 = vector.shape_cast %get3A_622 : vector<1x16xf32> to vector<16xf32>
    %get3A_624 = arith.index_cast %div3A_607 : i32 to index
    %get3A_625 = arith.constant 64 : index
    %get3A_626 = tpu.vector_load %arg7[%get3A_624, %get3A_625] {strides = array<i32>} : memref<200x128xf32, #tpu.memory_space<vmem>>, vector<1x16xf32>,
    %get3A_627 = vector.shape_cast %get3A_626 : vector<1x16xf32> to vector<16xf32>
    %get3A_628 = arith.index_cast %div3A_607 : i32 to index
    %get3A_629 = arith.constant 80 : index
    %get3A_630 = tpu.vector_load %arg7[%get3A_628, %get3A_629] {strides = array<i32>} : memref<200x128xf32, #tpu.memory_space<vmem>>, vector<1x16xf32>,
    %get3A_631 = vector.shape_cast %get3A_630 : vector<1x16xf32> to vector<16xf32>
    %get3A_632 = arith.index_cast %div3A_607 : i32 to index
    %get3A_633 = arith.constant 96 : index
    %get3A_634 = tpu.vector_load %arg7[%get3A_632, %get3A_633] {strides = array<i32>} : memref<200x128xf32, #tpu.memory_space<vmem>>, vector<1x16xf32>,
    %get3A_635 = vector.shape_cast %get3A_634 : vector<1x16xf32> to vector<16xf32>
    %get3A_636 = arith.index_cast %div3A_607 : i32 to index
    %get3A_637 = arith.constant 112 : index
    %get3A_638 = tpu.vector_load %arg7[%get3A_636, %get3A_637] {strides = array<i32>} : memref<200x128xf32, #tpu.memory_space<vmem>>, vector<1x16xf32>,
    %get3A_639 = vector.shape_cast %get3A_638 : vector<1x16xf32> to vector<16xf32>
    %scan3A_640 = arith.constant 0 : i32
    %scan3A_641 = arith.constant 0 : i32
    %scan3A_642 = arith.constant 128 : i32
    %scan3A_643 = arith.addi %scan3A_641, %scan3A_642 : i32
    %scan3A_644 = arith.constant 4 : i32
    scf.for %scan3A_812 = %scan3A_641 to %scan3A_643 step %scan3A_644  : i32 {
      %swap3A = arith.constant 2 : i32
      %swap3A_813 = arith.index_cast %swap3A : i32 to index
      %swap3A_814 = arith.index_cast %scan3A_812 : i32 to index
      %swap3A_815 = arith.constant 0 : index
      %swap3A_816 = tpu.vector_load %arg8[%swap3A_813, %swap3A_814, %swap3A_815] {strides = array<i32>} : memref<4x128x128xf32, #tpu.memory_space<vmem>>, vector<1x1x16xf32>,
      %swap3A_817 = vector.shape_cast %swap3A_816 : vector<1x1x16xf32> to vector<16xf32>
      %swap3A_818 = vector.shape_cast %get3A_611 : vector<16xf32> to vector<1x1x16xf32>
      tpu.vector_store %arg8[%swap3A_813, %swap3A_814, %swap3A_815], %swap3A_818 {add = true, strides = array<i32>} : memref<4x128x128xf32, #tpu.memory_space<vmem>>, vector<1x1x16xf32>,
      %swap3A_819 = arith.constant 2 : i32
      %swap3A_820 = arith.index_cast %swap3A_819 : i32 to index
      %swap3A_821 = arith.index_cast %scan3A_812 : i32 to index
      %swap3A_822 = arith.constant 16 : index
      %swap3A_823 = tpu.vector_load %arg8[%swap3A_820, %swap3A_821, %swap3A_822] {strides = array<i32>} : memref<4x128x128xf32, #tpu.memory_space<vmem>>, vector<1x1x16xf32>,
      %swap3A_824 = vector.shape_cast %swap3A_823 : vector<1x1x16xf32> to vector<16xf32>
      %swap3A_825 = vector.shape_cast %get3A_615 : vector<16xf32> to vector<1x1x16xf32>
      tpu.vector_store %arg8[%swap3A_820, %swap3A_821, %swap3A_822], %swap3A_825 {add = true, strides = array<i32>} : memref<4x128x128xf32, #tpu.memory_space<vmem>>, vector<1x1x16xf32>,
      %swap3A_826 = arith.constant 2 : i32
      %swap3A_827 = arith.index_cast %swap3A_826 : i32 to index
      %swap3A_828 = arith.index_cast %scan3A_812 : i32 to index
      %swap3A_829 = arith.constant 32 : index
      %swap3A_830 = tpu.vector_load %arg8[%swap3A_827, %swap3A_828, %swap3A_829] {strides = array<i32>} : memref<4x128x128xf32, #tpu.memory_space<vmem>>, vector<1x1x16xf32>,
      %swap3A_831 = vector.shape_cast %swap3A_830 : vector<1x1x16xf32> to vector<16xf32>
      %swap3A_832 = vector.shape_cast %get3A_619 : vector<16xf32> to vector<1x1x16xf32>
      tpu.vector_store %arg8[%swap3A_827, %swap3A_828, %swap3A_829], %swap3A_832 {add = true, strides = array<i32>} : memref<4x128x128xf32, #tpu.memory_space<vmem>>, vector<1x1x16xf32>,
      %swap3A_833 = arith.constant 2 : i32
      %swap3A_834 = arith.index_cast %swap3A_833 : i32 to index
      %swap3A_835 = arith.index_cast %scan3A_812 : i32 to index
      %swap3A_836 = arith.constant 48 : index
      %swap3A_837 = tpu.vector_load %arg8[%swap3A_834, %swap3A_835, %swap3A_836] {strides = array<i32>} : memref<4x128x128xf32, #tpu.memory_space<vmem>>, vector<1x1x16xf32>,
      %swap3A_838 = vector.shape_cast %swap3A_837 : vector<1x1x16xf32> to vector<16xf32>
      %swap3A_839 = vector.shape_cast %get3A_623 : vector<16xf32> to vector<1x1x16xf32>
      tpu.vector_store %arg8[%swap3A_834, %swap3A_835, %swap3A_836], %swap3A_839 {add = true, strides = array<i32>} : memref<4x128x128xf32, #tpu.memory_space<vmem>>, vector<1x1x16xf32>,
      %swap3A_840 = arith.constant 2 : i32
      %swap3A_841 = arith.index_cast %swap3A_840 : i32 to index
      %swap3A_842 = arith.index_cast %scan3A_812 : i32 to index
      %swap3A_843 = arith.constant 64 : index
      %swap3A_844 = tpu.vector_load %arg8[%swap3A_841, %swap3A_842, %swap3A_843] {strides = array<i32>} : memref<4x128x128xf32, #tpu.memory_space<vmem>>, vector<1x1x16xf32>,
      %swap3A_845 = vector.shape_cast %swap3A_844 : vector<1x1x16xf32> to vector<16xf32>
      %swap3A_846 = vector.shape_cast %get3A_627 : vector<16xf32> to vector<1x1x16xf32>
      tpu.vector_store %arg8[%swap3A_841, %swap3A_842, %swap3A_843], %swap3A_846 {add = true, strides = array<i32>} : memref<4x128x128xf32, #tpu.memory_space<vmem>>, vector<1x1x16xf32>,
      %swap3A_847 = arith.constant 2 : i32
      %swap3A_848 = arith.index_cast %swap3A_847 : i32 to index
      %swap3A_849 = arith.index_cast %scan3A_812 : i32 to index
      %swap3A_850 = arith.constant 80 : index
      %swap3A_851 = tpu.vector_load %arg8[%swap3A_848, %swap3A_849, %swap3A_850] {strides = array<i32>} : memref<4x128x128xf32, #tpu.memory_space<vmem>>, vector<1x1x16xf32>,
      %swap3A_852 = vector.shape_cast %swap3A_851 : vector<1x1x16xf32> to vector<16xf32>
      %swap3A_853 = vector.shape_cast %get3A_631 : vector<16xf32> to vector<1x1x16xf32>
      tpu.vector_store %arg8[%swap3A_848, %swap3A_849, %swap3A_850], %swap3A_853 {add = true, strides = array<i32>} : memref<4x128x128xf32, #tpu.memory_space<vmem>>, vector<1x1x16xf32>,
      %swap3A_854 = arith.constant 2 : i32
      %swap3A_855 = arith.index_cast %swap3A_854 : i32 to index
      %swap3A_856 = arith.index_cast %scan3A_812 : i32 to index
      %swap3A_857 = arith.constant 96 : index
      %swap3A_858 = tpu.vector_load %arg8[%swap3A_855, %swap3A_856, %swap3A_857] {strides = array<i32>} : memref<4x128x128xf32, #tpu.memory_space<vmem>>, vector<1x1x16xf32>,
      %swap3A_859 = vector.shape_cast %swap3A_858 : vector<1x1x16xf32> to vector<16xf32>
      %swap3A_860 = vector.shape_cast %get3A_635 : vector<16xf32> to vector<1x1x16xf32>
      tpu.vector_store %arg8[%swap3A_855, %swap3A_856, %swap3A_857], %swap3A_860 {add = true, strides = array<i32>} : memref<4x128x128xf32, #tpu.memory_space<vmem>>, vector<1x1x16xf32>,
      %swap3A_861 = arith.constant 2 : i32
      %swap3A_862 = arith.index_cast %swap3A_861 : i32 to index
      %swap3A_863 = arith.index_cast %scan3A_812 : i32 to index
      %swap3A_864 = arith.constant 112 : index
      %swap3A_865 = tpu.vector_load %arg8[%swap3A_862, %swap3A_863, %swap3A_864] {strides = array<i32>} : memref<4x128x128xf32, #tpu.memory_space<vmem>>, vector<1x1x16xf32>,
      %swap3A_866 = vector.shape_cast %swap3A_865 : vector<1x1x16xf32> to vector<16xf32>
      %swap3A_867 = vector.shape_cast %get3A_639 : vector<16xf32> to vector<1x1x16xf32>
      tpu.vector_store %arg8[%swap3A_862, %swap3A_863, %swap3A_864], %swap3A_867 {add = true, strides = array<i32>} : memref<4x128x128xf32, #tpu.memory_space<vmem>>, vector<1x1x16xf32>,
      %scan3A_868 = arith.constant 1 : i32
      %scan3A_869 = arith.addi %scan3A_812, %scan3A_868 : i32
      %swap3A_870 = arith.constant 2 : i32
      %swap3A_871 = arith.index_cast %swap3A_870 : i32 to index
      %swap3A_872 = arith.index_cast %scan3A_869 : i32 to index
      %swap3A_873 = arith.constant 0 : index
      %swap3A_874 = tpu.vector_load %arg8[%swap3A_871, %swap3A_872, %swap3A_873] {strides = array<i32>} : memref<4x128x128xf32, #tpu.memory_space<vmem>>, vector<1x1x16xf32>,
      %swap3A_875 = vector.shape_cast %swap3A_874 : vector<1x1x16xf32> to vector<16xf32>
      %swap3A_876 = vector.shape_cast %get3A_611 : vector<16xf32> to vector<1x1x16xf32>
      tpu.vector_store %arg8[%swap3A_871, %swap3A_872, %swap3A_873], %swap3A_876 {add = true, strides = array<i32>} : memref<4x128x128xf32, #tpu.memory_space<vmem>>, vector<1x1x16xf32>,
      %swap3A_877 = arith.constant 2 : i32
      %swap3A_878 = arith.index_cast %swap3A_877 : i32 to index
      %swap3A_879 = arith.index_cast %scan3A_869 : i32 to index
      %swap3A_880 = arith.constant 16 : index
      %swap3A_881 = tpu.vector_load %arg8[%swap3A_878, %swap3A_879, %swap3A_880] {strides = array<i32>} : memref<4x128x128xf32, #tpu.memory_space<vmem>>, vector<1x1x16xf32>,
      %swap3A_882 = vector.shape_cast %swap3A_881 : vector<1x1x16xf32> to vector<16xf32>
      %swap3A_883 = vector.shape_cast %get3A_615 : vector<16xf32> to vector<1x1x16xf32>
      tpu.vector_store %arg8[%swap3A_878, %swap3A_879, %swap3A_880], %swap3A_883 {add = true, strides = array<i32>} : memref<4x128x128xf32, #tpu.memory_space<vmem>>, vector<1x1x16xf32>,
      %swap3A_884 = arith.constant 2 : i32
      %swap3A_885 = arith.index_cast %swap3A_884 : i32 to index
      %swap3A_886 = arith.index_cast %scan3A_869 : i32 to index
      %swap3A_887 = arith.constant 32 : index
      %swap3A_888 = tpu.vector_load %arg8[%swap3A_885, %swap3A_886, %swap3A_887] {strides = array<i32>} : memref<4x128x128xf32, #tpu.memory_space<vmem>>, vector<1x1x16xf32>,
      %swap3A_889 = vector.shape_cast %swap3A_888 : vector<1x1x16xf32> to vector<16xf32>
      %swap3A_890 = vector.shape_cast %get3A_619 : vector<16xf32> to vector<1x1x16xf32>
      tpu.vector_store %arg8[%swap3A_885, %swap3A_886, %swap3A_887], %swap3A_890 {add = true, strides = array<i32>} : memref<4x128x128xf32, #tpu.memory_space<vmem>>, vector<1x1x16xf32>,
      %swap3A_891 = arith.constant 2 : i32
      %swap3A_892 = arith.index_cast %swap3A_891 : i32 to index
      %swap3A_893 = arith.index_cast %scan3A_869 : i32 to index
      %swap3A_894 = arith.constant 48 : index
      %swap3A_895 = tpu.vector_load %arg8[%swap3A_892, %swap3A_893, %swap3A_894] {strides = array<i32>} : memref<4x128x128xf32, #tpu.memory_space<vmem>>, vector<1x1x16xf32>,
      %swap3A_896 = vector.shape_cast %swap3A_895 : vector<1x1x16xf32> to vector<16xf32>
      %swap3A_897 = vector.shape_cast %get3A_623 : vector<16xf32> to vector<1x1x16xf32>
      tpu.vector_store %arg8[%swap3A_892, %swap3A_893, %swap3A_894], %swap3A_897 {add = true, strides = array<i32>} : memref<4x128x128xf32, #tpu.memory_space<vmem>>, vector<1x1x16xf32>,
      %swap3A_898 = arith.constant 2 : i32
      %swap3A_899 = arith.index_cast %swap3A_898 : i32 to index
      %swap3A_900 = arith.index_cast %scan3A_869 : i32 to index
      %swap3A_901 = arith.constant 64 : index
      %swap3A_902 = tpu.vector_load %arg8[%swap3A_899, %swap3A_900, %swap3A_901] {strides = array<i32>} : memref<4x128x128xf32, #tpu.memory_space<vmem>>, vector<1x1x16xf32>,
      %swap3A_903 = vector.shape_cast %swap3A_902 : vector<1x1x16xf32> to vector<16xf32>
      %swap3A_904 = vector.shape_cast %get3A_627 : vector<16xf32> to vector<1x1x16xf32>
      tpu.vector_store %arg8[%swap3A_899, %swap3A_900, %swap3A_901], %swap3A_904 {add = true, strides = array<i32>} : memref<4x128x128xf32, #tpu.memory_space<vmem>>, vector<1x1x16xf32>,
      %swap3A_905 = arith.constant 2 : i32
      %swap3A_906 = arith.index_cast %swap3A_905 : i32 to index
      %swap3A_907 = arith.index_cast %scan3A_869 : i32 to index
      %swap3A_908 = arith.constant 80 : index
      %swap3A_909 = tpu.vector_load %arg8[%swap3A_906, %swap3A_907, %swap3A_908] {strides = array<i32>} : memref<4x128x128xf32, #tpu.memory_space<vmem>>, vector<1x1x16xf32>,
      %swap3A_910 = vector.shape_cast %swap3A_909 : vector<1x1x16xf32> to vector<16xf32>
      %swap3A_911 = vector.shape_cast %get3A_631 : vector<16xf32> to vector<1x1x16xf32>
      tpu.vector_store %arg8[%swap3A_906, %swap3A_907, %swap3A_908], %swap3A_911 {add = true, strides = array<i32>} : memref<4x128x128xf32, #tpu.memory_space<vmem>>, vector<1x1x16xf32>,
      %swap3A_912 = arith.constant 2 : i32
      %swap3A_913 = arith.index_cast %swap3A_912 : i32 to index
      %swap3A_914 = arith.index_cast %scan3A_869 : i32 to index
      %swap3A_915 = arith.constant 96 : index
      %swap3A_916 = tpu.vector_load %arg8[%swap3A_913, %swap3A_914, %swap3A_915] {strides = array<i32>} : memref<4x128x128xf32, #tpu.memory_space<vmem>>, vector<1x1x16xf32>,
      %swap3A_917 = vector.shape_cast %swap3A_916 : vector<1x1x16xf32> to vector<16xf32>
      %swap3A_918 = vector.shape_cast %get3A_635 : vector<16xf32> to vector<1x1x16xf32>
      tpu.vector_store %arg8[%swap3A_913, %swap3A_914, %swap3A_915], %swap3A_918 {add = true, strides = array<i32>} : memref<4x128x128xf32, #tpu.memory_space<vmem>>, vector<1x1x16xf32>,
      %swap3A_919 = arith.constant 2 : i32
      %swap3A_920 = arith.index_cast %swap3A_919 : i32 to index
      %swap3A_921 = arith.index_cast %scan3A_869 : i32 to index
      %swap3A_922 = arith.constant 112 : index
      %swap3A_923 = tpu.vector_load %arg8[%swap3A_920, %swap3A_921, %swap3A_922] {strides = array<i32>} : memref<4x128x128xf32, #tpu.memory_space<vmem>>, vector<1x1x16xf32>,
      %swap3A_924 = vector.shape_cast %swap3A_923 : vector<1x1x16xf32> to vector<16xf32>
      %swap3A_925 = vector.shape_cast %get3A_639 : vector<16xf32> to vector<1x1x16xf32>
      tpu.vector_store %arg8[%swap3A_920, %swap3A_921, %swap3A_922], %swap3A_925 {add = true, strides = array<i32>} : memref<4x128x128xf32, #tpu.memory_space<vmem>>, vector<1x1x16xf32>,
      %scan3A_926 = arith.constant 2 : i32
      %scan3A_927 = arith.addi %scan3A_812, %scan3A_926 : i32
      %swap3A_928 = arith.constant 2 : i32
      %swap3A_929 = arith.index_cast %swap3A_928 : i32 to index
      %swap3A_930 = arith.index_cast %scan3A_927 : i32 to index
      %swap3A_931 = arith.constant 0 : index
      %swap3A_932 = tpu.vector_load %arg8[%swap3A_929, %swap3A_930, %swap3A_931] {strides = array<i32>} : memref<4x128x128xf32, #tpu.memory_space<vmem>>, vector<1x1x16xf32>,
      %swap3A_933 = vector.shape_cast %swap3A_932 : vector<1x1x16xf32> to vector<16xf32>
      %swap3A_934 = vector.shape_cast %get3A_611 : vector<16xf32> to vector<1x1x16xf32>
      tpu.vector_store %arg8[%swap3A_929, %swap3A_930, %swap3A_931], %swap3A_934 {add = true, strides = array<i32>} : memref<4x128x128xf32, #tpu.memory_space<vmem>>, vector<1x1x16xf32>,
      %swap3A_935 = arith.constant 2 : i32
      %swap3A_936 = arith.index_cast %swap3A_935 : i32 to index
      %swap3A_937 = arith.index_cast %scan3A_927 : i32 to index
      %swap3A_938 = arith.constant 16 : index
      %swap3A_939 = tpu.vector_load %arg8[%swap3A_936, %swap3A_937, %swap3A_938] {strides = array<i32>} : memref<4x128x128xf32, #tpu.memory_space<vmem>>, vector<1x1x16xf32>,
      %swap3A_940 = vector.shape_cast %swap3A_939 : vector<1x1x16xf32> to vector<16xf32>
      %swap3A_941 = vector.shape_cast %get3A_615 : vector<16xf32> to vector<1x1x16xf32>
      tpu.vector_store %arg8[%swap3A_936, %swap3A_937, %swap3A_938], %swap3A_941 {add = true, strides = array<i32>} : memref<4x128x128xf32, #tpu.memory_space<vmem>>, vector<1x1x16xf32>,
      %swap3A_942 = arith.constant 2 : i32
      %swap3A_943 = arith.index_cast %swap3A_942 : i32 to index
      %swap3A_944 = arith.index_cast %scan3A_927 : i32 to index
      %swap3A_945 = arith.constant 32 : index
      %swap3A_946 = tpu.vector_load %arg8[%swap3A_943, %swap3A_944, %swap3A_945] {strides = array<i32>} : memref<4x128x128xf32, #tpu.memory_space<vmem>>, vector<1x1x16xf32>,
      %swap3A_947 = vector.shape_cast %swap3A_946 : vector<1x1x16xf32> to vector<16xf32>
      %swap3A_948 = vector.shape_cast %get3A_619 : vector<16xf32> to vector<1x1x16xf32>
      tpu.vector_store %arg8[%swap3A_943, %swap3A_944, %swap3A_945], %swap3A_948 {add = true, strides = array<i32>} : memref<4x128x128xf32, #tpu.memory_space<vmem>>, vector<1x1x16xf32>,
      %swap3A_949 = arith.constant 2 : i32
      %swap3A_950 = arith.index_cast %swap3A_949 : i32 to index
      %swap3A_951 = arith.index_cast %scan3A_927 : i32 to index
      %swap3A_952 = arith.constant 48 : index
      %swap3A_953 = tpu.vector_load %arg8[%swap3A_950, %swap3A_951, %swap3A_952] {strides = array<i32>} : memref<4x128x128xf32, #tpu.memory_space<vmem>>, vector<1x1x16xf32>,
      %swap3A_954 = vector.shape_cast %swap3A_953 : vector<1x1x16xf32> to vector<16xf32>
      %swap3A_955 = vector.shape_cast %get3A_623 : vector<16xf32> to vector<1x1x16xf32>
      tpu.vector_store %arg8[%swap3A_950, %swap3A_951, %swap3A_952], %swap3A_955 {add = true, strides = array<i32>} : memref<4x128x128xf32, #tpu.memory_space<vmem>>, vector<1x1x16xf32>,
      %swap3A_956 = arith.constant 2 : i32
      %swap3A_957 = arith.index_cast %swap3A_956 : i32 to index
      %swap3A_958 = arith.index_cast %scan3A_927 : i32 to index
      %swap3A_959 = arith.constant 64 : index
      %swap3A_960 = tpu.vector_load %arg8[%swap3A_957, %swap3A_958, %swap3A_959] {strides = array<i32>} : memref<4x128x128xf32, #tpu.memory_space<vmem>>, vector<1x1x16xf32>,
      %swap3A_961 = vector.shape_cast %swap3A_960 : vector<1x1x16xf32> to vector<16xf32>
      %swap3A_962 = vector.shape_cast %get3A_627 : vector<16xf32> to vector<1x1x16xf32>
      tpu.vector_store %arg8[%swap3A_957, %swap3A_958, %swap3A_959], %swap3A_962 {add = true, strides = array<i32>} : memref<4x128x128xf32, #tpu.memory_space<vmem>>, vector<1x1x16xf32>,
      %swap3A_963 = arith.constant 2 : i32
      %swap3A_964 = arith.index_cast %swap3A_963 : i32 to index
      %swap3A_965 = arith.index_cast %scan3A_927 : i32 to index
      %swap3A_966 = arith.constant 80 : index
      %swap3A_967 = tpu.vector_load %arg8[%swap3A_964, %swap3A_965, %swap3A_966] {strides = array<i32>} : memref<4x128x128xf32, #tpu.memory_space<vmem>>, vector<1x1x16xf32>,
      %swap3A_968 = vector.shape_cast %swap3A_967 : vector<1x1x16xf32> to vector<16xf32>
      %swap3A_969 = vector.shape_cast %get3A_631 : vector<16xf32> to vector<1x1x16xf32>
      tpu.vector_store %arg8[%swap3A_964, %swap3A_965, %swap3A_966], %swap3A_969 {add = true, strides = array<i32>} : memref<4x128x128xf32, #tpu.memory_space<vmem>>, vector<1x1x16xf32>,
      %swap3A_970 = arith.constant 2 : i32
      %swap3A_971 = arith.index_cast %swap3A_970 : i32 to index
      %swap3A_972 = arith.index_cast %scan3A_927 : i32 to index
      %swap3A_973 = arith.constant 96 : index
      %swap3A_974 = tpu.vector_load %arg8[%swap3A_971, %swap3A_972, %swap3A_973] {strides = array<i32>} : memref<4x128x128xf32, #tpu.memory_space<vmem>>, vector<1x1x16xf32>,
      %swap3A_975 = vector.shape_cast %swap3A_974 : vector<1x1x16xf32> to vector<16xf32>
      %swap3A_976 = vector.shape_cast %get3A_635 : vector<16xf32> to vector<1x1x16xf32>
      tpu.vector_store %arg8[%swap3A_971, %swap3A_972, %swap3A_973], %swap3A_976 {add = true, strides = array<i32>} : memref<4x128x128xf32, #tpu.memory_space<vmem>>, vector<1x1x16xf32>,
      %swap3A_977 = arith.constant 2 : i32
      %swap3A_978 = arith.index_cast %swap3A_977 : i32 to index
      %swap3A_979 = arith.index_cast %scan3A_927 : i32 to index
      %swap3A_980 = arith.constant 112 : index
      %swap3A_981 = tpu.vector_load %arg8[%swap3A_978, %swap3A_979, %swap3A_980] {strides = array<i32>} : memref<4x128x128xf32, #tpu.memory_space<vmem>>, vector<1x1x16xf32>,
      %swap3A_982 = vector.shape_cast %swap3A_981 : vector<1x1x16xf32> to vector<16xf32>
      %swap3A_983 = vector.shape_cast %get3A_639 : vector<16xf32> to vector<1x1x16xf32>
      tpu.vector_store %arg8[%swap3A_978, %swap3A_979, %swap3A_980], %swap3A_983 {add = true, strides = array<i32>} : memref<4x128x128xf32, #tpu.memory_space<vmem>>, vector<1x1x16xf32>,
      %scan3A_984 = arith.constant 3 : i32
      %scan3A_985 = arith.addi %scan3A_812, %scan3A_984 : i32
      %swap3A_986 = arith.constant 2 : i32
      %swap3A_987 = arith.index_cast %swap3A_986 : i32 to index
      %swap3A_988 = arith.index_cast %scan3A_985 : i32 to index
      %swap3A_989 = arith.constant 0 : index
      %swap3A_990 = tpu.vector_load %arg8[%swap3A_987, %swap3A_988, %swap3A_989] {strides = array<i32>} : memref<4x128x128xf32, #tpu.memory_space<vmem>>, vector<1x1x16xf32>,
      %swap3A_991 = vector.shape_cast %swap3A_990 : vector<1x1x16xf32> to vector<16xf32>
      %swap3A_992 = vector.shape_cast %get3A_611 : vector<16xf32> to vector<1x1x16xf32>
      tpu.vector_store %arg8[%swap3A_987, %swap3A_988, %swap3A_989], %swap3A_992 {add = true, strides = array<i32>} : memref<4x128x128xf32, #tpu.memory_space<vmem>>, vector<1x1x16xf32>,
      %swap3A_993 = arith.constant 2 : i32
      %swap3A_994 = arith.index_cast %swap3A_993 : i32 to index
      %swap3A_995 = arith.index_cast %scan3A_985 : i32 to index
      %swap3A_996 = arith.constant 16 : index
      %swap3A_997 = tpu.vector_load %arg8[%swap3A_994, %swap3A_995, %swap3A_996] {strides = array<i32>} : memref<4x128x128xf32, #tpu.memory_space<vmem>>, vector<1x1x16xf32>,
      %swap3A_998 = vector.shape_cast %swap3A_997 : vector<1x1x16xf32> to vector<16xf32>
      %swap3A_999 = vector.shape_cast %get3A_615 : vector<16xf32> to vector<1x1x16xf32>
      tpu.vector_store %arg8[%swap3A_994, %swap3A_995, %swap3A_996], %swap3A_999 {add = true, strides = array<i32>} : memref<4x128x128xf32, #tpu.memory_space<vmem>>, vector<1x1x16xf32>,
      %swap3A_1000 = arith.constant 2 : i32
      %swap3A_1001 = arith.index_cast %swap3A_1000 : i32 to index
      %swap3A_1002 = arith.index_cast %scan3A_985 : i32 to index
      %swap3A_1003 = arith.constant 32 : index
      %swap3A_1004 = tpu.vector_load %arg8[%swap3A_1001, %swap3A_1002, %swap3A_1003] {strides = array<i32>} : memref<4x128x128xf32, #tpu.memory_space<vmem>>, vector<1x1x16xf32>,
      %swap3A_1005 = vector.shape_cast %swap3A_1004 : vector<1x1x16xf32> to vector<16xf32>
      %swap3A_1006 = vector.shape_cast %get3A_619 : vector<16xf32> to vector<1x1x16xf32>
      tpu.vector_store %arg8[%swap3A_1001, %swap3A_1002, %swap3A_1003], %swap3A_1006 {add = true, strides = array<i32>} : memref<4x128x128xf32, #tpu.memory_space<vmem>>, vector<1x1x16xf32>,
      %swap3A_1007 = arith.constant 2 : i32
      %swap3A_1008 = arith.index_cast %swap3A_1007 : i32 to index
      %swap3A_1009 = arith.index_cast %scan3A_985 : i32 to index
      %swap3A_1010 = arith.constant 48 : index
      %swap3A_1011 = tpu.vector_load %arg8[%swap3A_1008, %swap3A_1009, %swap3A_1010] {strides = array<i32>} : memref<4x128x128xf32, #tpu.memory_space<vmem>>, vector<1x1x16xf32>,
      %swap3A_1012 = vector.shape_cast %swap3A_1011 : vector<1x1x16xf32> to vector<16xf32>
      %swap3A_1013 = vector.shape_cast %get3A_623 : vector<16xf32> to vector<1x1x16xf32>
      tpu.vector_store %arg8[%swap3A_1008, %swap3A_1009, %swap3A_1010], %swap3A_1013 {add = true, strides = array<i32>} : memref<4x128x128xf32, #tpu.memory_space<vmem>>, vector<1x1x16xf32>,
      %swap3A_1014 = arith.constant 2 : i32
      %swap3A_1015 = arith.index_cast %swap3A_1014 : i32 to index
      %swap3A_1016 = arith.index_cast %scan3A_985 : i32 to index
      %swap3A_1017 = arith.constant 64 : index
      %swap3A_1018 = tpu.vector_load %arg8[%swap3A_1015, %swap3A_1016, %swap3A_1017] {strides = array<i32>} : memref<4x128x128xf32, #tpu.memory_space<vmem>>, vector<1x1x16xf32>,
      %swap3A_1019 = vector.shape_cast %swap3A_1018 : vector<1x1x16xf32> to vector<16xf32>
      %swap3A_1020 = vector.shape_cast %get3A_627 : vector<16xf32> to vector<1x1x16xf32>
      tpu.vector_store %arg8[%swap3A_1015, %swap3A_1016, %swap3A_1017], %swap3A_1020 {add = true, strides = array<i32>} : memref<4x128x128xf32, #tpu.memory_space<vmem>>, vector<1x1x16xf32>,
      %swap3A_1021 = arith.constant 2 : i32
      %swap3A_1022 = arith.index_cast %swap3A_1021 : i32 to index
      %swap3A_1023 = arith.index_cast %scan3A_985 : i32 to index
      %swap3A_1024 = arith.constant 80 : index
      %swap3A_1025 = tpu.vector_load %arg8[%swap3A_1022, %swap3A_1023, %swap3A_1024] {strides = array<i32>} : memref<4x128x128xf32, #tpu.memory_space<vmem>>, vector<1x1x16xf32>,
      %swap3A_1026 = vector.shape_cast %swap3A_1025 : vector<1x1x16xf32> to vector<16xf32>
      %swap3A_1027 = vector.shape_cast %get3A_631 : vector<16xf32> to vector<1x1x16xf32>
      tpu.vector_store %arg8[%swap3A_1022, %swap3A_1023, %swap3A_1024], %swap3A_1027 {add = true, strides = array<i32>} : memref<4x128x128xf32, #tpu.memory_space<vmem>>, vector<1x1x16xf32>,
      %swap3A_1028 = arith.constant 2 : i32
      %swap3A_1029 = arith.index_cast %swap3A_1028 : i32 to index
      %swap3A_1030 = arith.index_cast %scan3A_985 : i32 to index
      %swap3A_1031 = arith.constant 96 : index
      %swap3A_1032 = tpu.vector_load %arg8[%swap3A_1029, %swap3A_1030, %swap3A_1031] {strides = array<i32>} : memref<4x128x128xf32, #tpu.memory_space<vmem>>, vector<1x1x16xf32>,
      %swap3A_1033 = vector.shape_cast %swap3A_1032 : vector<1x1x16xf32> to vector<16xf32>
      %swap3A_1034 = vector.shape_cast %get3A_635 : vector<16xf32> to vector<1x1x16xf32>
      tpu.vector_store %arg8[%swap3A_1029, %swap3A_1030, %swap3A_1031], %swap3A_1034 {add = true, strides = array<i32>} : memref<4x128x128xf32, #tpu.memory_space<vmem>>, vector<1x1x16xf32>,
      %swap3A_1035 = arith.constant 2 : i32
      %swap3A_1036 = arith.index_cast %swap3A_1035 : i32 to index
      %swap3A_1037 = arith.index_cast %scan3A_985 : i32 to index
      %swap3A_1038 = arith.constant 112 : index
      %swap3A_1039 = tpu.vector_load %arg8[%swap3A_1036, %swap3A_1037, %swap3A_1038] {strides = array<i32>} : memref<4x128x128xf32, #tpu.memory_space<vmem>>, vector<1x1x16xf32>,
      %swap3A_1040 = vector.shape_cast %swap3A_1039 : vector<1x1x16xf32> to vector<16xf32>
      %swap3A_1041 = vector.shape_cast %get3A_639 : vector<16xf32> to vector<1x1x16xf32>
      tpu.vector_store %arg8[%swap3A_1036, %swap3A_1037, %swap3A_1038], %swap3A_1041 {add = true, strides = array<i32>} : memref<4x128x128xf32, #tpu.memory_space<vmem>>, vector<1x1x16xf32>,
    }
    %scan3A_645 = arith.constant 128 : i32
    %add3A_646 = arith.constant 25344 : i32
    %add3A_647 = arith.addi %mul3A_2, %add3A_646 : i32
    %div3A_648 = arith.constant 4096 : i32
    %div3A_649 = arith.divsi %add3A_647, %div3A_648 : i32
    %rem3A_650 = arith.constant 4096 : i32
    %rem3A_651 = arith.remsi %add3A_647, %rem3A_650 : i32
    %dma_start3A_652 = arith.constant 2 : i32
    %dma_start3A_653 = arith.constant 0 : i32
    %dma_start3A_654 = arith.constant 0 : i32
    %dma_start3A_655 = tpu.memref_slice %arg8[%dma_start3A_652, %dma_start3A_653, %dma_start3A_654] : memref<4x128x128xf32, #tpu.memory_space<vmem>> -> memref<1x128x128xf32, #tpu.memory_space<vmem>>
    %dma_start3A_656 = tpu.memref_squeeze %dma_start3A_655 : memref<1x128x128xf32, #tpu.memory_space<vmem>> -> memref<128x128xf32, #tpu.memory_space<vmem>>
    %dma_start3A_657 = arith.constant 0 : i32
    %dma_start3A_658 = tpu.memref_slice %arg5[%rem3A_651, %div3A_649, %dma_start3A_657] : memref<4096x200x128xf32, #tpu.memory_space<hbm>> -> memref<128x1x128xf32, #tpu.memory_space<hbm>>
    %dma_start3A_659 = tpu.memref_squeeze %dma_start3A_658 : memref<128x1x128xf32, #tpu.memory_space<hbm>> -> memref<128x128xf32, #tpu.memory_space<hbm>>
    %dma_start3A_660 = arith.constant 0 : i32
    %dma_start3A_661 = tpu.memref_slice %arg5[%rem3A_651, %div3A_649, %dma_start3A_660] : memref<4096x200x128xf32, #tpu.memory_space<hbm>> -> memref<128x1x128xf32, #tpu.memory_space<hbm>>
    %dma_start3A_662 = tpu.memref_squeeze %dma_start3A_661 : memref<128x1x128xf32, #tpu.memory_space<hbm>> -> memref<128x128xf32, #tpu.memory_space<hbm>>
    %dma_start3A_663 = arith.constant 0 : i32
    %dma_start3A_664 = arith.constant 0 : i32
    %dma_start3A_665 = tpu.memref_slice %arg8[%dma_start3A_652, %dma_start3A_663, %dma_start3A_664] : memref<4x128x128xf32, #tpu.memory_space<vmem>> -> memref<1x128x128xf32, #tpu.memory_space<vmem>>
    %dma_start3A_666 = tpu.memref_squeeze %dma_start3A_665 : memref<1x128x128xf32, #tpu.memory_space<vmem>> -> memref<128x128xf32, #tpu.memory_space<vmem>>
    tpu.enqueue_dma source(%dma_start3A_666 : memref<128x128xf32, #tpu.memory_space<vmem>>) target(%dma_start3A_662 : memref<128x128xf32, #tpu.memory_space<hbm>>) target_semaphore(%arg15 : memref<!tpu.dma_semaphore, #tpu.memory_space<semaphore_mem>>)
    %dma_wait3A_667 = arith.constant 3 : i32
    %dma_wait3A_668 = arith.constant 0 : i32
    %dma_wait3A_669 = arith.constant 0 : i32
    %dma_wait3A_670 = tpu.memref_slice %arg8[%dma_wait3A_667, %dma_wait3A_668, %dma_wait3A_669] : memref<4x128x128xf32, #tpu.memory_space<vmem>> -> memref<1x128x128xf32, #tpu.memory_space<vmem>>
    %dma_wait3A_671 = tpu.memref_squeeze %dma_wait3A_670 : memref<1x128x128xf32, #tpu.memory_space<vmem>> -> memref<128x128xf32, #tpu.memory_space<vmem>>
    %dma_wait3A_672 = arith.constant 0 : i32
    %dma_wait3A_673 = tpu.memref_slice %arg6[%dma_wait3A_672] : memref<25600xi32, #tpu.memory_space<vmem>> -> memref<128xi32, #tpu.memory_space<vmem>>
    %dma_wait3A_674 = arith.constant 0 : i32
    %dma_wait3A_675 = arith.constant 0 : i32
    %dma_wait3A_676 = tpu.memref_slice %arg3[%dma_wait3A_674, %dma_wait3A_675] : memref<100000x128xf32, #tpu.memory_space<hbm>> -> memref<100000x128xf32, #tpu.memory_space<hbm>>
    tpu.wait_indirect_dma semaphore(%arg12 : memref<!tpu.dma_semaphore, #tpu.memory_space<semaphore_mem>>) src(%dma_wait3A_676 : memref<100000x128xf32, #tpu.memory_space<hbm>>) dst(%dma_wait3A_671 : memref<128x128xf32, #tpu.memory_space<vmem>>)
    %add3A_677 = arith.constant 25472 : i32
    %add3A_678 = arith.addi %mul3A_2, %add3A_677 : i32
    %div3A_679 = arith.constant 4096 : i32
    %div3A_680 = arith.divsi %add3A_678, %div3A_679 : i32
    %get3A_681 = arith.index_cast %div3A_680 : i32 to index
    %get3A_682 = arith.constant 0 : index
    %get3A_683 = tpu.vector_load %arg7[%get3A_681, %get3A_682] {strides = array<i32>} : memref<200x128xf32, #tpu.memory_space<vmem>>, vector<1x16xf32>,
    %get3A_684 = vector.shape_cast %get3A_683 : vector<1x16xf32> to vector<16xf32>
    %get3A_685 = arith.index_cast %div3A_680 : i32 to index
    %get3A_686 = arith.constant 16 : index
    %get3A_687 = tpu.vector_load %arg7[%get3A_685, %get3A_686] {strides = array<i32>} : memref<200x128xf32, #tpu.memory_space<vmem>>, vector<1x16xf32>,
    %get3A_688 = vector.shape_cast %get3A_687 : vector<1x16xf32> to vector<16xf32>
    %get3A_689 = arith.index_cast %div3A_680 : i32 to index
    %get3A_690 = arith.constant 32 : index
    %get3A_691 = tpu.vector_load %arg7[%get3A_689, %get3A_690] {strides = array<i32>} : memref<200x128xf32, #tpu.memory_space<vmem>>, vector<1x16xf32>,
    %get3A_692 = vector.shape_cast %get3A_691 : vector<1x16xf32> to vector<16xf32>
    %get3A_693 = arith.index_cast %div3A_680 : i32 to index
    %get3A_694 = arith.constant 48 : index
    %get3A_695 = tpu.vector_load %arg7[%get3A_693, %get3A_694] {strides = array<i32>} : memref<200x128xf32, #tpu.memory_space<vmem>>, vector<1x16xf32>,
    %get3A_696 = vector.shape_cast %get3A_695 : vector<1x16xf32> to vector<16xf32>
    %get3A_697 = arith.index_cast %div3A_680 : i32 to index
    %get3A_698 = arith.constant 64 : index
    %get3A_699 = tpu.vector_load %arg7[%get3A_697, %get3A_698] {strides = array<i32>} : memref<200x128xf32, #tpu.memory_space<vmem>>, vector<1x16xf32>,
    %get3A_700 = vector.shape_cast %get3A_699 : vector<1x16xf32> to vector<16xf32>
    %get3A_701 = arith.index_cast %div3A_680 : i32 to index
    %get3A_702 = arith.constant 80 : index
    %get3A_703 = tpu.vector_load %arg7[%get3A_701, %get3A_702] {strides = array<i32>} : memref<200x128xf32, #tpu.memory_space<vmem>>, vector<1x16xf32>,
    %get3A_704 = vector.shape_cast %get3A_703 : vector<1x16xf32> to vector<16xf32>
    %get3A_705 = arith.index_cast %div3A_680 : i32 to index
    %get3A_706 = arith.constant 96 : index
    %get3A_707 = tpu.vector_load %arg7[%get3A_705, %get3A_706] {strides = array<i32>} : memref<200x128xf32, #tpu.memory_space<vmem>>, vector<1x16xf32>,
    %get3A_708 = vector.shape_cast %get3A_707 : vector<1x16xf32> to vector<16xf32>
    %get3A_709 = arith.index_cast %div3A_680 : i32 to index
    %get3A_710 = arith.constant 112 : index
    %get3A_711 = tpu.vector_load %arg7[%get3A_709, %get3A_710] {strides = array<i32>} : memref<200x128xf32, #tpu.memory_space<vmem>>, vector<1x16xf32>,
    %get3A_712 = vector.shape_cast %get3A_711 : vector<1x16xf32> to vector<16xf32>
    %scan3A_713 = arith.constant 0 : i32
    %scan3A_714 = arith.constant 0 : i32
    %scan3A_715 = arith.constant 128 : i32
    %scan3A_716 = arith.addi %scan3A_714, %scan3A_715 : i32
    %scan3A_717 = arith.constant 4 : i32
    scf.for %scan3A_812 = %scan3A_714 to %scan3A_716 step %scan3A_717  : i32 {
      %swap3A = arith.constant 3 : i32
      %swap3A_813 = arith.index_cast %swap3A : i32 to index
      %swap3A_814 = arith.index_cast %scan3A_812 : i32 to index
      %swap3A_815 = arith.constant 0 : index
      %swap3A_816 = tpu.vector_load %arg8[%swap3A_813, %swap3A_814, %swap3A_815] {strides = array<i32>} : memref<4x128x128xf32, #tpu.memory_space<vmem>>, vector<1x1x16xf32>,
      %swap3A_817 = vector.shape_cast %swap3A_816 : vector<1x1x16xf32> to vector<16xf32>
      %swap3A_818 = vector.shape_cast %get3A_684 : vector<16xf32> to vector<1x1x16xf32>
      tpu.vector_store %arg8[%swap3A_813, %swap3A_814, %swap3A_815], %swap3A_818 {add = true, strides = array<i32>} : memref<4x128x128xf32, #tpu.memory_space<vmem>>, vector<1x1x16xf32>,
      %swap3A_819 = arith.constant 3 : i32
      %swap3A_820 = arith.index_cast %swap3A_819 : i32 to index
      %swap3A_821 = arith.index_cast %scan3A_812 : i32 to index
      %swap3A_822 = arith.constant 16 : index
      %swap3A_823 = tpu.vector_load %arg8[%swap3A_820, %swap3A_821, %swap3A_822] {strides = array<i32>} : memref<4x128x128xf32, #tpu.memory_space<vmem>>, vector<1x1x16xf32>,
      %swap3A_824 = vector.shape_cast %swap3A_823 : vector<1x1x16xf32> to vector<16xf32>
      %swap3A_825 = vector.shape_cast %get3A_688 : vector<16xf32> to vector<1x1x16xf32>
      tpu.vector_store %arg8[%swap3A_820, %swap3A_821, %swap3A_822], %swap3A_825 {add = true, strides = array<i32>} : memref<4x128x128xf32, #tpu.memory_space<vmem>>, vector<1x1x16xf32>,
      %swap3A_826 = arith.constant 3 : i32
      %swap3A_827 = arith.index_cast %swap3A_826 : i32 to index
      %swap3A_828 = arith.index_cast %scan3A_812 : i32 to index
      %swap3A_829 = arith.constant 32 : index
      %swap3A_830 = tpu.vector_load %arg8[%swap3A_827, %swap3A_828, %swap3A_829] {strides = array<i32>} : memref<4x128x128xf32, #tpu.memory_space<vmem>>, vector<1x1x16xf32>,
      %swap3A_831 = vector.shape_cast %swap3A_830 : vector<1x1x16xf32> to vector<16xf32>
      %swap3A_832 = vector.shape_cast %get3A_692 : vector<16xf32> to vector<1x1x16xf32>
      tpu.vector_store %arg8[%swap3A_827, %swap3A_828, %swap3A_829], %swap3A_832 {add = true, strides = array<i32>} : memref<4x128x128xf32, #tpu.memory_space<vmem>>, vector<1x1x16xf32>,
      %swap3A_833 = arith.constant 3 : i32
      %swap3A_834 = arith.index_cast %swap3A_833 : i32 to index
      %swap3A_835 = arith.index_cast %scan3A_812 : i32 to index
      %swap3A_836 = arith.constant 48 : index
      %swap3A_837 = tpu.vector_load %arg8[%swap3A_834, %swap3A_835, %swap3A_836] {strides = array<i32>} : memref<4x128x128xf32, #tpu.memory_space<vmem>>, vector<1x1x16xf32>,
      %swap3A_838 = vector.shape_cast %swap3A_837 : vector<1x1x16xf32> to vector<16xf32>
      %swap3A_839 = vector.shape_cast %get3A_696 : vector<16xf32> to vector<1x1x16xf32>
      tpu.vector_store %arg8[%swap3A_834, %swap3A_835, %swap3A_836], %swap3A_839 {add = true, strides = array<i32>} : memref<4x128x128xf32, #tpu.memory_space<vmem>>, vector<1x1x16xf32>,
      %swap3A_840 = arith.constant 3 : i32
      %swap3A_841 = arith.index_cast %swap3A_840 : i32 to index
      %swap3A_842 = arith.index_cast %scan3A_812 : i32 to index
      %swap3A_843 = arith.constant 64 : index
      %swap3A_844 = tpu.vector_load %arg8[%swap3A_841, %swap3A_842, %swap3A_843] {strides = array<i32>} : memref<4x128x128xf32, #tpu.memory_space<vmem>>, vector<1x1x16xf32>,
      %swap3A_845 = vector.shape_cast %swap3A_844 : vector<1x1x16xf32> to vector<16xf32>
      %swap3A_846 = vector.shape_cast %get3A_700 : vector<16xf32> to vector<1x1x16xf32>
      tpu.vector_store %arg8[%swap3A_841, %swap3A_842, %swap3A_843], %swap3A_846 {add = true, strides = array<i32>} : memref<4x128x128xf32, #tpu.memory_space<vmem>>, vector<1x1x16xf32>,
      %swap3A_847 = arith.constant 3 : i32
      %swap3A_848 = arith.index_cast %swap3A_847 : i32 to index
      %swap3A_849 = arith.index_cast %scan3A_812 : i32 to index
      %swap3A_850 = arith.constant 80 : index
      %swap3A_851 = tpu.vector_load %arg8[%swap3A_848, %swap3A_849, %swap3A_850] {strides = array<i32>} : memref<4x128x128xf32, #tpu.memory_space<vmem>>, vector<1x1x16xf32>,
      %swap3A_852 = vector.shape_cast %swap3A_851 : vector<1x1x16xf32> to vector<16xf32>
      %swap3A_853 = vector.shape_cast %get3A_704 : vector<16xf32> to vector<1x1x16xf32>
      tpu.vector_store %arg8[%swap3A_848, %swap3A_849, %swap3A_850], %swap3A_853 {add = true, strides = array<i32>} : memref<4x128x128xf32, #tpu.memory_space<vmem>>, vector<1x1x16xf32>,
      %swap3A_854 = arith.constant 3 : i32
      %swap3A_855 = arith.index_cast %swap3A_854 : i32 to index
      %swap3A_856 = arith.index_cast %scan3A_812 : i32 to index
      %swap3A_857 = arith.constant 96 : index
      %swap3A_858 = tpu.vector_load %arg8[%swap3A_855, %swap3A_856, %swap3A_857] {strides = array<i32>} : memref<4x128x128xf32, #tpu.memory_space<vmem>>, vector<1x1x16xf32>,
      %swap3A_859 = vector.shape_cast %swap3A_858 : vector<1x1x16xf32> to vector<16xf32>
      %swap3A_860 = vector.shape_cast %get3A_708 : vector<16xf32> to vector<1x1x16xf32>
      tpu.vector_store %arg8[%swap3A_855, %swap3A_856, %swap3A_857], %swap3A_860 {add = true, strides = array<i32>} : memref<4x128x128xf32, #tpu.memory_space<vmem>>, vector<1x1x16xf32>,
      %swap3A_861 = arith.constant 3 : i32
      %swap3A_862 = arith.index_cast %swap3A_861 : i32 to index
      %swap3A_863 = arith.index_cast %scan3A_812 : i32 to index
      %swap3A_864 = arith.constant 112 : index
      %swap3A_865 = tpu.vector_load %arg8[%swap3A_862, %swap3A_863, %swap3A_864] {strides = array<i32>} : memref<4x128x128xf32, #tpu.memory_space<vmem>>, vector<1x1x16xf32>,
      %swap3A_866 = vector.shape_cast %swap3A_865 : vector<1x1x16xf32> to vector<16xf32>
      %swap3A_867 = vector.shape_cast %get3A_712 : vector<16xf32> to vector<1x1x16xf32>
      tpu.vector_store %arg8[%swap3A_862, %swap3A_863, %swap3A_864], %swap3A_867 {add = true, strides = array<i32>} : memref<4x128x128xf32, #tpu.memory_space<vmem>>, vector<1x1x16xf32>,
      %scan3A_868 = arith.constant 1 : i32
      %scan3A_869 = arith.addi %scan3A_812, %scan3A_868 : i32
      %swap3A_870 = arith.constant 3 : i32
      %swap3A_871 = arith.index_cast %swap3A_870 : i32 to index
      %swap3A_872 = arith.index_cast %scan3A_869 : i32 to index
      %swap3A_873 = arith.constant 0 : index
      %swap3A_874 = tpu.vector_load %arg8[%swap3A_871, %swap3A_872, %swap3A_873] {strides = array<i32>} : memref<4x128x128xf32, #tpu.memory_space<vmem>>, vector<1x1x16xf32>,
      %swap3A_875 = vector.shape_cast %swap3A_874 : vector<1x1x16xf32> to vector<16xf32>
      %swap3A_876 = vector.shape_cast %get3A_684 : vector<16xf32> to vector<1x1x16xf32>
      tpu.vector_store %arg8[%swap3A_871, %swap3A_872, %swap3A_873], %swap3A_876 {add = true, strides = array<i32>} : memref<4x128x128xf32, #tpu.memory_space<vmem>>, vector<1x1x16xf32>,
      %swap3A_877 = arith.constant 3 : i32
      %swap3A_878 = arith.index_cast %swap3A_877 : i32 to index
      %swap3A_879 = arith.index_cast %scan3A_869 : i32 to index
      %swap3A_880 = arith.constant 16 : index
      %swap3A_881 = tpu.vector_load %arg8[%swap3A_878, %swap3A_879, %swap3A_880] {strides = array<i32>} : memref<4x128x128xf32, #tpu.memory_space<vmem>>, vector<1x1x16xf32>,
      %swap3A_882 = vector.shape_cast %swap3A_881 : vector<1x1x16xf32> to vector<16xf32>
      %swap3A_883 = vector.shape_cast %get3A_688 : vector<16xf32> to vector<1x1x16xf32>
      tpu.vector_store %arg8[%swap3A_878, %swap3A_879, %swap3A_880], %swap3A_883 {add = true, strides = array<i32>} : memref<4x128x128xf32, #tpu.memory_space<vmem>>, vector<1x1x16xf32>,
      %swap3A_884 = arith.constant 3 : i32
      %swap3A_885 = arith.index_cast %swap3A_884 : i32 to index
      %swap3A_886 = arith.index_cast %scan3A_869 : i32 to index
      %swap3A_887 = arith.constant 32 : index
      %swap3A_888 = tpu.vector_load %arg8[%swap3A_885, %swap3A_886, %swap3A_887] {strides = array<i32>} : memref<4x128x128xf32, #tpu.memory_space<vmem>>, vector<1x1x16xf32>,
      %swap3A_889 = vector.shape_cast %swap3A_888 : vector<1x1x16xf32> to vector<16xf32>
      %swap3A_890 = vector.shape_cast %get3A_692 : vector<16xf32> to vector<1x1x16xf32>
      tpu.vector_store %arg8[%swap3A_885, %swap3A_886, %swap3A_887], %swap3A_890 {add = true, strides = array<i32>} : memref<4x128x128xf32, #tpu.memory_space<vmem>>, vector<1x1x16xf32>,
      %swap3A_891 = arith.constant 3 : i32
      %swap3A_892 = arith.index_cast %swap3A_891 : i32 to index
      %swap3A_893 = arith.index_cast %scan3A_869 : i32 to index
      %swap3A_894 = arith.constant 48 : index
      %swap3A_895 = tpu.vector_load %arg8[%swap3A_892, %swap3A_893, %swap3A_894] {strides = array<i32>} : memref<4x128x128xf32, #tpu.memory_space<vmem>>, vector<1x1x16xf32>,
      %swap3A_896 = vector.shape_cast %swap3A_895 : vector<1x1x16xf32> to vector<16xf32>
      %swap3A_897 = vector.shape_cast %get3A_696 : vector<16xf32> to vector<1x1x16xf32>
      tpu.vector_store %arg8[%swap3A_892, %swap3A_893, %swap3A_894], %swap3A_897 {add = true, strides = array<i32>} : memref<4x128x128xf32, #tpu.memory_space<vmem>>, vector<1x1x16xf32>,
      %swap3A_898 = arith.constant 3 : i32
      %swap3A_899 = arith.index_cast %swap3A_898 : i32 to index
      %swap3A_900 = arith.index_cast %scan3A_869 : i32 to index
      %swap3A_901 = arith.constant 64 : index
      %swap3A_902 = tpu.vector_load %arg8[%swap3A_899, %swap3A_900, %swap3A_901] {strides = array<i32>} : memref<4x128x128xf32, #tpu.memory_space<vmem>>, vector<1x1x16xf32>,
      %swap3A_903 = vector.shape_cast %swap3A_902 : vector<1x1x16xf32> to vector<16xf32>
      %swap3A_904 = vector.shape_cast %get3A_700 : vector<16xf32> to vector<1x1x16xf32>
      tpu.vector_store %arg8[%swap3A_899, %swap3A_900, %swap3A_901], %swap3A_904 {add = true, strides = array<i32>} : memref<4x128x128xf32, #tpu.memory_space<vmem>>, vector<1x1x16xf32>,
      %swap3A_905 = arith.constant 3 : i32
      %swap3A_906 = arith.index_cast %swap3A_905 : i32 to index
      %swap3A_907 = arith.index_cast %scan3A_869 : i32 to index
      %swap3A_908 = arith.constant 80 : index
      %swap3A_909 = tpu.vector_load %arg8[%swap3A_906, %swap3A_907, %swap3A_908] {strides = array<i32>} : memref<4x128x128xf32, #tpu.memory_space<vmem>>, vector<1x1x16xf32>,
      %swap3A_910 = vector.shape_cast %swap3A_909 : vector<1x1x16xf32> to vector<16xf32>
      %swap3A_911 = vector.shape_cast %get3A_704 : vector<16xf32> to vector<1x1x16xf32>
      tpu.vector_store %arg8[%swap3A_906, %swap3A_907, %swap3A_908], %swap3A_911 {add = true, strides = array<i32>} : memref<4x128x128xf32, #tpu.memory_space<vmem>>, vector<1x1x16xf32>,
      %swap3A_912 = arith.constant 3 : i32
      %swap3A_913 = arith.index_cast %swap3A_912 : i32 to index
      %swap3A_914 = arith.index_cast %scan3A_869 : i32 to index
      %swap3A_915 = arith.constant 96 : index
      %swap3A_916 = tpu.vector_load %arg8[%swap3A_913, %swap3A_914, %swap3A_915] {strides = array<i32>} : memref<4x128x128xf32, #tpu.memory_space<vmem>>, vector<1x1x16xf32>,
      %swap3A_917 = vector.shape_cast %swap3A_916 : vector<1x1x16xf32> to vector<16xf32>
      %swap3A_918 = vector.shape_cast %get3A_708 : vector<16xf32> to vector<1x1x16xf32>
      tpu.vector_store %arg8[%swap3A_913, %swap3A_914, %swap3A_915], %swap3A_918 {add = true, strides = array<i32>} : memref<4x128x128xf32, #tpu.memory_space<vmem>>, vector<1x1x16xf32>,
      %swap3A_919 = arith.constant 3 : i32
      %swap3A_920 = arith.index_cast %swap3A_919 : i32 to index
      %swap3A_921 = arith.index_cast %scan3A_869 : i32 to index
      %swap3A_922 = arith.constant 112 : index
      %swap3A_923 = tpu.vector_load %arg8[%swap3A_920, %swap3A_921, %swap3A_922] {strides = array<i32>} : memref<4x128x128xf32, #tpu.memory_space<vmem>>, vector<1x1x16xf32>,
      %swap3A_924 = vector.shape_cast %swap3A_923 : vector<1x1x16xf32> to vector<16xf32>
      %swap3A_925 = vector.shape_cast %get3A_712 : vector<16xf32> to vector<1x1x16xf32>
      tpu.vector_store %arg8[%swap3A_920, %swap3A_921, %swap3A_922], %swap3A_925 {add = true, strides = array<i32>} : memref<4x128x128xf32, #tpu.memory_space<vmem>>, vector<1x1x16xf32>,
      %scan3A_926 = arith.constant 2 : i32
      %scan3A_927 = arith.addi %scan3A_812, %scan3A_926 : i32
      %swap3A_928 = arith.constant 3 : i32
      %swap3A_929 = arith.index_cast %swap3A_928 : i32 to index
      %swap3A_930 = arith.index_cast %scan3A_927 : i32 to index
      %swap3A_931 = arith.constant 0 : index
      %swap3A_932 = tpu.vector_load %arg8[%swap3A_929, %swap3A_930, %swap3A_931] {strides = array<i32>} : memref<4x128x128xf32, #tpu.memory_space<vmem>>, vector<1x1x16xf32>,
      %swap3A_933 = vector.shape_cast %swap3A_932 : vector<1x1x16xf32> to vector<16xf32>
      %swap3A_934 = vector.shape_cast %get3A_684 : vector<16xf32> to vector<1x1x16xf32>
      tpu.vector_store %arg8[%swap3A_929, %swap3A_930, %swap3A_931], %swap3A_934 {add = true, strides = array<i32>} : memref<4x128x128xf32, #tpu.memory_space<vmem>>, vector<1x1x16xf32>,
      %swap3A_935 = arith.constant 3 : i32
      %swap3A_936 = arith.index_cast %swap3A_935 : i32 to index
      %swap3A_937 = arith.index_cast %scan3A_927 : i32 to index
      %swap3A_938 = arith.constant 16 : index
      %swap3A_939 = tpu.vector_load %arg8[%swap3A_936, %swap3A_937, %swap3A_938] {strides = array<i32>} : memref<4x128x128xf32, #tpu.memory_space<vmem>>, vector<1x1x16xf32>,
      %swap3A_940 = vector.shape_cast %swap3A_939 : vector<1x1x16xf32> to vector<16xf32>
      %swap3A_941 = vector.shape_cast %get3A_688 : vector<16xf32> to vector<1x1x16xf32>
      tpu.vector_store %arg8[%swap3A_936, %swap3A_937, %swap3A_938], %swap3A_941 {add = true, strides = array<i32>} : memref<4x128x128xf32, #tpu.memory_space<vmem>>, vector<1x1x16xf32>,
      %swap3A_942 = arith.constant 3 : i32
      %swap3A_943 = arith.index_cast %swap3A_942 : i32 to index
      %swap3A_944 = arith.index_cast %scan3A_927 : i32 to index
      %swap3A_945 = arith.constant 32 : index
      %swap3A_946 = tpu.vector_load %arg8[%swap3A_943, %swap3A_944, %swap3A_945] {strides = array<i32>} : memref<4x128x128xf32, #tpu.memory_space<vmem>>, vector<1x1x16xf32>,
      %swap3A_947 = vector.shape_cast %swap3A_946 : vector<1x1x16xf32> to vector<16xf32>
      %swap3A_948 = vector.shape_cast %get3A_692 : vector<16xf32> to vector<1x1x16xf32>
      tpu.vector_store %arg8[%swap3A_943, %swap3A_944, %swap3A_945], %swap3A_948 {add = true, strides = array<i32>} : memref<4x128x128xf32, #tpu.memory_space<vmem>>, vector<1x1x16xf32>,
      %swap3A_949 = arith.constant 3 : i32
      %swap3A_950 = arith.index_cast %swap3A_949 : i32 to index
      %swap3A_951 = arith.index_cast %scan3A_927 : i32 to index
      %swap3A_952 = arith.constant 48 : index
      %swap3A_953 = tpu.vector_load %arg8[%swap3A_950, %swap3A_951, %swap3A_952] {strides = array<i32>} : memref<4x128x128xf32, #tpu.memory_space<vmem>>, vector<1x1x16xf32>,
      %swap3A_954 = vector.shape_cast %swap3A_953 : vector<1x1x16xf32> to vector<16xf32>
      %swap3A_955 = vector.shape_cast %get3A_696 : vector<16xf32> to vector<1x1x16xf32>
      tpu.vector_store %arg8[%swap3A_950, %swap3A_951, %swap3A_952], %swap3A_955 {add = true, strides = array<i32>} : memref<4x128x128xf32, #tpu.memory_space<vmem>>, vector<1x1x16xf32>,
      %swap3A_956 = arith.constant 3 : i32
      %swap3A_957 = arith.index_cast %swap3A_956 : i32 to index
      %swap3A_958 = arith.index_cast %scan3A_927 : i32 to index
      %swap3A_959 = arith.constant 64 : index
      %swap3A_960 = tpu.vector_load %arg8[%swap3A_957, %swap3A_958, %swap3A_959] {strides = array<i32>} : memref<4x128x128xf32, #tpu.memory_space<vmem>>, vector<1x1x16xf32>,
      %swap3A_961 = vector.shape_cast %swap3A_960 : vector<1x1x16xf32> to vector<16xf32>
      %swap3A_962 = vector.shape_cast %get3A_700 : vector<16xf32> to vector<1x1x16xf32>
      tpu.vector_store %arg8[%swap3A_957, %swap3A_958, %swap3A_959], %swap3A_962 {add = true, strides = array<i32>} : memref<4x128x128xf32, #tpu.memory_space<vmem>>, vector<1x1x16xf32>,
      %swap3A_963 = arith.constant 3 : i32
      %swap3A_964 = arith.index_cast %swap3A_963 : i32 to index
      %swap3A_965 = arith.index_cast %scan3A_927 : i32 to index
      %swap3A_966 = arith.constant 80 : index
      %swap3A_967 = tpu.vector_load %arg8[%swap3A_964, %swap3A_965, %swap3A_966] {strides = array<i32>} : memref<4x128x128xf32, #tpu.memory_space<vmem>>, vector<1x1x16xf32>,
      %swap3A_968 = vector.shape_cast %swap3A_967 : vector<1x1x16xf32> to vector<16xf32>
      %swap3A_969 = vector.shape_cast %get3A_704 : vector<16xf32> to vector<1x1x16xf32>
      tpu.vector_store %arg8[%swap3A_964, %swap3A_965, %swap3A_966], %swap3A_969 {add = true, strides = array<i32>} : memref<4x128x128xf32, #tpu.memory_space<vmem>>, vector<1x1x16xf32>,
      %swap3A_970 = arith.constant 3 : i32
      %swap3A_971 = arith.index_cast %swap3A_970 : i32 to index
      %swap3A_972 = arith.index_cast %scan3A_927 : i32 to index
      %swap3A_973 = arith.constant 96 : index
      %swap3A_974 = tpu.vector_load %arg8[%swap3A_971, %swap3A_972, %swap3A_973] {strides = array<i32>} : memref<4x128x128xf32, #tpu.memory_space<vmem>>, vector<1x1x16xf32>,
      %swap3A_975 = vector.shape_cast %swap3A_974 : vector<1x1x16xf32> to vector<16xf32>
      %swap3A_976 = vector.shape_cast %get3A_708 : vector<16xf32> to vector<1x1x16xf32>
      tpu.vector_store %arg8[%swap3A_971, %swap3A_972, %swap3A_973], %swap3A_976 {add = true, strides = array<i32>} : memref<4x128x128xf32, #tpu.memory_space<vmem>>, vector<1x1x16xf32>,
      %swap3A_977 = arith.constant 3 : i32
      %swap3A_978 = arith.index_cast %swap3A_977 : i32 to index
      %swap3A_979 = arith.index_cast %scan3A_927 : i32 to index
      %swap3A_980 = arith.constant 112 : index
      %swap3A_981 = tpu.vector_load %arg8[%swap3A_978, %swap3A_979, %swap3A_980] {strides = array<i32>} : memref<4x128x128xf32, #tpu.memory_space<vmem>>, vector<1x1x16xf32>,
      %swap3A_982 = vector.shape_cast %swap3A_981 : vector<1x1x16xf32> to vector<16xf32>
      %swap3A_983 = vector.shape_cast %get3A_712 : vector<16xf32> to vector<1x1x16xf32>
      tpu.vector_store %arg8[%swap3A_978, %swap3A_979, %swap3A_980], %swap3A_983 {add = true, strides = array<i32>} : memref<4x128x128xf32, #tpu.memory_space<vmem>>, vector<1x1x16xf32>,
      %scan3A_984 = arith.constant 3 : i32
      %scan3A_985 = arith.addi %scan3A_812, %scan3A_984 : i32
      %swap3A_986 = arith.constant 3 : i32
      %swap3A_987 = arith.index_cast %swap3A_986 : i32 to index
      %swap3A_988 = arith.index_cast %scan3A_985 : i32 to index
      %swap3A_989 = arith.constant 0 : index
      %swap3A_990 = tpu.vector_load %arg8[%swap3A_987, %swap3A_988, %swap3A_989] {strides = array<i32>} : memref<4x128x128xf32, #tpu.memory_space<vmem>>, vector<1x1x16xf32>,
      %swap3A_991 = vector.shape_cast %swap3A_990 : vector<1x1x16xf32> to vector<16xf32>
      %swap3A_992 = vector.shape_cast %get3A_684 : vector<16xf32> to vector<1x1x16xf32>
      tpu.vector_store %arg8[%swap3A_987, %swap3A_988, %swap3A_989], %swap3A_992 {add = true, strides = array<i32>} : memref<4x128x128xf32, #tpu.memory_space<vmem>>, vector<1x1x16xf32>,
      %swap3A_993 = arith.constant 3 : i32
      %swap3A_994 = arith.index_cast %swap3A_993 : i32 to index
      %swap3A_995 = arith.index_cast %scan3A_985 : i32 to index
      %swap3A_996 = arith.constant 16 : index
      %swap3A_997 = tpu.vector_load %arg8[%swap3A_994, %swap3A_995, %swap3A_996] {strides = array<i32>} : memref<4x128x128xf32, #tpu.memory_space<vmem>>, vector<1x1x16xf32>,
      %swap3A_998 = vector.shape_cast %swap3A_997 : vector<1x1x16xf32> to vector<16xf32>
      %swap3A_999 = vector.shape_cast %get3A_688 : vector<16xf32> to vector<1x1x16xf32>
      tpu.vector_store %arg8[%swap3A_994, %swap3A_995, %swap3A_996], %swap3A_999 {add = true, strides = array<i32>} : memref<4x128x128xf32, #tpu.memory_space<vmem>>, vector<1x1x16xf32>,
      %swap3A_1000 = arith.constant 3 : i32
      %swap3A_1001 = arith.index_cast %swap3A_1000 : i32 to index
      %swap3A_1002 = arith.index_cast %scan3A_985 : i32 to index
      %swap3A_1003 = arith.constant 32 : index
      %swap3A_1004 = tpu.vector_load %arg8[%swap3A_1001, %swap3A_1002, %swap3A_1003] {strides = array<i32>} : memref<4x128x128xf32, #tpu.memory_space<vmem>>, vector<1x1x16xf32>,
      %swap3A_1005 = vector.shape_cast %swap3A_1004 : vector<1x1x16xf32> to vector<16xf32>
      %swap3A_1006 = vector.shape_cast %get3A_692 : vector<16xf32> to vector<1x1x16xf32>
      tpu.vector_store %arg8[%swap3A_1001, %swap3A_1002, %swap3A_1003], %swap3A_1006 {add = true, strides = array<i32>} : memref<4x128x128xf32, #tpu.memory_space<vmem>>, vector<1x1x16xf32>,
      %swap3A_1007 = arith.constant 3 : i32
      %swap3A_1008 = arith.index_cast %swap3A_1007 : i32 to index
      %swap3A_1009 = arith.index_cast %scan3A_985 : i32 to index
      %swap3A_1010 = arith.constant 48 : index
      %swap3A_1011 = tpu.vector_load %arg8[%swap3A_1008, %swap3A_1009, %swap3A_1010] {strides = array<i32>} : memref<4x128x128xf32, #tpu.memory_space<vmem>>, vector<1x1x16xf32>,
      %swap3A_1012 = vector.shape_cast %swap3A_1011 : vector<1x1x16xf32> to vector<16xf32>
      %swap3A_1013 = vector.shape_cast %get3A_696 : vector<16xf32> to vector<1x1x16xf32>
      tpu.vector_store %arg8[%swap3A_1008, %swap3A_1009, %swap3A_1010], %swap3A_1013 {add = true, strides = array<i32>} : memref<4x128x128xf32, #tpu.memory_space<vmem>>, vector<1x1x16xf32>,
      %swap3A_1014 = arith.constant 3 : i32
      %swap3A_1015 = arith.index_cast %swap3A_1014 : i32 to index
      %swap3A_1016 = arith.index_cast %scan3A_985 : i32 to index
      %swap3A_1017 = arith.constant 64 : index
      %swap3A_1018 = tpu.vector_load %arg8[%swap3A_1015, %swap3A_1016, %swap3A_1017] {strides = array<i32>} : memref<4x128x128xf32, #tpu.memory_space<vmem>>, vector<1x1x16xf32>,
      %swap3A_1019 = vector.shape_cast %swap3A_1018 : vector<1x1x16xf32> to vector<16xf32>
      %swap3A_1020 = vector.shape_cast %get3A_700 : vector<16xf32> to vector<1x1x16xf32>
      tpu.vector_store %arg8[%swap3A_1015, %swap3A_1016, %swap3A_1017], %swap3A_1020 {add = true, strides = array<i32>} : memref<4x128x128xf32, #tpu.memory_space<vmem>>, vector<1x1x16xf32>,
      %swap3A_1021 = arith.constant 3 : i32
      %swap3A_1022 = arith.index_cast %swap3A_1021 : i32 to index
      %swap3A_1023 = arith.index_cast %scan3A_985 : i32 to index
      %swap3A_1024 = arith.constant 80 : index
      %swap3A_1025 = tpu.vector_load %arg8[%swap3A_1022, %swap3A_1023, %swap3A_1024] {strides = array<i32>} : memref<4x128x128xf32, #tpu.memory_space<vmem>>, vector<1x1x16xf32>,
      %swap3A_1026 = vector.shape_cast %swap3A_1025 : vector<1x1x16xf32> to vector<16xf32>
      %swap3A_1027 = vector.shape_cast %get3A_704 : vector<16xf32> to vector<1x1x16xf32>
      tpu.vector_store %arg8[%swap3A_1022, %swap3A_1023, %swap3A_1024], %swap3A_1027 {add = true, strides = array<i32>} : memref<4x128x128xf32, #tpu.memory_space<vmem>>, vector<1x1x16xf32>,
      %swap3A_1028 = arith.constant 3 : i32
      %swap3A_1029 = arith.index_cast %swap3A_1028 : i32 to index
      %swap3A_1030 = arith.index_cast %scan3A_985 : i32 to index
      %swap3A_1031 = arith.constant 96 : index
      %swap3A_1032 = tpu.vector_load %arg8[%swap3A_1029, %swap3A_1030, %swap3A_1031] {strides = array<i32>} : memref<4x128x128xf32, #tpu.memory_space<vmem>>, vector<1x1x16xf32>,
      %swap3A_1033 = vector.shape_cast %swap3A_1032 : vector<1x1x16xf32> to vector<16xf32>
      %swap3A_1034 = vector.shape_cast %get3A_708 : vector<16xf32> to vector<1x1x16xf32>
      tpu.vector_store %arg8[%swap3A_1029, %swap3A_1030, %swap3A_1031], %swap3A_1034 {add = true, strides = array<i32>} : memref<4x128x128xf32, #tpu.memory_space<vmem>>, vector<1x1x16xf32>,
      %swap3A_1035 = arith.constant 3 : i32
      %swap3A_1036 = arith.index_cast %swap3A_1035 : i32 to index
      %swap3A_1037 = arith.index_cast %scan3A_985 : i32 to index
      %swap3A_1038 = arith.constant 112 : index
      %swap3A_1039 = tpu.vector_load %arg8[%swap3A_1036, %swap3A_1037, %swap3A_1038] {strides = array<i32>} : memref<4x128x128xf32, #tpu.memory_space<vmem>>, vector<1x1x16xf32>,
      %swap3A_1040 = vector.shape_cast %swap3A_1039 : vector<1x1x16xf32> to vector<16xf32>
      %swap3A_1041 = vector.shape_cast %get3A_712 : vector<16xf32> to vector<1x1x16xf32>
      tpu.vector_store %arg8[%swap3A_1036, %swap3A_1037, %swap3A_1038], %swap3A_1041 {add = true, strides = array<i32>} : memref<4x128x128xf32, #tpu.memory_space<vmem>>, vector<1x1x16xf32>,
    }
    %scan3A_718 = arith.constant 128 : i32
    %add3A_719 = arith.constant 25472 : i32
    %add3A_720 = arith.addi %mul3A_2, %add3A_719 : i32
    %div3A_721 = arith.constant 4096 : i32
    %div3A_722 = arith.divsi %add3A_720, %div3A_721 : i32
    %rem3A_723 = arith.constant 4096 : i32
    %rem3A_724 = arith.remsi %add3A_720, %rem3A_723 : i32
    %dma_start3A_725 = arith.constant 3 : i32
    %dma_start3A_726 = arith.constant 0 : i32
    %dma_start3A_727 = arith.constant 0 : i32
    %dma_start3A_728 = tpu.memref_slice %arg8[%dma_start3A_725, %dma_start3A_726, %dma_start3A_727] : memref<4x128x128xf32, #tpu.memory_space<vmem>> -> memref<1x128x128xf32, #tpu.memory_space<vmem>>
    %dma_start3A_729 = tpu.memref_squeeze %dma_start3A_728 : memref<1x128x128xf32, #tpu.memory_space<vmem>> -> memref<128x128xf32, #tpu.memory_space<vmem>>
    %dma_start3A_730 = arith.constant 0 : i32
    %dma_start3A_731 = tpu.memref_slice %arg5[%rem3A_724, %div3A_722, %dma_start3A_730] : memref<4096x200x128xf32, #tpu.memory_space<hbm>> -> memref<128x1x128xf32, #tpu.memory_space<hbm>>
    %dma_start3A_732 = tpu.memref_squeeze %dma_start3A_731 : memref<128x1x128xf32, #tpu.memory_space<hbm>> -> memref<128x128xf32, #tpu.memory_space<hbm>>
    %dma_start3A_733 = arith.constant 0 : i32
    %dma_start3A_734 = tpu.memref_slice %arg5[%rem3A_724, %div3A_722, %dma_start3A_733] : memref<4096x200x128xf32, #tpu.memory_space<hbm>> -> memref<128x1x128xf32, #tpu.memory_space<hbm>>
    %dma_start3A_735 = tpu.memref_squeeze %dma_start3A_734 : memref<128x1x128xf32, #tpu.memory_space<hbm>> -> memref<128x128xf32, #tpu.memory_space<hbm>>
    %dma_start3A_736 = arith.constant 0 : i32
    %dma_start3A_737 = arith.constant 0 : i32
    %dma_start3A_738 = tpu.memref_slice %arg8[%dma_start3A_725, %dma_start3A_736, %dma_start3A_737] : memref<4x128x128xf32, #tpu.memory_space<vmem>> -> memref<1x128x128xf32, #tpu.memory_space<vmem>>
    %dma_start3A_739 = tpu.memref_squeeze %dma_start3A_738 : memref<1x128x128xf32, #tpu.memory_space<vmem>> -> memref<128x128xf32, #tpu.memory_space<vmem>>
    tpu.enqueue_dma source(%dma_start3A_739 : memref<128x128xf32, #tpu.memory_space<vmem>>) target(%dma_start3A_735 : memref<128x128xf32, #tpu.memory_space<hbm>>) target_semaphore(%arg16 : memref<!tpu.dma_semaphore, #tpu.memory_space<semaphore_mem>>)
    %dma_wait3A_740 = arith.constant 0 : i32
    %dma_wait3A_741 = arith.constant 0 : i32
    %dma_wait3A_742 = arith.constant 0 : i32
    %dma_wait3A_743 = arith.constant 0 : i32
    %dma_wait3A_744 = tpu.memref_slice %arg8[%dma_wait3A_740, %dma_wait3A_742, %dma_wait3A_743] : memref<4x128x128xf32, #tpu.memory_space<vmem>> -> memref<1x128x128xf32, #tpu.memory_space<vmem>>
    %dma_wait3A_745 = tpu.memref_squeeze %dma_wait3A_744 : memref<1x128x128xf32, #tpu.memory_space<vmem>> -> memref<128x128xf32, #tpu.memory_space<vmem>>
    %dma_wait3A_746 = arith.constant 0 : i32
    %dma_wait3A_747 = arith.constant 0 : i32
    %dma_wait3A_748 = tpu.memref_slice %arg5[%dma_wait3A_746, %dma_wait3A_741, %dma_wait3A_747] : memref<4096x200x128xf32, #tpu.memory_space<hbm>> -> memref<128x1x128xf32, #tpu.memory_space<hbm>>
    %dma_wait3A_749 = tpu.memref_squeeze %dma_wait3A_748 : memref<128x1x128xf32, #tpu.memory_space<hbm>> -> memref<128x128xf32, #tpu.memory_space<hbm>>
    %dma_wait3A_750 = arith.constant 0 : i32
    %dma_wait3A_751 = arith.constant 0 : i32
    %dma_wait3A_752 = tpu.memref_slice %arg5[%dma_wait3A_750, %dma_wait3A_741, %dma_wait3A_751] : memref<4096x200x128xf32, #tpu.memory_space<hbm>> -> memref<128x1x128xf32, #tpu.memory_space<hbm>>
    %dma_wait3A_753 = tpu.memref_squeeze %dma_wait3A_752 : memref<128x1x128xf32, #tpu.memory_space<hbm>> -> memref<128x128xf32, #tpu.memory_space<hbm>>
    %dma_wait3A_754 = arith.constant 0 : i32
    %dma_wait3A_755 = arith.constant 0 : i32
    %dma_wait3A_756 = tpu.memref_slice %arg8[%dma_wait3A_740, %dma_wait3A_754, %dma_wait3A_755] : memref<4x128x128xf32, #tpu.memory_space<vmem>> -> memref<1x128x128xf32, #tpu.memory_space<vmem>>
    %dma_wait3A_757 = tpu.memref_squeeze %dma_wait3A_756 : memref<1x128x128xf32, #tpu.memory_space<vmem>> -> memref<128x128xf32, #tpu.memory_space<vmem>>
    tpu.wait_dma2 semaphore(%arg13 : memref<!tpu.dma_semaphore, #tpu.memory_space<semaphore_mem>>) src(%dma_wait3A_757 : memref<128x128xf32, #tpu.memory_space<vmem>>) dst(%dma_wait3A_753 : memref<128x128xf32, #tpu.memory_space<hbm>>)
    %dma_wait3A_758 = arith.constant 1 : i32
    %dma_wait3A_759 = arith.constant 0 : i32
    %dma_wait3A_760 = arith.constant 0 : i32
    %dma_wait3A_761 = arith.constant 0 : i32
    %dma_wait3A_762 = tpu.memref_slice %arg8[%dma_wait3A_758, %dma_wait3A_760, %dma_wait3A_761] : memref<4x128x128xf32, #tpu.memory_space<vmem>> -> memref<1x128x128xf32, #tpu.memory_space<vmem>>
    %dma_wait3A_763 = tpu.memref_squeeze %dma_wait3A_762 : memref<1x128x128xf32, #tpu.memory_space<vmem>> -> memref<128x128xf32, #tpu.memory_space<vmem>>
    %dma_wait3A_764 = arith.constant 0 : i32
    %dma_wait3A_765 = arith.constant 0 : i32
    %dma_wait3A_766 = tpu.memref_slice %arg5[%dma_wait3A_764, %dma_wait3A_759, %dma_wait3A_765] : memref<4096x200x128xf32, #tpu.memory_space<hbm>> -> memref<128x1x128xf32, #tpu.memory_space<hbm>>
    %dma_wait3A_767 = tpu.memref_squeeze %dma_wait3A_766 : memref<128x1x128xf32, #tpu.memory_space<hbm>> -> memref<128x128xf32, #tpu.memory_space<hbm>>
    %dma_wait3A_768 = arith.constant 0 : i32
    %dma_wait3A_769 = arith.constant 0 : i32
    %dma_wait3A_770 = tpu.memref_slice %arg5[%dma_wait3A_768, %dma_wait3A_759, %dma_wait3A_769] : memref<4096x200x128xf32, #tpu.memory_space<hbm>> -> memref<128x1x128xf32, #tpu.memory_space<hbm>>
    %dma_wait3A_771 = tpu.memref_squeeze %dma_wait3A_770 : memref<128x1x128xf32, #tpu.memory_space<hbm>> -> memref<128x128xf32, #tpu.memory_space<hbm>>
    %dma_wait3A_772 = arith.constant 0 : i32
    %dma_wait3A_773 = arith.constant 0 : i32
    %dma_wait3A_774 = tpu.memref_slice %arg8[%dma_wait3A_758, %dma_wait3A_772, %dma_wait3A_773] : memref<4x128x128xf32, #tpu.memory_space<vmem>> -> memref<1x128x128xf32, #tpu.memory_space<vmem>>
    %dma_wait3A_775 = tpu.memref_squeeze %dma_wait3A_774 : memref<1x128x128xf32, #tpu.memory_space<vmem>> -> memref<128x128xf32, #tpu.memory_space<vmem>>
    tpu.wait_dma2 semaphore(%arg14 : memref<!tpu.dma_semaphore, #tpu.memory_space<semaphore_mem>>) src(%dma_wait3A_775 : memref<128x128xf32, #tpu.memory_space<vmem>>) dst(%dma_wait3A_771 : memref<128x128xf32, #tpu.memory_space<hbm>>)
    %dma_wait3A_776 = arith.constant 2 : i32
    %dma_wait3A_777 = arith.constant 0 : i32
    %dma_wait3A_778 = arith.constant 0 : i32
    %dma_wait3A_779 = arith.constant 0 : i32
    %dma_wait3A_780 = tpu.memref_slice %arg8[%dma_wait3A_776, %dma_wait3A_778, %dma_wait3A_779] : memref<4x128x128xf32, #tpu.memory_space<vmem>> -> memref<1x128x128xf32, #tpu.memory_space<vmem>>
    %dma_wait3A_781 = tpu.memref_squeeze %dma_wait3A_780 : memref<1x128x128xf32, #tpu.memory_space<vmem>> -> memref<128x128xf32, #tpu.memory_space<vmem>>
    %dma_wait3A_782 = arith.constant 0 : i32
    %dma_wait3A_783 = arith.constant 0 : i32
    %dma_wait3A_784 = tpu.memref_slice %arg5[%dma_wait3A_782, %dma_wait3A_777, %dma_wait3A_783] : memref<4096x200x128xf32, #tpu.memory_space<hbm>> -> memref<128x1x128xf32, #tpu.memory_space<hbm>>
    %dma_wait3A_785 = tpu.memref_squeeze %dma_wait3A_784 : memref<128x1x128xf32, #tpu.memory_space<hbm>> -> memref<128x128xf32, #tpu.memory_space<hbm>>
    %dma_wait3A_786 = arith.constant 0 : i32
    %dma_wait3A_787 = arith.constant 0 : i32
    %dma_wait3A_788 = tpu.memref_slice %arg5[%dma_wait3A_786, %dma_wait3A_777, %dma_wait3A_787] : memref<4096x200x128xf32, #tpu.memory_space<hbm>> -> memref<128x1x128xf32, #tpu.memory_space<hbm>>
    %dma_wait3A_789 = tpu.memref_squeeze %dma_wait3A_788 : memref<128x1x128xf32, #tpu.memory_space<hbm>> -> memref<128x128xf32, #tpu.memory_space<hbm>>
    %dma_wait3A_790 = arith.constant 0 : i32
    %dma_wait3A_791 = arith.constant 0 : i32
    %dma_wait3A_792 = tpu.memref_slice %arg8[%dma_wait3A_776, %dma_wait3A_790, %dma_wait3A_791] : memref<4x128x128xf32, #tpu.memory_space<vmem>> -> memref<1x128x128xf32, #tpu.memory_space<vmem>>
    %dma_wait3A_793 = tpu.memref_squeeze %dma_wait3A_792 : memref<1x128x128xf32, #tpu.memory_space<vmem>> -> memref<128x128xf32, #tpu.memory_space<vmem>>
    tpu.wait_dma2 semaphore(%arg15 : memref<!tpu.dma_semaphore, #tpu.memory_space<semaphore_mem>>) src(%dma_wait3A_793 : memref<128x128xf32, #tpu.memory_space<vmem>>) dst(%dma_wait3A_789 : memref<128x128xf32, #tpu.memory_space<hbm>>)
    %dma_wait3A_794 = arith.constant 3 : i32
    %dma_wait3A_795 = arith.constant 0 : i32
    %dma_wait3A_796 = arith.constant 0 : i32
    %dma_wait3A_797 = arith.constant 0 : i32
    %dma_wait3A_798 = tpu.memref_slice %arg8[%dma_wait3A_794, %dma_wait3A_796, %dma_wait3A_797] : memref<4x128x128xf32, #tpu.memory_space<vmem>> -> memref<1x128x128xf32, #tpu.memory_space<vmem>>
    %dma_wait3A_799 = tpu.memref_squeeze %dma_wait3A_798 : memref<1x128x128xf32, #tpu.memory_space<vmem>> -> memref<128x128xf32, #tpu.memory_space<vmem>>
    %dma_wait3A_800 = arith.constant 0 : i32
    %dma_wait3A_801 = arith.constant 0 : i32
    %dma_wait3A_802 = tpu.memref_slice %arg5[%dma_wait3A_800, %dma_wait3A_795, %dma_wait3A_801] : memref<4096x200x128xf32, #tpu.memory_space<hbm>> -> memref<128x1x128xf32, #tpu.memory_space<hbm>>
    %dma_wait3A_803 = tpu.memref_squeeze %dma_wait3A_802 : memref<128x1x128xf32, #tpu.memory_space<hbm>> -> memref<128x128xf32, #tpu.memory_space<hbm>>
    %dma_wait3A_804 = arith.constant 0 : i32
    %dma_wait3A_805 = arith.constant 0 : i32
    %dma_wait3A_806 = tpu.memref_slice %arg5[%dma_wait3A_804, %dma_wait3A_795, %dma_wait3A_805] : memref<4096x200x128xf32, #tpu.memory_space<hbm>> -> memref<128x1x128xf32, #tpu.memory_space<hbm>>
    %dma_wait3A_807 = tpu.memref_squeeze %dma_wait3A_806 : memref<128x1x128xf32, #tpu.memory_space<hbm>> -> memref<128x128xf32, #tpu.memory_space<hbm>>
    %dma_wait3A_808 = arith.constant 0 : i32
    %dma_wait3A_809 = arith.constant 0 : i32
    %dma_wait3A_810 = tpu.memref_slice %arg8[%dma_wait3A_794, %dma_wait3A_808, %dma_wait3A_809] : memref<4x128x128xf32, #tpu.memory_space<vmem>> -> memref<1x128x128xf32, #tpu.memory_space<vmem>>
    %dma_wait3A_811 = tpu.memref_squeeze %dma_wait3A_810 : memref<1x128x128xf32, #tpu.memory_space<vmem>> -> memref<128x128xf32, #tpu.memory_space<vmem>>
    tpu.wait_dma2 semaphore(%arg16 : memref<!tpu.dma_semaphore, #tpu.memory_space<semaphore_mem>>) src(%dma_wait3A_811 : memref<128x128xf32, #tpu.memory_space<vmem>>) dst(%dma_wait3A_807 : memref<128x128xf32, #tpu.memory_space<hbm>>)
    return
  }
}

</mosaic_0001>

<sc_bundles>
// kernel: _emb_add.3.cloned.1.call-start
scs
__scs_entry_jumppad:
0x0: {  	(pc) =	sbr.rel $0x88, $3  }
0x1: {  	(tag) =	ssettag $0x0;
	lr =	simm.s32 $0x1  }
0x2: {  	[smem:$0x3F9E] =	sst lr;
	_ =	strace $0xD0000000  }
0x3: {  	_ = 	snop  }
0x4: {  	_ = 	snop  }
0x5: {  	_ = 	snop  }
0x6: {  	_ = 	snop  }
0x7: {  	_ = 	snop  }
__scs_overlays_trampoline_lowered:
0x8: {  	[smem:$0x3FAD] =	sst s0  }
0x9: {  	[smem:$0x3FAE] =	sst s1  }
0xa: {  	[smem:$0x3FAF] =	sst s2  }
0xb: {  	[smem:$0x3FB0] =	sst s3  }
0xc: {  	[smem:$0x3FB1] =	sst s4  }
0xd: {  	[smem:$0x3FB2] =	sst s5  }
0xe: {  	[smem:$0x3FB3] =	sst s6  }
0xf: {  	[smem:$0x3FB4] =	sst s7  }
0x10: {  	[smem:$0x3FB5] =	sst s8  }
0x11: {  	[smem:$0x3FB6] =	sst s9;
	s0 =	simm.s32 @!p0 $0x0  }
0x12: {  	s1 =	sld [smem:$0x3F9C];
	s0 =	simm.s32 @p0 $0x1  }
0x13: {  	[smem:$0x3FB7] =	sst s0;
	s0 =	simm.s32 @!p1 $0x0  }
0x14: {  	s2 =	sld [smem:$0x3F9B];
	s0 =	simm.s32 @p1 $0x1  }
0x15: {  	[smem:$0x3FB8] =	sst s0;
	s0 =	simm.s32 @!p2 $0x0  }
0x16: {  	s3 =	sld [smem:$0x3FDB];
	s0 =	simm.s32 @p2 $0x1  }
0x17: {  	s4 =	simm.s32 $0x1BF5;
	[smem:$0x3FBA] =	sst s0  }
0x18: {  	s0 =	sld [smem:$0x3F9D];
	_ =	swait.ge [sflag:s4], $0x0  }
0x19: {  	s7 =	sld [smem:$0x3F9E]  }
0x1a: {  	s8 =	sadd.s32 $0xFFFFE003, lr  }
0x1b: {  	s9 =	sadd.s32 $0xFFFFFEF7, lr;
	s5 =	simm.s32 $0xFFFFFFFF;
	p2 =	slt.u32 s8, $0xFFFFF086  }
0x1c: {  	p1 =	slt.u32 s9, $0xF7A;
	s5 =	simm.s32 @!p2 $0x0  }
0x1d: {  	s5 =	simm.s32 @p1 $0x1;
	p0 =	seq.s32 s7, s2  }
0x1e: {  	s7 =	smul.u32 @!p0 $0xF7A, s2;
	p2 =	seq.s32 @!p0 s5, $0x0  }
0x1f: {  	s9 =	smul.u32 $0xF7A, s1;
	s8 =	simm.s32 @!p0 $0x1BF5;
	p2 =	por !p2, p0  }
0x20: {  	[sflag:s8] =	ssyncset.s32 @!p0 $0xFFFFF086;
	s6 =	sadd.s32 @!p0 s3, s7;
	s7 =	simm.s32 @!p0 $0x108  }
0x21: {  	s3 =	sadd.s32 s3, s9;
	s6 =	sadd.s32 @!p0 $0x88, s6;
	s7 =	simm.s32 @p2 $0x1082  }
0x22: {  	[simem:s7], [sflag:s8] =	dma.local @!p0 [hbm:s6], $0xF7A  }
0x23: {  	s9 =	sor.u32 $0xD0000000, s2;
	s6 =	simm.s32 $0x108;
	_ =	swait.ge @!p0 [sflag:s8], $0x0  }
0x24: {  	s3 =	sadd.s32 $0x88, s3;
	s6 =	simm.s32 @!p1 $0x1082;
	[sflag:s4] =	ssyncset.s32 $0xFFFFF086  }
0x25: {  	[simem:s6], [sflag:s4] =	dma.local [hbm:s3], $0xF7A  }
0x26: {  	[smem:$0x3F9E] =	sst s1;
	(tag) =	ssettag s2;
	_ =	strace s9  }
0x27: {  	s1 =	sld [smem:$0x3FAE]  }
0x28: {  	s2 =	sld [smem:$0x3FAF]  }
0x29: {  	s4 =	sld [smem:$0x3FB1]  }
0x2a: {  	p0 =	seq.s32 s5, $0x0;
	s5 =	sld [smem:$0x3FB2]  }
0x2b: {  	s6 =	sld [smem:$0x3FB3]  }
0x2c: {  	s7 =	sld [smem:$0x3FB4]  }
0x2d: {  	s3 =	simm.s32 $0x108;
	s8 =	sld [smem:$0x3FB5]  }
0x2e: {  	s3 =	simm.s32 @!p0 $0x1082;
	s9 =	sld [smem:$0x3FB6]  }
0x2f: {  	lr =	sadd.s32 s0, s3;
	s0 =	sld [smem:$0x3FAD]  }
0x30: {  	s3 =	sld [smem:$0x3FB0]  }
0x31: {  	[smem:$0x3FB9] =	sst s10  }
0x32: {  	s10 =	sld [smem:$0x3FB7];
	_ =	sdelay $0x3  }
0x33: {  	p0 =	seq.s32 s10, $0x1;
	s10 =	sld [smem:$0x3FB9];
	_ =	sdelay $0x3  }
0x34: {  	[smem:$0x3FB9] =	sst s10  }
0x35: {  	s10 =	sld [smem:$0x3FB8];
	_ =	sdelay $0x3  }
0x36: {  	p1 =	seq.s32 s10, $0x1;
	s10 =	sld [smem:$0x3FB9];
	_ =	sdelay $0x3  }
0x37: {  	[smem:$0x3FB9] =	sst s10  }
0x38: {  	s10 =	sld [smem:$0x3FBA]  }
0x39: {  	_ = 	snop;
	(pc) =	sbr.ind lr, $3  }
0x3a: {  	_ = 	snop  }
0x3b: {  	_ = 	snop  }
0x3c: {  	p2 =	seq.s32 s10, $0x1;
	s10 =	sld [smem:$0x3FB9]  }
0x3d: {  	_ =	shalt  }
0x3e: {  	_ =	shalt  }
0x3f: {  	_ =	shalt  }
0x40: {  	_ =	shalt  }
0x41: {  	_ =	shalt  }
0x42: {  	_ =	shalt  }
0x43: {  	_ =	shalt  }
0x44: {  	_ =	shalt  }
0x45: {  	_ =	shalt  }
0x46: {  	_ =	shalt  }
0x47: {  	_ =	shalt  }
0x48: {  	_ =	shalt  }
0x49: {  	_ =	shalt  }
0x4a: {  	_ =	shalt  }
0x4b: {  	_ =	shalt  }
0x4c: {  	_ =	shalt  }
0x4d: {  	_ =	shalt  }
0x4e: {  	_ =	shalt  }
0x4f: {  	_ =	shalt  }
0x50: {  	_ =	shalt  }
0x51: {  	_ =	shalt  }
0x52: {  	_ =	shalt  }
0x53: {  	_ =	shalt  }
0x54: {  	_ =	shalt  }
0x55: {  	_ =	shalt  }
0x56: {  	_ =	shalt  }
0x57: {  	_ =	shalt  }
0x58: {  	_ =	shalt  }
0x59: {  	_ =	shalt  }
0x5a: {  	_ =	shalt  }
0x5b: {  	_ =	shalt  }
0x5c: {  	_ =	shalt  }
0x5d: {  	_ =	shalt  }
0x5e: {  	_ =	shalt  }
0x5f: {  	_ =	shalt  }
0x60: {  	_ =	shalt  }
0x61: {  	_ =	shalt  }
0x62: {  	_ =	shalt  }
0x63: {  	_ =	shalt  }
0x64: {  	_ =	shalt  }
0x65: {  	_ =	shalt  }
0x66: {  	_ =	shalt  }
0x67: {  	_ =	shalt  }
0x68: {  	_ =	shalt  }
0x69: {  	_ =	shalt  }
0x6a: {  	_ =	shalt  }
0x6b: {  	_ =	shalt  }
0x6c: {  	_ =	shalt  }
0x6d: {  	_ =	shalt  }
0x6e: {  	_ =	shalt  }
0x6f: {  	_ =	shalt  }
0x70: {  	_ =	shalt  }
0x71: {  	_ =	shalt  }
0x72: {  	_ =	shalt  }
0x73: {  	_ =	shalt  }
0x74: {  	_ =	shalt  }
0x75: {  	_ =	shalt  }
0x76: {  	_ =	shalt  }
0x77: {  	_ =	shalt  }
0x78: {  	_ =	shalt  }
0x79: {  	_ =	shalt  }
0x7a: {  	_ =	shalt  }
0x7b: {  	_ =	shalt  }
0x7c: {  	_ =	shalt  }
0x7d: {  	_ =	shalt  }
0x7e: {  	_ =	shalt  }
0x7f: {  	_ =	shalt  }
0x80: {  	_ =	shalt  }
0x81: {  	_ =	shalt  }
0x82: {  	_ =	shalt  }
0x83: {  	_ =	shalt  }
0x84: {  	_ =	shalt  }
0x85: {  	_ =	shalt  }
0x86: {  	_ =	shalt  }
0x87: {  	_ =	shalt  }
.Lfunc_end0:
.L_simem_size_0:
called_computation_lowered:
.L_overlay_start_0:
0x88: {  	s2 =	sld [smem:$0x3FD9]  }
0x89: {  	s3 =	sld [smem:$0x3FFE];
	_ =	sdelay $0x1  }
0x8a: {  	s1 =	srdreg.scid  }
0x8b: {  	s0 =	sand.u32 $0x1, s1  }
0x8c: {  	s18 =	sshll.u32 s0, $0xA;
	s2 =	sadd.s32 s3, s2  }
0x8d: {  	s2 =	sadd.s32 s2, s18  }
0x8e: {  	[smem:$0x3FC5] =	sst s2  }
0x8f: {  	_ = 	snop  }
0x90: {  	s2 =	sld [smem:$0x3FC9]  }
0x91: {  	s19 =	sld [smem:$0x3FC8]  }
0x92: {  	s4 =	sld [smem:$0x3FC7]  }
0x93: {  	s5 =	sld [smem:$0x3FD0];
	(tm) =	ssettm $0x1  }
0x94: {  	s6 =	sld [smem:$0x3FFB];
	_ =	sdelay $0x3  }
0x95: {  	_ =	strace s6  }
0x96: {  	s6 =	sld [smem:$0x3FFC];
	_ =	sdelay $0x3  }
0x97: {  	_ =	strace s6  }
0x98: {  	s6 =	sld [smem:$0x3FFD];
	_ =	sdelay $0x3  }
0x99: {  	_ =	strace s6  }
0x9a: {  	_ =	strace $0x8FFFFFFF  }
0x9b: {  	s20 =	sld [smem:$0x3FDB];
	_ =	sdelay $0x1  }
0x9c: {  	s7 =	simm.s32 $_scs_section_size  }
0x9d: {  	s8 =	simm.s32 $_size__tile_overlayer_lowered;
	s9 =	simm.s32 $_tile_overlayer_lowered  }
0x9e: {  	s23 =	simm.s32 $0x1BFF;
	s22 =	sshll.u32 s9, $0x1;
	s6 =	sadd.s32 s7, s20  }
0x9f: {  	s10 =	simm.s32 $0x0;
	s21 =	sshll.u32 s8, $0x1;
	s8 =	sadd.s32 s22, s6  }
0xa0: {  	[timem:s10], [sflag:s23] =	dma.local [hbm:s8], s21  }
0xa1: {  	_ =	swait.ge [sflag:s23], s21  }
0xa2: {  	s7 =	ssub.s32 $0x0, s21;
	[sflag:s23] =	ssyncset.done $0x0  }
0xa3: {  	[sflag:s23] =	ssyncadd.s32 s7;
	_ =	sdelay $0x1  }
0xa4: {  	s24 =	simm.s32 $0x1B8B  }
0xa5: {  	_ =	swait.ge [sflag:s24], $0x1  }
0xa6: {  	[sflag:s24] =	ssyncset.done $0x0  }
0xa7: {  	s25 =	simm.s32 $0x1B8E;
	[sflag:s24] =	ssyncadd.s32 $0xFFFFFFFF  }
0xa8: {  	s26 =	simm.s32 $execute0_lowered;
	[smem:$0x3FD2] =	sst s25  }
0xa9: {  	s7 =	sshll.u32 s26, $0x1;
	_ =	strace $0x80000046;
	[dreg:$0x1] =	wrdreg $0xFFFFFFFF  }
0xaa: {  	s28 =	simm.s32 $_size_execute0_lowered;
	s6 =	sadd.s32 s6, s7;
	[dreg:$0x0] =	wrdreg $0x0  }
0xab: {  	s7 =	sshll.u32 s28, $0x1;
	[dreg:$0x2] =	wrdreg s6  }
0xac: {  	[dreg:$0x3] =	wrdreg s7  }
0xad: {  	[dreg:$0x4] =	wrdreg $0xC0  }
0xae: {  	_ =	task [dreg:s10], $0x5FFFF  }
0xaf: {  	[dreg:$0x1] =	wrdreg $0xFFFFFFFF  }
0xb0: {  	[dreg:$0x0] =	wrdreg $0x60  }
0xb1: {  	[dreg:$0x2] =	wrdreg s2  }
0xb2: {  	[dreg:$0x3] =	wrdreg s19  }
0xb3: {  	[dreg:$0x4] =	wrdreg s4  }
0xb4: {  	[dreg:$0x5] =	wrdreg s5  }
0xb5: {  	[dreg:$0x6] =	wrdreg $0x9  }
0xb6: {  	_ =	task.clear_ibuf [dreg:s10], $0x7FFFF;
	_ =	strace $0x90000046  }
0xb7: {  	s29 =	simm.s32 $0x9;
	_ =	strace $0x80000048  }
0xb8: {  	_ =	swait.ge [sflag:s29], $0x1  }
0xb9: {  	[sflag:s29] =	ssyncadd.s32 $0xFFFFFFFF  }
0xba: {  	_ =	strace $0x90000048  }
0xbb: {  	_ =	sfence  }
0xbc: {  	s30 =	sld [smem:$0x0];
	_ =	sdelay $0x2  }
0xbd: {  	s31 =	sshll.u32 s1, $0xD;
	s1 =	sshrl.u32 s1, $0x2  }
0xbe: {  	s3 =	sand.u32 $0x4000, s31;
	s1 =	sadd.s32 s1, s30  }
0xbf: {  	s0 =	sor.u32 s3, s0;
	s1 =	sshll.u32 s1, $0x11  }
0xc0: {  	s0 =	sor.u32 s1, s0  }
0xc1: {  	s0 =	sadd.s32 $0x8F2B, s0  }
0xc2: {  	[sflag:s0] =	ssyncadd.remote.s32 $0x1  }
0xc3: {  	_ =	sfence.sel $0xFFFF  }
0xc4: {  	[dreg:$0x0] =	wrdreg $0xFFFFFFFF;
	(pc) =	sbr.abs _section_cstart, $3  }
0xc5: {  	[dreg:$0x1] =	wrdreg $0xFFFFFFFF  }
0xc6: {  	_ =	task.clear_ibuf [dreg:s10], $0x2FFFF;
	_ =	strace $0x9FFFFFFF  }
0xc7: {  	(tm) =	ssettm $0x7FFFFFFF  }
tec
execute0_lowered:
.L_overlay_start_1:
0x0: {  	(tag) =	ssettag $0x1  }
0x1: {  	s2 =	rddreg [dreg:$0x0]  }
0x2: {  	s1 =	rddreg [dreg:$0x1];
	s0 =	srdreg.scid  }
0x3: {  	s3 =	stileid.u32;
	s4 =	rddreg [dreg:$0x3]  }
0x4: {  	s5 =	simm.s32 $0x0;
	s0 =	sand.u32 $0x1, s0;
	s3 =	sshll.u32 s3, $0x1  }
0x5: {  	s28 =	simm.s32 $0x14800;
	s30 =	simm.s32 $0x18800;
	s3 =	sor.u32 s0, s3  }
0x6: {  	s31 =	simm.s32 $0x1;
	s0 =	ssub.s32 $0x2, s0;
	s6 =	smul.u32 $0x6400, s3  }
0x7: {  	s29 =	simm.s32 $0x6;
	[smem:$0x7FF] =	sst s5;
	s16 =	sshrl.u32 s0, $0x1  }
0x8: {  	_ =	strace $0x80000047;
	s0 =	ssub.s32 s0, s16;
	s3 =	sand.u32 $0xC00, s6  }
0x9: {  	s8 =	sshrl.u32 s6, $0x5;
	s18 =	sshrl.u32 s6, $0x3;
	s22 =	sadd.s32 $0x6200, s6  }
0xa: {  	s26 =	sadd.s32 $0x6280, s6;
	s0 =	smax.u32 s0, $0x1;
	s3 =	smul.u32 $0x6400, s3  }
0xb: {  	s7 =	sand.u32 $0x7F80, s8;
	s17 =	sand.u32 $0x7C00, s8;
	s8 =	sand.u32 $0x380, s8  }
0xc: {  	s2 =	sadd.s32 s2, s18;
	s24 =	sand.u32 $0xE00, s22;
	s25 =	sshrl.u32 s22, $0x5  }
0xd: {  	s11 =	sand.u32 $0xE80, s26;
	[dreg:$0xe] =	wrdreg s0;
	s0 =	simm.s32 $0x5  }
0xe: {  	[dreg:$0x5] =	wrdreg s2;
	s5 =	smul.u32 $0x6400, s24;
	s10 =	sand.u32 $0x380, s25  }
0xf: {  	s9 =	sor.u32 s3, s7;
	s3 =	sor.u32 s17, s3;
	s17 =	sadd.s32 $0x6300, s6  }
0x10: {  	s9 =	sshrl.u32 s9, $0x3;
	s3 =	sor.u32 s8, s3;
	s8 =	sand.u32 $0xFC00, s25  }
0x11: {  	s18 =	sand.u32 $0xF00, s17;
	s19 =	sadd.s32 s4, s9;
	s20 =	sadd.s32 $0x320000, s3  }
0x12: {  	s21 =	sadd.s32 $0x640000, s3;
	s3 =	sadd.s32 $0x960000, s3;
	s5 =	sor.u32 s8, s5  }
0x13: {  	s9 =	sshrl.u32 s26, $0x5;
	s8 =	smul.u32 $0x6400, s11;
	s11 =	simm.s32 $0x0  }
0x14: {  	[dreg:$0x6] =	wrdreg s19;
	s2 =	sshrl.u32 s20, $0x3;
	s23 =	sshrl.u32 s21, $0x3  }
0x15: {  	s3 =	sshrl.u32 s3, $0x3;
	s12 =	sor.u32 s10, s5;
	s13 =	sand.u32 $0xFC00, s9  }
0x16: {  	s14 =	sand.u32 $0x380, s9;
	s19 =	sadd.s32 $0x6380, s6;
	s10 =	simm.s32 $0x8  }
0x17: {  	s2 =	sadd.s32 s4, s2;
	s3 =	sadd.s32 s4, s3;
	s5 =	sor.u32 s13, s8  }
0x18: {  	s13 =	sand.u32 $0xFF80, s25;
	s20 =	sand.u32 $0xF80, s19;
	[dreg:$0x7] =	wrdreg s2  }
0x19: {  	s2 =	sadd.s32 s4, s23;
	[dreg:$0x9] =	wrdreg s3;
	s3 =	sshrl.u32 s12, $0x3  }
0x1a: {  	s16 =	sor.u32 s14, s5;
	s5 =	sshrl.u32 s19, $0x5;
	s8 =	smul.u32 $0x6400, s20  }
0x1b: {  	[dreg:$0x8] =	wrdreg s2;
	s15 =	sadd.s32 s4, s3;
	s2 =	sshrl.u32 s16, $0x3  }
0x1c: {  	s3 =	sshrl.u32 s17, $0x5;
	s23 =	sand.u32 $0xFC00, s5;
	s24 =	sand.u32 $0x380, s5  }
0x1d: {  	s19 =	sand.u32 $0xFF80, s5;
	[dreg:$0xa] =	wrdreg s15;
	s2 =	sadd.s32 s4, s2  }
0x1e: {  	s15 =	sand.u32 $0xFF80, s9;
	[dreg:$0xb] =	wrdreg s2;
	s2 =	smul.u32 $0x6400, s18  }
0x1f: {  	s21 =	sand.u32 $0xFC00, s3;
	s22 =	sand.u32 $0x380, s3;
	s8 =	sor.u32 s23, s8  }
0x20: {  	s17 =	sand.u32 $0xFF80, s3;
	s23 =	simm.s32 $0x6400;
	s2 =	sor.u32 s21, s2  }
0x21: {  	s3 =	simm.s32 $0x3;
	s9 =	simm.s32 $0x4;
	s2 =	sor.u32 s22, s2  }
0x22: {  	s25 =	sor.u32 s24, s8;
	s24 =	simm.s32 $0x80;
	s2 =	sshrl.u32 s2, $0x3  }
0x23: {  	s8 =	simm.s32 $0x7;
	s26 =	sshrl.u32 s25, $0x3;
	s2 =	sadd.s32 s4, s2  }
0x24: {  	s25 =	simm.s32 $0x10800;
	[dreg:$0xc] =	wrdreg s2;
	s2 =	sadd.s32 s4, s26  }
0x25: {  	s26 =	simm.s32 $0x2;
	[dreg:$0xd] =	wrdreg s2;
	s2 =	simm.s32 $0xC800  }
.LBB2_1:
0x26: {  	s12 =	simm.s32 $0x0;
	s5 =	rddreg [dreg:$0x5];
	s14 =	simm.s32 $0x9  }
0x27: {  	[tilespmem:s12], [sflag:$0x9] =	stream.linear.gather [hbm4b:s5+s12], $0x6400, $0x38;
	[tilespmem:$0x1C800] =	vst v63  }
0x28: {  	_ =	swait.ge [sflag:s14], $0x6400  }
0x29: {  	[sflag:s14] =	ssyncset.done $0x0  }
0x2a: {  	[sflag:s14] =	ssyncadd.s32 $0xFFFF9C00  }
0x2b: {  	s20 =	rddreg [dreg:$0x2]  }
0x2c: {  	[tilespmem:s23], [sflag:$0x9] =	stream.linear.gather [hbm4b:s20+s12], $0x6400, $0x38;
	[tilespmem:$0x1C800] =	vst v63  }
0x2d: {  	_ =	swait.ge [sflag:s14], $0x6400  }
0x2e: {  	[sflag:s14] =	ssyncset.done $0x0  }
0x2f: {  	[sflag:s14] =	ssyncadd.s32 $0xFFFF9C00  }
0x30: {  	[tilespmem:s2], [sflag:$0x1] =	stream.indirect.gather [hbm4b:s1+s24], $0x80, s12, s24, $0xb8;
	[tilespmem:$0x1C800] =	vst v63  }
0x31: {  	_ = 	snop  }
0x32: {  	[tilespmem:s25], [sflag:$0x2] =	stream.indirect.gather [hbm4b:s1+s24], $0x80, s24, s24, $0xb8;
	[tilespmem:$0x1C800] =	vst v63  }
0x33: {  	s21 =	simm.s32 $0x100  }
0x34: {  	[tilespmem:s28], [sflag:$0x3] =	stream.indirect.gather [hbm4b:s1+s24], $0x80, s21, s24, $0xb8;
	[tilespmem:$0x1C800] =	vst v63  }
0x35: {  	s22 =	simm.s32 $0x180  }
0x36: {  	[tilespmem:s30], [sflag:$0x4] =	stream.indirect.gather [hbm4b:s1+s24], $0x80, s22, s24, $0xb8;
	[tilespmem:$0x1C800] =	vst v63  }
0x37: {  	_ =	swait.ge [sflag:s31], $0x4000  }
0x38: {  	[sflag:s31] =	ssyncset.done $0x0  }
0x39: {  	[sflag:s31] =	ssyncadd.s32 $0xFFFFC000  }
0x3a: {  	v1 =	vld [tilespmem:s7+$0x6400]  }
0x3b: {  	v0 =	vld [tilespmem:s7+$0x6410]  }
0x3c: {  	v2 =	vld [tilespmem:s7+$0x6420]  }
0x3d: {  	v3 =	vld [tilespmem:s7+$0x6430]  }
0x3e: {  	v4 =	vld [tilespmem:s7+$0x6470]  }
0x3f: {  	v5 =	vld [tilespmem:s7+$0x6460]  }
0x40: {  	v6 =	vld [tilespmem:s7+$0x6450]  }
0x41: {  	v7 =	vld [tilespmem:s7+$0x6440]  }
0x42: {  	[tilespmem:s2+$0x0] =	vst.add.f32.msk $0xffff, v1  }
0x43: {  	[tilespmem:s2+$0x1F0] =	vst.add.f32.msk $0xffff, v4  }
0x44: {  	[tilespmem:s2+$0x1E0] =	vst.add.f32.msk $0xffff, v5  }
0x45: {  	[tilespmem:s2+$0x1D0] =	vst.add.f32.msk $0xffff, v6  }
0x46: {  	[tilespmem:s2+$0x1C0] =	vst.add.f32.msk $0xffff, v7  }
0x47: {  	[tilespmem:s2+$0x1B0] =	vst.add.f32.msk $0xffff, v3  }
0x48: {  	[tilespmem:s2+$0x1A0] =	vst.add.f32.msk $0xffff, v2  }
0x49: {  	[tilespmem:s2+$0x190] =	vst.add.f32.msk $0xffff, v0  }
0x4a: {  	[tilespmem:s2+$0x180] =	vst.add.f32.msk $0xffff, v1  }
0x4b: {  	[tilespmem:s2+$0x170] =	vst.add.f32.msk $0xffff, v4  }
0x4c: {  	[tilespmem:s2+$0x160] =	vst.add.f32.msk $0xffff, v5  }
0x4d: {  	[tilespmem:s2+$0x150] =	vst.add.f32.msk $0xffff, v6  }
0x4e: {  	[tilespmem:s2+$0x140] =	vst.add.f32.msk $0xffff, v7  }
0x4f: {  	[tilespmem:s2+$0x130] =	vst.add.f32.msk $0xffff, v3  }
0x50: {  	[tilespmem:s2+$0x120] =	vst.add.f32.msk $0xffff, v2  }
0x51: {  	[tilespmem:s2+$0x110] =	vst.add.f32.msk $0xffff, v0  }
0x52: {  	[tilespmem:s2+$0x100] =	vst.add.f32.msk $0xffff, v1  }
0x53: {  	[tilespmem:s2+$0xF0] =	vst.add.f32.msk $0xffff, v4  }
0x54: {  	[tilespmem:s2+$0xE0] =	vst.add.f32.msk $0xffff, v5  }
0x55: {  	[tilespmem:s2+$0xD0] =	vst.add.f32.msk $0xffff, v6  }
0x56: {  	[tilespmem:s2+$0xC0] =	vst.add.f32.msk $0xffff, v7  }
0x57: {  	[tilespmem:s2+$0xB0] =	vst.add.f32.msk $0xffff, v3  }
0x58: {  	[tilespmem:s2+$0xA0] =	vst.add.f32.msk $0xffff, v2  }
0x59: {  	[tilespmem:s2+$0x90] =	vst.add.f32.msk $0xffff, v0  }
0x5a: {  	[tilespmem:s2+$0x80] =	vst.add.f32.msk $0xffff, v1  }
0x5b: {  	[tilespmem:s2+$0x70] =	vst.add.f32.msk $0xffff, v4  }
0x5c: {  	[tilespmem:s2+$0x60] =	vst.add.f32.msk $0xffff, v5  }
0x5d: {  	[tilespmem:s2+$0x50] =	vst.add.f32.msk $0xffff, v6  }
0x5e: {  	[tilespmem:s2+$0x40] =	vst.add.f32.msk $0xffff, v7  }
0x5f: {  	[tilespmem:s2+$0x30] =	vst.add.f32.msk $0xffff, v3  }
0x60: {  	s5 =	simm.s32 $0x0;
	s12 =	simm.s32 $0xC800;
	[tilespmem:s2+$0x20] =	vst.add.f32.msk $0xffff, v2  }
.LBB2_2:
0x61: {  	s5 =	sadd.s32 $0x4, s5;
	[tilespmem:s12+$0x10] =	vst.add.f32.msk $0xffff, v0;
	s12 =	sadd.s32 $0x200, s12  }
0x62: {  	[tilespmem:s12+$0x0] =	vst.add.f32.msk $0xffff, v1;
	p0 =	slt.u32 s5, $0x7C  }
0x63: {  	[tilespmem:s12+$0x1F0] =	vst.add.f32.msk $0xffff, v4  }
0x64: {  	[tilespmem:s12+$0x1E0] =	vst.add.f32.msk $0xffff, v5  }
0x65: {  	[tilespmem:s12+$0x1D0] =	vst.add.f32.msk $0xffff, v6  }
0x66: {  	[tilespmem:s12+$0x1C0] =	vst.add.f32.msk $0xffff, v7  }
0x67: {  	[tilespmem:s12+$0x1B0] =	vst.add.f32.msk $0xffff, v3  }
0x68: {  	[tilespmem:s12+$0x1A0] =	vst.add.f32.msk $0xffff, v2  }
0x69: {  	[tilespmem:s12+$0x190] =	vst.add.f32.msk $0xffff, v0  }
0x6a: {  	[tilespmem:s12+$0x180] =	vst.add.f32.msk $0xffff, v1  }
0x6b: {  	[tilespmem:s12+$0x170] =	vst.add.f32.msk $0xffff, v4  }
0x6c: {  	[tilespmem:s12+$0x160] =	vst.add.f32.msk $0xffff, v5  }
0x6d: {  	[tilespmem:s12+$0x150] =	vst.add.f32.msk $0xffff, v6  }
0x6e: {  	[tilespmem:s12+$0x140] =	vst.add.f32.msk $0xffff, v7  }
0x6f: {  	[tilespmem:s12+$0x130] =	vst.add.f32.msk $0xffff, v3  }
0x70: {  	[tilespmem:s12+$0x120] =	vst.add.f32.msk $0xffff, v2  }
0x71: {  	[tilespmem:s12+$0x110] =	vst.add.f32.msk $0xffff, v0  }
0x72: {  	[tilespmem:s12+$0x100] =	vst.add.f32.msk $0xffff, v1  }
0x73: {  	[tilespmem:s12+$0xF0] =	vst.add.f32.msk $0xffff, v4  }
0x74: {  	[tilespmem:s12+$0xE0] =	vst.add.f32.msk $0xffff, v5  }
0x75: {  	[tilespmem:s12+$0xD0] =	vst.add.f32.msk $0xffff, v6  }
0x76: {  	[tilespmem:s12+$0xC0] =	vst.add.f32.msk $0xffff, v7  }
0x77: {  	[tilespmem:s12+$0xB0] =	vst.add.f32.msk $0xffff, v3  }
0x78: {  	[tilespmem:s12+$0xA0] =	vst.add.f32.msk $0xffff, v2  }
0x79: {  	[tilespmem:s12+$0x90] =	vst.add.f32.msk $0xffff, v0  }
0x7a: {  	[tilespmem:s12+$0x80] =	vst.add.f32.msk $0xffff, v1  }
0x7b: {  	[tilespmem:s12+$0x70] =	vst.add.f32.msk $0xffff, v4  }
.Ltmp0:
0x7c: {  	[tilespmem:s12+$0x60] =	vst.add.f32.msk $0xffff, v5;
	(pc) =	sbr.rel @p0 .LBB2_2-.Ltmp0, $4  }
0x7d: {  	[tilespmem:s12+$0x50] =	vst.add.f32.msk $0xffff, v6  }
0x7e: {  	[tilespmem:s12+$0x40] =	vst.add.f32.msk $0xffff, v7  }
0x7f: {  	[tilespmem:s12+$0x30] =	vst.add.f32.msk $0xffff, v3  }
0x80: {  	[tilespmem:s12+$0x20] =	vst.add.f32.msk $0xffff, v2  }
0x81: {  	[tilespmem:s12+$0x10] =	vst.add.f32.msk $0xffff, v0;
	s5 =	rddreg [dreg:$0x6]  }
0x82: {  	[hbm4b:s5+s24] =	stream.strided.scatter [tilespmem:s2], [sflag:$0x5], $0x4000, s23, s24, $0x38;
	[tilespmem:$0x1C800] =	vst v63  }
0x83: {  	_ =	swait.ge [sflag:s0], $0x4000  }
0x84: {  	[sflag:s0] =	ssyncset.done $0x0  }
0x85: {  	s22 =	simm.s32 $0x200;
	[sflag:s0] =	ssyncadd.s32 $0xFFFFC000  }
0x86: {  	[tilespmem:s2], [sflag:$0x1] =	stream.indirect.gather [hbm4b:s1+s24], $0x80, s22, s24, $0xb8;
	[tilespmem:$0x1C800] =	vst v63  }
0x87: {  	_ =	swait.ge [sflag:s26], $0x4000  }
0x88: {  	[sflag:s26] =	ssyncset.done $0x0  }
0x89: {  	[sflag:s26] =	ssyncadd.s32 $0xFFFFC000  }
0x8a: {  	v1 =	vld [tilespmem:s7+$0x6400]  }
0x8b: {  	v0 =	vld [tilespmem:s7+$0x6410]  }
0x8c: {  	v2 =	vld [tilespmem:s7+$0x6420]  }
0x8d: {  	v3 =	vld [tilespmem:s7+$0x6430]  }
0x8e: {  	v4 =	vld [tilespmem:s7+$0x6470]  }
0x8f: {  	v5 =	vld [tilespmem:s7+$0x6460]  }
0x90: {  	v6 =	vld [tilespmem:s7+$0x6450]  }
0x91: {  	s5 =	simm.s32 $0x10800;
	v7 =	vld [tilespmem:s7+$0x6440]  }
0x92: {  	[tilespmem:s5+$0x0] =	vst.add.f32.msk $0xffff, v1  }
0x93: {  	[tilespmem:s5+$0x1F0] =	vst.add.f32.msk $0xffff, v4  }
0x94: {  	[tilespmem:s5+$0x1E0] =	vst.add.f32.msk $0xffff, v5  }
0x95: {  	[tilespmem:s5+$0x1D0] =	vst.add.f32.msk $0xffff, v6  }
0x96: {  	[tilespmem:s5+$0x1C0] =	vst.add.f32.msk $0xffff, v7  }
0x97: {  	[tilespmem:s5+$0x1B0] =	vst.add.f32.msk $0xffff, v3  }
0x98: {  	[tilespmem:s5+$0x1A0] =	vst.add.f32.msk $0xffff, v2  }
0x99: {  	[tilespmem:s5+$0x190] =	vst.add.f32.msk $0xffff, v0  }
0x9a: {  	[tilespmem:s5+$0x180] =	vst.add.f32.msk $0xffff, v1  }
0x9b: {  	[tilespmem:s5+$0x170] =	vst.add.f32.msk $0xffff, v4  }
0x9c: {  	[tilespmem:s5+$0x160] =	vst.add.f32.msk $0xffff, v5  }
0x9d: {  	[tilespmem:s5+$0x150] =	vst.add.f32.msk $0xffff, v6  }
0x9e: {  	[tilespmem:s5+$0x140] =	vst.add.f32.msk $0xffff, v7  }
0x9f: {  	[tilespmem:s5+$0x130] =	vst.add.f32.msk $0xffff, v3  }
0xa0: {  	[tilespmem:s5+$0x120] =	vst.add.f32.msk $0xffff, v2  }
0xa1: {  	[tilespmem:s5+$0x110] =	vst.add.f32.msk $0xffff, v0  }
0xa2: {  	[tilespmem:s5+$0x100] =	vst.add.f32.msk $0xffff, v1  }
0xa3: {  	[tilespmem:s5+$0xF0] =	vst.add.f32.msk $0xffff, v4  }
0xa4: {  	[tilespmem:s5+$0xE0] =	vst.add.f32.msk $0xffff, v5  }
0xa5: {  	[tilespmem:s5+$0xD0] =	vst.add.f32.msk $0xffff, v6  }
0xa6: {  	[tilespmem:s5+$0xC0] =	vst.add.f32.msk $0xffff, v7  }
0xa7: {  	[tilespmem:s5+$0xB0] =	vst.add.f32.msk $0xffff, v3  }
0xa8: {  	[tilespmem:s5+$0xA0] =	vst.add.f32.msk $0xffff, v2  }
0xa9: {  	[tilespmem:s5+$0x90] =	vst.add.f32.msk $0xffff, v0  }
0xaa: {  	[tilespmem:s5+$0x80] =	vst.add.f32.msk $0xffff, v1  }
0xab: {  	[tilespmem:s5+$0x70] =	vst.add.f32.msk $0xffff, v4  }
0xac: {  	[tilespmem:s5+$0x60] =	vst.add.f32.msk $0xffff, v5  }
0xad: {  	[tilespmem:s5+$0x50] =	vst.add.f32.msk $0xffff, v6  }
0xae: {  	[tilespmem:s5+$0x40] =	vst.add.f32.msk $0xffff, v7  }
0xaf: {  	[tilespmem:s5+$0x30] =	vst.add.f32.msk $0xffff, v3  }
0xb0: {  	s12 =	simm.s32 $0x0;
	[tilespmem:s5+$0x20] =	vst.add.f32.msk $0xffff, v2  }
.LBB2_4:
0xb1: {  	s12 =	sadd.s32 $0x4, s12;
	[tilespmem:s5+$0x10] =	vst.add.f32.msk $0xffff, v0;
	s5 =	sadd.s32 $0x200, s5  }
0xb2: {  	[tilespmem:s5+$0x0] =	vst.add.f32.msk $0xffff, v1;
	p0 =	slt.u32 s12, $0x7C  }
0xb3: {  	[tilespmem:s5+$0x1F0] =	vst.add.f32.msk $0xffff, v4  }
0xb4: {  	[tilespmem:s5+$0x1E0] =	vst.add.f32.msk $0xffff, v5  }
0xb5: {  	[tilespmem:s5+$0x1D0] =	vst.add.f32.msk $0xffff, v6  }
0xb6: {  	[tilespmem:s5+$0x1C0] =	vst.add.f32.msk $0xffff, v7  }
0xb7: {  	[tilespmem:s5+$0x1B0] =	vst.add.f32.msk $0xffff, v3  }
0xb8: {  	[tilespmem:s5+$0x1A0] =	vst.add.f32.msk $0xffff, v2  }
0xb9: {  	[tilespmem:s5+$0x190] =	vst.add.f32.msk $0xffff, v0  }
0xba: {  	[tilespmem:s5+$0x180] =	vst.add.f32.msk $0xffff, v1  }
0xbb: {  	[tilespmem:s5+$0x170] =	vst.add.f32.msk $0xffff, v4  }
0xbc: {  	[tilespmem:s5+$0x160] =	vst.add.f32.msk $0xffff, v5  }
0xbd: {  	[tilespmem:s5+$0x150] =	vst.add.f32.msk $0xffff, v6  }
0xbe: {  	[tilespmem:s5+$0x140] =	vst.add.f32.msk $0xffff, v7  }
0xbf: {  	[tilespmem:s5+$0x130] =	vst.add.f32.msk $0xffff, v3  }
0xc0: {  	[tilespmem:s5+$0x120] =	vst.add.f32.msk $0xffff, v2  }
0xc1: {  	[tilespmem:s5+$0x110] =	vst.add.f32.msk $0xffff, v0  }
0xc2: {  	[tilespmem:s5+$0x100] =	vst.add.f32.msk $0xffff, v1  }
0xc3: {  	[tilespmem:s5+$0xF0] =	vst.add.f32.msk $0xffff, v4  }
0xc4: {  	[tilespmem:s5+$0xE0] =	vst.add.f32.msk $0xffff, v5  }
0xc5: {  	[tilespmem:s5+$0xD0] =	vst.add.f32.msk $0xffff, v6  }
0xc6: {  	[tilespmem:s5+$0xC0] =	vst.add.f32.msk $0xffff, v7  }
0xc7: {  	[tilespmem:s5+$0xB0] =	vst.add.f32.msk $0xffff, v3  }
0xc8: {  	[tilespmem:s5+$0xA0] =	vst.add.f32.msk $0xffff, v2  }
0xc9: {  	[tilespmem:s5+$0x90] =	vst.add.f32.msk $0xffff, v0  }
0xca: {  	[tilespmem:s5+$0x80] =	vst.add.f32.msk $0xffff, v1  }
0xcb: {  	[tilespmem:s5+$0x70] =	vst.add.f32.msk $0xffff, v4  }
.Ltmp1:
0xcc: {  	[tilespmem:s5+$0x60] =	vst.add.f32.msk $0xffff, v5;
	(pc) =	sbr.rel @p0 .LBB2_4-.Ltmp1, $4  }
0xcd: {  	[tilespmem:s5+$0x50] =	vst.add.f32.msk $0xffff, v6  }
0xce: {  	[tilespmem:s5+$0x40] =	vst.add.f32.msk $0xffff, v7  }
0xcf: {  	[tilespmem:s5+$0x30] =	vst.add.f32.msk $0xffff, v3  }
0xd0: {  	[tilespmem:s5+$0x20] =	vst.add.f32.msk $0xffff, v2  }
0xd1: {  	[tilespmem:s5+$0x10] =	vst.add.f32.msk $0xffff, v0;
	s21 =	rddreg [dreg:$0x7]  }
0xd2: {  	[hbm4b:s21+s24] =	stream.strided.scatter [tilespmem:s25], [sflag:$0x6], $0x4000, s23, s24, $0x38;
	[tilespmem:$0x1C800] =	vst v63  }
0xd3: {  	_ =	swait.ge [sflag:s29], $0x4000  }
0xd4: {  	[sflag:s29] =	ssyncset.done $0x0  }
0xd5: {  	s22 =	simm.s32 $0x280;
	[sflag:s29] =	ssyncadd.s32 $0xFFFFC000  }
0xd6: {  	[tilespmem:s25], [sflag:$0x2] =	stream.indirect.gather [hbm4b:s1+s24], $0x80, s22, s24, $0xb8;
	[tilespmem:$0x1C800] =	vst v63  }
0xd7: {  	_ =	swait.ge [sflag:s3], $0x4000  }
0xd8: {  	[sflag:s3] =	ssyncset.done $0x0  }
0xd9: {  	[sflag:s3] =	ssyncadd.s32 $0xFFFFC000  }
0xda: {  	v1 =	vld [tilespmem:s7+$0x6400]  }
0xdb: {  	v0 =	vld [tilespmem:s7+$0x6410]  }
0xdc: {  	v2 =	vld [tilespmem:s7+$0x6420]  }
0xdd: {  	v3 =	vld [tilespmem:s7+$0x6430]  }
0xde: {  	v4 =	vld [tilespmem:s7+$0x6470]  }
0xdf: {  	v5 =	vld [tilespmem:s7+$0x6460]  }
0xe0: {  	v6 =	vld [tilespmem:s7+$0x6450]  }
0xe1: {  	s5 =	simm.s32 $0x14800;
	v7 =	vld [tilespmem:s7+$0x6440]  }
0xe2: {  	[tilespmem:s5+$0x0] =	vst.add.f32.msk $0xffff, v1  }
0xe3: {  	[tilespmem:s5+$0x1F0] =	vst.add.f32.msk $0xffff, v4  }
0xe4: {  	[tilespmem:s5+$0x1E0] =	vst.add.f32.msk $0xffff, v5  }
0xe5: {  	[tilespmem:s5+$0x1D0] =	vst.add.f32.msk $0xffff, v6  }
0xe6: {  	[tilespmem:s5+$0x1C0] =	vst.add.f32.msk $0xffff, v7  }
0xe7: {  	[tilespmem:s5+$0x1B0] =	vst.add.f32.msk $0xffff, v3  }
0xe8: {  	[tilespmem:s5+$0x1A0] =	vst.add.f32.msk $0xffff, v2  }
0xe9: {  	[tilespmem:s5+$0x190] =	vst.add.f32.msk $0xffff, v0  }
0xea: {  	[tilespmem:s5+$0x180] =	vst.add.f32.msk $0xffff, v1  }
0xeb: {  	[tilespmem:s5+$0x170] =	vst.add.f32.msk $0xffff, v4  }
0xec: {  	[tilespmem:s5+$0x160] =	vst.add.f32.msk $0xffff, v5  }
0xed: {  	[tilespmem:s5+$0x150] =	vst.add.f32.msk $0xffff, v6  }
0xee: {  	[tilespmem:s5+$0x140] =	vst.add.f32.msk $0xffff, v7  }
0xef: {  	[tilespmem:s5+$0x130] =	vst.add.f32.msk $0xffff, v3  }
0xf0: {  	[tilespmem:s5+$0x120] =	vst.add.f32.msk $0xffff, v2  }
0xf1: {  	[tilespmem:s5+$0x110] =	vst.add.f32.msk $0xffff, v0  }
0xf2: {  	[tilespmem:s5+$0x100] =	vst.add.f32.msk $0xffff, v1  }
0xf3: {  	[tilespmem:s5+$0xF0] =	vst.add.f32.msk $0xffff, v4  }
0xf4: {  	[tilespmem:s5+$0xE0] =	vst.add.f32.msk $0xffff, v5  }
0xf5: {  	[tilespmem:s5+$0xD0] =	vst.add.f32.msk $0xffff, v6  }
0xf6: {  	[tilespmem:s5+$0xC0] =	vst.add.f32.msk $0xffff, v7  }
0xf7: {  	[tilespmem:s5+$0xB0] =	vst.add.f32.msk $0xffff, v3  }
0xf8: {  	[tilespmem:s5+$0xA0] =	vst.add.f32.msk $0xffff, v2  }
0xf9: {  	[tilespmem:s5+$0x90] =	vst.add.f32.msk $0xffff, v0  }
0xfa: {  	[tilespmem:s5+$0x80] =	vst.add.f32.msk $0xffff, v1  }
0xfb: {  	[tilespmem:s5+$0x70] =	vst.add.f32.msk $0xffff, v4  }
0xfc: {  	[tilespmem:s5+$0x60] =	vst.add.f32.msk $0xffff, v5  }
0xfd: {  	[tilespmem:s5+$0x50] =	vst.add.f32.msk $0xffff, v6  }
0xfe: {  	[tilespmem:s5+$0x40] =	vst.add.f32.msk $0xffff, v7  }
0xff: {  	[tilespmem:s5+$0x30] =	vst.add.f32.msk $0xffff, v3  }
0x100: {  	s12 =	simm.s32 $0x0;
	[tilespmem:s5+$0x20] =	vst.add.f32.msk $0xffff, v2  }
.LBB2_6:
0x101: {  	s12 =	sadd.s32 $0x4, s12;
	[tilespmem:s5+$0x10] =	vst.add.f32.msk $0xffff, v0;
	s5 =	sadd.s32 $0x200, s5  }
0x102: {  	[tilespmem:s5+$0x0] =	vst.add.f32.msk $0xffff, v1;
	p0 =	slt.u32 s12, $0x7C  }
0x103: {  	[tilespmem:s5+$0x1F0] =	vst.add.f32.msk $0xffff, v4  }
0x104: {  	[tilespmem:s5+$0x1E0] =	vst.add.f32.msk $0xffff, v5  }
0x105: {  	[tilespmem:s5+$0x1D0] =	vst.add.f32.msk $0xffff, v6  }
0x106: {  	[tilespmem:s5+$0x1C0] =	vst.add.f32.msk $0xffff, v7  }
0x107: {  	[tilespmem:s5+$0x1B0] =	vst.add.f32.msk $0xffff, v3  }
0x108: {  	[tilespmem:s5+$0x1A0] =	vst.add.f32.msk $0xffff, v2  }
0x109: {  	[tilespmem:s5+$0x190] =	vst.add.f32.msk $0xffff, v0  }
0x10a: {  	[tilespmem:s5+$0x180] =	vst.add.f32.msk $0xffff, v1  }
0x10b: {  	[tilespmem:s5+$0x170] =	vst.add.f32.msk $0xffff, v4  }
0x10c: {  	[tilespmem:s5+$0x160] =	vst.add.f32.msk $0xffff, v5  }
0x10d: {  	[tilespmem:s5+$0x150] =	vst.add.f32.msk $0xffff, v6  }
0x10e: {  	[tilespmem:s5+$0x140] =	vst.add.f32.msk $0xffff, v7  }
0x10f: {  	[tilespmem:s5+$0x130] =	vst.add.f32.msk $0xffff, v3  }
0x110: {  	[tilespmem:s5+$0x120] =	vst.add.f32.msk $0xffff, v2  }
0x111: {  	[tilespmem:s5+$0x110] =	vst.add.f32.msk $0xffff, v0  }
0x112: {  	[tilespmem:s5+$0x100] =	vst.add.f32.msk $0xffff, v1  }
0x113: {  	[tilespmem:s5+$0xF0] =	vst.add.f32.msk $0xffff, v4  }
0x114: {  	[tilespmem:s5+$0xE0] =	vst.add.f32.msk $0xffff, v5  }
0x115: {  	[tilespmem:s5+$0xD0] =	vst.add.f32.msk $0xffff, v6  }
0x116: {  	[tilespmem:s5+$0xC0] =	vst.add.f32.msk $0xffff, v7  }
0x117: {  	[tilespmem:s5+$0xB0] =	vst.add.f32.msk $0xffff, v3  }
0x118: {  	[tilespmem:s5+$0xA0] =	vst.add.f32.msk $0xffff, v2  }
0x119: {  	[tilespmem:s5+$0x90] =	vst.add.f32.msk $0xffff, v0  }
0x11a: {  	[tilespmem:s5+$0x80] =	vst.add.f32.msk $0xffff, v1  }
0x11b: {  	[tilespmem:s5+$0x70] =	vst.add.f32.msk $0xffff, v4  }
.Ltmp2:
0x11c: {  	[tilespmem:s5+$0x60] =	vst.add.f32.msk $0xffff, v5;
	(pc) =	sbr.rel @p0 .LBB2_6-.Ltmp2, $4  }
0x11d: {  	[tilespmem:s5+$0x50] =	vst.add.f32.msk $0xffff, v6  }
0x11e: {  	[tilespmem:s5+$0x40] =	vst.add.f32.msk $0xffff, v7  }
0x11f: {  	[tilespmem:s5+$0x30] =	vst.add.f32.msk $0xffff, v3  }
0x120: {  	[tilespmem:s5+$0x20] =	vst.add.f32.msk $0xffff, v2  }
0x121: {  	[tilespmem:s5+$0x10] =	vst.add.f32.msk $0xffff, v0;
	s21 =	rddreg [dreg:$0x8]  }
0x122: {  	[hbm4b:s21+s24] =	stream.strided.scatter [tilespmem:s28], [sflag:$0x7], $0x4000, s23, s24, $0x38;
	[tilespmem:$0x1C800] =	vst v63  }
0x123: {  	_ =	swait.ge [sflag:s8], $0x4000  }
0x124: {  	[sflag:s8] =	ssyncset.done $0x0  }
0x125: {  	s22 =	simm.s32 $0x300;
	[sflag:s8] =	ssyncadd.s32 $0xFFFFC000  }
0x126: {  	[tilespmem:s28], [sflag:$0x3] =	stream.indirect.gather [hbm4b:s1+s24], $0x80, s22, s24, $0xb8;
	[tilespmem:$0x1C800] =	vst v63  }
0x127: {  	_ =	swait.ge [sflag:s9], $0x4000  }
0x128: {  	[sflag:s9] =	ssyncset.done $0x0  }
0x129: {  	[sflag:s9] =	ssyncadd.s32 $0xFFFFC000  }
0x12a: {  	v1 =	vld [tilespmem:s7+$0x6400]  }
0x12b: {  	v0 =	vld [tilespmem:s7+$0x6410]  }
0x12c: {  	v2 =	vld [tilespmem:s7+$0x6420]  }
0x12d: {  	v3 =	vld [tilespmem:s7+$0x6430]  }
0x12e: {  	v4 =	vld [tilespmem:s7+$0x6470]  }
0x12f: {  	v5 =	vld [tilespmem:s7+$0x6460]  }
0x130: {  	v6 =	vld [tilespmem:s7+$0x6450]  }
0x131: {  	s5 =	simm.s32 $0x18800;
	v7 =	vld [tilespmem:s7+$0x6440]  }
0x132: {  	[tilespmem:s5+$0x0] =	vst.add.f32.msk $0xffff, v1  }
0x133: {  	[tilespmem:s5+$0x1F0] =	vst.add.f32.msk $0xffff, v4  }
0x134: {  	[tilespmem:s5+$0x1E0] =	vst.add.f32.msk $0xffff, v5  }
0x135: {  	[tilespmem:s5+$0x1D0] =	vst.add.f32.msk $0xffff, v6  }
0x136: {  	[tilespmem:s5+$0x1C0] =	vst.add.f32.msk $0xffff, v7  }
0x137: {  	[tilespmem:s5+$0x1B0] =	vst.add.f32.msk $0xffff, v3  }
0x138: {  	[tilespmem:s5+$0x1A0] =	vst.add.f32.msk $0xffff, v2  }
0x139: {  	[tilespmem:s5+$0x190] =	vst.add.f32.msk $0xffff, v0  }
0x13a: {  	[tilespmem:s5+$0x180] =	vst.add.f32.msk $0xffff, v1  }
0x13b: {  	[tilespmem:s5+$0x170] =	vst.add.f32.msk $0xffff, v4  }
0x13c: {  	[tilespmem:s5+$0x160] =	vst.add.f32.msk $0xffff, v5  }
0x13d: {  	[tilespmem:s5+$0x150] =	vst.add.f32.msk $0xffff, v6  }
0x13e: {  	[tilespmem:s5+$0x140] =	vst.add.f32.msk $0xffff, v7  }
0x13f: {  	[tilespmem:s5+$0x130] =	vst.add.f32.msk $0xffff, v3  }
0x140: {  	[tilespmem:s5+$0x120] =	vst.add.f32.msk $0xffff, v2  }
0x141: {  	[tilespmem:s5+$0x110] =	vst.add.f32.msk $0xffff, v0  }
0x142: {  	[tilespmem:s5+$0x100] =	vst.add.f32.msk $0xffff, v1  }
0x143: {  	[tilespmem:s5+$0xF0] =	vst.add.f32.msk $0xffff, v4  }
0x144: {  	[tilespmem:s5+$0xE0] =	vst.add.f32.msk $0xffff, v5  }
0x145: {  	[tilespmem:s5+$0xD0] =	vst.add.f32.msk $0xffff, v6  }
0x146: {  	[tilespmem:s5+$0xC0] =	vst.add.f32.msk $0xffff, v7  }
0x147: {  	[tilespmem:s5+$0xB0] =	vst.add.f32.msk $0xffff, v3  }
0x148: {  	[tilespmem:s5+$0xA0] =	vst.add.f32.msk $0xffff, v2  }
0x149: {  	[tilespmem:s5+$0x90] =	vst.add.f32.msk $0xffff, v0  }
0x14a: {  	[tilespmem:s5+$0x80] =	vst.add.f32.msk $0xffff, v1  }
0x14b: {  	[tilespmem:s5+$0x70] =	vst.add.f32.msk $0xffff, v4  }
0x14c: {  	[tilespmem:s5+$0x60] =	vst.add.f32.msk $0xffff, v5  }
0x14d: {  	[tilespmem:s5+$0x50] =	vst.add.f32.msk $0xffff, v6  }
0x14e: {  	[tilespmem:s5+$0x40] =	vst.add.f32.msk $0xffff, v7  }
0x14f: {  	[tilespmem:s5+$0x30] =	vst.add.f32.msk $0xffff, v3  }
0x150: {  	s12 =	simm.s32 $0x0;
	[tilespmem:s5+$0x20] =	vst.add.f32.msk $0xffff, v2  }
.LBB2_8:
0x151: {  	s12 =	sadd.s32 $0x4, s12;
	[tilespmem:s5+$0x10] =	vst.add.f32.msk $0xffff, v0;
	s5 =	sadd.s32 $0x200, s5  }
0x152: {  	[tilespmem:s5+$0x0] =	vst.add.f32.msk $0xffff, v1;
	p0 =	slt.u32 s12, $0x7C  }
0x153: {  	[tilespmem:s5+$0x1F0] =	vst.add.f32.msk $0xffff, v4  }
0x154: {  	[tilespmem:s5+$0x1E0] =	vst.add.f32.msk $0xffff, v5  }
0x155: {  	[tilespmem:s5+$0x1D0] =	vst.add.f32.msk $0xffff, v6  }
0x156: {  	[tilespmem:s5+$0x1C0] =	vst.add.f32.msk $0xffff, v7  }
0x157: {  	[tilespmem:s5+$0x1B0] =	vst.add.f32.msk $0xffff, v3  }
0x158: {  	[tilespmem:s5+$0x1A0] =	vst.add.f32.msk $0xffff, v2  }
0x159: {  	[tilespmem:s5+$0x190] =	vst.add.f32.msk $0xffff, v0  }
0x15a: {  	[tilespmem:s5+$0x180] =	vst.add.f32.msk $0xffff, v1  }
0x15b: {  	[tilespmem:s5+$0x170] =	vst.add.f32.msk $0xffff, v4  }
0x15c: {  	[tilespmem:s5+$0x160] =	vst.add.f32.msk $0xffff, v5  }
0x15d: {  	[tilespmem:s5+$0x150] =	vst.add.f32.msk $0xffff, v6  }
0x15e: {  	[tilespmem:s5+$0x140] =	vst.add.f32.msk $0xffff, v7  }
0x15f: {  	[tilespmem:s5+$0x130] =	vst.add.f32.msk $0xffff, v3  }
0x160: {  	[tilespmem:s5+$0x120] =	vst.add.f32.msk $0xffff, v2  }
0x161: {  	[tilespmem:s5+$0x110] =	vst.add.f32.msk $0xffff, v0  }
0x162: {  	[tilespmem:s5+$0x100] =	vst.add.f32.msk $0xffff, v1  }
0x163: {  	[tilespmem:s5+$0xF0] =	vst.add.f32.msk $0xffff, v4  }
0x164: {  	[tilespmem:s5+$0xE0] =	vst.add.f32.msk $0xffff, v5  }
0x165: {  	[tilespmem:s5+$0xD0] =	vst.add.f32.msk $0xffff, v6  }
0x166: {  	[tilespmem:s5+$0xC0] =	vst.add.f32.msk $0xffff, v7  }
0x167: {  	[tilespmem:s5+$0xB0] =	vst.add.f32.msk $0xffff, v3  }
0x168: {  	[tilespmem:s5+$0xA0] =	vst.add.f32.msk $0xffff, v2  }
0x169: {  	[tilespmem:s5+$0x90] =	vst.add.f32.msk $0xffff, v0  }
0x16a: {  	[tilespmem:s5+$0x80] =	vst.add.f32.msk $0xffff, v1  }
0x16b: {  	[tilespmem:s5+$0x70] =	vst.add.f32.msk $0xffff, v4  }
.Ltmp3:
0x16c: {  	[tilespmem:s5+$0x60] =	vst.add.f32.msk $0xffff, v5;
	(pc) =	sbr.rel @p0 .LBB2_8-.Ltmp3, $4  }
0x16d: {  	[tilespmem:s5+$0x50] =	vst.add.f32.msk $0xffff, v6  }
0x16e: {  	[tilespmem:s5+$0x40] =	vst.add.f32.msk $0xffff, v7  }
0x16f: {  	[tilespmem:s5+$0x30] =	vst.add.f32.msk $0xffff, v3  }
0x170: {  	[tilespmem:s5+$0x20] =	vst.add.f32.msk $0xffff, v2  }
0x171: {  	[tilespmem:s5+$0x10] =	vst.add.f32.msk $0xffff, v0;
	s22 =	rddreg [dreg:$0x9];
	s12 =	simm.s32 $0x1  }
0x172: {  	[hbm4b:s22+s24] =	stream.strided.scatter [tilespmem:s30], [sflag:$0x8], $0x4000, s23, s24, $0x38;
	[tilespmem:$0x1C800] =	vst v63  }
.LBB2_10:
0x173: {  	_ =	swait.ge [sflag:s10], $0x4000  }
0x174: {  	s18 =	sshll.u32 s12, $0x9;
	[sflag:s10] =	ssyncset.done $0x0  }
0x175: {  	s14 =	sor.u32 $0x180, s18;
	[sflag:s10] =	ssyncadd.s32 $0xFFFFC000  }
0x176: {  	[tilespmem:s30], [sflag:$0x4] =	stream.indirect.gather [hbm4b:s1+s24], $0x80, s14, s24, $0xb8;
	[tilespmem:$0x1C800] =	vst v63  }
0x177: {  	s20 =	sadd.s32 s6, s18;
	_ =	swait.ge [sflag:s31], $0x4000  }
0x178: {  	s16 =	sshrl.u32 s20, $0x5;
	[sflag:s31] =	ssyncset.done $0x0  }
0x179: {  	s5 =	sand.u32 $0x3FFFF80, s16;
	[sflag:s31] =	ssyncadd.s32 $0xFFFFC000  }
0x17a: {  	v1 =	vld [tilespmem:s5+$0x6400]  }
0x17b: {  	v0 =	vld [tilespmem:s5+$0x6410]  }
0x17c: {  	v2 =	vld [tilespmem:s5+$0x6420]  }
0x17d: {  	v3 =	vld [tilespmem:s5+$0x6430]  }
0x17e: {  	v4 =	vld [tilespmem:s5+$0x6470]  }
0x17f: {  	v5 =	vld [tilespmem:s5+$0x6460]  }
0x180: {  	v6 =	vld [tilespmem:s5+$0x6450]  }
0x181: {  	s21 =	simm.s32 $0xC800;
	v7 =	vld [tilespmem:s5+$0x6440]  }
0x182: {  	[tilespmem:s21+$0x0] =	vst.add.f32.msk $0xffff, v1  }
0x183: {  	[tilespmem:s21+$0x1F0] =	vst.add.f32.msk $0xffff, v4  }
0x184: {  	[tilespmem:s21+$0x1E0] =	vst.add.f32.msk $0xffff, v5  }
0x185: {  	[tilespmem:s21+$0x1D0] =	vst.add.f32.msk $0xffff, v6  }
0x186: {  	[tilespmem:s21+$0x1C0] =	vst.add.f32.msk $0xffff, v7  }
0x187: {  	[tilespmem:s21+$0x1B0] =	vst.add.f32.msk $0xffff, v3  }
0x188: {  	[tilespmem:s21+$0x1A0] =	vst.add.f32.msk $0xffff, v2  }
0x189: {  	[tilespmem:s21+$0x190] =	vst.add.f32.msk $0xffff, v0  }
0x18a: {  	[tilespmem:s21+$0x180] =	vst.add.f32.msk $0xffff, v1  }
0x18b: {  	[tilespmem:s21+$0x170] =	vst.add.f32.msk $0xffff, v4  }
0x18c: {  	[tilespmem:s21+$0x160] =	vst.add.f32.msk $0xffff, v5  }
0x18d: {  	[tilespmem:s21+$0x150] =	vst.add.f32.msk $0xffff, v6  }
0x18e: {  	[tilespmem:s21+$0x140] =	vst.add.f32.msk $0xffff, v7  }
0x18f: {  	[tilespmem:s21+$0x130] =	vst.add.f32.msk $0xffff, v3  }
0x190: {  	[tilespmem:s21+$0x120] =	vst.add.f32.msk $0xffff, v2  }
0x191: {  	[tilespmem:s21+$0x110] =	vst.add.f32.msk $0xffff, v0  }
0x192: {  	[tilespmem:s21+$0x100] =	vst.add.f32.msk $0xffff, v1  }
0x193: {  	[tilespmem:s21+$0xF0] =	vst.add.f32.msk $0xffff, v4  }
0x194: {  	[tilespmem:s21+$0xE0] =	vst.add.f32.msk $0xffff, v5  }
0x195: {  	[tilespmem:s21+$0xD0] =	vst.add.f32.msk $0xffff, v6  }
0x196: {  	[tilespmem:s21+$0xC0] =	vst.add.f32.msk $0xffff, v7  }
0x197: {  	[tilespmem:s21+$0xB0] =	vst.add.f32.msk $0xffff, v3  }
0x198: {  	[tilespmem:s21+$0xA0] =	vst.add.f32.msk $0xffff, v2  }
0x199: {  	[tilespmem:s21+$0x90] =	vst.add.f32.msk $0xffff, v0  }
0x19a: {  	[tilespmem:s21+$0x80] =	vst.add.f32.msk $0xffff, v1  }
0x19b: {  	[tilespmem:s21+$0x70] =	vst.add.f32.msk $0xffff, v4  }
0x19c: {  	[tilespmem:s21+$0x60] =	vst.add.f32.msk $0xffff, v5  }
0x19d: {  	[tilespmem:s21+$0x50] =	vst.add.f32.msk $0xffff, v6  }
0x19e: {  	[tilespmem:s21+$0x40] =	vst.add.f32.msk $0xffff, v7  }
0x19f: {  	[tilespmem:s21+$0x30] =	vst.add.f32.msk $0xffff, v3  }
0x1a0: {  	s5 =	simm.s32 $0x0;
	[tilespmem:s21+$0x20] =	vst.add.f32.msk $0xffff, v2  }
.LBB2_11:
0x1a1: {  	s5 =	sadd.s32 $0x4, s5;
	[tilespmem:s21+$0x10] =	vst.add.f32.msk $0xffff, v0;
	s21 =	sadd.s32 $0x200, s21  }
0x1a2: {  	[tilespmem:s21+$0x0] =	vst.add.f32.msk $0xffff, v1;
	p0 =	slt.u32 s5, $0x7C  }
0x1a3: {  	[tilespmem:s21+$0x1F0] =	vst.add.f32.msk $0xffff, v4  }
0x1a4: {  	[tilespmem:s21+$0x1E0] =	vst.add.f32.msk $0xffff, v5  }
0x1a5: {  	[tilespmem:s21+$0x1D0] =	vst.add.f32.msk $0xffff, v6  }
0x1a6: {  	[tilespmem:s21+$0x1C0] =	vst.add.f32.msk $0xffff, v7  }
0x1a7: {  	[tilespmem:s21+$0x1B0] =	vst.add.f32.msk $0xffff, v3  }
0x1a8: {  	[tilespmem:s21+$0x1A0] =	vst.add.f32.msk $0xffff, v2  }
0x1a9: {  	[tilespmem:s21+$0x190] =	vst.add.f32.msk $0xffff, v0  }
0x1aa: {  	[tilespmem:s21+$0x180] =	vst.add.f32.msk $0xffff, v1  }
0x1ab: {  	[tilespmem:s21+$0x170] =	vst.add.f32.msk $0xffff, v4  }
0x1ac: {  	[tilespmem:s21+$0x160] =	vst.add.f32.msk $0xffff, v5  }
0x1ad: {  	[tilespmem:s21+$0x150] =	vst.add.f32.msk $0xffff, v6  }
0x1ae: {  	[tilespmem:s21+$0x140] =	vst.add.f32.msk $0xffff, v7  }
0x1af: {  	[tilespmem:s21+$0x130] =	vst.add.f32.msk $0xffff, v3  }
0x1b0: {  	[tilespmem:s21+$0x120] =	vst.add.f32.msk $0xffff, v2  }
0x1b1: {  	[tilespmem:s21+$0x110] =	vst.add.f32.msk $0xffff, v0  }
0x1b2: {  	[tilespmem:s21+$0x100] =	vst.add.f32.msk $0xffff, v1  }
0x1b3: {  	[tilespmem:s21+$0xF0] =	vst.add.f32.msk $0xffff, v4  }
0x1b4: {  	[tilespmem:s21+$0xE0] =	vst.add.f32.msk $0xffff, v5  }
0x1b5: {  	[tilespmem:s21+$0xD0] =	vst.add.f32.msk $0xffff, v6  }
0x1b6: {  	[tilespmem:s21+$0xC0] =	vst.add.f32.msk $0xffff, v7  }
0x1b7: {  	[tilespmem:s21+$0xB0] =	vst.add.f32.msk $0xffff, v3  }
0x1b8: {  	[tilespmem:s21+$0xA0] =	vst.add.f32.msk $0xffff, v2  }
0x1b9: {  	[tilespmem:s21+$0x90] =	vst.add.f32.msk $0xffff, v0  }
0x1ba: {  	[tilespmem:s21+$0x80] =	vst.add.f32.msk $0xffff, v1  }
0x1bb: {  	[tilespmem:s21+$0x70] =	vst.add.f32.msk $0xffff, v4  }
.Ltmp4:
0x1bc: {  	[tilespmem:s21+$0x60] =	vst.add.f32.msk $0xffff, v5;
	(pc) =	sbr.rel @p0 .LBB2_11-.Ltmp4, $4  }
0x1bd: {  	[tilespmem:s21+$0x50] =	vst.add.f32.msk $0xffff, v6  }
0x1be: {  	[tilespmem:s21+$0x40] =	vst.add.f32.msk $0xffff, v7  }
0x1bf: {  	[tilespmem:s21+$0x30] =	vst.add.f32.msk $0xffff, v3  }
0x1c0: {  	[tilespmem:s21+$0x20] =	vst.add.f32.msk $0xffff, v2  }
0x1c1: {  	s5 =	sand.u32 $0xE00, s20  }
0x1c2: {  	s5 =	smul.u32 $0x6400, s5  }
0x1c3: {  	s22 =	sand.u32 $0x3FFFC00, s16  }
0x1c4: {  	s20 =	sand.u32 $0x380, s16;
	s5 =	sadd.s32 s22, s5  }
0x1c5: {  	s5 =	sor.u32 s20, s5  }
0x1c6: {  	s5 =	sshrl.u32 s5, $0x3  }
0x1c7: {  	[tilespmem:s21+$0x10] =	vst.add.f32.msk $0xffff, v0;
	s5 =	sadd.s32 s4, s5  }
0x1c8: {  	[hbm4b:s5+s24] =	stream.strided.scatter [tilespmem:s2], [sflag:$0x5], $0x4000, s23, s24, $0x38;
	[tilespmem:$0x1C800] =	vst v63  }
0x1c9: {  	_ =	swait.ge [sflag:s0], $0x4000  }
0x1ca: {  	s16 =	sand.u32 $0x3FFFFE00, s18;
	[sflag:s0] =	ssyncset.done $0x0  }
0x1cb: {  	s18 =	sadd.s32 s18, s6;
	s21 =	sadd.s32 $0x200, s16;
	[sflag:s0] =	ssyncadd.s32 $0xFFFFC000  }
0x1cc: {  	[tilespmem:s2], [sflag:$0x1] =	stream.indirect.gather [hbm4b:s1+s24], $0x80, s21, s24, $0xb8;
	[tilespmem:$0x1C800] =	vst v63  }
0x1cd: {  	s21 =	sadd.s32 $0x80, s18;
	_ =	swait.ge [sflag:s26], $0x4000  }
0x1ce: {  	s20 =	sshrl.u32 s21, $0x5;
	[sflag:s26] =	ssyncset.done $0x0  }
0x1cf: {  	s22 =	sand.u32 $0x3FFFF80, s20;
	[sflag:s26] =	ssyncadd.s32 $0xFFFFC000  }
0x1d0: {  	v1 =	vld [tilespmem:s22+$0x6400]  }
0x1d1: {  	v0 =	vld [tilespmem:s22+$0x6410]  }
0x1d2: {  	v2 =	vld [tilespmem:s22+$0x6420]  }
0x1d3: {  	v3 =	vld [tilespmem:s22+$0x6430]  }
0x1d4: {  	v4 =	vld [tilespmem:s22+$0x6470]  }
0x1d5: {  	v5 =	vld [tilespmem:s22+$0x6460]  }
0x1d6: {  	v6 =	vld [tilespmem:s22+$0x6450]  }
0x1d7: {  	s5 =	simm.s32 $0x10800;
	v7 =	vld [tilespmem:s22+$0x6440]  }
0x1d8: {  	[tilespmem:s5+$0x0] =	vst.add.f32.msk $0xffff, v1  }
0x1d9: {  	[tilespmem:s5+$0x1F0] =	vst.add.f32.msk $0xffff, v4  }
0x1da: {  	[tilespmem:s5+$0x1E0] =	vst.add.f32.msk $0xffff, v5  }
0x1db: {  	[tilespmem:s5+$0x1D0] =	vst.add.f32.msk $0xffff, v6  }
0x1dc: {  	[tilespmem:s5+$0x1C0] =	vst.add.f32.msk $0xffff, v7  }
0x1dd: {  	[tilespmem:s5+$0x1B0] =	vst.add.f32.msk $0xffff, v3  }
0x1de: {  	[tilespmem:s5+$0x1A0] =	vst.add.f32.msk $0xffff, v2  }
0x1df: {  	[tilespmem:s5+$0x190] =	vst.add.f32.msk $0xffff, v0  }
0x1e0: {  	[tilespmem:s5+$0x180] =	vst.add.f32.msk $0xffff, v1  }
0x1e1: {  	[tilespmem:s5+$0x170] =	vst.add.f32.msk $0xffff, v4  }
0x1e2: {  	[tilespmem:s5+$0x160] =	vst.add.f32.msk $0xffff, v5  }
0x1e3: {  	[tilespmem:s5+$0x150] =	vst.add.f32.msk $0xffff, v6  }
0x1e4: {  	[tilespmem:s5+$0x140] =	vst.add.f32.msk $0xffff, v7  }
0x1e5: {  	[tilespmem:s5+$0x130] =	vst.add.f32.msk $0xffff, v3  }
0x1e6: {  	[tilespmem:s5+$0x120] =	vst.add.f32.msk $0xffff, v2  }
0x1e7: {  	[tilespmem:s5+$0x110] =	vst.add.f32.msk $0xffff, v0  }
0x1e8: {  	[tilespmem:s5+$0x100] =	vst.add.f32.msk $0xffff, v1  }
0x1e9: {  	[tilespmem:s5+$0xF0] =	vst.add.f32.msk $0xffff, v4  }
0x1ea: {  	[tilespmem:s5+$0xE0] =	vst.add.f32.msk $0xffff, v5  }
0x1eb: {  	[tilespmem:s5+$0xD0] =	vst.add.f32.msk $0xffff, v6  }
0x1ec: {  	[tilespmem:s5+$0xC0] =	vst.add.f32.msk $0xffff, v7  }
0x1ed: {  	[tilespmem:s5+$0xB0] =	vst.add.f32.msk $0xffff, v3  }
0x1ee: {  	[tilespmem:s5+$0xA0] =	vst.add.f32.msk $0xffff, v2  }
0x1ef: {  	[tilespmem:s5+$0x90] =	vst.add.f32.msk $0xffff, v0  }
0x1f0: {  	[tilespmem:s5+$0x80] =	vst.add.f32.msk $0xffff, v1  }
0x1f1: {  	[tilespmem:s5+$0x70] =	vst.add.f32.msk $0xffff, v4  }
0x1f2: {  	[tilespmem:s5+$0x60] =	vst.add.f32.msk $0xffff, v5  }
0x1f3: {  	[tilespmem:s5+$0x50] =	vst.add.f32.msk $0xffff, v6  }
0x1f4: {  	[tilespmem:s5+$0x40] =	vst.add.f32.msk $0xffff, v7  }
0x1f5: {  	[tilespmem:s5+$0x30] =	vst.add.f32.msk $0xffff, v3  }
0x1f6: {  	s22 =	simm.s32 $0x0;
	[tilespmem:s5+$0x20] =	vst.add.f32.msk $0xffff, v2  }
.LBB2_13:
0x1f7: {  	s22 =	sadd.s32 $0x4, s22;
	[tilespmem:s5+$0x10] =	vst.add.f32.msk $0xffff, v0;
	s5 =	sadd.s32 $0x200, s5  }
0x1f8: {  	[tilespmem:s5+$0x0] =	vst.add.f32.msk $0xffff, v1;
	p0 =	slt.u32 s22, $0x7C  }
0x1f9: {  	[tilespmem:s5+$0x1F0] =	vst.add.f32.msk $0xffff, v4  }
0x1fa: {  	[tilespmem:s5+$0x1E0] =	vst.add.f32.msk $0xffff, v5  }
0x1fb: {  	[tilespmem:s5+$0x1D0] =	vst.add.f32.msk $0xffff, v6  }
0x1fc: {  	[tilespmem:s5+$0x1C0] =	vst.add.f32.msk $0xffff, v7  }
0x1fd: {  	[tilespmem:s5+$0x1B0] =	vst.add.f32.msk $0xffff, v3  }
0x1fe: {  	[tilespmem:s5+$0x1A0] =	vst.add.f32.msk $0xffff, v2  }
0x1ff: {  	[tilespmem:s5+$0x190] =	vst.add.f32.msk $0xffff, v0  }
0x200: {  	[tilespmem:s5+$0x180] =	vst.add.f32.msk $0xffff, v1  }
0x201: {  	[tilespmem:s5+$0x170] =	vst.add.f32.msk $0xffff, v4  }
0x202: {  	[tilespmem:s5+$0x160] =	vst.add.f32.msk $0xffff, v5  }
0x203: {  	[tilespmem:s5+$0x150] =	vst.add.f32.msk $0xffff, v6  }
0x204: {  	[tilespmem:s5+$0x140] =	vst.add.f32.msk $0xffff, v7  }
0x205: {  	[tilespmem:s5+$0x130] =	vst.add.f32.msk $0xffff, v3  }
0x206: {  	[tilespmem:s5+$0x120] =	vst.add.f32.msk $0xffff, v2  }
0x207: {  	[tilespmem:s5+$0x110] =	vst.add.f32.msk $0xffff, v0  }
0x208: {  	[tilespmem:s5+$0x100] =	vst.add.f32.msk $0xffff, v1  }
0x209: {  	[tilespmem:s5+$0xF0] =	vst.add.f32.msk $0xffff, v4  }
0x20a: {  	[tilespmem:s5+$0xE0] =	vst.add.f32.msk $0xffff, v5  }
0x20b: {  	[tilespmem:s5+$0xD0] =	vst.add.f32.msk $0xffff, v6  }
0x20c: {  	[tilespmem:s5+$0xC0] =	vst.add.f32.msk $0xffff, v7  }
0x20d: {  	[tilespmem:s5+$0xB0] =	vst.add.f32.msk $0xffff, v3  }
0x20e: {  	[tilespmem:s5+$0xA0] =	vst.add.f32.msk $0xffff, v2  }
0x20f: {  	[tilespmem:s5+$0x90] =	vst.add.f32.msk $0xffff, v0  }
0x210: {  	[tilespmem:s5+$0x80] =	vst.add.f32.msk $0xffff, v1  }
0x211: {  	[tilespmem:s5+$0x70] =	vst.add.f32.msk $0xffff, v4  }
.Ltmp5:
0x212: {  	[tilespmem:s5+$0x60] =	vst.add.f32.msk $0xffff, v5;
	(pc) =	sbr.rel @p0 .LBB2_13-.Ltmp5, $4  }
0x213: {  	[tilespmem:s5+$0x50] =	vst.add.f32.msk $0xffff, v6  }
0x214: {  	[tilespmem:s5+$0x40] =	vst.add.f32.msk $0xffff, v7  }
0x215: {  	[tilespmem:s5+$0x30] =	vst.add.f32.msk $0xffff, v3  }
0x216: {  	[tilespmem:s5+$0x20] =	vst.add.f32.msk $0xffff, v2  }
0x217: {  	s21 =	sand.u32 $0xE80, s21  }
0x218: {  	s21 =	smul.u32 $0x6400, s21  }
0x219: {  	s22 =	sand.u32 $0x3FFFC00, s20  }
0x21a: {  	s21 =	sadd.s32 s22, s21;
	s22 =	sand.u32 $0x380, s20  }
0x21b: {  	s20 =	sor.u32 s22, s21  }
0x21c: {  	s20 =	sshrl.u32 s20, $0x3  }
0x21d: {  	[tilespmem:s5+$0x10] =	vst.add.f32.msk $0xffff, v0;
	s20 =	sadd.s32 s4, s20  }
0x21e: {  	[hbm4b:s20+s24] =	stream.strided.scatter [tilespmem:s25], [sflag:$0x6], $0x4000, s23, s24, $0x38;
	[tilespmem:$0x1C800] =	vst v63  }
0x21f: {  	_ =	swait.ge [sflag:s29], $0x4000  }
0x220: {  	[sflag:s29] =	ssyncset.done $0x0  }
0x221: {  	s21 =	sadd.s32 $0x280, s16;
	[sflag:s29] =	ssyncadd.s32 $0xFFFFC000  }
0x222: {  	[tilespmem:s25], [sflag:$0x2] =	stream.indirect.gather [hbm4b:s1+s24], $0x80, s21, s24, $0xb8;
	[tilespmem:$0x1C800] =	vst v63  }
0x223: {  	s20 =	sadd.s32 $0x100, s18;
	_ =	swait.ge [sflag:s3], $0x4000  }
0x224: {  	s18 =	sshrl.u32 s20, $0x5;
	[sflag:s3] =	ssyncset.done $0x0  }
0x225: {  	s22 =	sand.u32 $0x3FFFF80, s18;
	[sflag:s3] =	ssyncadd.s32 $0xFFFFC000  }
0x226: {  	v1 =	vld [tilespmem:s22+$0x6400]  }
0x227: {  	v0 =	vld [tilespmem:s22+$0x6410]  }
0x228: {  	v2 =	vld [tilespmem:s22+$0x6420]  }
0x229: {  	v3 =	vld [tilespmem:s22+$0x6430]  }
0x22a: {  	v4 =	vld [tilespmem:s22+$0x6470]  }
0x22b: {  	v5 =	vld [tilespmem:s22+$0x6460]  }
0x22c: {  	v6 =	vld [tilespmem:s22+$0x6450]  }
0x22d: {  	s5 =	simm.s32 $0x14800;
	v7 =	vld [tilespmem:s22+$0x6440]  }
0x22e: {  	[tilespmem:s5+$0x0] =	vst.add.f32.msk $0xffff, v1  }
0x22f: {  	[tilespmem:s5+$0x1F0] =	vst.add.f32.msk $0xffff, v4  }
0x230: {  	[tilespmem:s5+$0x1E0] =	vst.add.f32.msk $0xffff, v5  }
0x231: {  	[tilespmem:s5+$0x1D0] =	vst.add.f32.msk $0xffff, v6  }
0x232: {  	[tilespmem:s5+$0x1C0] =	vst.add.f32.msk $0xffff, v7  }
0x233: {  	[tilespmem:s5+$0x1B0] =	vst.add.f32.msk $0xffff, v3  }
0x234: {  	[tilespmem:s5+$0x1A0] =	vst.add.f32.msk $0xffff, v2  }
0x235: {  	[tilespmem:s5+$0x190] =	vst.add.f32.msk $0xffff, v0  }
0x236: {  	[tilespmem:s5+$0x180] =	vst.add.f32.msk $0xffff, v1  }
0x237: {  	[tilespmem:s5+$0x170] =	vst.add.f32.msk $0xffff, v4  }
0x238: {  	[tilespmem:s5+$0x160] =	vst.add.f32.msk $0xffff, v5  }
0x239: {  	[tilespmem:s5+$0x150] =	vst.add.f32.msk $0xffff, v6  }
0x23a: {  	[tilespmem:s5+$0x140] =	vst.add.f32.msk $0xffff, v7  }
0x23b: {  	[tilespmem:s5+$0x130] =	vst.add.f32.msk $0xffff, v3  }
0x23c: {  	[tilespmem:s5+$0x120] =	vst.add.f32.msk $0xffff, v2  }
0x23d: {  	[tilespmem:s5+$0x110] =	vst.add.f32.msk $0xffff, v0  }
0x23e: {  	[tilespmem:s5+$0x100] =	vst.add.f32.msk $0xffff, v1  }
0x23f: {  	[tilespmem:s5+$0xF0] =	vst.add.f32.msk $0xffff, v4  }
0x240: {  	[tilespmem:s5+$0xE0] =	vst.add.f32.msk $0xffff, v5  }
0x241: {  	[tilespmem:s5+$0xD0] =	vst.add.f32.msk $0xffff, v6  }
0x242: {  	[tilespmem:s5+$0xC0] =	vst.add.f32.msk $0xffff, v7  }
0x243: {  	[tilespmem:s5+$0xB0] =	vst.add.f32.msk $0xffff, v3  }
0x244: {  	[tilespmem:s5+$0xA0] =	vst.add.f32.msk $0xffff, v2  }
0x245: {  	[tilespmem:s5+$0x90] =	vst.add.f32.msk $0xffff, v0  }
0x246: {  	[tilespmem:s5+$0x80] =	vst.add.f32.msk $0xffff, v1  }
0x247: {  	[tilespmem:s5+$0x70] =	vst.add.f32.msk $0xffff, v4  }
0x248: {  	[tilespmem:s5+$0x60] =	vst.add.f32.msk $0xffff, v5  }
0x249: {  	[tilespmem:s5+$0x50] =	vst.add.f32.msk $0xffff, v6  }
0x24a: {  	[tilespmem:s5+$0x40] =	vst.add.f32.msk $0xffff, v7  }
0x24b: {  	[tilespmem:s5+$0x30] =	vst.add.f32.msk $0xffff, v3  }
0x24c: {  	s21 =	simm.s32 $0x0;
	[tilespmem:s5+$0x20] =	vst.add.f32.msk $0xffff, v2  }
.LBB2_15:
0x24d: {  	s21 =	sadd.s32 $0x4, s21;
	[tilespmem:s5+$0x10] =	vst.add.f32.msk $0xffff, v0;
	s5 =	sadd.s32 $0x200, s5  }
0x24e: {  	[tilespmem:s5+$0x0] =	vst.add.f32.msk $0xffff, v1;
	p0 =	slt.u32 s21, $0x7C  }
0x24f: {  	[tilespmem:s5+$0x1F0] =	vst.add.f32.msk $0xffff, v4  }
0x250: {  	[tilespmem:s5+$0x1E0] =	vst.add.f32.msk $0xffff, v5  }
0x251: {  	[tilespmem:s5+$0x1D0] =	vst.add.f32.msk $0xffff, v6  }
0x252: {  	[tilespmem:s5+$0x1C0] =	vst.add.f32.msk $0xffff, v7  }
0x253: {  	[tilespmem:s5+$0x1B0] =	vst.add.f32.msk $0xffff, v3  }
0x254: {  	[tilespmem:s5+$0x1A0] =	vst.add.f32.msk $0xffff, v2  }
0x255: {  	[tilespmem:s5+$0x190] =	vst.add.f32.msk $0xffff, v0  }
0x256: {  	[tilespmem:s5+$0x180] =	vst.add.f32.msk $0xffff, v1  }
0x257: {  	[tilespmem:s5+$0x170] =	vst.add.f32.msk $0xffff, v4  }
0x258: {  	[tilespmem:s5+$0x160] =	vst.add.f32.msk $0xffff, v5  }
0x259: {  	[tilespmem:s5+$0x150] =	vst.add.f32.msk $0xffff, v6  }
0x25a: {  	[tilespmem:s5+$0x140] =	vst.add.f32.msk $0xffff, v7  }
0x25b: {  	[tilespmem:s5+$0x130] =	vst.add.f32.msk $0xffff, v3  }
0x25c: {  	[tilespmem:s5+$0x120] =	vst.add.f32.msk $0xffff, v2  }
0x25d: {  	[tilespmem:s5+$0x110] =	vst.add.f32.msk $0xffff, v0  }
0x25e: {  	[tilespmem:s5+$0x100] =	vst.add.f32.msk $0xffff, v1  }
0x25f: {  	[tilespmem:s5+$0xF0] =	vst.add.f32.msk $0xffff, v4  }
0x260: {  	[tilespmem:s5+$0xE0] =	vst.add.f32.msk $0xffff, v5  }
0x261: {  	[tilespmem:s5+$0xD0] =	vst.add.f32.msk $0xffff, v6  }
0x262: {  	[tilespmem:s5+$0xC0] =	vst.add.f32.msk $0xffff, v7  }
0x263: {  	[tilespmem:s5+$0xB0] =	vst.add.f32.msk $0xffff, v3  }
0x264: {  	[tilespmem:s5+$0xA0] =	vst.add.f32.msk $0xffff, v2  }
0x265: {  	[tilespmem:s5+$0x90] =	vst.add.f32.msk $0xffff, v0  }
0x266: {  	[tilespmem:s5+$0x80] =	vst.add.f32.msk $0xffff, v1  }
0x267: {  	[tilespmem:s5+$0x70] =	vst.add.f32.msk $0xffff, v4  }
.Ltmp6:
0x268: {  	[tilespmem:s5+$0x60] =	vst.add.f32.msk $0xffff, v5;
	(pc) =	sbr.rel @p0 .LBB2_15-.Ltmp6, $4  }
0x269: {  	[tilespmem:s5+$0x50] =	vst.add.f32.msk $0xffff, v6  }
0x26a: {  	[tilespmem:s5+$0x40] =	vst.add.f32.msk $0xffff, v7  }
0x26b: {  	[tilespmem:s5+$0x30] =	vst.add.f32.msk $0xffff, v3  }
0x26c: {  	[tilespmem:s5+$0x20] =	vst.add.f32.msk $0xffff, v2  }
0x26d: {  	s20 =	sand.u32 $0xF00, s20  }
0x26e: {  	s20 =	smul.u32 $0x6400, s20  }
0x26f: {  	s21 =	sand.u32 $0x3FFFC00, s18  }
0x270: {  	s22 =	sand.u32 $0x380, s18;
	s20 =	sadd.s32 s21, s20  }
0x271: {  	s18 =	sor.u32 s22, s20  }
0x272: {  	s18 =	sshrl.u32 s18, $0x3  }
0x273: {  	[tilespmem:s5+$0x10] =	vst.add.f32.msk $0xffff, v0;
	s20 =	sadd.s32 s4, s18  }
0x274: {  	[hbm4b:s20+s24] =	stream.strided.scatter [tilespmem:s28], [sflag:$0x7], $0x4000, s23, s24, $0x38;
	[tilespmem:$0x1C800] =	vst v63  }
0x275: {  	_ =	swait.ge [sflag:s8], $0x4000  }
0x276: {  	[sflag:s8] =	ssyncset.done $0x0  }
0x277: {  	s21 =	sadd.s32 $0x300, s16;
	[sflag:s8] =	ssyncadd.s32 $0xFFFFC000  }
0x278: {  	[tilespmem:s28], [sflag:$0x3] =	stream.indirect.gather [hbm4b:s1+s24], $0x80, s21, s24, $0xb8;
	[tilespmem:$0x1C800] =	vst v63  }
0x279: {  	s16 =	sadd.s32 s6, s14;
	_ =	swait.ge [sflag:s9], $0x4000  }
0x27a: {  	s14 =	sshrl.u32 s16, $0x5;
	[sflag:s9] =	ssyncset.done $0x0  }
0x27b: {  	s22 =	sand.u32 $0x3FFFF80, s14;
	[sflag:s9] =	ssyncadd.s32 $0xFFFFC000  }
0x27c: {  	v1 =	vld [tilespmem:s22+$0x6400]  }
0x27d: {  	v0 =	vld [tilespmem:s22+$0x6410]  }
0x27e: {  	v2 =	vld [tilespmem:s22+$0x6420]  }
0x27f: {  	v3 =	vld [tilespmem:s22+$0x6430]  }
0x280: {  	v4 =	vld [tilespmem:s22+$0x6470]  }
0x281: {  	v5 =	vld [tilespmem:s22+$0x6460]  }
0x282: {  	v6 =	vld [tilespmem:s22+$0x6450]  }
0x283: {  	s5 =	simm.s32 $0x18800;
	v7 =	vld [tilespmem:s22+$0x6440]  }
0x284: {  	[tilespmem:s5+$0x0] =	vst.add.f32.msk $0xffff, v1  }
0x285: {  	[tilespmem:s5+$0x1F0] =	vst.add.f32.msk $0xffff, v4  }
0x286: {  	[tilespmem:s5+$0x1E0] =	vst.add.f32.msk $0xffff, v5  }
0x287: {  	[tilespmem:s5+$0x1D0] =	vst.add.f32.msk $0xffff, v6  }
0x288: {  	[tilespmem:s5+$0x1C0] =	vst.add.f32.msk $0xffff, v7  }
0x289: {  	[tilespmem:s5+$0x1B0] =	vst.add.f32.msk $0xffff, v3  }
0x28a: {  	[tilespmem:s5+$0x1A0] =	vst.add.f32.msk $0xffff, v2  }
0x28b: {  	[tilespmem:s5+$0x190] =	vst.add.f32.msk $0xffff, v0  }
0x28c: {  	[tilespmem:s5+$0x180] =	vst.add.f32.msk $0xffff, v1  }
0x28d: {  	[tilespmem:s5+$0x170] =	vst.add.f32.msk $0xffff, v4  }
0x28e: {  	[tilespmem:s5+$0x160] =	vst.add.f32.msk $0xffff, v5  }
0x28f: {  	[tilespmem:s5+$0x150] =	vst.add.f32.msk $0xffff, v6  }
0x290: {  	[tilespmem:s5+$0x140] =	vst.add.f32.msk $0xffff, v7  }
0x291: {  	[tilespmem:s5+$0x130] =	vst.add.f32.msk $0xffff, v3  }
0x292: {  	[tilespmem:s5+$0x120] =	vst.add.f32.msk $0xffff, v2  }
0x293: {  	[tilespmem:s5+$0x110] =	vst.add.f32.msk $0xffff, v0  }
0x294: {  	[tilespmem:s5+$0x100] =	vst.add.f32.msk $0xffff, v1  }
0x295: {  	[tilespmem:s5+$0xF0] =	vst.add.f32.msk $0xffff, v4  }
0x296: {  	[tilespmem:s5+$0xE0] =	vst.add.f32.msk $0xffff, v5  }
0x297: {  	[tilespmem:s5+$0xD0] =	vst.add.f32.msk $0xffff, v6  }
0x298: {  	[tilespmem:s5+$0xC0] =	vst.add.f32.msk $0xffff, v7  }
0x299: {  	[tilespmem:s5+$0xB0] =	vst.add.f32.msk $0xffff, v3  }
0x29a: {  	[tilespmem:s5+$0xA0] =	vst.add.f32.msk $0xffff, v2  }
0x29b: {  	[tilespmem:s5+$0x90] =	vst.add.f32.msk $0xffff, v0  }
0x29c: {  	[tilespmem:s5+$0x80] =	vst.add.f32.msk $0xffff, v1  }
0x29d: {  	[tilespmem:s5+$0x70] =	vst.add.f32.msk $0xffff, v4  }
0x29e: {  	[tilespmem:s5+$0x60] =	vst.add.f32.msk $0xffff, v5  }
0x29f: {  	[tilespmem:s5+$0x50] =	vst.add.f32.msk $0xffff, v6  }
0x2a0: {  	[tilespmem:s5+$0x40] =	vst.add.f32.msk $0xffff, v7  }
0x2a1: {  	[tilespmem:s5+$0x30] =	vst.add.f32.msk $0xffff, v3  }
0x2a2: {  	s18 =	simm.s32 $0x0;
	[tilespmem:s5+$0x20] =	vst.add.f32.msk $0xffff, v2  }
.LBB2_17:
0x2a3: {  	s18 =	sadd.s32 $0x4, s18;
	[tilespmem:s5+$0x10] =	vst.add.f32.msk $0xffff, v0;
	s5 =	sadd.s32 $0x200, s5  }
0x2a4: {  	[tilespmem:s5+$0x0] =	vst.add.f32.msk $0xffff, v1;
	p0 =	slt.u32 s18, $0x7C  }
0x2a5: {  	[tilespmem:s5+$0x1F0] =	vst.add.f32.msk $0xffff, v4  }
0x2a6: {  	[tilespmem:s5+$0x1E0] =	vst.add.f32.msk $0xffff, v5  }
0x2a7: {  	[tilespmem:s5+$0x1D0] =	vst.add.f32.msk $0xffff, v6  }
0x2a8: {  	[tilespmem:s5+$0x1C0] =	vst.add.f32.msk $0xffff, v7  }
0x2a9: {  	[tilespmem:s5+$0x1B0] =	vst.add.f32.msk $0xffff, v3  }
0x2aa: {  	[tilespmem:s5+$0x1A0] =	vst.add.f32.msk $0xffff, v2  }
0x2ab: {  	[tilespmem:s5+$0x190] =	vst.add.f32.msk $0xffff, v0  }
0x2ac: {  	[tilespmem:s5+$0x180] =	vst.add.f32.msk $0xffff, v1  }
0x2ad: {  	[tilespmem:s5+$0x170] =	vst.add.f32.msk $0xffff, v4  }
0x2ae: {  	[tilespmem:s5+$0x160] =	vst.add.f32.msk $0xffff, v5  }
0x2af: {  	[tilespmem:s5+$0x150] =	vst.add.f32.msk $0xffff, v6  }
0x2b0: {  	[tilespmem:s5+$0x140] =	vst.add.f32.msk $0xffff, v7  }
0x2b1: {  	[tilespmem:s5+$0x130] =	vst.add.f32.msk $0xffff, v3  }
0x2b2: {  	[tilespmem:s5+$0x120] =	vst.add.f32.msk $0xffff, v2  }
0x2b3: {  	[tilespmem:s5+$0x110] =	vst.add.f32.msk $0xffff, v0  }
0x2b4: {  	[tilespmem:s5+$0x100] =	vst.add.f32.msk $0xffff, v1  }
0x2b5: {  	[tilespmem:s5+$0xF0] =	vst.add.f32.msk $0xffff, v4  }
0x2b6: {  	[tilespmem:s5+$0xE0] =	vst.add.f32.msk $0xffff, v5  }
0x2b7: {  	[tilespmem:s5+$0xD0] =	vst.add.f32.msk $0xffff, v6  }
0x2b8: {  	[tilespmem:s5+$0xC0] =	vst.add.f32.msk $0xffff, v7  }
0x2b9: {  	[tilespmem:s5+$0xB0] =	vst.add.f32.msk $0xffff, v3  }
0x2ba: {  	[tilespmem:s5+$0xA0] =	vst.add.f32.msk $0xffff, v2  }
0x2bb: {  	[tilespmem:s5+$0x90] =	vst.add.f32.msk $0xffff, v0  }
0x2bc: {  	[tilespmem:s5+$0x80] =	vst.add.f32.msk $0xffff, v1  }
0x2bd: {  	[tilespmem:s5+$0x70] =	vst.add.f32.msk $0xffff, v4  }
.Ltmp7:
0x2be: {  	[tilespmem:s5+$0x60] =	vst.add.f32.msk $0xffff, v5;
	(pc) =	sbr.rel @p0 .LBB2_17-.Ltmp7, $4  }
0x2bf: {  	[tilespmem:s5+$0x50] =	vst.add.f32.msk $0xffff, v6  }
0x2c0: {  	[tilespmem:s5+$0x40] =	vst.add.f32.msk $0xffff, v7  }
0x2c1: {  	[tilespmem:s5+$0x30] =	vst.add.f32.msk $0xffff, v3  }
0x2c2: {  	[tilespmem:s5+$0x20] =	vst.add.f32.msk $0xffff, v2  }
0x2c3: {  	s16 =	sand.u32 $0xF80, s16  }
0x2c4: {  	s12 =	sadd.s32 $0x1, s12;
	s16 =	smul.u32 $0x6400, s16  }
0x2c5: {  	s18 =	sand.u32 $0x3FFFC00, s14;
	p0 =	sne.s32 s12, $0x31  }
.Ltmp8:
0x2c6: {  	s21 =	sand.u32 $0x380, s14;
	s16 =	sadd.s32 s18, s16;
	(pc) =	sbr.rel @p0 .LBB2_10-.Ltmp8, $4  }
0x2c7: {  	s14 =	sor.u32 s21, s16  }
0x2c8: {  	s14 =	sshrl.u32 s14, $0x3  }
0x2c9: {  	[tilespmem:s5+$0x10] =	vst.add.f32.msk $0xffff, v0;
	s22 =	sadd.s32 s4, s14  }
0x2ca: {  	[hbm4b:s22+s24] =	stream.strided.scatter [tilespmem:s30], [sflag:$0x8], $0x4000, s23, s24, $0x38;
	[tilespmem:$0x1C800] =	vst v63  }
0x2cb: {  	_ =	swait.ge [sflag:s10], $0x4000  }
0x2cc: {  	[sflag:s10] =	ssyncset.done $0x0  }
0x2cd: {  	s5 =	simm.s32 $0x6380;
	[sflag:s10] =	ssyncadd.s32 $0xFFFFC000  }
0x2ce: {  	[tilespmem:s30], [sflag:$0x4] =	stream.indirect.gather [hbm4b:s1+s24], $0x80, s5, s24, $0xb8;
	[tilespmem:$0x1C800] =	vst v63  }
0x2cf: {  	_ =	swait.ge [sflag:s31], $0x4000  }
0x2d0: {  	[sflag:s31] =	ssyncset.done $0x0  }
0x2d1: {  	[sflag:s31] =	ssyncadd.s32 $0xFFFFC000  }
0x2d2: {  	v1 =	vld [tilespmem:s13+$0x6400]  }
0x2d3: {  	v0 =	vld [tilespmem:s13+$0x6410]  }
0x2d4: {  	v2 =	vld [tilespmem:s13+$0x6420]  }
0x2d5: {  	v3 =	vld [tilespmem:s13+$0x6430]  }
0x2d6: {  	v4 =	vld [tilespmem:s13+$0x6470]  }
0x2d7: {  	v5 =	vld [tilespmem:s13+$0x6460]  }
0x2d8: {  	v6 =	vld [tilespmem:s13+$0x6450]  }
0x2d9: {  	s5 =	simm.s32 $0xC800;
	v7 =	vld [tilespmem:s13+$0x6440]  }
0x2da: {  	[tilespmem:s5+$0x0] =	vst.add.f32.msk $0xffff, v1  }
0x2db: {  	[tilespmem:s5+$0x1F0] =	vst.add.f32.msk $0xffff, v4  }
0x2dc: {  	[tilespmem:s5+$0x1E0] =	vst.add.f32.msk $0xffff, v5  }
0x2dd: {  	[tilespmem:s5+$0x1D0] =	vst.add.f32.msk $0xffff, v6  }
0x2de: {  	[tilespmem:s5+$0x1C0] =	vst.add.f32.msk $0xffff, v7  }
0x2df: {  	[tilespmem:s5+$0x1B0] =	vst.add.f32.msk $0xffff, v3  }
0x2e0: {  	[tilespmem:s5+$0x1A0] =	vst.add.f32.msk $0xffff, v2  }
0x2e1: {  	[tilespmem:s5+$0x190] =	vst.add.f32.msk $0xffff, v0  }
0x2e2: {  	[tilespmem:s5+$0x180] =	vst.add.f32.msk $0xffff, v1  }
0x2e3: {  	[tilespmem:s5+$0x170] =	vst.add.f32.msk $0xffff, v4  }
0x2e4: {  	[tilespmem:s5+$0x160] =	vst.add.f32.msk $0xffff, v5  }
0x2e5: {  	[tilespmem:s5+$0x150] =	vst.add.f32.msk $0xffff, v6  }
0x2e6: {  	[tilespmem:s5+$0x140] =	vst.add.f32.msk $0xffff, v7  }
0x2e7: {  	[tilespmem:s5+$0x130] =	vst.add.f32.msk $0xffff, v3  }
0x2e8: {  	[tilespmem:s5+$0x120] =	vst.add.f32.msk $0xffff, v2  }
0x2e9: {  	[tilespmem:s5+$0x110] =	vst.add.f32.msk $0xffff, v0  }
0x2ea: {  	[tilespmem:s5+$0x100] =	vst.add.f32.msk $0xffff, v1  }
0x2eb: {  	[tilespmem:s5+$0xF0] =	vst.add.f32.msk $0xffff, v4  }
0x2ec: {  	[tilespmem:s5+$0xE0] =	vst.add.f32.msk $0xffff, v5  }
0x2ed: {  	[tilespmem:s5+$0xD0] =	vst.add.f32.msk $0xffff, v6  }
0x2ee: {  	[tilespmem:s5+$0xC0] =	vst.add.f32.msk $0xffff, v7  }
0x2ef: {  	[tilespmem:s5+$0xB0] =	vst.add.f32.msk $0xffff, v3  }
0x2f0: {  	[tilespmem:s5+$0xA0] =	vst.add.f32.msk $0xffff, v2  }
0x2f1: {  	[tilespmem:s5+$0x90] =	vst.add.f32.msk $0xffff, v0  }
0x2f2: {  	[tilespmem:s5+$0x80] =	vst.add.f32.msk $0xffff, v1  }
0x2f3: {  	[tilespmem:s5+$0x70] =	vst.add.f32.msk $0xffff, v4  }
0x2f4: {  	[tilespmem:s5+$0x60] =	vst.add.f32.msk $0xffff, v5  }
0x2f5: {  	[tilespmem:s5+$0x50] =	vst.add.f32.msk $0xffff, v6  }
0x2f6: {  	[tilespmem:s5+$0x40] =	vst.add.f32.msk $0xffff, v7  }
0x2f7: {  	[tilespmem:s5+$0x30] =	vst.add.f32.msk $0xffff, v3  }
0x2f8: {  	s12 =	simm.s32 $0x0;
	[tilespmem:s5+$0x20] =	vst.add.f32.msk $0xffff, v2  }
.LBB2_20:
0x2f9: {  	s12 =	sadd.s32 $0x4, s12;
	[tilespmem:s5+$0x10] =	vst.add.f32.msk $0xffff, v0;
	s5 =	sadd.s32 $0x200, s5  }
0x2fa: {  	[tilespmem:s5+$0x0] =	vst.add.f32.msk $0xffff, v1;
	p0 =	slt.u32 s12, $0x7C  }
0x2fb: {  	[tilespmem:s5+$0x1F0] =	vst.add.f32.msk $0xffff, v4  }
0x2fc: {  	[tilespmem:s5+$0x1E0] =	vst.add.f32.msk $0xffff, v5  }
0x2fd: {  	[tilespmem:s5+$0x1D0] =	vst.add.f32.msk $0xffff, v6  }
0x2fe: {  	[tilespmem:s5+$0x1C0] =	vst.add.f32.msk $0xffff, v7  }
0x2ff: {  	[tilespmem:s5+$0x1B0] =	vst.add.f32.msk $0xffff, v3  }
0x300: {  	[tilespmem:s5+$0x1A0] =	vst.add.f32.msk $0xffff, v2  }
0x301: {  	[tilespmem:s5+$0x190] =	vst.add.f32.msk $0xffff, v0  }
0x302: {  	[tilespmem:s5+$0x180] =	vst.add.f32.msk $0xffff, v1  }
0x303: {  	[tilespmem:s5+$0x170] =	vst.add.f32.msk $0xffff, v4  }
0x304: {  	[tilespmem:s5+$0x160] =	vst.add.f32.msk $0xffff, v5  }
0x305: {  	[tilespmem:s5+$0x150] =	vst.add.f32.msk $0xffff, v6  }
0x306: {  	[tilespmem:s5+$0x140] =	vst.add.f32.msk $0xffff, v7  }
0x307: {  	[tilespmem:s5+$0x130] =	vst.add.f32.msk $0xffff, v3  }
0x308: {  	[tilespmem:s5+$0x120] =	vst.add.f32.msk $0xffff, v2  }
0x309: {  	[tilespmem:s5+$0x110] =	vst.add.f32.msk $0xffff, v0  }
0x30a: {  	[tilespmem:s5+$0x100] =	vst.add.f32.msk $0xffff, v1  }
0x30b: {  	[tilespmem:s5+$0xF0] =	vst.add.f32.msk $0xffff, v4  }
0x30c: {  	[tilespmem:s5+$0xE0] =	vst.add.f32.msk $0xffff, v5  }
0x30d: {  	[tilespmem:s5+$0xD0] =	vst.add.f32.msk $0xffff, v6  }
0x30e: {  	[tilespmem:s5+$0xC0] =	vst.add.f32.msk $0xffff, v7  }
0x30f: {  	[tilespmem:s5+$0xB0] =	vst.add.f32.msk $0xffff, v3  }
0x310: {  	[tilespmem:s5+$0xA0] =	vst.add.f32.msk $0xffff, v2  }
0x311: {  	[tilespmem:s5+$0x90] =	vst.add.f32.msk $0xffff, v0  }
0x312: {  	[tilespmem:s5+$0x80] =	vst.add.f32.msk $0xffff, v1  }
0x313: {  	[tilespmem:s5+$0x70] =	vst.add.f32.msk $0xffff, v4  }
.Ltmp9:
0x314: {  	[tilespmem:s5+$0x60] =	vst.add.f32.msk $0xffff, v5;
	(pc) =	sbr.rel @p0 .LBB2_20-.Ltmp9, $4  }
0x315: {  	[tilespmem:s5+$0x50] =	vst.add.f32.msk $0xffff, v6  }
0x316: {  	[tilespmem:s5+$0x40] =	vst.add.f32.msk $0xffff, v7  }
0x317: {  	[tilespmem:s5+$0x30] =	vst.add.f32.msk $0xffff, v3  }
0x318: {  	[tilespmem:s5+$0x20] =	vst.add.f32.msk $0xffff, v2  }
0x319: {  	[tilespmem:s5+$0x10] =	vst.add.f32.msk $0xffff, v0;
	s22 =	rddreg [dreg:$0xa]  }
0x31a: {  	[hbm4b:s22+s24] =	stream.strided.scatter [tilespmem:s2], [sflag:$0x5], $0x4000, s23, s24, $0x38;
	[tilespmem:$0x1C800] =	vst v63  }
0x31b: {  	_ =	swait.ge [sflag:s26], $0x4000  }
0x31c: {  	[sflag:s26] =	ssyncset.done $0x0  }
0x31d: {  	[sflag:s26] =	ssyncadd.s32 $0xFFFFC000  }
0x31e: {  	v1 =	vld [tilespmem:s15+$0x6400]  }
0x31f: {  	v0 =	vld [tilespmem:s15+$0x6410]  }
0x320: {  	v2 =	vld [tilespmem:s15+$0x6420]  }
0x321: {  	v3 =	vld [tilespmem:s15+$0x6430]  }
0x322: {  	v4 =	vld [tilespmem:s15+$0x6470]  }
0x323: {  	v5 =	vld [tilespmem:s15+$0x6460]  }
0x324: {  	v6 =	vld [tilespmem:s15+$0x6450]  }
0x325: {  	s5 =	simm.s32 $0x10800;
	v7 =	vld [tilespmem:s15+$0x6440]  }
0x326: {  	[tilespmem:s5+$0x0] =	vst.add.f32.msk $0xffff, v1  }
0x327: {  	[tilespmem:s5+$0x1F0] =	vst.add.f32.msk $0xffff, v4  }
0x328: {  	[tilespmem:s5+$0x1E0] =	vst.add.f32.msk $0xffff, v5  }
0x329: {  	[tilespmem:s5+$0x1D0] =	vst.add.f32.msk $0xffff, v6  }
0x32a: {  	[tilespmem:s5+$0x1C0] =	vst.add.f32.msk $0xffff, v7  }
0x32b: {  	[tilespmem:s5+$0x1B0] =	vst.add.f32.msk $0xffff, v3  }
0x32c: {  	[tilespmem:s5+$0x1A0] =	vst.add.f32.msk $0xffff, v2  }
0x32d: {  	[tilespmem:s5+$0x190] =	vst.add.f32.msk $0xffff, v0  }
0x32e: {  	[tilespmem:s5+$0x180] =	vst.add.f32.msk $0xffff, v1  }
0x32f: {  	[tilespmem:s5+$0x170] =	vst.add.f32.msk $0xffff, v4  }
0x330: {  	[tilespmem:s5+$0x160] =	vst.add.f32.msk $0xffff, v5  }
0x331: {  	[tilespmem:s5+$0x150] =	vst.add.f32.msk $0xffff, v6  }
0x332: {  	[tilespmem:s5+$0x140] =	vst.add.f32.msk $0xffff, v7  }
0x333: {  	[tilespmem:s5+$0x130] =	vst.add.f32.msk $0xffff, v3  }
0x334: {  	[tilespmem:s5+$0x120] =	vst.add.f32.msk $0xffff, v2  }
0x335: {  	[tilespmem:s5+$0x110] =	vst.add.f32.msk $0xffff, v0  }
0x336: {  	[tilespmem:s5+$0x100] =	vst.add.f32.msk $0xffff, v1  }
0x337: {  	[tilespmem:s5+$0xF0] =	vst.add.f32.msk $0xffff, v4  }
0x338: {  	[tilespmem:s5+$0xE0] =	vst.add.f32.msk $0xffff, v5  }
0x339: {  	[tilespmem:s5+$0xD0] =	vst.add.f32.msk $0xffff, v6  }
0x33a: {  	[tilespmem:s5+$0xC0] =	vst.add.f32.msk $0xffff, v7  }
0x33b: {  	[tilespmem:s5+$0xB0] =	vst.add.f32.msk $0xffff, v3  }
0x33c: {  	[tilespmem:s5+$0xA0] =	vst.add.f32.msk $0xffff, v2  }
0x33d: {  	[tilespmem:s5+$0x90] =	vst.add.f32.msk $0xffff, v0  }
0x33e: {  	[tilespmem:s5+$0x80] =	vst.add.f32.msk $0xffff, v1  }
0x33f: {  	[tilespmem:s5+$0x70] =	vst.add.f32.msk $0xffff, v4  }
0x340: {  	[tilespmem:s5+$0x60] =	vst.add.f32.msk $0xffff, v5  }
0x341: {  	[tilespmem:s5+$0x50] =	vst.add.f32.msk $0xffff, v6  }
0x342: {  	[tilespmem:s5+$0x40] =	vst.add.f32.msk $0xffff, v7  }
0x343: {  	[tilespmem:s5+$0x30] =	vst.add.f32.msk $0xffff, v3  }
0x344: {  	s12 =	simm.s32 $0x0;
	[tilespmem:s5+$0x20] =	vst.add.f32.msk $0xffff, v2  }
.LBB2_22:
0x345: {  	s12 =	sadd.s32 $0x4, s12;
	[tilespmem:s5+$0x10] =	vst.add.f32.msk $0xffff, v0;
	s5 =	sadd.s32 $0x200, s5  }
0x346: {  	[tilespmem:s5+$0x0] =	vst.add.f32.msk $0xffff, v1;
	p0 =	slt.u32 s12, $0x7C  }
0x347: {  	[tilespmem:s5+$0x1F0] =	vst.add.f32.msk $0xffff, v4  }
0x348: {  	[tilespmem:s5+$0x1E0] =	vst.add.f32.msk $0xffff, v5  }
0x349: {  	[tilespmem:s5+$0x1D0] =	vst.add.f32.msk $0xffff, v6  }
0x34a: {  	[tilespmem:s5+$0x1C0] =	vst.add.f32.msk $0xffff, v7  }
0x34b: {  	[tilespmem:s5+$0x1B0] =	vst.add.f32.msk $0xffff, v3  }
0x34c: {  	[tilespmem:s5+$0x1A0] =	vst.add.f32.msk $0xffff, v2  }
0x34d: {  	[tilespmem:s5+$0x190] =	vst.add.f32.msk $0xffff, v0  }
0x34e: {  	[tilespmem:s5+$0x180] =	vst.add.f32.msk $0xffff, v1  }
0x34f: {  	[tilespmem:s5+$0x170] =	vst.add.f32.msk $0xffff, v4  }
0x350: {  	[tilespmem:s5+$0x160] =	vst.add.f32.msk $0xffff, v5  }
0x351: {  	[tilespmem:s5+$0x150] =	vst.add.f32.msk $0xffff, v6  }
0x352: {  	[tilespmem:s5+$0x140] =	vst.add.f32.msk $0xffff, v7  }
0x353: {  	[tilespmem:s5+$0x130] =	vst.add.f32.msk $0xffff, v3  }
0x354: {  	[tilespmem:s5+$0x120] =	vst.add.f32.msk $0xffff, v2  }
0x355: {  	[tilespmem:s5+$0x110] =	vst.add.f32.msk $0xffff, v0  }
0x356: {  	[tilespmem:s5+$0x100] =	vst.add.f32.msk $0xffff, v1  }
0x357: {  	[tilespmem:s5+$0xF0] =	vst.add.f32.msk $0xffff, v4  }
0x358: {  	[tilespmem:s5+$0xE0] =	vst.add.f32.msk $0xffff, v5  }
0x359: {  	[tilespmem:s5+$0xD0] =	vst.add.f32.msk $0xffff, v6  }
0x35a: {  	[tilespmem:s5+$0xC0] =	vst.add.f32.msk $0xffff, v7  }
0x35b: {  	[tilespmem:s5+$0xB0] =	vst.add.f32.msk $0xffff, v3  }
0x35c: {  	[tilespmem:s5+$0xA0] =	vst.add.f32.msk $0xffff, v2  }
0x35d: {  	[tilespmem:s5+$0x90] =	vst.add.f32.msk $0xffff, v0  }
0x35e: {  	[tilespmem:s5+$0x80] =	vst.add.f32.msk $0xffff, v1  }
0x35f: {  	[tilespmem:s5+$0x70] =	vst.add.f32.msk $0xffff, v4  }
.Ltmp10:
0x360: {  	[tilespmem:s5+$0x60] =	vst.add.f32.msk $0xffff, v5;
	(pc) =	sbr.rel @p0 .LBB2_22-.Ltmp10, $4  }
0x361: {  	[tilespmem:s5+$0x50] =	vst.add.f32.msk $0xffff, v6  }
0x362: {  	[tilespmem:s5+$0x40] =	vst.add.f32.msk $0xffff, v7  }
0x363: {  	[tilespmem:s5+$0x30] =	vst.add.f32.msk $0xffff, v3  }
0x364: {  	[tilespmem:s5+$0x20] =	vst.add.f32.msk $0xffff, v2  }
0x365: {  	[tilespmem:s5+$0x10] =	vst.add.f32.msk $0xffff, v0;
	s22 =	rddreg [dreg:$0xb]  }
0x366: {  	[hbm4b:s22+s24] =	stream.strided.scatter [tilespmem:s25], [sflag:$0x6], $0x4000, s23, s24, $0x38;
	[tilespmem:$0x1C800] =	vst v63  }
0x367: {  	_ =	swait.ge [sflag:s3], $0x4000  }
0x368: {  	[sflag:s3] =	ssyncset.done $0x0  }
0x369: {  	[sflag:s3] =	ssyncadd.s32 $0xFFFFC000  }
0x36a: {  	v1 =	vld [tilespmem:s17+$0x6400]  }
0x36b: {  	v0 =	vld [tilespmem:s17+$0x6410]  }
0x36c: {  	v2 =	vld [tilespmem:s17+$0x6420]  }
0x36d: {  	v3 =	vld [tilespmem:s17+$0x6430]  }
0x36e: {  	v4 =	vld [tilespmem:s17+$0x6470]  }
0x36f: {  	v5 =	vld [tilespmem:s17+$0x6460]  }
0x370: {  	v6 =	vld [tilespmem:s17+$0x6450]  }
0x371: {  	s5 =	simm.s32 $0x14800;
	v7 =	vld [tilespmem:s17+$0x6440]  }
0x372: {  	[tilespmem:s5+$0x0] =	vst.add.f32.msk $0xffff, v1  }
0x373: {  	[tilespmem:s5+$0x1F0] =	vst.add.f32.msk $0xffff, v4  }
0x374: {  	[tilespmem:s5+$0x1E0] =	vst.add.f32.msk $0xffff, v5  }
0x375: {  	[tilespmem:s5+$0x1D0] =	vst.add.f32.msk $0xffff, v6  }
0x376: {  	[tilespmem:s5+$0x1C0] =	vst.add.f32.msk $0xffff, v7  }
0x377: {  	[tilespmem:s5+$0x1B0] =	vst.add.f32.msk $0xffff, v3  }
0x378: {  	[tilespmem:s5+$0x1A0] =	vst.add.f32.msk $0xffff, v2  }
0x379: {  	[tilespmem:s5+$0x190] =	vst.add.f32.msk $0xffff, v0  }
0x37a: {  	[tilespmem:s5+$0x180] =	vst.add.f32.msk $0xffff, v1  }
0x37b: {  	[tilespmem:s5+$0x170] =	vst.add.f32.msk $0xffff, v4  }
0x37c: {  	[tilespmem:s5+$0x160] =	vst.add.f32.msk $0xffff, v5  }
0x37d: {  	[tilespmem:s5+$0x150] =	vst.add.f32.msk $0xffff, v6  }
0x37e: {  	[tilespmem:s5+$0x140] =	vst.add.f32.msk $0xffff, v7  }
0x37f: {  	[tilespmem:s5+$0x130] =	vst.add.f32.msk $0xffff, v3  }
0x380: {  	[tilespmem:s5+$0x120] =	vst.add.f32.msk $0xffff, v2  }
0x381: {  	[tilespmem:s5+$0x110] =	vst.add.f32.msk $0xffff, v0  }
0x382: {  	[tilespmem:s5+$0x100] =	vst.add.f32.msk $0xffff, v1  }
0x383: {  	[tilespmem:s5+$0xF0] =	vst.add.f32.msk $0xffff, v4  }
0x384: {  	[tilespmem:s5+$0xE0] =	vst.add.f32.msk $0xffff, v5  }
0x385: {  	[tilespmem:s5+$0xD0] =	vst.add.f32.msk $0xffff, v6  }
0x386: {  	[tilespmem:s5+$0xC0] =	vst.add.f32.msk $0xffff, v7  }
0x387: {  	[tilespmem:s5+$0xB0] =	vst.add.f32.msk $0xffff, v3  }
0x388: {  	[tilespmem:s5+$0xA0] =	vst.add.f32.msk $0xffff, v2  }
0x389: {  	[tilespmem:s5+$0x90] =	vst.add.f32.msk $0xffff, v0  }
0x38a: {  	[tilespmem:s5+$0x80] =	vst.add.f32.msk $0xffff, v1  }
0x38b: {  	[tilespmem:s5+$0x70] =	vst.add.f32.msk $0xffff, v4  }
0x38c: {  	[tilespmem:s5+$0x60] =	vst.add.f32.msk $0xffff, v5  }
0x38d: {  	[tilespmem:s5+$0x50] =	vst.add.f32.msk $0xffff, v6  }
0x38e: {  	[tilespmem:s5+$0x40] =	vst.add.f32.msk $0xffff, v7  }
0x38f: {  	[tilespmem:s5+$0x30] =	vst.add.f32.msk $0xffff, v3  }
0x390: {  	s12 =	simm.s32 $0x0;
	[tilespmem:s5+$0x20] =	vst.add.f32.msk $0xffff, v2  }
.LBB2_24:
0x391: {  	s12 =	sadd.s32 $0x4, s12;
	[tilespmem:s5+$0x10] =	vst.add.f32.msk $0xffff, v0;
	s5 =	sadd.s32 $0x200, s5  }
0x392: {  	[tilespmem:s5+$0x0] =	vst.add.f32.msk $0xffff, v1;
	p0 =	slt.u32 s12, $0x7C  }
0x393: {  	[tilespmem:s5+$0x1F0] =	vst.add.f32.msk $0xffff, v4  }
0x394: {  	[tilespmem:s5+$0x1E0] =	vst.add.f32.msk $0xffff, v5  }
0x395: {  	[tilespmem:s5+$0x1D0] =	vst.add.f32.msk $0xffff, v6  }
0x396: {  	[tilespmem:s5+$0x1C0] =	vst.add.f32.msk $0xffff, v7  }
0x397: {  	[tilespmem:s5+$0x1B0] =	vst.add.f32.msk $0xffff, v3  }
0x398: {  	[tilespmem:s5+$0x1A0] =	vst.add.f32.msk $0xffff, v2  }
0x399: {  	[tilespmem:s5+$0x190] =	vst.add.f32.msk $0xffff, v0  }
0x39a: {  	[tilespmem:s5+$0x180] =	vst.add.f32.msk $0xffff, v1  }
0x39b: {  	[tilespmem:s5+$0x170] =	vst.add.f32.msk $0xffff, v4  }
0x39c: {  	[tilespmem:s5+$0x160] =	vst.add.f32.msk $0xffff, v5  }
0x39d: {  	[tilespmem:s5+$0x150] =	vst.add.f32.msk $0xffff, v6  }
0x39e: {  	[tilespmem:s5+$0x140] =	vst.add.f32.msk $0xffff, v7  }
0x39f: {  	[tilespmem:s5+$0x130] =	vst.add.f32.msk $0xffff, v3  }
0x3a0: {  	[tilespmem:s5+$0x120] =	vst.add.f32.msk $0xffff, v2  }
0x3a1: {  	[tilespmem:s5+$0x110] =	vst.add.f32.msk $0xffff, v0  }
0x3a2: {  	[tilespmem:s5+$0x100] =	vst.add.f32.msk $0xffff, v1  }
0x3a3: {  	[tilespmem:s5+$0xF0] =	vst.add.f32.msk $0xffff, v4  }
0x3a4: {  	[tilespmem:s5+$0xE0] =	vst.add.f32.msk $0xffff, v5  }
0x3a5: {  	[tilespmem:s5+$0xD0] =	vst.add.f32.msk $0xffff, v6  }
0x3a6: {  	[tilespmem:s5+$0xC0] =	vst.add.f32.msk $0xffff, v7  }
0x3a7: {  	[tilespmem:s5+$0xB0] =	vst.add.f32.msk $0xffff, v3  }
0x3a8: {  	[tilespmem:s5+$0xA0] =	vst.add.f32.msk $0xffff, v2  }
0x3a9: {  	[tilespmem:s5+$0x90] =	vst.add.f32.msk $0xffff, v0  }
0x3aa: {  	[tilespmem:s5+$0x80] =	vst.add.f32.msk $0xffff, v1  }
0x3ab: {  	[tilespmem:s5+$0x70] =	vst.add.f32.msk $0xffff, v4  }
.Ltmp11:
0x3ac: {  	[tilespmem:s5+$0x60] =	vst.add.f32.msk $0xffff, v5;
	(pc) =	sbr.rel @p0 .LBB2_24-.Ltmp11, $4  }
0x3ad: {  	[tilespmem:s5+$0x50] =	vst.add.f32.msk $0xffff, v6  }
0x3ae: {  	[tilespmem:s5+$0x40] =	vst.add.f32.msk $0xffff, v7  }
0x3af: {  	[tilespmem:s5+$0x30] =	vst.add.f32.msk $0xffff, v3  }
0x3b0: {  	[tilespmem:s5+$0x20] =	vst.add.f32.msk $0xffff, v2  }
0x3b1: {  	[tilespmem:s5+$0x10] =	vst.add.f32.msk $0xffff, v0;
	s22 =	rddreg [dreg:$0xc]  }
0x3b2: {  	[hbm4b:s22+s24] =	stream.strided.scatter [tilespmem:s28], [sflag:$0x7], $0x4000, s23, s24, $0x38;
	[tilespmem:$0x1C800] =	vst v63  }
0x3b3: {  	_ =	swait.ge [sflag:s9], $0x4000  }
0x3b4: {  	[sflag:s9] =	ssyncset.done $0x0  }
0x3b5: {  	[sflag:s9] =	ssyncadd.s32 $0xFFFFC000  }
0x3b6: {  	v1 =	vld [tilespmem:s19+$0x6400]  }
0x3b7: {  	v0 =	vld [tilespmem:s19+$0x6410]  }
0x3b8: {  	v2 =	vld [tilespmem:s19+$0x6420]  }
0x3b9: {  	v3 =	vld [tilespmem:s19+$0x6430]  }
0x3ba: {  	v4 =	vld [tilespmem:s19+$0x6470]  }
0x3bb: {  	v5 =	vld [tilespmem:s19+$0x6460]  }
0x3bc: {  	v6 =	vld [tilespmem:s19+$0x6450]  }
0x3bd: {  	s5 =	simm.s32 $0x18800;
	v7 =	vld [tilespmem:s19+$0x6440]  }
0x3be: {  	[tilespmem:s5+$0x0] =	vst.add.f32.msk $0xffff, v1  }
0x3bf: {  	[tilespmem:s5+$0x1F0] =	vst.add.f32.msk $0xffff, v4  }
0x3c0: {  	[tilespmem:s5+$0x1E0] =	vst.add.f32.msk $0xffff, v5  }
0x3c1: {  	[tilespmem:s5+$0x1D0] =	vst.add.f32.msk $0xffff, v6  }
0x3c2: {  	[tilespmem:s5+$0x1C0] =	vst.add.f32.msk $0xffff, v7  }
0x3c3: {  	[tilespmem:s5+$0x1B0] =	vst.add.f32.msk $0xffff, v3  }
0x3c4: {  	[tilespmem:s5+$0x1A0] =	vst.add.f32.msk $0xffff, v2  }
0x3c5: {  	[tilespmem:s5+$0x190] =	vst.add.f32.msk $0xffff, v0  }
0x3c6: {  	[tilespmem:s5+$0x180] =	vst.add.f32.msk $0xffff, v1  }
0x3c7: {  	[tilespmem:s5+$0x170] =	vst.add.f32.msk $0xffff, v4  }
0x3c8: {  	[tilespmem:s5+$0x160] =	vst.add.f32.msk $0xffff, v5  }
0x3c9: {  	[tilespmem:s5+$0x150] =	vst.add.f32.msk $0xffff, v6  }
0x3ca: {  	[tilespmem:s5+$0x140] =	vst.add.f32.msk $0xffff, v7  }
0x3cb: {  	[tilespmem:s5+$0x130] =	vst.add.f32.msk $0xffff, v3  }
0x3cc: {  	[tilespmem:s5+$0x120] =	vst.add.f32.msk $0xffff, v2  }
0x3cd: {  	[tilespmem:s5+$0x110] =	vst.add.f32.msk $0xffff, v0  }
0x3ce: {  	[tilespmem:s5+$0x100] =	vst.add.f32.msk $0xffff, v1  }
0x3cf: {  	[tilespmem:s5+$0xF0] =	vst.add.f32.msk $0xffff, v4  }
0x3d0: {  	[tilespmem:s5+$0xE0] =	vst.add.f32.msk $0xffff, v5  }
0x3d1: {  	[tilespmem:s5+$0xD0] =	vst.add.f32.msk $0xffff, v6  }
0x3d2: {  	[tilespmem:s5+$0xC0] =	vst.add.f32.msk $0xffff, v7  }
0x3d3: {  	[tilespmem:s5+$0xB0] =	vst.add.f32.msk $0xffff, v3  }
0x3d4: {  	[tilespmem:s5+$0xA0] =	vst.add.f32.msk $0xffff, v2  }
0x3d5: {  	[tilespmem:s5+$0x90] =	vst.add.f32.msk $0xffff, v0  }
0x3d6: {  	[tilespmem:s5+$0x80] =	vst.add.f32.msk $0xffff, v1  }
0x3d7: {  	[tilespmem:s5+$0x70] =	vst.add.f32.msk $0xffff, v4  }
0x3d8: {  	[tilespmem:s5+$0x60] =	vst.add.f32.msk $0xffff, v5  }
0x3d9: {  	[tilespmem:s5+$0x50] =	vst.add.f32.msk $0xffff, v6  }
0x3da: {  	[tilespmem:s5+$0x40] =	vst.add.f32.msk $0xffff, v7  }
0x3db: {  	[tilespmem:s5+$0x30] =	vst.add.f32.msk $0xffff, v3  }
0x3dc: {  	s12 =	simm.s32 $0x0;
	[tilespmem:s5+$0x20] =	vst.add.f32.msk $0xffff, v2  }
.LBB2_26:
0x3dd: {  	s12 =	sadd.s32 $0x4, s12;
	[tilespmem:s5+$0x10] =	vst.add.f32.msk $0xffff, v0;
	s5 =	sadd.s32 $0x200, s5  }
0x3de: {  	[tilespmem:s5+$0x0] =	vst.add.f32.msk $0xffff, v1;
	p0 =	slt.u32 s12, $0x7C  }
0x3df: {  	[tilespmem:s5+$0x1F0] =	vst.add.f32.msk $0xffff, v4  }
0x3e0: {  	[tilespmem:s5+$0x1E0] =	vst.add.f32.msk $0xffff, v5  }
0x3e1: {  	[tilespmem:s5+$0x1D0] =	vst.add.f32.msk $0xffff, v6  }
0x3e2: {  	[tilespmem:s5+$0x1C0] =	vst.add.f32.msk $0xffff, v7  }
0x3e3: {  	[tilespmem:s5+$0x1B0] =	vst.add.f32.msk $0xffff, v3  }
0x3e4: {  	[tilespmem:s5+$0x1A0] =	vst.add.f32.msk $0xffff, v2  }
0x3e5: {  	[tilespmem:s5+$0x190] =	vst.add.f32.msk $0xffff, v0  }
0x3e6: {  	[tilespmem:s5+$0x180] =	vst.add.f32.msk $0xffff, v1  }
0x3e7: {  	[tilespmem:s5+$0x170] =	vst.add.f32.msk $0xffff, v4  }
0x3e8: {  	[tilespmem:s5+$0x160] =	vst.add.f32.msk $0xffff, v5  }
0x3e9: {  	[tilespmem:s5+$0x150] =	vst.add.f32.msk $0xffff, v6  }
0x3ea: {  	[tilespmem:s5+$0x140] =	vst.add.f32.msk $0xffff, v7  }
0x3eb: {  	[tilespmem:s5+$0x130] =	vst.add.f32.msk $0xffff, v3  }
0x3ec: {  	[tilespmem:s5+$0x120] =	vst.add.f32.msk $0xffff, v2  }
0x3ed: {  	[tilespmem:s5+$0x110] =	vst.add.f32.msk $0xffff, v0  }
0x3ee: {  	[tilespmem:s5+$0x100] =	vst.add.f32.msk $0xffff, v1  }
0x3ef: {  	[tilespmem:s5+$0xF0] =	vst.add.f32.msk $0xffff, v4  }
0x3f0: {  	[tilespmem:s5+$0xE0] =	vst.add.f32.msk $0xffff, v5  }
0x3f1: {  	[tilespmem:s5+$0xD0] =	vst.add.f32.msk $0xffff, v6  }
0x3f2: {  	[tilespmem:s5+$0xC0] =	vst.add.f32.msk $0xffff, v7  }
0x3f3: {  	[tilespmem:s5+$0xB0] =	vst.add.f32.msk $0xffff, v3  }
0x3f4: {  	[tilespmem:s5+$0xA0] =	vst.add.f32.msk $0xffff, v2  }
0x3f5: {  	[tilespmem:s5+$0x90] =	vst.add.f32.msk $0xffff, v0  }
0x3f6: {  	[tilespmem:s5+$0x80] =	vst.add.f32.msk $0xffff, v1  }
0x3f7: {  	[tilespmem:s5+$0x70] =	vst.add.f32.msk $0xffff, v4  }
.Ltmp12:
0x3f8: {  	[tilespmem:s5+$0x60] =	vst.add.f32.msk $0xffff, v5;
	(pc) =	sbr.rel @p0 .LBB2_26-.Ltmp12, $4  }
0x3f9: {  	[tilespmem:s5+$0x50] =	vst.add.f32.msk $0xffff, v6  }
0x3fa: {  	[tilespmem:s5+$0x40] =	vst.add.f32.msk $0xffff, v7  }
0x3fb: {  	[tilespmem:s5+$0x30] =	vst.add.f32.msk $0xffff, v3  }
0x3fc: {  	[tilespmem:s5+$0x20] =	vst.add.f32.msk $0xffff, v2  }
0x3fd: {  	[tilespmem:s5+$0x10] =	vst.add.f32.msk $0xffff, v0;
	s21 =	rddreg [dreg:$0xd]  }
0x3fe: {  	[hbm4b:s21+s24] =	stream.strided.scatter [tilespmem:s30], [sflag:$0x8], $0x4000, s23, s24, $0x38;
	[tilespmem:$0x1C800] =	vst v63  }
0x3ff: {  	_ =	swait.ge [sflag:s0], $0x4000  }
0x400: {  	[sflag:s0] =	ssyncset.done $0x0  }
0x401: {  	[sflag:s0] =	ssyncadd.s32 $0xFFFFC000  }
0x402: {  	_ =	swait.ge [sflag:s29], $0x4000  }
0x403: {  	[sflag:s29] =	ssyncset.done $0x0  }
0x404: {  	[sflag:s29] =	ssyncadd.s32 $0xFFFFC000  }
0x405: {  	_ =	swait.ge [sflag:s8], $0x4000  }
0x406: {  	[sflag:s8] =	ssyncset.done $0x0  }
0x407: {  	[sflag:s8] =	ssyncadd.s32 $0xFFFFC000  }
0x408: {  	_ =	swait.ge [sflag:s10], $0x4000  }
0x409: {  	s11 =	sadd.s32 $0x1, s11;
	s22 =	rddreg [dreg:$0xe]  }
0x40a: {  	p0 =	sne.s32 s11, s22  }
.Ltmp13:
0x40b: {  	_ = 	snop;
	(pc) =	sbr.rel @p0 .LBB2_1-.Ltmp13, $3  }
0x40c: {  	_ =	sdelay $0x1  }
0x40d: {  	[sflag:s10] =	ssyncset.done $0x0  }
0x40e: {  	[sflag:s10] =	ssyncadd.s32 $0xFFFFC000  }
0x40f: {  	_ =	sfence.sel $0x180000  }
0x410: {  	[bflag:$0x0] =	sbarrier.arrive $0xFFFF  }
0x411: {  	_ =	strace $0x90000047  }
0x412: {  	s0 =	stileid.u32;
	[bflag:$0x2] =	sbarrier.arrive $0xFFFF  }
0x413: {  	p0 =	sne.s32 s0, $0x0;
	s0 =	rddreg [dreg:$0x4]  }
0x414: {  	s0 =	sadd.s32 @!p0 $0x100000, s0  }
0x415: {  	[sflag:s0] =	ssyncadd.tile.s32 @!p0 $0x1;
	_ =	shalt  }
.Lfunc_end2:
_tile_overlayer_lowered:
.L_overlay_start_2:
0x416: {  	(tag) =	ssettag $0x2  }
0x417: {  	s0 =	rddreg [dreg:$0x0];
	s2 =	stileid.u32  }
0x418: {  	s1 =	rddreg [dreg:$0x1];
	p0 =	sne.s32 s2, $0x0  }
0x419: {  	s3 =	rddreg [dreg:$0x2];
	[bflag:$0x3] =	sbarrier.arrive $0xFFFF;
	s2 =	simm.s32 @!p0 $0x1C09  }
0x41a: {  	[timem:s3], [sflag:s2] =	dma.local @!p0 [hbm:s0], s1  }
0x41b: {  	s0 =	simm.s32 @!p0 $0x9  }
0x41c: {  	_ =	swait.ge @!p0 [sflag:s0], s1  }
0x41d: {  	s1 =	ssub.s32 @!p0 $0x0, s1;
	[sflag:s0] =	ssyncset.done @!p0 $0x0  }
0x41e: {  	[sflag:s0] =	ssyncadd.s32 @!p0 s1  }
0x41f: {  	[bflag:$0x3] =	sbarrier.arrive $0xFFFF  }
0x420: {  	_ =	shalt  }

</sc_bundles>
